<compile_context>
chip_gen: v7x
topology: tpu7x:2x2x1
jax: 0.10.2.dev20260603
libtpu: 0.0.44.dev20260713+nightly
codegen_flags: <defaults>
</compile_context>

<pallas_src>
import dataclasses
import functools

import jax
import jax.numpy as jnp
from jax import lax
from jax.experimental import pallas as pl
from jax.experimental.pallas import tpu as pltpu
from jax.experimental.pallas import tpu_sc as plsc

_B, _C, _H, _W = 4, 128, 50, 50
_D = 128
_MH, _HD = 8, 16
_N = _B * _H * _W
_E = 320000
_NW = 32
_K = 64
_P = 32
_NB = 4
_CH0 = 224
_CH1 = 96
_TOTCH = 16 * (_CH0 + _CH1)
_EPW = 10240
_EPAD = _TOTCH * _K
_NPAD = 10240

_mesh = plsc.VectorSubcoreMesh(core_axis_name="c", subcore_axis_name="s")

_sc_params = pltpu.CompilerParams()
if "needs_layout_passes" in pltpu.CompilerParams.__dataclass_fields__:
    _sc_params = dataclasses.replace(_sc_params, needs_layout_passes=False)


@functools.partial(
    pl.kernel,
    out_type=jax.ShapeDtypeStruct((_NW, _NPAD), jnp.float32),
    mesh=_mesh,
    compiler_params=_sc_params,
    scratch_types=[
        pltpu.VMEM((_EPW,), jnp.int32),
        pltpu.VMEM((_NPAD,), jnp.float32),
    ],
)
def _deg_kernel(dst_flat, z1d, degp, dstv, degv):
    cid = lax.axis_index("c")
    sid = lax.axis_index("s")
    wid = sid * 2 + cid
    pltpu.sync_copy(z1d, degv)
    pltpu.sync_copy(dst_flat.at[wid], dstv)
    ones = jnp.full((16,), 1.0, jnp.float32)

    def body(i, carry):
        idx = dstv[pl.ds(i * 16, 16)]
        plsc.addupdate_scatter(degv, [idx], ones)
        return carry

    lax.fori_loop(0, _EPW // 16, body, 0)
    pltpu.sync_copy(degv, degp.at[wid])


def _scale_body(degp_ref, dis_ref, inv_ref):
    deg = jnp.sum(degp_ref[...], axis=0) + 1.0
    inv = 1.0 / deg
    inv_ref[...] = inv
    dis_ref[...] = lax.rsqrt(deg)


_scale_call = pl.pallas_call(
    _scale_body,
    out_shape=(
        jax.ShapeDtypeStruct((_NPAD,), jnp.float32),
        jax.ShapeDtypeStruct((_NPAD,), jnp.float32),
    ),
)


def _proj_body(xin_ref, wp_ref, bp_ref, wg_ref, dis_ref, x_ref, xw_ref, y_ref):
    x = (
        jnp.dot(xin_ref[...], wp_ref[...], precision=lax.Precision.DEFAULT,
                preferred_element_type=jnp.float32)
        + bp_ref[...]
    )
    xw = jnp.dot(x, wg_ref[...], precision=lax.Precision.DEFAULT,
                 preferred_element_type=jnp.float32)
    x_ref[...] = x
    xw_ref[...] = xw
    y_ref[...] = xw * dis_ref[...]


_proj_call = pl.pallas_call(
    _proj_body,
    out_shape=(
        jax.ShapeDtypeStruct((_N, _D), jnp.float32),
        jax.ShapeDtypeStruct((_N, _D), jnp.float32),
        jax.ShapeDtypeStruct((_N, _D), jnp.float32),
    ),
)


@functools.partial(
    pl.kernel,
    out_type=jax.ShapeDtypeStruct((2, _N, _D), jnp.float32),
    mesh=_mesh,
    scratch_types=[
        pltpu.VMEM((_P, _K), jnp.int32),
        pltpu.VMEM((_P, _K), jnp.int32),
    ]
    + [pltpu.VMEM((_K, _D), jnp.float32)] * _NB
    + [pltpu.VMEM_SHARED((_NPAD, _D), jnp.float32)]
    + [pltpu.SemaphoreType.DMA] * (2 * _NB),
)
def _scat_kernel(y, srct, dstt, z2d, accp, src_v, dst_v, *bufs):
    rows = list(bufs[:_NB])
    acc = bufs[_NB]
    gs = list(bufs[_NB + 1:_NB + 1 + _NB])
    ss = list(bufs[_NB + 1 + _NB:])
    cid = lax.axis_index("c")
    sid = lax.axis_index("s")
    pltpu.sync_copy(z2d, acc.at[pl.ds(sid * 640, 640)])
    plsc.subcore_barrier()

    chunk_base = jnp.where(cid == 0, sid * _CH0, 16 * _CH0 + sid * _CH1)
    nblk = jnp.where(cid == 0, _CH0 // _P, _CH1 // _P)

    for p in range(max(_CH0, _CH1) // _P):

        @pl.when(p < nblk)
        def _block():
            pltpu.sync_copy(srct.at[pl.ds(chunk_base + p * _P, _P)], src_v)
            pltpu.sync_copy(dstt.at[pl.ds(chunk_base + p * _P, _P)], dst_v)
            for j0 in range(_NB - 1):
                pltpu.async_copy(y.at[src_v.at[j0]], rows[j0], gs[j0])

            def body(i, carry):
                for b in range(_NB):
                    j = i * _NB + b
                    ob = (b - 1) % _NB
                    pltpu.make_async_copy(y.at[src_v.at[j]], rows[b],
                                          gs[b]).wait()
                    pltpu.async_copy(rows[b], acc.at[dst_v.at[j]], ss[b],
                                     add=True)

                    @pl.when(j >= 1)
                    def _wait_prev_scatter():
                        pltpu.make_async_copy(
                            rows[ob], acc.at[dst_v.at[j - 1]], ss[ob]).wait()

                    @pl.when(j + _NB - 1 < _P)
                    def _start_next_gather():
                        pltpu.async_copy(
                            y.at[src_v.at[j + _NB - 1]], rows[ob], gs[ob])
                return carry

            lax.fori_loop(0, _P // _NB, body, 0)
            pltpu.make_async_copy(
                rows[_NB - 1], acc.at[dst_v.at[_P - 1]], ss[_NB - 1]).wait()

    plsc.subcore_barrier()
    pltpu.sync_copy(
        acc.at[pl.ds(sid * 624, 624)],
        accp.at[cid, pl.ds(sid * 624, 624)],
    )

    @pl.when(sid == 15)
    def _tail():
        pltpu.sync_copy(
            acc.at[pl.ds(9984, 16)],
            accp.at[cid, pl.ds(9984, 16)],
        )


_RB = 1000


def _epi_body(accp_ref, xw_ref, x_ref, dis_ref, inv_ref, bg_ref, gam_ref,
              bet_ref, qm_ref, g_ref, logit_ref):
    agg = accp_ref[0] + accp_ref[1]
    out = agg * dis_ref[...] + xw_ref[...] * inv_ref[...] + bg_ref[...]
    h = out * 0.5 * (1.0 + lax.erf(out * 0.7071067811865476)) + x_ref[...]
    mu = jnp.mean(h, axis=1, keepdims=True)
    var = jnp.mean((h - mu) ** 2, axis=1, keepdims=True)
    g = (h - mu) * lax.rsqrt(var + 1e-5) * gam_ref[...] + bet_ref[...]
    g_ref[...] = g
    logit_ref[...] = jnp.dot(g, qm_ref[...], precision=lax.Precision.DEFAULT,
                             preferred_element_type=jnp.float32) * 10.0


_epi_call = pl.pallas_call(
    _epi_body,
    grid=(_N // _RB,),
    in_specs=[
        pl.BlockSpec((2, _RB, _D), lambda i: (0, i, 0)),
        pl.BlockSpec((_RB, _D), lambda i: (i, 0)),
        pl.BlockSpec((_RB, _D), lambda i: (i, 0)),
        pl.BlockSpec((_RB, 1), lambda i: (i, 0)),
        pl.BlockSpec((_RB, 1), lambda i: (i, 0)),
        pl.BlockSpec((1, _D), lambda i: (0, 0)),
        pl.BlockSpec((1, _D), lambda i: (0, 0)),
        pl.BlockSpec((1, _D), lambda i: (0, 0)),
        pl.BlockSpec((_D, _MH), lambda i: (0, 0)),
    ],
    out_specs=(
        pl.BlockSpec((_RB, _D), lambda i: (i, 0)),
        pl.BlockSpec((_RB, _MH), lambda i: (i, 0)),
    ),
    out_shape=(
        jax.ShapeDtypeStruct((_N, _D), jnp.float32),
        jax.ShapeDtypeStruct((_N, _MH), jnp.float32),
    ),
)


def _soft_body(logit_ref, soft_ref):
    logits = logit_ref[...]
    bid = lax.broadcasted_iota(jnp.int32, (_N, _MH), 0) // (_N // _B)
    msel = jnp.zeros_like(logits)
    for b in range(_B):
        mask = bid == b
        mb = jnp.max(jnp.where(mask, logits, -1e30), axis=0, keepdims=True)
        msel = jnp.where(mask, mb, msel)
    e = jnp.exp(logits - msel)
    ssel = jnp.ones_like(e)
    for b in range(_B):
        mask = bid == b
        sb = jnp.sum(jnp.where(mask, e, 0.0), axis=0, keepdims=True)
        ssel = jnp.where(mask, sb, ssel)
    soft_ref[...] = e / ssel


_soft_call = pl.pallas_call(
    _soft_body,
    out_shape=jax.ShapeDtypeStruct((_N, _MH), jnp.float32),
)


def kernel(img, all_edge, Wp, bp, diff_query, Wg, bg, ln_gamma, ln_beta):
    xin = jnp.transpose(img, (0, 2, 3, 1)).reshape(-1, _C)
    src = all_edge[0]
    dst = all_edge[1]
    pad = _EPAD - _E
    srcp = jnp.concatenate([src, jnp.zeros((pad,), jnp.int32)])
    dstp = jnp.concatenate([dst, jnp.full((pad,), _N, jnp.int32)])
    src_tab = srcp.reshape(_TOTCH, _K)
    dst_tab = dstp.reshape(_TOTCH, _K)
    dst_flat = dstp.reshape(_NW, _EPW)
    z1d = jnp.zeros((_NPAD,), jnp.float32)
    z2d = jnp.zeros((640, _D), jnp.float32)
    dq = diff_query.reshape(_MH, _HD)
    qmat = (dq[:, :, None] * jnp.eye(_MH, dtype=jnp.float32)[:, None, :])
    qmat = qmat.reshape(_D, _MH)

    degp = _deg_kernel(dst_flat, z1d)
    dis, inv = _scale_call(degp)
    dis_col = dis[:_N].reshape(_N, 1)
    inv_col = inv[:_N].reshape(_N, 1)
    x, xw, y = _proj_call(xin, Wp, bp.reshape(1, _D), Wg, dis_col)
    accp = _scat_kernel(y, src_tab, dst_tab, z2d)
    g, logits = _epi_call(accp, xw, x, dis_col, inv_col, bg.reshape(1, _D),
                          ln_gamma.reshape(1, _D), ln_beta.reshape(1, _D),
                          qmat)
    soft = _soft_call(logits)
    adj = jnp.transpose(soft.reshape(_B, _N // _B, _MH), (0, 2, 1))
    adj = adj.reshape(_B * _MH, 1, _N // _B)
    return g, adj

# --- scband reference (transcript-rebuilt; emitter-appended) ---
"""Pipeline reference for scband-change-filter-65420941852735 (READ-ONLY COPY).

The authoritative reference and input builder live on the scoring server;
editing this copy changes nothing except your own understanding.
"""

import jax, jax.numpy as jnp
import numpy as np

B, C, H, W = 4, 128, 50, 50
D = 128
MH = 8
HD = D // MH
N_NODES = B * H * W
N_EDGES = 320000


def setup_inputs(seed: int = 0) -> dict:
    key = jax.random.key(seed)
    ks = jax.random.split(key, 10)
    img = jax.random.normal(ks[0], (B, C, H, W), dtype=jnp.float32)
    all_edge = jax.random.randint(ks[1], (2, N_EDGES), 0, N_NODES, dtype=jnp.int32)
    s = 1.0 / np.sqrt(D)
    Wp = jax.random.normal(ks[2], (D, D), dtype=jnp.float32) * s
    bp = jnp.zeros((D,), dtype=jnp.float32)
    diff_query = jax.random.normal(ks[3], (1, 1, D), dtype=jnp.float32) * s
    Wg = jax.random.normal(ks[4], (D, D), dtype=jnp.float32) * s
    bg = jnp.zeros((D,), dtype=jnp.float32)
    ln_gamma = jnp.ones((D,), dtype=jnp.float32)
    ln_beta = jnp.zeros((D,), dtype=jnp.float32)
    return {"img": img, "all_edge": all_edge, "Wp": Wp, "bp": bp,
            "diff_query": diff_query, "Wg": Wg, "bg": bg,
            "ln_gamma": ln_gamma, "ln_beta": ln_beta}


def gcn_conv(x, edge_index, Wg, bg):
    # PyG GCNConv with add_self_loops=True: A_hat = D^-1/2 (A+I) D^-1/2, out = A_hat X W + b
    N = x.shape[0]
    src = edge_index[0]
    dst = edge_index[1]
    loop = jnp.arange(N, dtype=src.dtype)
    src = jnp.concatenate([src, loop])
    dst = jnp.concatenate([dst, loop])
    deg = jnp.zeros((N,), dtype=x.dtype).at[dst].add(1.0)
    deg_inv_sqrt = jnp.where(deg > 0, 1.0 / jnp.sqrt(deg), 0.0)
    norm = deg_inv_sqrt[src] * deg_inv_sqrt[dst]
    xw = x @ Wg
    msg = xw[src] * norm[:, None]
    out = jnp.zeros((N, xw.shape[1]), dtype=x.dtype).at[dst].add(msg)
    return out + bg


def reference(img, all_edge, Wp, bp, diff_query, Wg, bg, ln_gamma, ln_beta):
    b, c, h, w = img.shape
    node_num = h * w
    # cnn mode: [B,C,H,W] -> [B, H*W, C]
    x = jnp.transpose(img, (0, 2, 3, 1)).reshape(b, -1, c)
    x = x @ Wp + bp
    x = x.reshape(-1, c)
    g = gcn_conv(x, all_edge, Wg, bg)
    g = jax.nn.gelu(g, approximate=False)
    g = g + x
    mu = jnp.mean(g, axis=-1, keepdims=True)
    var = jnp.mean((g - mu) ** 2, axis=-1, keepdims=True)
    g = (g - mu) / jnp.sqrt(var + 1e-5) * ln_gamma + ln_beta
    # get_adj
    bq = jnp.broadcast_to(diff_query, (b, 1, c))
    q = jnp.transpose(bq, (1, 0, 2)).reshape(1, b * MH, HD)
    q = jnp.transpose(q, (1, 0, 2))  # [b*MH, 1, HD]
    im = g.reshape(b, node_num, c)
    im = jnp.transpose(im, (1, 0, 2)).reshape(node_num, b * MH, HD)
    im = jnp.transpose(im, (1, 0, 2))  # [b*MH, node_num, HD]
    adj = jnp.einsum('bqd,bnd->bqn', q, im)
    adj = jax.nn.softmax(adj / 0.1, axis=-1)
    return g, adj

if __name__ == "__main__":
    import jax
    _d = setup_inputs()
    print(jax.jit(kernel)(*tuple(_d.values())))

</pallas_src>

<mosaic_0001>
#map = affine_map<(d0, d1) -> (0, 0)>
#map1 = affine_map<(d0, d1) -> (0)>
module attributes {stable_mosaic.version = 14 : i64} {
  func.func @_deg_kernel(%arg0: i32, %arg1: i32, %arg2: memref<32x10240xi32, #tpu.memory_space<hbm>>, %arg3: memref<10240xf32, #tpu.memory_space<hbm>>, %arg4: memref<32x10240xf32, #tpu.memory_space<hbm>>, %arg5: memref<10240xi32, #tpu.memory_space<vmem>>, %arg6: memref<10240xf32, #tpu.memory_space<vmem>>) attributes {dimension_semantics = [#tpu.dimension_semantics<core_parallel>, #tpu.dimension_semantics<subcore_parallel>], iteration_bounds = array<i64: 2, 16>, scalar_prefetch = 0 : i64, scratch_operands = 2 : i64, tpu.core_type = #tpu.core_type<sc_vector_subcore>, window_params = [{transform_indices = #map}, {transform_indices = #map1}, {transform_indices = #map}]} {
    %mul3A = arith.constant 2 : i32
    %mul3A_0 = arith.muli %arg1, %mul3A : i32
    %add3A = arith.addi %mul3A_0, %arg0 : i32
    "tpu.region"() ({
      %run_scoped3A = tpu.sem_alloc : memref<!tpu.dma_semaphore, #tpu.memory_space<semaphore_mem>>
      tpu.enqueue_dma source(%arg3 : memref<10240xf32, #tpu.memory_space<hbm>>) target(%arg6 : memref<10240xf32, #tpu.memory_space<vmem>>) target_semaphore(%run_scoped3A : memref<!tpu.dma_semaphore, #tpu.memory_space<semaphore_mem>>)
      tpu.wait_dma2 semaphore(%run_scoped3A : memref<!tpu.dma_semaphore, #tpu.memory_space<semaphore_mem>>) src(%arg3 : memref<10240xf32, #tpu.memory_space<hbm>>) dst(%arg6 : memref<10240xf32, #tpu.memory_space<vmem>>)
      tpu.yield
    }) : () -> ()
    "tpu.region"() ({
      %run_scoped3A = tpu.sem_alloc : memref<!tpu.dma_semaphore, #tpu.memory_space<semaphore_mem>>
      %dma_start3A = arith.constant 0 : i32
      %dma_start3A_7 = tpu.memref_slice %arg2[%add3A, %dma_start3A] : memref<32x10240xi32, #tpu.memory_space<hbm>> -> memref<1x10240xi32, #tpu.memory_space<hbm>>
      %dma_start3A_8 = tpu.memref_squeeze %dma_start3A_7 : memref<1x10240xi32, #tpu.memory_space<hbm>> -> memref<10240xi32, #tpu.memory_space<hbm>>
      %dma_start3A_9 = arith.constant 0 : i32
      %dma_start3A_10 = tpu.memref_slice %arg2[%add3A, %dma_start3A_9] : memref<32x10240xi32, #tpu.memory_space<hbm>> -> memref<1x10240xi32, #tpu.memory_space<hbm>>
      %dma_start3A_11 = tpu.memref_squeeze %dma_start3A_10 : memref<1x10240xi32, #tpu.memory_space<hbm>> -> memref<10240xi32, #tpu.memory_space<hbm>>
      tpu.enqueue_dma source(%dma_start3A_11 : memref<10240xi32, #tpu.memory_space<hbm>>) target(%arg5 : memref<10240xi32, #tpu.memory_space<vmem>>) target_semaphore(%run_scoped3A : memref<!tpu.dma_semaphore, #tpu.memory_space<semaphore_mem>>)
      %dma_wait3A = arith.constant 0 : i32
      %dma_wait3A_12 = tpu.memref_slice %arg2[%add3A, %dma_wait3A] : memref<32x10240xi32, #tpu.memory_space<hbm>> -> memref<1x10240xi32, #tpu.memory_space<hbm>>
      %dma_wait3A_13 = tpu.memref_squeeze %dma_wait3A_12 : memref<1x10240xi32, #tpu.memory_space<hbm>> -> memref<10240xi32, #tpu.memory_space<hbm>>
      %dma_wait3A_14 = arith.constant 0 : i32
      %dma_wait3A_15 = tpu.memref_slice %arg2[%add3A, %dma_wait3A_14] : memref<32x10240xi32, #tpu.memory_space<hbm>> -> memref<1x10240xi32, #tpu.memory_space<hbm>>
      %dma_wait3A_16 = tpu.memref_squeeze %dma_wait3A_15 : memref<1x10240xi32, #tpu.memory_space<hbm>> -> memref<10240xi32, #tpu.memory_space<hbm>>
      tpu.wait_dma2 semaphore(%run_scoped3A : memref<!tpu.dma_semaphore, #tpu.memory_space<semaphore_mem>>) src(%dma_wait3A_16 : memref<10240xi32, #tpu.memory_space<hbm>>) dst(%arg5 : memref<10240xi32, #tpu.memory_space<vmem>>)
      tpu.yield
    }) : () -> ()
    %broadcast_in_dim3A = arith.constant 1.000000e+00 : f32
    %broadcast_in_dim3A_1 = vector.broadcast %broadcast_in_dim3A : f32 to vector<16xf32>
    %scan3A = arith.constant 0 : i32
    %scan3A_2 = arith.constant 0 : i32
    %scan3A_3 = arith.constant 640 : i32
    %scan3A_4 = arith.addi %scan3A_2, %scan3A_3 : i32
    %scan3A_5 = arith.constant 1 : i32
    scf.for %scan3A_7 = %scan3A_2 to %scan3A_4 step %scan3A_5  : i32 {
      %mul3A_8 = arith.constant 16 : i32
      %mul3A_9 = arith.muli %scan3A_7, %mul3A_8 : i32
      %get3A = arith.index_cast %mul3A_9 : i32 to index
      %get3A_10 = tpu.vector_load %arg5[%get3A] {strides = array<i32>} : memref<10240xi32, #tpu.memory_space<vmem>>, vector<16xi32>,
      tpu.vector_store_idx %arg6[%get3A_10], %broadcast_in_dim3A_1 {add = true} : memref<10240xf32, #tpu.memory_space<vmem>>[vector<16xi32>], vector<16xf32>,
    }
    %scan3A_6 = arith.constant 640 : i32
    "tpu.region"() ({
      %run_scoped3A = tpu.sem_alloc : memref<!tpu.dma_semaphore, #tpu.memory_space<semaphore_mem>>
      %dma_start3A = arith.constant 0 : i32
      %dma_start3A_7 = tpu.memref_slice %arg4[%add3A, %dma_start3A] : memref<32x10240xf32, #tpu.memory_space<hbm>> -> memref<1x10240xf32, #tpu.memory_space<hbm>>
      %dma_start3A_8 = tpu.memref_squeeze %dma_start3A_7 : memref<1x10240xf32, #tpu.memory_space<hbm>> -> memref<10240xf32, #tpu.memory_space<hbm>>
      %dma_start3A_9 = arith.constant 0 : i32
      %dma_start3A_10 = tpu.memref_slice %arg4[%add3A, %dma_start3A_9] : memref<32x10240xf32, #tpu.memory_space<hbm>> -> memref<1x10240xf32, #tpu.memory_space<hbm>>
      %dma_start3A_11 = tpu.memref_squeeze %dma_start3A_10 : memref<1x10240xf32, #tpu.memory_space<hbm>> -> memref<10240xf32, #tpu.memory_space<hbm>>
      tpu.enqueue_dma source(%arg6 : memref<10240xf32, #tpu.memory_space<vmem>>) target(%dma_start3A_11 : memref<10240xf32, #tpu.memory_space<hbm>>) target_semaphore(%run_scoped3A : memref<!tpu.dma_semaphore, #tpu.memory_space<semaphore_mem>>)
      %dma_wait3A = arith.constant 0 : i32
      %dma_wait3A_12 = tpu.memref_slice %arg4[%add3A, %dma_wait3A] : memref<32x10240xf32, #tpu.memory_space<hbm>> -> memref<1x10240xf32, #tpu.memory_space<hbm>>
      %dma_wait3A_13 = tpu.memref_squeeze %dma_wait3A_12 : memref<1x10240xf32, #tpu.memory_space<hbm>> -> memref<10240xf32, #tpu.memory_space<hbm>>
      %dma_wait3A_14 = arith.constant 0 : i32
      %dma_wait3A_15 = tpu.memref_slice %arg4[%add3A, %dma_wait3A_14] : memref<32x10240xf32, #tpu.memory_space<hbm>> -> memref<1x10240xf32, #tpu.memory_space<hbm>>
      %dma_wait3A_16 = tpu.memref_squeeze %dma_wait3A_15 : memref<1x10240xf32, #tpu.memory_space<hbm>> -> memref<10240xf32, #tpu.memory_space<hbm>>
      tpu.wait_dma2 semaphore(%run_scoped3A : memref<!tpu.dma_semaphore, #tpu.memory_space<semaphore_mem>>) src(%arg6 : memref<10240xf32, #tpu.memory_space<vmem>>) dst(%dma_wait3A_16 : memref<10240xf32, #tpu.memory_space<hbm>>)
      tpu.yield
    }) : () -> ()
    return
  }
}

#map = affine_map<(d0, d1) -> (0, 0)>
#map1 = affine_map<(d0, d1) -> (0, 0, 0)>
module attributes {stable_mosaic.version = 14 : i64} {
  func.func @_scat_kernel(%arg0: i32, %arg1: i32, %arg2: memref<10000x128xf32, #tpu.memory_space<hbm>>, %arg3: memref<5120x64xi32, #tpu.memory_space<hbm>>, %arg4: memref<5120x64xi32, #tpu.memory_space<hbm>>, %arg5: memref<640x128xf32, #tpu.memory_space<hbm>>, %arg6: memref<2x10000x128xf32, #tpu.memory_space<hbm>>, %arg7: memref<32x64xi32, #tpu.memory_space<vmem>>, %arg8: memref<32x64xi32, #tpu.memory_space<vmem>>, %arg9: memref<64x128xf32, #tpu.memory_space<vmem>>, %arg10: memref<64x128xf32, #tpu.memory_space<vmem>>, %arg11: memref<64x128xf32, #tpu.memory_space<vmem>>, %arg12: memref<64x128xf32, #tpu.memory_space<vmem>>, %arg13: memref<10240x128xf32, #tpu.memory_space<vmem_shared>>, %arg14: memref<!tpu.dma_semaphore, #tpu.memory_space<semaphore_mem>>, %arg15: memref<!tpu.dma_semaphore, #tpu.memory_space<semaphore_mem>>, %arg16: memref<!tpu.dma_semaphore, #tpu.memory_space<semaphore_mem>>, %arg17: memref<!tpu.dma_semaphore, #tpu.memory_space<semaphore_mem>>, %arg18: memref<!tpu.dma_semaphore, #tpu.memory_space<semaphore_mem>>, %arg19: memref<!tpu.dma_semaphore, #tpu.memory_space<semaphore_mem>>, %arg20: memref<!tpu.dma_semaphore, #tpu.memory_space<semaphore_mem>>, %arg21: memref<!tpu.dma_semaphore, #tpu.memory_space<semaphore_mem>>) attributes {dimension_semantics = [#tpu.dimension_semantics<core_parallel>, #tpu.dimension_semantics<subcore_parallel>], iteration_bounds = array<i64: 2, 16>, scalar_prefetch = 0 : i64, scratch_operands = 15 : i64, tpu.core_type = #tpu.core_type<sc_vector_subcore>, window_params = [{transform_indices = #map}, {transform_indices = #map}, {transform_indices = #map}, {transform_indices = #map}, {transform_indices = #map1}]} {
    %mul3A = arith.constant 640 : i32
    %mul3A_0 = arith.muli %arg1, %mul3A : i32
    "tpu.region"() ({
      %run_scoped3A = tpu.sem_alloc : memref<!tpu.dma_semaphore, #tpu.memory_space<semaphore_mem>>
      %dma_start3A = arith.constant 0 : i32
      %dma_start3A_53 = tpu.memref_slice %arg13[%mul3A_0, %dma_start3A] : memref<10240x128xf32, #tpu.memory_space<vmem_shared>> -> memref<640x128xf32, #tpu.memory_space<vmem_shared>>
      tpu.enqueue_dma source(%arg5 : memref<640x128xf32, #tpu.memory_space<hbm>>) target(%dma_start3A_53 : memref<640x128xf32, #tpu.memory_space<vmem_shared>>) target_semaphore(%run_scoped3A : memref<!tpu.dma_semaphore, #tpu.memory_space<semaphore_mem>>)
      %dma_wait3A = arith.constant 0 : i32
      %dma_wait3A_54 = tpu.memref_slice %arg13[%mul3A_0, %dma_wait3A] : memref<10240x128xf32, #tpu.memory_space<vmem_shared>> -> memref<640x128xf32, #tpu.memory_space<vmem_shared>>
      tpu.wait_dma2 semaphore(%run_scoped3A : memref<!tpu.dma_semaphore, #tpu.memory_space<semaphore_mem>>) src(%arg5 : memref<640x128xf32, #tpu.memory_space<hbm>>) dst(%dma_wait3A_54 : memref<640x128xf32, #tpu.memory_space<vmem_shared>>)
      tpu.yield
    }) : () -> ()
    %barrier3A = arith.constant 0 : index
    tpu.barrier barrier_id(%barrier3A)
    %eq3A = arith.constant 0 : i32
    %eq3A_1 = arith.cmpi eq, %arg0, %eq3A : i32
    %mul3A_2 = arith.constant 224 : i32
    %mul3A_3 = arith.muli %arg1, %mul3A_2 : i32
    %mul3A_4 = arith.constant 96 : i32
    %mul3A_5 = arith.muli %arg1, %mul3A_4 : i32
    %add3A = arith.constant 3584 : i32
    %add3A_6 = arith.addi %add3A, %mul3A_5 : i32
    %select_n3A = arith.select %eq3A_1, %mul3A_3, %add3A_6 : i32
    %eq3A_7 = arith.constant 0 : i32
    %eq3A_8 = arith.cmpi eq, %arg0, %eq3A_7 : i32
    %jit3A = arith.constant 7 : i32
    %jit3A_9 = arith.constant 3 : i32
    %select_n3A_10 = arith.select %eq3A_8, %jit3A, %jit3A_9 : i32
    %gt3A = arith.constant 0 : i32
    %gt3A_11 = arith.cmpi sgt, %select_n3A_10, %gt3A : i32
    %convert_element_type3A = arith.extui %gt3A_11 : i1 to i32
    %cond3A = arith.constant 0 : i32
    %cond3A_12 = arith.cmpi ne, %convert_element_type3A, %cond3A : i32
    scf.if %cond3A_12 {
      %add3A_53 = arith.constant 0 : i32
      %add3A_54 = arith.addi %select_n3A, %add3A_53 : i32
      "tpu.region"() ({
        %run_scoped3A = tpu.sem_alloc : memref<!tpu.dma_semaphore, #tpu.memory_space<semaphore_mem>>
        %dma_start3A_88 = arith.constant 0 : i32
        %dma_start3A_89 = tpu.memref_slice %arg3[%add3A_54, %dma_start3A_88] : memref<5120x64xi32, #tpu.memory_space<hbm>> -> memref<32x64xi32, #tpu.memory_space<hbm>>
        %dma_start3A_90 = arith.constant 0 : i32
        %dma_start3A_91 = tpu.memref_slice %arg3[%add3A_54, %dma_start3A_90] : memref<5120x64xi32, #tpu.memory_space<hbm>> -> memref<32x64xi32, #tpu.memory_space<hbm>>
        tpu.enqueue_dma source(%dma_start3A_91 : memref<32x64xi32, #tpu.memory_space<hbm>>) target(%arg7 : memref<32x64xi32, #tpu.memory_space<vmem>>) target_semaphore(%run_scoped3A : memref<!tpu.dma_semaphore, #tpu.memory_space<semaphore_mem>>)
        %dma_wait3A_92 = arith.constant 0 : i32
        %dma_wait3A_93 = tpu.memref_slice %arg3[%add3A_54, %dma_wait3A_92] : memref<5120x64xi32, #tpu.memory_space<hbm>> -> memref<32x64xi32, #tpu.memory_space<hbm>>
        %dma_wait3A_94 = arith.constant 0 : i32
        %dma_wait3A_95 = tpu.memref_slice %arg3[%add3A_54, %dma_wait3A_94] : memref<5120x64xi32, #tpu.memory_space<hbm>> -> memref<32x64xi32, #tpu.memory_space<hbm>>
        tpu.wait_dma2 semaphore(%run_scoped3A : memref<!tpu.dma_semaphore, #tpu.memory_space<semaphore_mem>>) src(%dma_wait3A_95 : memref<32x64xi32, #tpu.memory_space<hbm>>) dst(%arg7 : memref<32x64xi32, #tpu.memory_space<vmem>>)
        tpu.yield
      }) : () -> ()
      %add3A_55 = arith.constant 0 : i32
      %add3A_56 = arith.addi %select_n3A, %add3A_55 : i32
      "tpu.region"() ({
        %run_scoped3A = tpu.sem_alloc : memref<!tpu.dma_semaphore, #tpu.memory_space<semaphore_mem>>
        %dma_start3A_88 = arith.constant 0 : i32
        %dma_start3A_89 = tpu.memref_slice %arg4[%add3A_56, %dma_start3A_88] : memref<5120x64xi32, #tpu.memory_space<hbm>> -> memref<32x64xi32, #tpu.memory_space<hbm>>
        %dma_start3A_90 = arith.constant 0 : i32
        %dma_start3A_91 = tpu.memref_slice %arg4[%add3A_56, %dma_start3A_90] : memref<5120x64xi32, #tpu.memory_space<hbm>> -> memref<32x64xi32, #tpu.memory_space<hbm>>
        tpu.enqueue_dma source(%dma_start3A_91 : memref<32x64xi32, #tpu.memory_space<hbm>>) target(%arg8 : memref<32x64xi32, #tpu.memory_space<vmem>>) target_semaphore(%run_scoped3A : memref<!tpu.dma_semaphore, #tpu.memory_space<semaphore_mem>>)
        %dma_wait3A_92 = arith.constant 0 : i32
        %dma_wait3A_93 = tpu.memref_slice %arg4[%add3A_56, %dma_wait3A_92] : memref<5120x64xi32, #tpu.memory_space<hbm>> -> memref<32x64xi32, #tpu.memory_space<hbm>>
        %dma_wait3A_94 = arith.constant 0 : i32
        %dma_wait3A_95 = tpu.memref_slice %arg4[%add3A_56, %dma_wait3A_94] : memref<5120x64xi32, #tpu.memory_space<hbm>> -> memref<32x64xi32, #tpu.memory_space<hbm>>
        tpu.wait_dma2 semaphore(%run_scoped3A : memref<!tpu.dma_semaphore, #tpu.memory_space<semaphore_mem>>) src(%dma_wait3A_95 : memref<32x64xi32, #tpu.memory_space<hbm>>) dst(%arg8 : memref<32x64xi32, #tpu.memory_space<vmem>>)
        tpu.yield
      }) : () -> ()
      %dma_start3A = arith.constant 0 : i32
      %dma_start3A_57 = arith.constant 0 : i32
      %dma_start3A_58 = tpu.memref_slice %arg7[%dma_start3A, %dma_start3A_57] : memref<32x64xi32, #tpu.memory_space<vmem>> -> memref<1x64xi32, #tpu.memory_space<vmem>>
      %dma_start3A_59 = tpu.memref_squeeze %dma_start3A_58 : memref<1x64xi32, #tpu.memory_space<vmem>> -> memref<64xi32, #tpu.memory_space<vmem>>
      %dma_start3A_60 = arith.constant 0 : i32
      %dma_start3A_61 = arith.constant 0 : i32
      %dma_start3A_62 = tpu.memref_slice %arg2[%dma_start3A_60, %dma_start3A_61] : memref<10000x128xf32, #tpu.memory_space<hbm>> -> memref<10000x128xf32, #tpu.memory_space<hbm>>
      tpu.enqueue_indirect_dma source(%dma_start3A_62 : memref<10000x128xf32, #tpu.memory_space<hbm>>) target(%arg9 : memref<64x128xf32, #tpu.memory_space<vmem>>) offsets(%dma_start3A_59 : memref<64xi32, #tpu.memory_space<vmem>>) semaphore(%arg14 : memref<!tpu.dma_semaphore, #tpu.memory_space<semaphore_mem>>)
      %dma_start3A_63 = arith.constant 1 : i32
      %dma_start3A_64 = arith.constant 0 : i32
      %dma_start3A_65 = tpu.memref_slice %arg7[%dma_start3A_63, %dma_start3A_64] : memref<32x64xi32, #tpu.memory_space<vmem>> -> memref<1x64xi32, #tpu.memory_space<vmem>>
      %dma_start3A_66 = tpu.memref_squeeze %dma_start3A_65 : memref<1x64xi32, #tpu.memory_space<vmem>> -> memref<64xi32, #tpu.memory_space<vmem>>
      %dma_start3A_67 = arith.constant 0 : i32
      %dma_start3A_68 = arith.constant 0 : i32
      %dma_start3A_69 = tpu.memref_slice %arg2[%dma_start3A_67, %dma_start3A_68] : memref<10000x128xf32, #tpu.memory_space<hbm>> -> memref<10000x128xf32, #tpu.memory_space<hbm>>
      tpu.enqueue_indirect_dma source(%dma_start3A_69 : memref<10000x128xf32, #tpu.memory_space<hbm>>) target(%arg10 : memref<64x128xf32, #tpu.memory_space<vmem>>) offsets(%dma_start3A_66 : memref<64xi32, #tpu.memory_space<vmem>>) semaphore(%arg15 : memref<!tpu.dma_semaphore, #tpu.memory_space<semaphore_mem>>)
      %dma_start3A_70 = arith.constant 2 : i32
      %dma_start3A_71 = arith.constant 0 : i32
      %dma_start3A_72 = tpu.memref_slice %arg7[%dma_start3A_70, %dma_start3A_71] : memref<32x64xi32, #tpu.memory_space<vmem>> -> memref<1x64xi32, #tpu.memory_space<vmem>>
      %dma_start3A_73 = tpu.memref_squeeze %dma_start3A_72 : memref<1x64xi32, #tpu.memory_space<vmem>> -> memref<64xi32, #tpu.memory_space<vmem>>
      %dma_start3A_74 = arith.constant 0 : i32
      %dma_start3A_75 = arith.constant 0 : i32
      %dma_start3A_76 = tpu.memref_slice %arg2[%dma_start3A_74, %dma_start3A_75] : memref<10000x128xf32, #tpu.memory_space<hbm>> -> memref<10000x128xf32, #tpu.memory_space<hbm>>
      tpu.enqueue_indirect_dma source(%dma_start3A_76 : memref<10000x128xf32, #tpu.memory_space<hbm>>) target(%arg11 : memref<64x128xf32, #tpu.memory_space<vmem>>) offsets(%dma_start3A_73 : memref<64xi32, #tpu.memory_space<vmem>>) semaphore(%arg16 : memref<!tpu.dma_semaphore, #tpu.memory_space<semaphore_mem>>)
      %scan3A = arith.constant 0 : i32
      %scan3A_77 = arith.constant 0 : i32
      %scan3A_78 = arith.constant 8 : i32
      %scan3A_79 = arith.addi %scan3A_77, %scan3A_78 : i32
      %scan3A_80 = arith.constant 1 : i32
      scf.for %scan3A_88 = %scan3A_77 to %scan3A_79 step %scan3A_80  : i32 {
        %mul3A_89 = arith.constant 4 : i32
        %mul3A_90 = arith.muli %scan3A_88, %mul3A_89 : i32
        %add3A_91 = arith.constant 0 : i32
        %add3A_92 = arith.addi %mul3A_90, %add3A_91 : i32
        %dma_wait3A_93 = arith.constant 0 : i32
        %dma_wait3A_94 = tpu.memref_slice %arg7[%add3A_92, %dma_wait3A_93] : memref<32x64xi32, #tpu.memory_space<vmem>> -> memref<1x64xi32, #tpu.memory_space<vmem>>
        %dma_wait3A_95 = tpu.memref_squeeze %dma_wait3A_94 : memref<1x64xi32, #tpu.memory_space<vmem>> -> memref<64xi32, #tpu.memory_space<vmem>>
        %dma_wait3A_96 = arith.constant 0 : i32
        %dma_wait3A_97 = arith.constant 0 : i32
        %dma_wait3A_98 = tpu.memref_slice %arg2[%dma_wait3A_96, %dma_wait3A_97] : memref<10000x128xf32, #tpu.memory_space<hbm>> -> memref<10000x128xf32, #tpu.memory_space<hbm>>
        tpu.wait_indirect_dma semaphore(%arg14 : memref<!tpu.dma_semaphore, #tpu.memory_space<semaphore_mem>>) src(%dma_wait3A_98 : memref<10000x128xf32, #tpu.memory_space<hbm>>) dst(%arg9 : memref<64x128xf32, #tpu.memory_space<vmem>>)
        %dma_start3A_99 = arith.constant 0 : i32
        %dma_start3A_100 = tpu.memref_slice %arg8[%add3A_92, %dma_start3A_99] : memref<32x64xi32, #tpu.memory_space<vmem>> -> memref<1x64xi32, #tpu.memory_space<vmem>>
        %dma_start3A_101 = tpu.memref_squeeze %dma_start3A_100 : memref<1x64xi32, #tpu.memory_space<vmem>> -> memref<64xi32, #tpu.memory_space<vmem>>
        %dma_start3A_102 = arith.constant 0 : i32
        %dma_start3A_103 = arith.constant 0 : i32
        %dma_start3A_104 = tpu.memref_slice %arg13[%dma_start3A_102, %dma_start3A_103] : memref<10240x128xf32, #tpu.memory_space<vmem_shared>> -> memref<10240x128xf32, #tpu.memory_space<vmem_shared>>
        tpu.enqueue_indirect_dma source(%arg9 : memref<64x128xf32, #tpu.memory_space<vmem>>) target(%dma_start3A_104 : memref<10240x128xf32, #tpu.memory_space<vmem_shared>>) offsets(%dma_start3A_101 : memref<64xi32, #tpu.memory_space<vmem>>) semaphore(%arg18 : memref<!tpu.dma_semaphore, #tpu.memory_space<semaphore_mem>>) {add = true}
        %ge3A = arith.constant 1 : i32
        %ge3A_105 = arith.cmpi sge, %add3A_92, %ge3A : i32
        %convert_element_type3A_106 = arith.extui %ge3A_105 : i1 to i32
        %cond3A_107 = arith.constant 0 : i32
        %cond3A_108 = arith.cmpi ne, %convert_element_type3A_106, %cond3A_107 : i32
        scf.if %cond3A_108 {
          %sub3A_206 = arith.constant 1 : i32
          %sub3A_207 = arith.subi %add3A_92, %sub3A_206 : i32
          %dma_wait3A_208 = arith.constant 0 : i32
          %dma_wait3A_209 = tpu.memref_slice %arg8[%sub3A_207, %dma_wait3A_208] : memref<32x64xi32, #tpu.memory_space<vmem>> -> memref<1x64xi32, #tpu.memory_space<vmem>>
          %dma_wait3A_210 = tpu.memref_squeeze %dma_wait3A_209 : memref<1x64xi32, #tpu.memory_space<vmem>> -> memref<64xi32, #tpu.memory_space<vmem>>
          %dma_wait3A_211 = arith.constant 0 : i32
          %dma_wait3A_212 = arith.constant 0 : i32
          %dma_wait3A_213 = tpu.memref_slice %arg13[%dma_wait3A_211, %dma_wait3A_212] : memref<10240x128xf32, #tpu.memory_space<vmem_shared>> -> memref<10240x128xf32, #tpu.memory_space<vmem_shared>>
          tpu.wait_indirect_dma semaphore(%arg21 : memref<!tpu.dma_semaphore, #tpu.memory_space<semaphore_mem>>) src(%arg12 : memref<64x128xf32, #tpu.memory_space<vmem>>) dst(%dma_wait3A_213 : memref<10240x128xf32, #tpu.memory_space<vmem_shared>>)
        } else {
        }
        %add3A_109 = arith.constant 4 : i32
        %add3A_110 = arith.addi %add3A_92, %add3A_109 : i32
        %sub3A = arith.constant 1 : i32
        %sub3A_111 = arith.subi %add3A_110, %sub3A : i32
        %lt3A = arith.constant 32 : i32
        %lt3A_112 = arith.cmpi slt, %sub3A_111, %lt3A : i32
        %convert_element_type3A_113 = arith.extui %lt3A_112 : i1 to i32
        %cond3A_114 = arith.constant 0 : i32
        %cond3A_115 = arith.cmpi ne, %convert_element_type3A_113, %cond3A_114 : i32
        scf.if %cond3A_115 {
          %add3A_206 = arith.constant 4 : i32
          %add3A_207 = arith.addi %add3A_92, %add3A_206 : i32
          %sub3A_208 = arith.constant 1 : i32
          %sub3A_209 = arith.subi %add3A_207, %sub3A_208 : i32
          %dma_start3A_210 = arith.constant 0 : i32
          %dma_start3A_211 = tpu.memref_slice %arg7[%sub3A_209, %dma_start3A_210] : memref<32x64xi32, #tpu.memory_space<vmem>> -> memref<1x64xi32, #tpu.memory_space<vmem>>
          %dma_start3A_212 = tpu.memref_squeeze %dma_start3A_211 : memref<1x64xi32, #tpu.memory_space<vmem>> -> memref<64xi32, #tpu.memory_space<vmem>>
          %dma_start3A_213 = arith.constant 0 : i32
          %dma_start3A_214 = arith.constant 0 : i32
          %dma_start3A_215 = tpu.memref_slice %arg2[%dma_start3A_213, %dma_start3A_214] : memref<10000x128xf32, #tpu.memory_space<hbm>> -> memref<10000x128xf32, #tpu.memory_space<hbm>>
          tpu.enqueue_indirect_dma source(%dma_start3A_215 : memref<10000x128xf32, #tpu.memory_space<hbm>>) target(%arg12 : memref<64x128xf32, #tpu.memory_space<vmem>>) offsets(%dma_start3A_212 : memref<64xi32, #tpu.memory_space<vmem>>) semaphore(%arg17 : memref<!tpu.dma_semaphore, #tpu.memory_space<semaphore_mem>>)
        } else {
        }
        %mul3A_116 = arith.constant 4 : i32
        %mul3A_117 = arith.muli %scan3A_88, %mul3A_116 : i32
        %add3A_118 = arith.constant 1 : i32
        %add3A_119 = arith.addi %mul3A_117, %add3A_118 : i32
        %dma_wait3A_120 = arith.constant 0 : i32
        %dma_wait3A_121 = tpu.memref_slice %arg7[%add3A_119, %dma_wait3A_120] : memref<32x64xi32, #tpu.memory_space<vmem>> -> memref<1x64xi32, #tpu.memory_space<vmem>>
        %dma_wait3A_122 = tpu.memref_squeeze %dma_wait3A_121 : memref<1x64xi32, #tpu.memory_space<vmem>> -> memref<64xi32, #tpu.memory_space<vmem>>
        %dma_wait3A_123 = arith.constant 0 : i32
        %dma_wait3A_124 = arith.constant 0 : i32
        %dma_wait3A_125 = tpu.memref_slice %arg2[%dma_wait3A_123, %dma_wait3A_124] : memref<10000x128xf32, #tpu.memory_space<hbm>> -> memref<10000x128xf32, #tpu.memory_space<hbm>>
        tpu.wait_indirect_dma semaphore(%arg15 : memref<!tpu.dma_semaphore, #tpu.memory_space<semaphore_mem>>) src(%dma_wait3A_125 : memref<10000x128xf32, #tpu.memory_space<hbm>>) dst(%arg10 : memref<64x128xf32, #tpu.memory_space<vmem>>)
        %dma_start3A_126 = arith.constant 0 : i32
        %dma_start3A_127 = tpu.memref_slice %arg8[%add3A_119, %dma_start3A_126] : memref<32x64xi32, #tpu.memory_space<vmem>> -> memref<1x64xi32, #tpu.memory_space<vmem>>
        %dma_start3A_128 = tpu.memref_squeeze %dma_start3A_127 : memref<1x64xi32, #tpu.memory_space<vmem>> -> memref<64xi32, #tpu.memory_space<vmem>>
        %dma_start3A_129 = arith.constant 0 : i32
        %dma_start3A_130 = arith.constant 0 : i32
        %dma_start3A_131 = tpu.memref_slice %arg13[%dma_start3A_129, %dma_start3A_130] : memref<10240x128xf32, #tpu.memory_space<vmem_shared>> -> memref<10240x128xf32, #tpu.memory_space<vmem_shared>>
        tpu.enqueue_indirect_dma source(%arg10 : memref<64x128xf32, #tpu.memory_space<vmem>>) target(%dma_start3A_131 : memref<10240x128xf32, #tpu.memory_space<vmem_shared>>) offsets(%dma_start3A_128 : memref<64xi32, #tpu.memory_space<vmem>>) semaphore(%arg19 : memref<!tpu.dma_semaphore, #tpu.memory_space<semaphore_mem>>) {add = true}
        %ge3A_132 = arith.constant 1 : i32
        %ge3A_133 = arith.cmpi sge, %add3A_119, %ge3A_132 : i32
        %convert_element_type3A_134 = arith.extui %ge3A_133 : i1 to i32
        %cond3A_135 = arith.constant 0 : i32
        %cond3A_136 = arith.cmpi ne, %convert_element_type3A_134, %cond3A_135 : i32
        scf.if %cond3A_136 {
          %sub3A_206 = arith.constant 1 : i32
          %sub3A_207 = arith.subi %add3A_119, %sub3A_206 : i32
          %dma_wait3A_208 = arith.constant 0 : i32
          %dma_wait3A_209 = tpu.memref_slice %arg8[%sub3A_207, %dma_wait3A_208] : memref<32x64xi32, #tpu.memory_space<vmem>> -> memref<1x64xi32, #tpu.memory_space<vmem>>
          %dma_wait3A_210 = tpu.memref_squeeze %dma_wait3A_209 : memref<1x64xi32, #tpu.memory_space<vmem>> -> memref<64xi32, #tpu.memory_space<vmem>>
          %dma_wait3A_211 = arith.constant 0 : i32
          %dma_wait3A_212 = arith.constant 0 : i32
          %dma_wait3A_213 = tpu.memref_slice %arg13[%dma_wait3A_211, %dma_wait3A_212] : memref<10240x128xf32, #tpu.memory_space<vmem_shared>> -> memref<10240x128xf32, #tpu.memory_space<vmem_shared>>
          tpu.wait_indirect_dma semaphore(%arg18 : memref<!tpu.dma_semaphore, #tpu.memory_space<semaphore_mem>>) src(%arg9 : memref<64x128xf32, #tpu.memory_space<vmem>>) dst(%dma_wait3A_213 : memref<10240x128xf32, #tpu.memory_space<vmem_shared>>)
        } else {
        }
        %add3A_137 = arith.constant 4 : i32
        %add3A_138 = arith.addi %add3A_119, %add3A_137 : i32
        %sub3A_139 = arith.constant 1 : i32
        %sub3A_140 = arith.subi %add3A_138, %sub3A_139 : i32
        %lt3A_141 = arith.constant 32 : i32
        %lt3A_142 = arith.cmpi slt, %sub3A_140, %lt3A_141 : i32
        %convert_element_type3A_143 = arith.extui %lt3A_142 : i1 to i32
        %cond3A_144 = arith.constant 0 : i32
        %cond3A_145 = arith.cmpi ne, %convert_element_type3A_143, %cond3A_144 : i32
        scf.if %cond3A_145 {
          %add3A_206 = arith.constant 4 : i32
          %add3A_207 = arith.addi %add3A_119, %add3A_206 : i32
          %sub3A_208 = arith.constant 1 : i32
          %sub3A_209 = arith.subi %add3A_207, %sub3A_208 : i32
          %dma_start3A_210 = arith.constant 0 : i32
          %dma_start3A_211 = tpu.memref_slice %arg7[%sub3A_209, %dma_start3A_210] : memref<32x64xi32, #tpu.memory_space<vmem>> -> memref<1x64xi32, #tpu.memory_space<vmem>>
          %dma_start3A_212 = tpu.memref_squeeze %dma_start3A_211 : memref<1x64xi32, #tpu.memory_space<vmem>> -> memref<64xi32, #tpu.memory_space<vmem>>
          %dma_start3A_213 = arith.constant 0 : i32
          %dma_start3A_214 = arith.constant 0 : i32
          %dma_start3A_215 = tpu.memref_slice %arg2[%dma_start3A_213, %dma_start3A_214] : memref<10000x128xf32, #tpu.memory_space<hbm>> -> memref<10000x128xf32, #tpu.memory_space<hbm>>
          tpu.enqueue_indirect_dma source(%dma_start3A_215 : memref<10000x128xf32, #tpu.memory_space<hbm>>) target(%arg9 : memref<64x128xf32, #tpu.memory_space<vmem>>) offsets(%dma_start3A_212 : memref<64xi32, #tpu.memory_space<vmem>>) semaphore(%arg14 : memref<!tpu.dma_semaphore, #tpu.memory_space<semaphore_mem>>)
        } else {
        }
        %mul3A_146 = arith.constant 4 : i32
        %mul3A_147 = arith.muli %scan3A_88, %mul3A_146 : i32
        %add3A_148 = arith.constant 2 : i32
        %add3A_149 = arith.addi %mul3A_147, %add3A_148 : i32
        %dma_wait3A_150 = arith.constant 0 : i32
        %dma_wait3A_151 = tpu.memref_slice %arg7[%add3A_149, %dma_wait3A_150] : memref<32x64xi32, #tpu.memory_space<vmem>> -> memref<1x64xi32, #tpu.memory_space<vmem>>
        %dma_wait3A_152 = tpu.memref_squeeze %dma_wait3A_151 : memref<1x64xi32, #tpu.memory_space<vmem>> -> memref<64xi32, #tpu.memory_space<vmem>>
        %dma_wait3A_153 = arith.constant 0 : i32
        %dma_wait3A_154 = arith.constant 0 : i32
        %dma_wait3A_155 = tpu.memref_slice %arg2[%dma_wait3A_153, %dma_wait3A_154] : memref<10000x128xf32, #tpu.memory_space<hbm>> -> memref<10000x128xf32, #tpu.memory_space<hbm>>
        tpu.wait_indirect_dma semaphore(%arg16 : memref<!tpu.dma_semaphore, #tpu.memory_space<semaphore_mem>>) src(%dma_wait3A_155 : memref<10000x128xf32, #tpu.memory_space<hbm>>) dst(%arg11 : memref<64x128xf32, #tpu.memory_space<vmem>>)
        %dma_start3A_156 = arith.constant 0 : i32
        %dma_start3A_157 = tpu.memref_slice %arg8[%add3A_149, %dma_start3A_156] : memref<32x64xi32, #tpu.memory_space<vmem>> -> memref<1x64xi32, #tpu.memory_space<vmem>>
        %dma_start3A_158 = tpu.memref_squeeze %dma_start3A_157 : memref<1x64xi32, #tpu.memory_space<vmem>> -> memref<64xi32, #tpu.memory_space<vmem>>
        %dma_start3A_159 = arith.constant 0 : i32
        %dma_start3A_160 = arith.constant 0 : i32
        %dma_start3A_161 = tpu.memref_slice %arg13[%dma_start3A_159, %dma_start3A_160] : memref<10240x128xf32, #tpu.memory_space<vmem_shared>> -> memref<10240x128xf32, #tpu.memory_space<vmem_shared>>
        tpu.enqueue_indirect_dma source(%arg11 : memref<64x128xf32, #tpu.memory_space<vmem>>) target(%dma_start3A_161 : memref<10240x128xf32, #tpu.memory_space<vmem_shared>>) offsets(%dma_start3A_158 : memref<64xi32, #tpu.memory_space<vmem>>) semaphore(%arg20 : memref<!tpu.dma_semaphore, #tpu.memory_space<semaphore_mem>>) {add = true}
        %ge3A_162 = arith.constant 1 : i32
        %ge3A_163 = arith.cmpi sge, %add3A_149, %ge3A_162 : i32
        %convert_element_type3A_164 = arith.extui %ge3A_163 : i1 to i32
        %cond3A_165 = arith.constant 0 : i32
        %cond3A_166 = arith.cmpi ne, %convert_element_type3A_164, %cond3A_165 : i32
        scf.if %cond3A_166 {
          %sub3A_206 = arith.constant 1 : i32
          %sub3A_207 = arith.subi %add3A_149, %sub3A_206 : i32
          %dma_wait3A_208 = arith.constant 0 : i32
          %dma_wait3A_209 = tpu.memref_slice %arg8[%sub3A_207, %dma_wait3A_208] : memref<32x64xi32, #tpu.memory_space<vmem>> -> memref<1x64xi32, #tpu.memory_space<vmem>>
          %dma_wait3A_210 = tpu.memref_squeeze %dma_wait3A_209 : memref<1x64xi32, #tpu.memory_space<vmem>> -> memref<64xi32, #tpu.memory_space<vmem>>
          %dma_wait3A_211 = arith.constant 0 : i32
          %dma_wait3A_212 = arith.constant 0 : i32
          %dma_wait3A_213 = tpu.memref_slice %arg13[%dma_wait3A_211, %dma_wait3A_212] : memref<10240x128xf32, #tpu.memory_space<vmem_shared>> -> memref<10240x128xf32, #tpu.memory_space<vmem_shared>>
          tpu.wait_indirect_dma semaphore(%arg19 : memref<!tpu.dma_semaphore, #tpu.memory_space<semaphore_mem>>) src(%arg10 : memref<64x128xf32, #tpu.memory_space<vmem>>) dst(%dma_wait3A_213 : memref<10240x128xf32, #tpu.memory_space<vmem_shared>>)
        } else {
        }
        %add3A_167 = arith.constant 4 : i32
        %add3A_168 = arith.addi %add3A_149, %add3A_167 : i32
        %sub3A_169 = arith.constant 1 : i32
        %sub3A_170 = arith.subi %add3A_168, %sub3A_169 : i32
        %lt3A_171 = arith.constant 32 : i32
        %lt3A_172 = arith.cmpi slt, %sub3A_170, %lt3A_171 : i32
        %convert_element_type3A_173 = arith.extui %lt3A_172 : i1 to i32
        %cond3A_174 = arith.constant 0 : i32
        %cond3A_175 = arith.cmpi ne, %convert_element_type3A_173, %cond3A_174 : i32
        scf.if %cond3A_175 {
          %add3A_206 = arith.constant 4 : i32
          %add3A_207 = arith.addi %add3A_149, %add3A_206 : i32
          %sub3A_208 = arith.constant 1 : i32
          %sub3A_209 = arith.subi %add3A_207, %sub3A_208 : i32
          %dma_start3A_210 = arith.constant 0 : i32
          %dma_start3A_211 = tpu.memref_slice %arg7[%sub3A_209, %dma_start3A_210] : memref<32x64xi32, #tpu.memory_space<vmem>> -> memref<1x64xi32, #tpu.memory_space<vmem>>
          %dma_start3A_212 = tpu.memref_squeeze %dma_start3A_211 : memref<1x64xi32, #tpu.memory_space<vmem>> -> memref<64xi32, #tpu.memory_space<vmem>>
          %dma_start3A_213 = arith.constant 0 : i32
          %dma_start3A_214 = arith.constant 0 : i32
          %dma_start3A_215 = tpu.memref_slice %arg2[%dma_start3A_213, %dma_start3A_214] : memref<10000x128xf32, #tpu.memory_space<hbm>> -> memref<10000x128xf32, #tpu.memory_space<hbm>>
          tpu.enqueue_indirect_dma source(%dma_start3A_215 : memref<10000x128xf32, #tpu.memory_space<hbm>>) target(%arg10 : memref<64x128xf32, #tpu.memory_space<vmem>>) offsets(%dma_start3A_212 : memref<64xi32, #tpu.memory_space<vmem>>) semaphore(%arg15 : memref<!tpu.dma_semaphore, #tpu.memory_space<semaphore_mem>>)
        } else {
        }
        %mul3A_176 = arith.constant 4 : i32
        %mul3A_177 = arith.muli %scan3A_88, %mul3A_176 : i32
        %add3A_178 = arith.constant 3 : i32
        %add3A_179 = arith.addi %mul3A_177, %add3A_178 : i32
        %dma_wait3A_180 = arith.constant 0 : i32
        %dma_wait3A_181 = tpu.memref_slice %arg7[%add3A_179, %dma_wait3A_180] : memref<32x64xi32, #tpu.memory_space<vmem>> -> memref<1x64xi32, #tpu.memory_space<vmem>>
        %dma_wait3A_182 = tpu.memref_squeeze %dma_wait3A_181 : memref<1x64xi32, #tpu.memory_space<vmem>> -> memref<64xi32, #tpu.memory_space<vmem>>
        %dma_wait3A_183 = arith.constant 0 : i32
        %dma_wait3A_184 = arith.constant 0 : i32
        %dma_wait3A_185 = tpu.memref_slice %arg2[%dma_wait3A_183, %dma_wait3A_184] : memref<10000x128xf32, #tpu.memory_space<hbm>> -> memref<10000x128xf32, #tpu.memory_space<hbm>>
        tpu.wait_indirect_dma semaphore(%arg17 : memref<!tpu.dma_semaphore, #tpu.memory_space<semaphore_mem>>) src(%dma_wait3A_185 : memref<10000x128xf32, #tpu.memory_space<hbm>>) dst(%arg12 : memref<64x128xf32, #tpu.memory_space<vmem>>)
        %dma_start3A_186 = arith.constant 0 : i32
        %dma_start3A_187 = tpu.memref_slice %arg8[%add3A_179, %dma_start3A_186] : memref<32x64xi32, #tpu.memory_space<vmem>> -> memref<1x64xi32, #tpu.memory_space<vmem>>
        %dma_start3A_188 = tpu.memref_squeeze %dma_start3A_187 : memref<1x64xi32, #tpu.memory_space<vmem>> -> memref<64xi32, #tpu.memory_space<vmem>>
        %dma_start3A_189 = arith.constant 0 : i32
        %dma_start3A_190 = arith.constant 0 : i32
        %dma_start3A_191 = tpu.memref_slice %arg13[%dma_start3A_189, %dma_start3A_190] : memref<10240x128xf32, #tpu.memory_space<vmem_shared>> -> memref<10240x128xf32, #tpu.memory_space<vmem_shared>>
        tpu.enqueue_indirect_dma source(%arg12 : memref<64x128xf32, #tpu.memory_space<vmem>>) target(%dma_start3A_191 : memref<10240x128xf32, #tpu.memory_space<vmem_shared>>) offsets(%dma_start3A_188 : memref<64xi32, #tpu.memory_space<vmem>>) semaphore(%arg21 : memref<!tpu.dma_semaphore, #tpu.memory_space<semaphore_mem>>) {add = true}
        %ge3A_192 = arith.constant 1 : i32
        %ge3A_193 = arith.cmpi sge, %add3A_179, %ge3A_192 : i32
        %convert_element_type3A_194 = arith.extui %ge3A_193 : i1 to i32
        %cond3A_195 = arith.constant 0 : i32
        %cond3A_196 = arith.cmpi ne, %convert_element_type3A_194, %cond3A_195 : i32
        scf.if %cond3A_196 {
          %sub3A_206 = arith.constant 1 : i32
          %sub3A_207 = arith.subi %add3A_179, %sub3A_206 : i32
          %dma_wait3A_208 = arith.constant 0 : i32
          %dma_wait3A_209 = tpu.memref_slice %arg8[%sub3A_207, %dma_wait3A_208] : memref<32x64xi32, #tpu.memory_space<vmem>> -> memref<1x64xi32, #tpu.memory_space<vmem>>
          %dma_wait3A_210 = tpu.memref_squeeze %dma_wait3A_209 : memref<1x64xi32, #tpu.memory_space<vmem>> -> memref<64xi32, #tpu.memory_space<vmem>>
          %dma_wait3A_211 = arith.constant 0 : i32
          %dma_wait3A_212 = arith.constant 0 : i32
          %dma_wait3A_213 = tpu.memref_slice %arg13[%dma_wait3A_211, %dma_wait3A_212] : memref<10240x128xf32, #tpu.memory_space<vmem_shared>> -> memref<10240x128xf32, #tpu.memory_space<vmem_shared>>
          tpu.wait_indirect_dma semaphore(%arg20 : memref<!tpu.dma_semaphore, #tpu.memory_space<semaphore_mem>>) src(%arg11 : memref<64x128xf32, #tpu.memory_space<vmem>>) dst(%dma_wait3A_213 : memref<10240x128xf32, #tpu.memory_space<vmem_shared>>)
        } else {
        }
        %add3A_197 = arith.constant 4 : i32
        %add3A_198 = arith.addi %add3A_179, %add3A_197 : i32
        %sub3A_199 = arith.constant 1 : i32
        %sub3A_200 = arith.subi %add3A_198, %sub3A_199 : i32
        %lt3A_201 = arith.constant 32 : i32
        %lt3A_202 = arith.cmpi slt, %sub3A_200, %lt3A_201 : i32
        %convert_element_type3A_203 = arith.extui %lt3A_202 : i1 to i32
        %cond3A_204 = arith.constant 0 : i32
        %cond3A_205 = arith.cmpi ne, %convert_element_type3A_203, %cond3A_204 : i32
        scf.if %cond3A_205 {
          %add3A_206 = arith.constant 4 : i32
          %add3A_207 = arith.addi %add3A_179, %add3A_206 : i32
          %sub3A_208 = arith.constant 1 : i32
          %sub3A_209 = arith.subi %add3A_207, %sub3A_208 : i32
          %dma_start3A_210 = arith.constant 0 : i32
          %dma_start3A_211 = tpu.memref_slice %arg7[%sub3A_209, %dma_start3A_210] : memref<32x64xi32, #tpu.memory_space<vmem>> -> memref<1x64xi32, #tpu.memory_space<vmem>>
          %dma_start3A_212 = tpu.memref_squeeze %dma_start3A_211 : memref<1x64xi32, #tpu.memory_space<vmem>> -> memref<64xi32, #tpu.memory_space<vmem>>
          %dma_start3A_213 = arith.constant 0 : i32
          %dma_start3A_214 = arith.constant 0 : i32
          %dma_start3A_215 = tpu.memref_slice %arg2[%dma_start3A_213, %dma_start3A_214] : memref<10000x128xf32, #tpu.memory_space<hbm>> -> memref<10000x128xf32, #tpu.memory_space<hbm>>
          tpu.enqueue_indirect_dma source(%dma_start3A_215 : memref<10000x128xf32, #tpu.memory_space<hbm>>) target(%arg11 : memref<64x128xf32, #tpu.memory_space<vmem>>) offsets(%dma_start3A_212 : memref<64xi32, #tpu.memory_space<vmem>>) semaphore(%arg16 : memref<!tpu.dma_semaphore, #tpu.memory_space<semaphore_mem>>)
        } else {
        }
      }
      %scan3A_81 = arith.constant 8 : i32
      %dma_wait3A = arith.constant 31 : i32
      %dma_wait3A_82 = arith.constant 0 : i32
      %dma_wait3A_83 = tpu.memref_slice %arg8[%dma_wait3A, %dma_wait3A_82] : memref<32x64xi32, #tpu.memory_space<vmem>> -> memref<1x64xi32, #tpu.memory_space<vmem>>
      %dma_wait3A_84 = tpu.memref_squeeze %dma_wait3A_83 : memref<1x64xi32, #tpu.memory_space<vmem>> -> memref<64xi32, #tpu.memory_space<vmem>>
      %dma_wait3A_85 = arith.constant 0 : i32
      %dma_wait3A_86 = arith.constant 0 : i32
      %dma_wait3A_87 = tpu.memref_slice %arg13[%dma_wait3A_85, %dma_wait3A_86] : memref<10240x128xf32, #tpu.memory_space<vmem_shared>> -> memref<10240x128xf32, #tpu.memory_space<vmem_shared>>
      tpu.wait_indirect_dma semaphore(%arg21 : memref<!tpu.dma_semaphore, #tpu.memory_space<semaphore_mem>>) src(%arg12 : memref<64x128xf32, #tpu.memory_space<vmem>>) dst(%dma_wait3A_87 : memref<10240x128xf32, #tpu.memory_space<vmem_shared>>)
    } else {
    }
    %gt3A_13 = arith.constant 1 : i32
    %gt3A_14 = arith.cmpi sgt, %select_n3A_10, %gt3A_13 : i32
    %convert_element_type3A_15 = arith.extui %gt3A_14 : i1 to i32
    %cond3A_16 = arith.constant 0 : i32
    %cond3A_17 = arith.cmpi ne, %convert_element_type3A_15, %cond3A_16 : i32
    scf.if %cond3A_17 {
      %add3A_53 = arith.constant 32 : i32
      %add3A_54 = arith.addi %select_n3A, %add3A_53 : i32
      "tpu.region"() ({
        %run_scoped3A = tpu.sem_alloc : memref<!tpu.dma_semaphore, #tpu.memory_space<semaphore_mem>>
        %dma_start3A_88 = arith.constant 0 : i32
        %dma_start3A_89 = tpu.memref_slice %arg3[%add3A_54, %dma_start3A_88] : memref<5120x64xi32, #tpu.memory_space<hbm>> -> memref<32x64xi32, #tpu.memory_space<hbm>>
        %dma_start3A_90 = arith.constant 0 : i32
        %dma_start3A_91 = tpu.memref_slice %arg3[%add3A_54, %dma_start3A_90] : memref<5120x64xi32, #tpu.memory_space<hbm>> -> memref<32x64xi32, #tpu.memory_space<hbm>>
        tpu.enqueue_dma source(%dma_start3A_91 : memref<32x64xi32, #tpu.memory_space<hbm>>) target(%arg7 : memref<32x64xi32, #tpu.memory_space<vmem>>) target_semaphore(%run_scoped3A : memref<!tpu.dma_semaphore, #tpu.memory_space<semaphore_mem>>)
        %dma_wait3A_92 = arith.constant 0 : i32
        %dma_wait3A_93 = tpu.memref_slice %arg3[%add3A_54, %dma_wait3A_92] : memref<5120x64xi32, #tpu.memory_space<hbm>> -> memref<32x64xi32, #tpu.memory_space<hbm>>
        %dma_wait3A_94 = arith.constant 0 : i32
        %dma_wait3A_95 = tpu.memref_slice %arg3[%add3A_54, %dma_wait3A_94] : memref<5120x64xi32, #tpu.memory_space<hbm>> -> memref<32x64xi32, #tpu.memory_space<hbm>>
        tpu.wait_dma2 semaphore(%run_scoped3A : memref<!tpu.dma_semaphore, #tpu.memory_space<semaphore_mem>>) src(%dma_wait3A_95 : memref<32x64xi32, #tpu.memory_space<hbm>>) dst(%arg7 : memref<32x64xi32, #tpu.memory_space<vmem>>)
        tpu.yield
      }) : () -> ()
      %add3A_55 = arith.constant 32 : i32
      %add3A_56 = arith.addi %select_n3A, %add3A_55 : i32
      "tpu.region"() ({
        %run_scoped3A = tpu.sem_alloc : memref<!tpu.dma_semaphore, #tpu.memory_space<semaphore_mem>>
        %dma_start3A_88 = arith.constant 0 : i32
        %dma_start3A_89 = tpu.memref_slice %arg4[%add3A_56, %dma_start3A_88] : memref<5120x64xi32, #tpu.memory_space<hbm>> -> memref<32x64xi32, #tpu.memory_space<hbm>>
        %dma_start3A_90 = arith.constant 0 : i32
        %dma_start3A_91 = tpu.memref_slice %arg4[%add3A_56, %dma_start3A_90] : memref<5120x64xi32, #tpu.memory_space<hbm>> -> memref<32x64xi32, #tpu.memory_space<hbm>>
        tpu.enqueue_dma source(%dma_start3A_91 : memref<32x64xi32, #tpu.memory_space<hbm>>) target(%arg8 : memref<32x64xi32, #tpu.memory_space<vmem>>) target_semaphore(%run_scoped3A : memref<!tpu.dma_semaphore, #tpu.memory_space<semaphore_mem>>)
        %dma_wait3A_92 = arith.constant 0 : i32
        %dma_wait3A_93 = tpu.memref_slice %arg4[%add3A_56, %dma_wait3A_92] : memref<5120x64xi32, #tpu.memory_space<hbm>> -> memref<32x64xi32, #tpu.memory_space<hbm>>
        %dma_wait3A_94 = arith.constant 0 : i32
        %dma_wait3A_95 = tpu.memref_slice %arg4[%add3A_56, %dma_wait3A_94] : memref<5120x64xi32, #tpu.memory_space<hbm>> -> memref<32x64xi32, #tpu.memory_space<hbm>>
        tpu.wait_dma2 semaphore(%run_scoped3A : memref<!tpu.dma_semaphore, #tpu.memory_space<semaphore_mem>>) src(%dma_wait3A_95 : memref<32x64xi32, #tpu.memory_space<hbm>>) dst(%arg8 : memref<32x64xi32, #tpu.memory_space<vmem>>)
        tpu.yield
      }) : () -> ()
      %dma_start3A = arith.constant 0 : i32
      %dma_start3A_57 = arith.constant 0 : i32
      %dma_start3A_58 = tpu.memref_slice %arg7[%dma_start3A, %dma_start3A_57] : memref<32x64xi32, #tpu.memory_space<vmem>> -> memref<1x64xi32, #tpu.memory_space<vmem>>
      %dma_start3A_59 = tpu.memref_squeeze %dma_start3A_58 : memref<1x64xi32, #tpu.memory_space<vmem>> -> memref<64xi32, #tpu.memory_space<vmem>>
      %dma_start3A_60 = arith.constant 0 : i32
      %dma_start3A_61 = arith.constant 0 : i32
      %dma_start3A_62 = tpu.memref_slice %arg2[%dma_start3A_60, %dma_start3A_61] : memref<10000x128xf32, #tpu.memory_space<hbm>> -> memref<10000x128xf32, #tpu.memory_space<hbm>>
      tpu.enqueue_indirect_dma source(%dma_start3A_62 : memref<10000x128xf32, #tpu.memory_space<hbm>>) target(%arg9 : memref<64x128xf32, #tpu.memory_space<vmem>>) offsets(%dma_start3A_59 : memref<64xi32, #tpu.memory_space<vmem>>) semaphore(%arg14 : memref<!tpu.dma_semaphore, #tpu.memory_space<semaphore_mem>>)
      %dma_start3A_63 = arith.constant 1 : i32
      %dma_start3A_64 = arith.constant 0 : i32
      %dma_start3A_65 = tpu.memref_slice %arg7[%dma_start3A_63, %dma_start3A_64] : memref<32x64xi32, #tpu.memory_space<vmem>> -> memref<1x64xi32, #tpu.memory_space<vmem>>
      %dma_start3A_66 = tpu.memref_squeeze %dma_start3A_65 : memref<1x64xi32, #tpu.memory_space<vmem>> -> memref<64xi32, #tpu.memory_space<vmem>>
      %dma_start3A_67 = arith.constant 0 : i32
      %dma_start3A_68 = arith.constant 0 : i32
      %dma_start3A_69 = tpu.memref_slice %arg2[%dma_start3A_67, %dma_start3A_68] : memref<10000x128xf32, #tpu.memory_space<hbm>> -> memref<10000x128xf32, #tpu.memory_space<hbm>>
      tpu.enqueue_indirect_dma source(%dma_start3A_69 : memref<10000x128xf32, #tpu.memory_space<hbm>>) target(%arg10 : memref<64x128xf32, #tpu.memory_space<vmem>>) offsets(%dma_start3A_66 : memref<64xi32, #tpu.memory_space<vmem>>) semaphore(%arg15 : memref<!tpu.dma_semaphore, #tpu.memory_space<semaphore_mem>>)
      %dma_start3A_70 = arith.constant 2 : i32
      %dma_start3A_71 = arith.constant 0 : i32
      %dma_start3A_72 = tpu.memref_slice %arg7[%dma_start3A_70, %dma_start3A_71] : memref<32x64xi32, #tpu.memory_space<vmem>> -> memref<1x64xi32, #tpu.memory_space<vmem>>
      %dma_start3A_73 = tpu.memref_squeeze %dma_start3A_72 : memref<1x64xi32, #tpu.memory_space<vmem>> -> memref<64xi32, #tpu.memory_space<vmem>>
      %dma_start3A_74 = arith.constant 0 : i32
      %dma_start3A_75 = arith.constant 0 : i32
      %dma_start3A_76 = tpu.memref_slice %arg2[%dma_start3A_74, %dma_start3A_75] : memref<10000x128xf32, #tpu.memory_space<hbm>> -> memref<10000x128xf32, #tpu.memory_space<hbm>>
      tpu.enqueue_indirect_dma source(%dma_start3A_76 : memref<10000x128xf32, #tpu.memory_space<hbm>>) target(%arg11 : memref<64x128xf32, #tpu.memory_space<vmem>>) offsets(%dma_start3A_73 : memref<64xi32, #tpu.memory_space<vmem>>) semaphore(%arg16 : memref<!tpu.dma_semaphore, #tpu.memory_space<semaphore_mem>>)
      %scan3A = arith.constant 0 : i32
      %scan3A_77 = arith.constant 0 : i32
      %scan3A_78 = arith.constant 8 : i32
      %scan3A_79 = arith.addi %scan3A_77, %scan3A_78 : i32
      %scan3A_80 = arith.constant 1 : i32
      scf.for %scan3A_88 = %scan3A_77 to %scan3A_79 step %scan3A_80  : i32 {
        %mul3A_89 = arith.constant 4 : i32
        %mul3A_90 = arith.muli %scan3A_88, %mul3A_89 : i32
        %add3A_91 = arith.constant 0 : i32
        %add3A_92 = arith.addi %mul3A_90, %add3A_91 : i32
        %dma_wait3A_93 = arith.constant 0 : i32
        %dma_wait3A_94 = tpu.memref_slice %arg7[%add3A_92, %dma_wait3A_93] : memref<32x64xi32, #tpu.memory_space<vmem>> -> memref<1x64xi32, #tpu.memory_space<vmem>>
        %dma_wait3A_95 = tpu.memref_squeeze %dma_wait3A_94 : memref<1x64xi32, #tpu.memory_space<vmem>> -> memref<64xi32, #tpu.memory_space<vmem>>
        %dma_wait3A_96 = arith.constant 0 : i32
        %dma_wait3A_97 = arith.constant 0 : i32
        %dma_wait3A_98 = tpu.memref_slice %arg2[%dma_wait3A_96, %dma_wait3A_97] : memref<10000x128xf32, #tpu.memory_space<hbm>> -> memref<10000x128xf32, #tpu.memory_space<hbm>>
        tpu.wait_indirect_dma semaphore(%arg14 : memref<!tpu.dma_semaphore, #tpu.memory_space<semaphore_mem>>) src(%dma_wait3A_98 : memref<10000x128xf32, #tpu.memory_space<hbm>>) dst(%arg9 : memref<64x128xf32, #tpu.memory_space<vmem>>)
        %dma_start3A_99 = arith.constant 0 : i32
        %dma_start3A_100 = tpu.memref_slice %arg8[%add3A_92, %dma_start3A_99] : memref<32x64xi32, #tpu.memory_space<vmem>> -> memref<1x64xi32, #tpu.memory_space<vmem>>
        %dma_start3A_101 = tpu.memref_squeeze %dma_start3A_100 : memref<1x64xi32, #tpu.memory_space<vmem>> -> memref<64xi32, #tpu.memory_space<vmem>>
        %dma_start3A_102 = arith.constant 0 : i32
        %dma_start3A_103 = arith.constant 0 : i32
        %dma_start3A_104 = tpu.memref_slice %arg13[%dma_start3A_102, %dma_start3A_103] : memref<10240x128xf32, #tpu.memory_space<vmem_shared>> -> memref<10240x128xf32, #tpu.memory_space<vmem_shared>>
        tpu.enqueue_indirect_dma source(%arg9 : memref<64x128xf32, #tpu.memory_space<vmem>>) target(%dma_start3A_104 : memref<10240x128xf32, #tpu.memory_space<vmem_shared>>) offsets(%dma_start3A_101 : memref<64xi32, #tpu.memory_space<vmem>>) semaphore(%arg18 : memref<!tpu.dma_semaphore, #tpu.memory_space<semaphore_mem>>) {add = true}
        %ge3A = arith.constant 1 : i32
        %ge3A_105 = arith.cmpi sge, %add3A_92, %ge3A : i32
        %convert_element_type3A_106 = arith.extui %ge3A_105 : i1 to i32
        %cond3A_107 = arith.constant 0 : i32
        %cond3A_108 = arith.cmpi ne, %convert_element_type3A_106, %cond3A_107 : i32
        scf.if %cond3A_108 {
          %sub3A_206 = arith.constant 1 : i32
          %sub3A_207 = arith.subi %add3A_92, %sub3A_206 : i32
          %dma_wait3A_208 = arith.constant 0 : i32
          %dma_wait3A_209 = tpu.memref_slice %arg8[%sub3A_207, %dma_wait3A_208] : memref<32x64xi32, #tpu.memory_space<vmem>> -> memref<1x64xi32, #tpu.memory_space<vmem>>
          %dma_wait3A_210 = tpu.memref_squeeze %dma_wait3A_209 : memref<1x64xi32, #tpu.memory_space<vmem>> -> memref<64xi32, #tpu.memory_space<vmem>>
          %dma_wait3A_211 = arith.constant 0 : i32
          %dma_wait3A_212 = arith.constant 0 : i32
          %dma_wait3A_213 = tpu.memref_slice %arg13[%dma_wait3A_211, %dma_wait3A_212] : memref<10240x128xf32, #tpu.memory_space<vmem_shared>> -> memref<10240x128xf32, #tpu.memory_space<vmem_shared>>
          tpu.wait_indirect_dma semaphore(%arg21 : memref<!tpu.dma_semaphore, #tpu.memory_space<semaphore_mem>>) src(%arg12 : memref<64x128xf32, #tpu.memory_space<vmem>>) dst(%dma_wait3A_213 : memref<10240x128xf32, #tpu.memory_space<vmem_shared>>)
        } else {
        }
        %add3A_109 = arith.constant 4 : i32
        %add3A_110 = arith.addi %add3A_92, %add3A_109 : i32
        %sub3A = arith.constant 1 : i32
        %sub3A_111 = arith.subi %add3A_110, %sub3A : i32
        %lt3A = arith.constant 32 : i32
        %lt3A_112 = arith.cmpi slt, %sub3A_111, %lt3A : i32
        %convert_element_type3A_113 = arith.extui %lt3A_112 : i1 to i32
        %cond3A_114 = arith.constant 0 : i32
        %cond3A_115 = arith.cmpi ne, %convert_element_type3A_113, %cond3A_114 : i32
        scf.if %cond3A_115 {
          %add3A_206 = arith.constant 4 : i32
          %add3A_207 = arith.addi %add3A_92, %add3A_206 : i32
          %sub3A_208 = arith.constant 1 : i32
          %sub3A_209 = arith.subi %add3A_207, %sub3A_208 : i32
          %dma_start3A_210 = arith.constant 0 : i32
          %dma_start3A_211 = tpu.memref_slice %arg7[%sub3A_209, %dma_start3A_210] : memref<32x64xi32, #tpu.memory_space<vmem>> -> memref<1x64xi32, #tpu.memory_space<vmem>>
          %dma_start3A_212 = tpu.memref_squeeze %dma_start3A_211 : memref<1x64xi32, #tpu.memory_space<vmem>> -> memref<64xi32, #tpu.memory_space<vmem>>
          %dma_start3A_213 = arith.constant 0 : i32
          %dma_start3A_214 = arith.constant 0 : i32
          %dma_start3A_215 = tpu.memref_slice %arg2[%dma_start3A_213, %dma_start3A_214] : memref<10000x128xf32, #tpu.memory_space<hbm>> -> memref<10000x128xf32, #tpu.memory_space<hbm>>
          tpu.enqueue_indirect_dma source(%dma_start3A_215 : memref<10000x128xf32, #tpu.memory_space<hbm>>) target(%arg12 : memref<64x128xf32, #tpu.memory_space<vmem>>) offsets(%dma_start3A_212 : memref<64xi32, #tpu.memory_space<vmem>>) semaphore(%arg17 : memref<!tpu.dma_semaphore, #tpu.memory_space<semaphore_mem>>)
        } else {
        }
        %mul3A_116 = arith.constant 4 : i32
        %mul3A_117 = arith.muli %scan3A_88, %mul3A_116 : i32
        %add3A_118 = arith.constant 1 : i32
        %add3A_119 = arith.addi %mul3A_117, %add3A_118 : i32
        %dma_wait3A_120 = arith.constant 0 : i32
        %dma_wait3A_121 = tpu.memref_slice %arg7[%add3A_119, %dma_wait3A_120] : memref<32x64xi32, #tpu.memory_space<vmem>> -> memref<1x64xi32, #tpu.memory_space<vmem>>
        %dma_wait3A_122 = tpu.memref_squeeze %dma_wait3A_121 : memref<1x64xi32, #tpu.memory_space<vmem>> -> memref<64xi32, #tpu.memory_space<vmem>>
        %dma_wait3A_123 = arith.constant 0 : i32
        %dma_wait3A_124 = arith.constant 0 : i32
        %dma_wait3A_125 = tpu.memref_slice %arg2[%dma_wait3A_123, %dma_wait3A_124] : memref<10000x128xf32, #tpu.memory_space<hbm>> -> memref<10000x128xf32, #tpu.memory_space<hbm>>
        tpu.wait_indirect_dma semaphore(%arg15 : memref<!tpu.dma_semaphore, #tpu.memory_space<semaphore_mem>>) src(%dma_wait3A_125 : memref<10000x128xf32, #tpu.memory_space<hbm>>) dst(%arg10 : memref<64x128xf32, #tpu.memory_space<vmem>>)
        %dma_start3A_126 = arith.constant 0 : i32
        %dma_start3A_127 = tpu.memref_slice %arg8[%add3A_119, %dma_start3A_126] : memref<32x64xi32, #tpu.memory_space<vmem>> -> memref<1x64xi32, #tpu.memory_space<vmem>>
        %dma_start3A_128 = tpu.memref_squeeze %dma_start3A_127 : memref<1x64xi32, #tpu.memory_space<vmem>> -> memref<64xi32, #tpu.memory_space<vmem>>
        %dma_start3A_129 = arith.constant 0 : i32
        %dma_start3A_130 = arith.constant 0 : i32
        %dma_start3A_131 = tpu.memref_slice %arg13[%dma_start3A_129, %dma_start3A_130] : memref<10240x128xf32, #tpu.memory_space<vmem_shared>> -> memref<10240x128xf32, #tpu.memory_space<vmem_shared>>
        tpu.enqueue_indirect_dma source(%arg10 : memref<64x128xf32, #tpu.memory_space<vmem>>) target(%dma_start3A_131 : memref<10240x128xf32, #tpu.memory_space<vmem_shared>>) offsets(%dma_start3A_128 : memref<64xi32, #tpu.memory_space<vmem>>) semaphore(%arg19 : memref<!tpu.dma_semaphore, #tpu.memory_space<semaphore_mem>>) {add = true}
        %ge3A_132 = arith.constant 1 : i32
        %ge3A_133 = arith.cmpi sge, %add3A_119, %ge3A_132 : i32
        %convert_element_type3A_134 = arith.extui %ge3A_133 : i1 to i32
        %cond3A_135 = arith.constant 0 : i32
        %cond3A_136 = arith.cmpi ne, %convert_element_type3A_134, %cond3A_135 : i32
        scf.if %cond3A_136 {
          %sub3A_206 = arith.constant 1 : i32
          %sub3A_207 = arith.subi %add3A_119, %sub3A_206 : i32
          %dma_wait3A_208 = arith.constant 0 : i32
          %dma_wait3A_209 = tpu.memref_slice %arg8[%sub3A_207, %dma_wait3A_208] : memref<32x64xi32, #tpu.memory_space<vmem>> -> memref<1x64xi32, #tpu.memory_space<vmem>>
          %dma_wait3A_210 = tpu.memref_squeeze %dma_wait3A_209 : memref<1x64xi32, #tpu.memory_space<vmem>> -> memref<64xi32, #tpu.memory_space<vmem>>
          %dma_wait3A_211 = arith.constant 0 : i32
          %dma_wait3A_212 = arith.constant 0 : i32
          %dma_wait3A_213 = tpu.memref_slice %arg13[%dma_wait3A_211, %dma_wait3A_212] : memref<10240x128xf32, #tpu.memory_space<vmem_shared>> -> memref<10240x128xf32, #tpu.memory_space<vmem_shared>>
          tpu.wait_indirect_dma semaphore(%arg18 : memref<!tpu.dma_semaphore, #tpu.memory_space<semaphore_mem>>) src(%arg9 : memref<64x128xf32, #tpu.memory_space<vmem>>) dst(%dma_wait3A_213 : memref<10240x128xf32, #tpu.memory_space<vmem_shared>>)
        } else {
        }
        %add3A_137 = arith.constant 4 : i32
        %add3A_138 = arith.addi %add3A_119, %add3A_137 : i32
        %sub3A_139 = arith.constant 1 : i32
        %sub3A_140 = arith.subi %add3A_138, %sub3A_139 : i32
        %lt3A_141 = arith.constant 32 : i32
        %lt3A_142 = arith.cmpi slt, %sub3A_140, %lt3A_141 : i32
        %convert_element_type3A_143 = arith.extui %lt3A_142 : i1 to i32
        %cond3A_144 = arith.constant 0 : i32
        %cond3A_145 = arith.cmpi ne, %convert_element_type3A_143, %cond3A_144 : i32
        scf.if %cond3A_145 {
          %add3A_206 = arith.constant 4 : i32
          %add3A_207 = arith.addi %add3A_119, %add3A_206 : i32
          %sub3A_208 = arith.constant 1 : i32
          %sub3A_209 = arith.subi %add3A_207, %sub3A_208 : i32
          %dma_start3A_210 = arith.constant 0 : i32
          %dma_start3A_211 = tpu.memref_slice %arg7[%sub3A_209, %dma_start3A_210] : memref<32x64xi32, #tpu.memory_space<vmem>> -> memref<1x64xi32, #tpu.memory_space<vmem>>
          %dma_start3A_212 = tpu.memref_squeeze %dma_start3A_211 : memref<1x64xi32, #tpu.memory_space<vmem>> -> memref<64xi32, #tpu.memory_space<vmem>>
          %dma_start3A_213 = arith.constant 0 : i32
          %dma_start3A_214 = arith.constant 0 : i32
          %dma_start3A_215 = tpu.memref_slice %arg2[%dma_start3A_213, %dma_start3A_214] : memref<10000x128xf32, #tpu.memory_space<hbm>> -> memref<10000x128xf32, #tpu.memory_space<hbm>>
          tpu.enqueue_indirect_dma source(%dma_start3A_215 : memref<10000x128xf32, #tpu.memory_space<hbm>>) target(%arg9 : memref<64x128xf32, #tpu.memory_space<vmem>>) offsets(%dma_start3A_212 : memref<64xi32, #tpu.memory_space<vmem>>) semaphore(%arg14 : memref<!tpu.dma_semaphore, #tpu.memory_space<semaphore_mem>>)
        } else {
        }
        %mul3A_146 = arith.constant 4 : i32
        %mul3A_147 = arith.muli %scan3A_88, %mul3A_146 : i32
        %add3A_148 = arith.constant 2 : i32
        %add3A_149 = arith.addi %mul3A_147, %add3A_148 : i32
        %dma_wait3A_150 = arith.constant 0 : i32
        %dma_wait3A_151 = tpu.memref_slice %arg7[%add3A_149, %dma_wait3A_150] : memref<32x64xi32, #tpu.memory_space<vmem>> -> memref<1x64xi32, #tpu.memory_space<vmem>>
        %dma_wait3A_152 = tpu.memref_squeeze %dma_wait3A_151 : memref<1x64xi32, #tpu.memory_space<vmem>> -> memref<64xi32, #tpu.memory_space<vmem>>
        %dma_wait3A_153 = arith.constant 0 : i32
        %dma_wait3A_154 = arith.constant 0 : i32
        %dma_wait3A_155 = tpu.memref_slice %arg2[%dma_wait3A_153, %dma_wait3A_154] : memref<10000x128xf32, #tpu.memory_space<hbm>> -> memref<10000x128xf32, #tpu.memory_space<hbm>>
        tpu.wait_indirect_dma semaphore(%arg16 : memref<!tpu.dma_semaphore, #tpu.memory_space<semaphore_mem>>) src(%dma_wait3A_155 : memref<10000x128xf32, #tpu.memory_space<hbm>>) dst(%arg11 : memref<64x128xf32, #tpu.memory_space<vmem>>)
        %dma_start3A_156 = arith.constant 0 : i32
        %dma_start3A_157 = tpu.memref_slice %arg8[%add3A_149, %dma_start3A_156] : memref<32x64xi32, #tpu.memory_space<vmem>> -> memref<1x64xi32, #tpu.memory_space<vmem>>
        %dma_start3A_158 = tpu.memref_squeeze %dma_start3A_157 : memref<1x64xi32, #tpu.memory_space<vmem>> -> memref<64xi32, #tpu.memory_space<vmem>>
        %dma_start3A_159 = arith.constant 0 : i32
        %dma_start3A_160 = arith.constant 0 : i32
        %dma_start3A_161 = tpu.memref_slice %arg13[%dma_start3A_159, %dma_start3A_160] : memref<10240x128xf32, #tpu.memory_space<vmem_shared>> -> memref<10240x128xf32, #tpu.memory_space<vmem_shared>>
        tpu.enqueue_indirect_dma source(%arg11 : memref<64x128xf32, #tpu.memory_space<vmem>>) target(%dma_start3A_161 : memref<10240x128xf32, #tpu.memory_space<vmem_shared>>) offsets(%dma_start3A_158 : memref<64xi32, #tpu.memory_space<vmem>>) semaphore(%arg20 : memref<!tpu.dma_semaphore, #tpu.memory_space<semaphore_mem>>) {add = true}
        %ge3A_162 = arith.constant 1 : i32
        %ge3A_163 = arith.cmpi sge, %add3A_149, %ge3A_162 : i32
        %convert_element_type3A_164 = arith.extui %ge3A_163 : i1 to i32
        %cond3A_165 = arith.constant 0 : i32
        %cond3A_166 = arith.cmpi ne, %convert_element_type3A_164, %cond3A_165 : i32
        scf.if %cond3A_166 {
          %sub3A_206 = arith.constant 1 : i32
          %sub3A_207 = arith.subi %add3A_149, %sub3A_206 : i32
          %dma_wait3A_208 = arith.constant 0 : i32
          %dma_wait3A_209 = tpu.memref_slice %arg8[%sub3A_207, %dma_wait3A_208] : memref<32x64xi32, #tpu.memory_space<vmem>> -> memref<1x64xi32, #tpu.memory_space<vmem>>
          %dma_wait3A_210 = tpu.memref_squeeze %dma_wait3A_209 : memref<1x64xi32, #tpu.memory_space<vmem>> -> memref<64xi32, #tpu.memory_space<vmem>>
          %dma_wait3A_211 = arith.constant 0 : i32
          %dma_wait3A_212 = arith.constant 0 : i32
          %dma_wait3A_213 = tpu.memref_slice %arg13[%dma_wait3A_211, %dma_wait3A_212] : memref<10240x128xf32, #tpu.memory_space<vmem_shared>> -> memref<10240x128xf32, #tpu.memory_space<vmem_shared>>
          tpu.wait_indirect_dma semaphore(%arg19 : memref<!tpu.dma_semaphore, #tpu.memory_space<semaphore_mem>>) src(%arg10 : memref<64x128xf32, #tpu.memory_space<vmem>>) dst(%dma_wait3A_213 : memref<10240x128xf32, #tpu.memory_space<vmem_shared>>)
        } else {
        }
        %add3A_167 = arith.constant 4 : i32
        %add3A_168 = arith.addi %add3A_149, %add3A_167 : i32
        %sub3A_169 = arith.constant 1 : i32
        %sub3A_170 = arith.subi %add3A_168, %sub3A_169 : i32
        %lt3A_171 = arith.constant 32 : i32
        %lt3A_172 = arith.cmpi slt, %sub3A_170, %lt3A_171 : i32
        %convert_element_type3A_173 = arith.extui %lt3A_172 : i1 to i32
        %cond3A_174 = arith.constant 0 : i32
        %cond3A_175 = arith.cmpi ne, %convert_element_type3A_173, %cond3A_174 : i32
        scf.if %cond3A_175 {
          %add3A_206 = arith.constant 4 : i32
          %add3A_207 = arith.addi %add3A_149, %add3A_206 : i32
          %sub3A_208 = arith.constant 1 : i32
          %sub3A_209 = arith.subi %add3A_207, %sub3A_208 : i32
          %dma_start3A_210 = arith.constant 0 : i32
          %dma_start3A_211 = tpu.memref_slice %arg7[%sub3A_209, %dma_start3A_210] : memref<32x64xi32, #tpu.memory_space<vmem>> -> memref<1x64xi32, #tpu.memory_space<vmem>>
          %dma_start3A_212 = tpu.memref_squeeze %dma_start3A_211 : memref<1x64xi32, #tpu.memory_space<vmem>> -> memref<64xi32, #tpu.memory_space<vmem>>
          %dma_start3A_213 = arith.constant 0 : i32
          %dma_start3A_214 = arith.constant 0 : i32
          %dma_start3A_215 = tpu.memref_slice %arg2[%dma_start3A_213, %dma_start3A_214] : memref<10000x128xf32, #tpu.memory_space<hbm>> -> memref<10000x128xf32, #tpu.memory_space<hbm>>
          tpu.enqueue_indirect_dma source(%dma_start3A_215 : memref<10000x128xf32, #tpu.memory_space<hbm>>) target(%arg10 : memref<64x128xf32, #tpu.memory_space<vmem>>) offsets(%dma_start3A_212 : memref<64xi32, #tpu.memory_space<vmem>>) semaphore(%arg15 : memref<!tpu.dma_semaphore, #tpu.memory_space<semaphore_mem>>)
        } else {
        }
        %mul3A_176 = arith.constant 4 : i32
        %mul3A_177 = arith.muli %scan3A_88, %mul3A_176 : i32
        %add3A_178 = arith.constant 3 : i32
        %add3A_179 = arith.addi %mul3A_177, %add3A_178 : i32
        %dma_wait3A_180 = arith.constant 0 : i32
        %dma_wait3A_181 = tpu.memref_slice %arg7[%add3A_179, %dma_wait3A_180] : memref<32x64xi32, #tpu.memory_space<vmem>> -> memref<1x64xi32, #tpu.memory_space<vmem>>
        %dma_wait3A_182 = tpu.memref_squeeze %dma_wait3A_181 : memref<1x64xi32, #tpu.memory_space<vmem>> -> memref<64xi32, #tpu.memory_space<vmem>>
        %dma_wait3A_183 = arith.constant 0 : i32
        %dma_wait3A_184 = arith.constant 0 : i32
        %dma_wait3A_185 = tpu.memref_slice %arg2[%dma_wait3A_183, %dma_wait3A_184] : memref<10000x128xf32, #tpu.memory_space<hbm>> -> memref<10000x128xf32, #tpu.memory_space<hbm>>
        tpu.wait_indirect_dma semaphore(%arg17 : memref<!tpu.dma_semaphore, #tpu.memory_space<semaphore_mem>>) src(%dma_wait3A_185 : memref<10000x128xf32, #tpu.memory_space<hbm>>) dst(%arg12 : memref<64x128xf32, #tpu.memory_space<vmem>>)
        %dma_start3A_186 = arith.constant 0 : i32
        %dma_start3A_187 = tpu.memref_slice %arg8[%add3A_179, %dma_start3A_186] : memref<32x64xi32, #tpu.memory_space<vmem>> -> memref<1x64xi32, #tpu.memory_space<vmem>>
        %dma_start3A_188 = tpu.memref_squeeze %dma_start3A_187 : memref<1x64xi32, #tpu.memory_space<vmem>> -> memref<64xi32, #tpu.memory_space<vmem>>
        %dma_start3A_189 = arith.constant 0 : i32
        %dma_start3A_190 = arith.constant 0 : i32
        %dma_start3A_191 = tpu.memref_slice %arg13[%dma_start3A_189, %dma_start3A_190] : memref<10240x128xf32, #tpu.memory_space<vmem_shared>> -> memref<10240x128xf32, #tpu.memory_space<vmem_shared>>
        tpu.enqueue_indirect_dma source(%arg12 : memref<64x128xf32, #tpu.memory_space<vmem>>) target(%dma_start3A_191 : memref<10240x128xf32, #tpu.memory_space<vmem_shared>>) offsets(%dma_start3A_188 : memref<64xi32, #tpu.memory_space<vmem>>) semaphore(%arg21 : memref<!tpu.dma_semaphore, #tpu.memory_space<semaphore_mem>>) {add = true}
        %ge3A_192 = arith.constant 1 : i32
        %ge3A_193 = arith.cmpi sge, %add3A_179, %ge3A_192 : i32
        %convert_element_type3A_194 = arith.extui %ge3A_193 : i1 to i32
        %cond3A_195 = arith.constant 0 : i32
        %cond3A_196 = arith.cmpi ne, %convert_element_type3A_194, %cond3A_195 : i32
        scf.if %cond3A_196 {
          %sub3A_206 = arith.constant 1 : i32
          %sub3A_207 = arith.subi %add3A_179, %sub3A_206 : i32
          %dma_wait3A_208 = arith.constant 0 : i32
          %dma_wait3A_209 = tpu.memref_slice %arg8[%sub3A_207, %dma_wait3A_208] : memref<32x64xi32, #tpu.memory_space<vmem>> -> memref<1x64xi32, #tpu.memory_space<vmem>>
          %dma_wait3A_210 = tpu.memref_squeeze %dma_wait3A_209 : memref<1x64xi32, #tpu.memory_space<vmem>> -> memref<64xi32, #tpu.memory_space<vmem>>
          %dma_wait3A_211 = arith.constant 0 : i32
          %dma_wait3A_212 = arith.constant 0 : i32
          %dma_wait3A_213 = tpu.memref_slice %arg13[%dma_wait3A_211, %dma_wait3A_212] : memref<10240x128xf32, #tpu.memory_space<vmem_shared>> -> memref<10240x128xf32, #tpu.memory_space<vmem_shared>>
          tpu.wait_indirect_dma semaphore(%arg20 : memref<!tpu.dma_semaphore, #tpu.memory_space<semaphore_mem>>) src(%arg11 : memref<64x128xf32, #tpu.memory_space<vmem>>) dst(%dma_wait3A_213 : memref<10240x128xf32, #tpu.memory_space<vmem_shared>>)
        } else {
        }
        %add3A_197 = arith.constant 4 : i32
        %add3A_198 = arith.addi %add3A_179, %add3A_197 : i32
        %sub3A_199 = arith.constant 1 : i32
        %sub3A_200 = arith.subi %add3A_198, %sub3A_199 : i32
        %lt3A_201 = arith.constant 32 : i32
        %lt3A_202 = arith.cmpi slt, %sub3A_200, %lt3A_201 : i32
        %convert_element_type3A_203 = arith.extui %lt3A_202 : i1 to i32
        %cond3A_204 = arith.constant 0 : i32
        %cond3A_205 = arith.cmpi ne, %convert_element_type3A_203, %cond3A_204 : i32
        scf.if %cond3A_205 {
          %add3A_206 = arith.constant 4 : i32
          %add3A_207 = arith.addi %add3A_179, %add3A_206 : i32
          %sub3A_208 = arith.constant 1 : i32
          %sub3A_209 = arith.subi %add3A_207, %sub3A_208 : i32
          %dma_start3A_210 = arith.constant 0 : i32
          %dma_start3A_211 = tpu.memref_slice %arg7[%sub3A_209, %dma_start3A_210] : memref<32x64xi32, #tpu.memory_space<vmem>> -> memref<1x64xi32, #tpu.memory_space<vmem>>
          %dma_start3A_212 = tpu.memref_squeeze %dma_start3A_211 : memref<1x64xi32, #tpu.memory_space<vmem>> -> memref<64xi32, #tpu.memory_space<vmem>>
          %dma_start3A_213 = arith.constant 0 : i32
          %dma_start3A_214 = arith.constant 0 : i32
          %dma_start3A_215 = tpu.memref_slice %arg2[%dma_start3A_213, %dma_start3A_214] : memref<10000x128xf32, #tpu.memory_space<hbm>> -> memref<10000x128xf32, #tpu.memory_space<hbm>>
          tpu.enqueue_indirect_dma source(%dma_start3A_215 : memref<10000x128xf32, #tpu.memory_space<hbm>>) target(%arg11 : memref<64x128xf32, #tpu.memory_space<vmem>>) offsets(%dma_start3A_212 : memref<64xi32, #tpu.memory_space<vmem>>) semaphore(%arg16 : memref<!tpu.dma_semaphore, #tpu.memory_space<semaphore_mem>>)
        } else {
        }
      }
      %scan3A_81 = arith.constant 8 : i32
      %dma_wait3A = arith.constant 31 : i32
      %dma_wait3A_82 = arith.constant 0 : i32
      %dma_wait3A_83 = tpu.memref_slice %arg8[%dma_wait3A, %dma_wait3A_82] : memref<32x64xi32, #tpu.memory_space<vmem>> -> memref<1x64xi32, #tpu.memory_space<vmem>>
      %dma_wait3A_84 = tpu.memref_squeeze %dma_wait3A_83 : memref<1x64xi32, #tpu.memory_space<vmem>> -> memref<64xi32, #tpu.memory_space<vmem>>
      %dma_wait3A_85 = arith.constant 0 : i32
      %dma_wait3A_86 = arith.constant 0 : i32
      %dma_wait3A_87 = tpu.memref_slice %arg13[%dma_wait3A_85, %dma_wait3A_86] : memref<10240x128xf32, #tpu.memory_space<vmem_shared>> -> memref<10240x128xf32, #tpu.memory_space<vmem_shared>>
      tpu.wait_indirect_dma semaphore(%arg21 : memref<!tpu.dma_semaphore, #tpu.memory_space<semaphore_mem>>) src(%arg12 : memref<64x128xf32, #tpu.memory_space<vmem>>) dst(%dma_wait3A_87 : memref<10240x128xf32, #tpu.memory_space<vmem_shared>>)
    } else {
    }
    %gt3A_18 = arith.constant 2 : i32
    %gt3A_19 = arith.cmpi sgt, %select_n3A_10, %gt3A_18 : i32
    %convert_element_type3A_20 = arith.extui %gt3A_19 : i1 to i32
    %cond3A_21 = arith.constant 0 : i32
    %cond3A_22 = arith.cmpi ne, %convert_element_type3A_20, %cond3A_21 : i32
    scf.if %cond3A_22 {
      %add3A_53 = arith.constant 64 : i32
      %add3A_54 = arith.addi %select_n3A, %add3A_53 : i32
      "tpu.region"() ({
        %run_scoped3A = tpu.sem_alloc : memref<!tpu.dma_semaphore, #tpu.memory_space<semaphore_mem>>
        %dma_start3A_88 = arith.constant 0 : i32
        %dma_start3A_89 = tpu.memref_slice %arg3[%add3A_54, %dma_start3A_88] : memref<5120x64xi32, #tpu.memory_space<hbm>> -> memref<32x64xi32, #tpu.memory_space<hbm>>
        %dma_start3A_90 = arith.constant 0 : i32
        %dma_start3A_91 = tpu.memref_slice %arg3[%add3A_54, %dma_start3A_90] : memref<5120x64xi32, #tpu.memory_space<hbm>> -> memref<32x64xi32, #tpu.memory_space<hbm>>
        tpu.enqueue_dma source(%dma_start3A_91 : memref<32x64xi32, #tpu.memory_space<hbm>>) target(%arg7 : memref<32x64xi32, #tpu.memory_space<vmem>>) target_semaphore(%run_scoped3A : memref<!tpu.dma_semaphore, #tpu.memory_space<semaphore_mem>>)
        %dma_wait3A_92 = arith.constant 0 : i32
        %dma_wait3A_93 = tpu.memref_slice %arg3[%add3A_54, %dma_wait3A_92] : memref<5120x64xi32, #tpu.memory_space<hbm>> -> memref<32x64xi32, #tpu.memory_space<hbm>>
        %dma_wait3A_94 = arith.constant 0 : i32
        %dma_wait3A_95 = tpu.memref_slice %arg3[%add3A_54, %dma_wait3A_94] : memref<5120x64xi32, #tpu.memory_space<hbm>> -> memref<32x64xi32, #tpu.memory_space<hbm>>
        tpu.wait_dma2 semaphore(%run_scoped3A : memref<!tpu.dma_semaphore, #tpu.memory_space<semaphore_mem>>) src(%dma_wait3A_95 : memref<32x64xi32, #tpu.memory_space<hbm>>) dst(%arg7 : memref<32x64xi32, #tpu.memory_space<vmem>>)
        tpu.yield
      }) : () -> ()
      %add3A_55 = arith.constant 64 : i32
      %add3A_56 = arith.addi %select_n3A, %add3A_55 : i32
      "tpu.region"() ({
        %run_scoped3A = tpu.sem_alloc : memref<!tpu.dma_semaphore, #tpu.memory_space<semaphore_mem>>
        %dma_start3A_88 = arith.constant 0 : i32
        %dma_start3A_89 = tpu.memref_slice %arg4[%add3A_56, %dma_start3A_88] : memref<5120x64xi32, #tpu.memory_space<hbm>> -> memref<32x64xi32, #tpu.memory_space<hbm>>
        %dma_start3A_90 = arith.constant 0 : i32
        %dma_start3A_91 = tpu.memref_slice %arg4[%add3A_56, %dma_start3A_90] : memref<5120x64xi32, #tpu.memory_space<hbm>> -> memref<32x64xi32, #tpu.memory_space<hbm>>
        tpu.enqueue_dma source(%dma_start3A_91 : memref<32x64xi32, #tpu.memory_space<hbm>>) target(%arg8 : memref<32x64xi32, #tpu.memory_space<vmem>>) target_semaphore(%run_scoped3A : memref<!tpu.dma_semaphore, #tpu.memory_space<semaphore_mem>>)
        %dma_wait3A_92 = arith.constant 0 : i32
        %dma_wait3A_93 = tpu.memref_slice %arg4[%add3A_56, %dma_wait3A_92] : memref<5120x64xi32, #tpu.memory_space<hbm>> -> memref<32x64xi32, #tpu.memory_space<hbm>>
        %dma_wait3A_94 = arith.constant 0 : i32
        %dma_wait3A_95 = tpu.memref_slice %arg4[%add3A_56, %dma_wait3A_94] : memref<5120x64xi32, #tpu.memory_space<hbm>> -> memref<32x64xi32, #tpu.memory_space<hbm>>
        tpu.wait_dma2 semaphore(%run_scoped3A : memref<!tpu.dma_semaphore, #tpu.memory_space<semaphore_mem>>) src(%dma_wait3A_95 : memref<32x64xi32, #tpu.memory_space<hbm>>) dst(%arg8 : memref<32x64xi32, #tpu.memory_space<vmem>>)
        tpu.yield
      }) : () -> ()
      %dma_start3A = arith.constant 0 : i32
      %dma_start3A_57 = arith.constant 0 : i32
      %dma_start3A_58 = tpu.memref_slice %arg7[%dma_start3A, %dma_start3A_57] : memref<32x64xi32, #tpu.memory_space<vmem>> -> memref<1x64xi32, #tpu.memory_space<vmem>>
      %dma_start3A_59 = tpu.memref_squeeze %dma_start3A_58 : memref<1x64xi32, #tpu.memory_space<vmem>> -> memref<64xi32, #tpu.memory_space<vmem>>
      %dma_start3A_60 = arith.constant 0 : i32
      %dma_start3A_61 = arith.constant 0 : i32
      %dma_start3A_62 = tpu.memref_slice %arg2[%dma_start3A_60, %dma_start3A_61] : memref<10000x128xf32, #tpu.memory_space<hbm>> -> memref<10000x128xf32, #tpu.memory_space<hbm>>
      tpu.enqueue_indirect_dma source(%dma_start3A_62 : memref<10000x128xf32, #tpu.memory_space<hbm>>) target(%arg9 : memref<64x128xf32, #tpu.memory_space<vmem>>) offsets(%dma_start3A_59 : memref<64xi32, #tpu.memory_space<vmem>>) semaphore(%arg14 : memref<!tpu.dma_semaphore, #tpu.memory_space<semaphore_mem>>)
      %dma_start3A_63 = arith.constant 1 : i32
      %dma_start3A_64 = arith.constant 0 : i32
      %dma_start3A_65 = tpu.memref_slice %arg7[%dma_start3A_63, %dma_start3A_64] : memref<32x64xi32, #tpu.memory_space<vmem>> -> memref<1x64xi32, #tpu.memory_space<vmem>>
      %dma_start3A_66 = tpu.memref_squeeze %dma_start3A_65 : memref<1x64xi32, #tpu.memory_space<vmem>> -> memref<64xi32, #tpu.memory_space<vmem>>
      %dma_start3A_67 = arith.constant 0 : i32
      %dma_start3A_68 = arith.constant 0 : i32
      %dma_start3A_69 = tpu.memref_slice %arg2[%dma_start3A_67, %dma_start3A_68] : memref<10000x128xf32, #tpu.memory_space<hbm>> -> memref<10000x128xf32, #tpu.memory_space<hbm>>
      tpu.enqueue_indirect_dma source(%dma_start3A_69 : memref<10000x128xf32, #tpu.memory_space<hbm>>) target(%arg10 : memref<64x128xf32, #tpu.memory_space<vmem>>) offsets(%dma_start3A_66 : memref<64xi32, #tpu.memory_space<vmem>>) semaphore(%arg15 : memref<!tpu.dma_semaphore, #tpu.memory_space<semaphore_mem>>)
      %dma_start3A_70 = arith.constant 2 : i32
      %dma_start3A_71 = arith.constant 0 : i32
      %dma_start3A_72 = tpu.memref_slice %arg7[%dma_start3A_70, %dma_start3A_71] : memref<32x64xi32, #tpu.memory_space<vmem>> -> memref<1x64xi32, #tpu.memory_space<vmem>>
      %dma_start3A_73 = tpu.memref_squeeze %dma_start3A_72 : memref<1x64xi32, #tpu.memory_space<vmem>> -> memref<64xi32, #tpu.memory_space<vmem>>
      %dma_start3A_74 = arith.constant 0 : i32
      %dma_start3A_75 = arith.constant 0 : i32
      %dma_start3A_76 = tpu.memref_slice %arg2[%dma_start3A_74, %dma_start3A_75] : memref<10000x128xf32, #tpu.memory_space<hbm>> -> memref<10000x128xf32, #tpu.memory_space<hbm>>
      tpu.enqueue_indirect_dma source(%dma_start3A_76 : memref<10000x128xf32, #tpu.memory_space<hbm>>) target(%arg11 : memref<64x128xf32, #tpu.memory_space<vmem>>) offsets(%dma_start3A_73 : memref<64xi32, #tpu.memory_space<vmem>>) semaphore(%arg16 : memref<!tpu.dma_semaphore, #tpu.memory_space<semaphore_mem>>)
      %scan3A = arith.constant 0 : i32
      %scan3A_77 = arith.constant 0 : i32
      %scan3A_78 = arith.constant 8 : i32
      %scan3A_79 = arith.addi %scan3A_77, %scan3A_78 : i32
      %scan3A_80 = arith.constant 1 : i32
      scf.for %scan3A_88 = %scan3A_77 to %scan3A_79 step %scan3A_80  : i32 {
        %mul3A_89 = arith.constant 4 : i32
        %mul3A_90 = arith.muli %scan3A_88, %mul3A_89 : i32
        %add3A_91 = arith.constant 0 : i32
        %add3A_92 = arith.addi %mul3A_90, %add3A_91 : i32
        %dma_wait3A_93 = arith.constant 0 : i32
        %dma_wait3A_94 = tpu.memref_slice %arg7[%add3A_92, %dma_wait3A_93] : memref<32x64xi32, #tpu.memory_space<vmem>> -> memref<1x64xi32, #tpu.memory_space<vmem>>
        %dma_wait3A_95 = tpu.memref_squeeze %dma_wait3A_94 : memref<1x64xi32, #tpu.memory_space<vmem>> -> memref<64xi32, #tpu.memory_space<vmem>>
        %dma_wait3A_96 = arith.constant 0 : i32
        %dma_wait3A_97 = arith.constant 0 : i32
        %dma_wait3A_98 = tpu.memref_slice %arg2[%dma_wait3A_96, %dma_wait3A_97] : memref<10000x128xf32, #tpu.memory_space<hbm>> -> memref<10000x128xf32, #tpu.memory_space<hbm>>
        tpu.wait_indirect_dma semaphore(%arg14 : memref<!tpu.dma_semaphore, #tpu.memory_space<semaphore_mem>>) src(%dma_wait3A_98 : memref<10000x128xf32, #tpu.memory_space<hbm>>) dst(%arg9 : memref<64x128xf32, #tpu.memory_space<vmem>>)
        %dma_start3A_99 = arith.constant 0 : i32
        %dma_start3A_100 = tpu.memref_slice %arg8[%add3A_92, %dma_start3A_99] : memref<32x64xi32, #tpu.memory_space<vmem>> -> memref<1x64xi32, #tpu.memory_space<vmem>>
        %dma_start3A_101 = tpu.memref_squeeze %dma_start3A_100 : memref<1x64xi32, #tpu.memory_space<vmem>> -> memref<64xi32, #tpu.memory_space<vmem>>
        %dma_start3A_102 = arith.constant 0 : i32
        %dma_start3A_103 = arith.constant 0 : i32
        %dma_start3A_104 = tpu.memref_slice %arg13[%dma_start3A_102, %dma_start3A_103] : memref<10240x128xf32, #tpu.memory_space<vmem_shared>> -> memref<10240x128xf32, #tpu.memory_space<vmem_shared>>
        tpu.enqueue_indirect_dma source(%arg9 : memref<64x128xf32, #tpu.memory_space<vmem>>) target(%dma_start3A_104 : memref<10240x128xf32, #tpu.memory_space<vmem_shared>>) offsets(%dma_start3A_101 : memref<64xi32, #tpu.memory_space<vmem>>) semaphore(%arg18 : memref<!tpu.dma_semaphore, #tpu.memory_space<semaphore_mem>>) {add = true}
        %ge3A = arith.constant 1 : i32
        %ge3A_105 = arith.cmpi sge, %add3A_92, %ge3A : i32
        %convert_element_type3A_106 = arith.extui %ge3A_105 : i1 to i32
        %cond3A_107 = arith.constant 0 : i32
        %cond3A_108 = arith.cmpi ne, %convert_element_type3A_106, %cond3A_107 : i32
        scf.if %cond3A_108 {
          %sub3A_206 = arith.constant 1 : i32
          %sub3A_207 = arith.subi %add3A_92, %sub3A_206 : i32
          %dma_wait3A_208 = arith.constant 0 : i32
          %dma_wait3A_209 = tpu.memref_slice %arg8[%sub3A_207, %dma_wait3A_208] : memref<32x64xi32, #tpu.memory_space<vmem>> -> memref<1x64xi32, #tpu.memory_space<vmem>>
          %dma_wait3A_210 = tpu.memref_squeeze %dma_wait3A_209 : memref<1x64xi32, #tpu.memory_space<vmem>> -> memref<64xi32, #tpu.memory_space<vmem>>
          %dma_wait3A_211 = arith.constant 0 : i32
          %dma_wait3A_212 = arith.constant 0 : i32
          %dma_wait3A_213 = tpu.memref_slice %arg13[%dma_wait3A_211, %dma_wait3A_212] : memref<10240x128xf32, #tpu.memory_space<vmem_shared>> -> memref<10240x128xf32, #tpu.memory_space<vmem_shared>>
          tpu.wait_indirect_dma semaphore(%arg21 : memref<!tpu.dma_semaphore, #tpu.memory_space<semaphore_mem>>) src(%arg12 : memref<64x128xf32, #tpu.memory_space<vmem>>) dst(%dma_wait3A_213 : memref<10240x128xf32, #tpu.memory_space<vmem_shared>>)
        } else {
        }
        %add3A_109 = arith.constant 4 : i32
        %add3A_110 = arith.addi %add3A_92, %add3A_109 : i32
        %sub3A = arith.constant 1 : i32
        %sub3A_111 = arith.subi %add3A_110, %sub3A : i32
        %lt3A = arith.constant 32 : i32
        %lt3A_112 = arith.cmpi slt, %sub3A_111, %lt3A : i32
        %convert_element_type3A_113 = arith.extui %lt3A_112 : i1 to i32
        %cond3A_114 = arith.constant 0 : i32
        %cond3A_115 = arith.cmpi ne, %convert_element_type3A_113, %cond3A_114 : i32
        scf.if %cond3A_115 {
          %add3A_206 = arith.constant 4 : i32
          %add3A_207 = arith.addi %add3A_92, %add3A_206 : i32
          %sub3A_208 = arith.constant 1 : i32
          %sub3A_209 = arith.subi %add3A_207, %sub3A_208 : i32
          %dma_start3A_210 = arith.constant 0 : i32
          %dma_start3A_211 = tpu.memref_slice %arg7[%sub3A_209, %dma_start3A_210] : memref<32x64xi32, #tpu.memory_space<vmem>> -> memref<1x64xi32, #tpu.memory_space<vmem>>
          %dma_start3A_212 = tpu.memref_squeeze %dma_start3A_211 : memref<1x64xi32, #tpu.memory_space<vmem>> -> memref<64xi32, #tpu.memory_space<vmem>>
          %dma_start3A_213 = arith.constant 0 : i32
          %dma_start3A_214 = arith.constant 0 : i32
          %dma_start3A_215 = tpu.memref_slice %arg2[%dma_start3A_213, %dma_start3A_214] : memref<10000x128xf32, #tpu.memory_space<hbm>> -> memref<10000x128xf32, #tpu.memory_space<hbm>>
          tpu.enqueue_indirect_dma source(%dma_start3A_215 : memref<10000x128xf32, #tpu.memory_space<hbm>>) target(%arg12 : memref<64x128xf32, #tpu.memory_space<vmem>>) offsets(%dma_start3A_212 : memref<64xi32, #tpu.memory_space<vmem>>) semaphore(%arg17 : memref<!tpu.dma_semaphore, #tpu.memory_space<semaphore_mem>>)
        } else {
        }
        %mul3A_116 = arith.constant 4 : i32
        %mul3A_117 = arith.muli %scan3A_88, %mul3A_116 : i32
        %add3A_118 = arith.constant 1 : i32
        %add3A_119 = arith.addi %mul3A_117, %add3A_118 : i32
        %dma_wait3A_120 = arith.constant 0 : i32
        %dma_wait3A_121 = tpu.memref_slice %arg7[%add3A_119, %dma_wait3A_120] : memref<32x64xi32, #tpu.memory_space<vmem>> -> memref<1x64xi32, #tpu.memory_space<vmem>>
        %dma_wait3A_122 = tpu.memref_squeeze %dma_wait3A_121 : memref<1x64xi32, #tpu.memory_space<vmem>> -> memref<64xi32, #tpu.memory_space<vmem>>
        %dma_wait3A_123 = arith.constant 0 : i32
        %dma_wait3A_124 = arith.constant 0 : i32
        %dma_wait3A_125 = tpu.memref_slice %arg2[%dma_wait3A_123, %dma_wait3A_124] : memref<10000x128xf32, #tpu.memory_space<hbm>> -> memref<10000x128xf32, #tpu.memory_space<hbm>>
        tpu.wait_indirect_dma semaphore(%arg15 : memref<!tpu.dma_semaphore, #tpu.memory_space<semaphore_mem>>) src(%dma_wait3A_125 : memref<10000x128xf32, #tpu.memory_space<hbm>>) dst(%arg10 : memref<64x128xf32, #tpu.memory_space<vmem>>)
        %dma_start3A_126 = arith.constant 0 : i32
        %dma_start3A_127 = tpu.memref_slice %arg8[%add3A_119, %dma_start3A_126] : memref<32x64xi32, #tpu.memory_space<vmem>> -> memref<1x64xi32, #tpu.memory_space<vmem>>
        %dma_start3A_128 = tpu.memref_squeeze %dma_start3A_127 : memref<1x64xi32, #tpu.memory_space<vmem>> -> memref<64xi32, #tpu.memory_space<vmem>>
        %dma_start3A_129 = arith.constant 0 : i32
        %dma_start3A_130 = arith.constant 0 : i32
        %dma_start3A_131 = tpu.memref_slice %arg13[%dma_start3A_129, %dma_start3A_130] : memref<10240x128xf32, #tpu.memory_space<vmem_shared>> -> memref<10240x128xf32, #tpu.memory_space<vmem_shared>>
        tpu.enqueue_indirect_dma source(%arg10 : memref<64x128xf32, #tpu.memory_space<vmem>>) target(%dma_start3A_131 : memref<10240x128xf32, #tpu.memory_space<vmem_shared>>) offsets(%dma_start3A_128 : memref<64xi32, #tpu.memory_space<vmem>>) semaphore(%arg19 : memref<!tpu.dma_semaphore, #tpu.memory_space<semaphore_mem>>) {add = true}
        %ge3A_132 = arith.constant 1 : i32
        %ge3A_133 = arith.cmpi sge, %add3A_119, %ge3A_132 : i32
        %convert_element_type3A_134 = arith.extui %ge3A_133 : i1 to i32
        %cond3A_135 = arith.constant 0 : i32
        %cond3A_136 = arith.cmpi ne, %convert_element_type3A_134, %cond3A_135 : i32
        scf.if %cond3A_136 {
          %sub3A_206 = arith.constant 1 : i32
          %sub3A_207 = arith.subi %add3A_119, %sub3A_206 : i32
          %dma_wait3A_208 = arith.constant 0 : i32
          %dma_wait3A_209 = tpu.memref_slice %arg8[%sub3A_207, %dma_wait3A_208] : memref<32x64xi32, #tpu.memory_space<vmem>> -> memref<1x64xi32, #tpu.memory_space<vmem>>
          %dma_wait3A_210 = tpu.memref_squeeze %dma_wait3A_209 : memref<1x64xi32, #tpu.memory_space<vmem>> -> memref<64xi32, #tpu.memory_space<vmem>>
          %dma_wait3A_211 = arith.constant 0 : i32
          %dma_wait3A_212 = arith.constant 0 : i32
          %dma_wait3A_213 = tpu.memref_slice %arg13[%dma_wait3A_211, %dma_wait3A_212] : memref<10240x128xf32, #tpu.memory_space<vmem_shared>> -> memref<10240x128xf32, #tpu.memory_space<vmem_shared>>
          tpu.wait_indirect_dma semaphore(%arg18 : memref<!tpu.dma_semaphore, #tpu.memory_space<semaphore_mem>>) src(%arg9 : memref<64x128xf32, #tpu.memory_space<vmem>>) dst(%dma_wait3A_213 : memref<10240x128xf32, #tpu.memory_space<vmem_shared>>)
        } else {
        }
        %add3A_137 = arith.constant 4 : i32
        %add3A_138 = arith.addi %add3A_119, %add3A_137 : i32
        %sub3A_139 = arith.constant 1 : i32
        %sub3A_140 = arith.subi %add3A_138, %sub3A_139 : i32
        %lt3A_141 = arith.constant 32 : i32
        %lt3A_142 = arith.cmpi slt, %sub3A_140, %lt3A_141 : i32
        %convert_element_type3A_143 = arith.extui %lt3A_142 : i1 to i32
        %cond3A_144 = arith.constant 0 : i32
        %cond3A_145 = arith.cmpi ne, %convert_element_type3A_143, %cond3A_144 : i32
        scf.if %cond3A_145 {
          %add3A_206 = arith.constant 4 : i32
          %add3A_207 = arith.addi %add3A_119, %add3A_206 : i32
          %sub3A_208 = arith.constant 1 : i32
          %sub3A_209 = arith.subi %add3A_207, %sub3A_208 : i32
          %dma_start3A_210 = arith.constant 0 : i32
          %dma_start3A_211 = tpu.memref_slice %arg7[%sub3A_209, %dma_start3A_210] : memref<32x64xi32, #tpu.memory_space<vmem>> -> memref<1x64xi32, #tpu.memory_space<vmem>>
          %dma_start3A_212 = tpu.memref_squeeze %dma_start3A_211 : memref<1x64xi32, #tpu.memory_space<vmem>> -> memref<64xi32, #tpu.memory_space<vmem>>
          %dma_start3A_213 = arith.constant 0 : i32
          %dma_start3A_214 = arith.constant 0 : i32
          %dma_start3A_215 = tpu.memref_slice %arg2[%dma_start3A_213, %dma_start3A_214] : memref<10000x128xf32, #tpu.memory_space<hbm>> -> memref<10000x128xf32, #tpu.memory_space<hbm>>
          tpu.enqueue_indirect_dma source(%dma_start3A_215 : memref<10000x128xf32, #tpu.memory_space<hbm>>) target(%arg9 : memref<64x128xf32, #tpu.memory_space<vmem>>) offsets(%dma_start3A_212 : memref<64xi32, #tpu.memory_space<vmem>>) semaphore(%arg14 : memref<!tpu.dma_semaphore, #tpu.memory_space<semaphore_mem>>)
        } else {
        }
        %mul3A_146 = arith.constant 4 : i32
        %mul3A_147 = arith.muli %scan3A_88, %mul3A_146 : i32
        %add3A_148 = arith.constant 2 : i32
        %add3A_149 = arith.addi %mul3A_147, %add3A_148 : i32
        %dma_wait3A_150 = arith.constant 0 : i32
        %dma_wait3A_151 = tpu.memref_slice %arg7[%add3A_149, %dma_wait3A_150] : memref<32x64xi32, #tpu.memory_space<vmem>> -> memref<1x64xi32, #tpu.memory_space<vmem>>
        %dma_wait3A_152 = tpu.memref_squeeze %dma_wait3A_151 : memref<1x64xi32, #tpu.memory_space<vmem>> -> memref<64xi32, #tpu.memory_space<vmem>>
        %dma_wait3A_153 = arith.constant 0 : i32
        %dma_wait3A_154 = arith.constant 0 : i32
        %dma_wait3A_155 = tpu.memref_slice %arg2[%dma_wait3A_153, %dma_wait3A_154] : memref<10000x128xf32, #tpu.memory_space<hbm>> -> memref<10000x128xf32, #tpu.memory_space<hbm>>
        tpu.wait_indirect_dma semaphore(%arg16 : memref<!tpu.dma_semaphore, #tpu.memory_space<semaphore_mem>>) src(%dma_wait3A_155 : memref<10000x128xf32, #tpu.memory_space<hbm>>) dst(%arg11 : memref<64x128xf32, #tpu.memory_space<vmem>>)
        %dma_start3A_156 = arith.constant 0 : i32
        %dma_start3A_157 = tpu.memref_slice %arg8[%add3A_149, %dma_start3A_156] : memref<32x64xi32, #tpu.memory_space<vmem>> -> memref<1x64xi32, #tpu.memory_space<vmem>>
        %dma_start3A_158 = tpu.memref_squeeze %dma_start3A_157 : memref<1x64xi32, #tpu.memory_space<vmem>> -> memref<64xi32, #tpu.memory_space<vmem>>
        %dma_start3A_159 = arith.constant 0 : i32
        %dma_start3A_160 = arith.constant 0 : i32
        %dma_start3A_161 = tpu.memref_slice %arg13[%dma_start3A_159, %dma_start3A_160] : memref<10240x128xf32, #tpu.memory_space<vmem_shared>> -> memref<10240x128xf32, #tpu.memory_space<vmem_shared>>
        tpu.enqueue_indirect_dma source(%arg11 : memref<64x128xf32, #tpu.memory_space<vmem>>) target(%dma_start3A_161 : memref<10240x128xf32, #tpu.memory_space<vmem_shared>>) offsets(%dma_start3A_158 : memref<64xi32, #tpu.memory_space<vmem>>) semaphore(%arg20 : memref<!tpu.dma_semaphore, #tpu.memory_space<semaphore_mem>>) {add = true}
        %ge3A_162 = arith.constant 1 : i32
        %ge3A_163 = arith.cmpi sge, %add3A_149, %ge3A_162 : i32
        %convert_element_type3A_164 = arith.extui %ge3A_163 : i1 to i32
        %cond3A_165 = arith.constant 0 : i32
        %cond3A_166 = arith.cmpi ne, %convert_element_type3A_164, %cond3A_165 : i32
        scf.if %cond3A_166 {
          %sub3A_206 = arith.constant 1 : i32
          %sub3A_207 = arith.subi %add3A_149, %sub3A_206 : i32
          %dma_wait3A_208 = arith.constant 0 : i32
          %dma_wait3A_209 = tpu.memref_slice %arg8[%sub3A_207, %dma_wait3A_208] : memref<32x64xi32, #tpu.memory_space<vmem>> -> memref<1x64xi32, #tpu.memory_space<vmem>>
          %dma_wait3A_210 = tpu.memref_squeeze %dma_wait3A_209 : memref<1x64xi32, #tpu.memory_space<vmem>> -> memref<64xi32, #tpu.memory_space<vmem>>
          %dma_wait3A_211 = arith.constant 0 : i32
          %dma_wait3A_212 = arith.constant 0 : i32
          %dma_wait3A_213 = tpu.memref_slice %arg13[%dma_wait3A_211, %dma_wait3A_212] : memref<10240x128xf32, #tpu.memory_space<vmem_shared>> -> memref<10240x128xf32, #tpu.memory_space<vmem_shared>>
          tpu.wait_indirect_dma semaphore(%arg19 : memref<!tpu.dma_semaphore, #tpu.memory_space<semaphore_mem>>) src(%arg10 : memref<64x128xf32, #tpu.memory_space<vmem>>) dst(%dma_wait3A_213 : memref<10240x128xf32, #tpu.memory_space<vmem_shared>>)
        } else {
        }
        %add3A_167 = arith.constant 4 : i32
        %add3A_168 = arith.addi %add3A_149, %add3A_167 : i32
        %sub3A_169 = arith.constant 1 : i32
        %sub3A_170 = arith.subi %add3A_168, %sub3A_169 : i32
        %lt3A_171 = arith.constant 32 : i32
        %lt3A_172 = arith.cmpi slt, %sub3A_170, %lt3A_171 : i32
        %convert_element_type3A_173 = arith.extui %lt3A_172 : i1 to i32
        %cond3A_174 = arith.constant 0 : i32
        %cond3A_175 = arith.cmpi ne, %convert_element_type3A_173, %cond3A_174 : i32
        scf.if %cond3A_175 {
          %add3A_206 = arith.constant 4 : i32
          %add3A_207 = arith.addi %add3A_149, %add3A_206 : i32
          %sub3A_208 = arith.constant 1 : i32
          %sub3A_209 = arith.subi %add3A_207, %sub3A_208 : i32
          %dma_start3A_210 = arith.constant 0 : i32
          %dma_start3A_211 = tpu.memref_slice %arg7[%sub3A_209, %dma_start3A_210] : memref<32x64xi32, #tpu.memory_space<vmem>> -> memref<1x64xi32, #tpu.memory_space<vmem>>
          %dma_start3A_212 = tpu.memref_squeeze %dma_start3A_211 : memref<1x64xi32, #tpu.memory_space<vmem>> -> memref<64xi32, #tpu.memory_space<vmem>>
          %dma_start3A_213 = arith.constant 0 : i32
          %dma_start3A_214 = arith.constant 0 : i32
          %dma_start3A_215 = tpu.memref_slice %arg2[%dma_start3A_213, %dma_start3A_214] : memref<10000x128xf32, #tpu.memory_space<hbm>> -> memref<10000x128xf32, #tpu.memory_space<hbm>>
          tpu.enqueue_indirect_dma source(%dma_start3A_215 : memref<10000x128xf32, #tpu.memory_space<hbm>>) target(%arg10 : memref<64x128xf32, #tpu.memory_space<vmem>>) offsets(%dma_start3A_212 : memref<64xi32, #tpu.memory_space<vmem>>) semaphore(%arg15 : memref<!tpu.dma_semaphore, #tpu.memory_space<semaphore_mem>>)
        } else {
        }
        %mul3A_176 = arith.constant 4 : i32
        %mul3A_177 = arith.muli %scan3A_88, %mul3A_176 : i32
        %add3A_178 = arith.constant 3 : i32
        %add3A_179 = arith.addi %mul3A_177, %add3A_178 : i32
        %dma_wait3A_180 = arith.constant 0 : i32
        %dma_wait3A_181 = tpu.memref_slice %arg7[%add3A_179, %dma_wait3A_180] : memref<32x64xi32, #tpu.memory_space<vmem>> -> memref<1x64xi32, #tpu.memory_space<vmem>>
        %dma_wait3A_182 = tpu.memref_squeeze %dma_wait3A_181 : memref<1x64xi32, #tpu.memory_space<vmem>> -> memref<64xi32, #tpu.memory_space<vmem>>
        %dma_wait3A_183 = arith.constant 0 : i32
        %dma_wait3A_184 = arith.constant 0 : i32
        %dma_wait3A_185 = tpu.memref_slice %arg2[%dma_wait3A_183, %dma_wait3A_184] : memref<10000x128xf32, #tpu.memory_space<hbm>> -> memref<10000x128xf32, #tpu.memory_space<hbm>>
        tpu.wait_indirect_dma semaphore(%arg17 : memref<!tpu.dma_semaphore, #tpu.memory_space<semaphore_mem>>) src(%dma_wait3A_185 : memref<10000x128xf32, #tpu.memory_space<hbm>>) dst(%arg12 : memref<64x128xf32, #tpu.memory_space<vmem>>)
        %dma_start3A_186 = arith.constant 0 : i32
        %dma_start3A_187 = tpu.memref_slice %arg8[%add3A_179, %dma_start3A_186] : memref<32x64xi32, #tpu.memory_space<vmem>> -> memref<1x64xi32, #tpu.memory_space<vmem>>
        %dma_start3A_188 = tpu.memref_squeeze %dma_start3A_187 : memref<1x64xi32, #tpu.memory_space<vmem>> -> memref<64xi32, #tpu.memory_space<vmem>>
        %dma_start3A_189 = arith.constant 0 : i32
        %dma_start3A_190 = arith.constant 0 : i32
        %dma_start3A_191 = tpu.memref_slice %arg13[%dma_start3A_189, %dma_start3A_190] : memref<10240x128xf32, #tpu.memory_space<vmem_shared>> -> memref<10240x128xf32, #tpu.memory_space<vmem_shared>>
        tpu.enqueue_indirect_dma source(%arg12 : memref<64x128xf32, #tpu.memory_space<vmem>>) target(%dma_start3A_191 : memref<10240x128xf32, #tpu.memory_space<vmem_shared>>) offsets(%dma_start3A_188 : memref<64xi32, #tpu.memory_space<vmem>>) semaphore(%arg21 : memref<!tpu.dma_semaphore, #tpu.memory_space<semaphore_mem>>) {add = true}
        %ge3A_192 = arith.constant 1 : i32
        %ge3A_193 = arith.cmpi sge, %add3A_179, %ge3A_192 : i32
        %convert_element_type3A_194 = arith.extui %ge3A_193 : i1 to i32
        %cond3A_195 = arith.constant 0 : i32
        %cond3A_196 = arith.cmpi ne, %convert_element_type3A_194, %cond3A_195 : i32
        scf.if %cond3A_196 {
          %sub3A_206 = arith.constant 1 : i32
          %sub3A_207 = arith.subi %add3A_179, %sub3A_206 : i32
          %dma_wait3A_208 = arith.constant 0 : i32
          %dma_wait3A_209 = tpu.memref_slice %arg8[%sub3A_207, %dma_wait3A_208] : memref<32x64xi32, #tpu.memory_space<vmem>> -> memref<1x64xi32, #tpu.memory_space<vmem>>
          %dma_wait3A_210 = tpu.memref_squeeze %dma_wait3A_209 : memref<1x64xi32, #tpu.memory_space<vmem>> -> memref<64xi32, #tpu.memory_space<vmem>>
          %dma_wait3A_211 = arith.constant 0 : i32
          %dma_wait3A_212 = arith.constant 0 : i32
          %dma_wait3A_213 = tpu.memref_slice %arg13[%dma_wait3A_211, %dma_wait3A_212] : memref<10240x128xf32, #tpu.memory_space<vmem_shared>> -> memref<10240x128xf32, #tpu.memory_space<vmem_shared>>
          tpu.wait_indirect_dma semaphore(%arg20 : memref<!tpu.dma_semaphore, #tpu.memory_space<semaphore_mem>>) src(%arg11 : memref<64x128xf32, #tpu.memory_space<vmem>>) dst(%dma_wait3A_213 : memref<10240x128xf32, #tpu.memory_space<vmem_shared>>)
        } else {
        }
        %add3A_197 = arith.constant 4 : i32
        %add3A_198 = arith.addi %add3A_179, %add3A_197 : i32
        %sub3A_199 = arith.constant 1 : i32
        %sub3A_200 = arith.subi %add3A_198, %sub3A_199 : i32
        %lt3A_201 = arith.constant 32 : i32
        %lt3A_202 = arith.cmpi slt, %sub3A_200, %lt3A_201 : i32
        %convert_element_type3A_203 = arith.extui %lt3A_202 : i1 to i32
        %cond3A_204 = arith.constant 0 : i32
        %cond3A_205 = arith.cmpi ne, %convert_element_type3A_203, %cond3A_204 : i32
        scf.if %cond3A_205 {
          %add3A_206 = arith.constant 4 : i32
          %add3A_207 = arith.addi %add3A_179, %add3A_206 : i32
          %sub3A_208 = arith.constant 1 : i32
          %sub3A_209 = arith.subi %add3A_207, %sub3A_208 : i32
          %dma_start3A_210 = arith.constant 0 : i32
          %dma_start3A_211 = tpu.memref_slice %arg7[%sub3A_209, %dma_start3A_210] : memref<32x64xi32, #tpu.memory_space<vmem>> -> memref<1x64xi32, #tpu.memory_space<vmem>>
          %dma_start3A_212 = tpu.memref_squeeze %dma_start3A_211 : memref<1x64xi32, #tpu.memory_space<vmem>> -> memref<64xi32, #tpu.memory_space<vmem>>
          %dma_start3A_213 = arith.constant 0 : i32
          %dma_start3A_214 = arith.constant 0 : i32
          %dma_start3A_215 = tpu.memref_slice %arg2[%dma_start3A_213, %dma_start3A_214] : memref<10000x128xf32, #tpu.memory_space<hbm>> -> memref<10000x128xf32, #tpu.memory_space<hbm>>
          tpu.enqueue_indirect_dma source(%dma_start3A_215 : memref<10000x128xf32, #tpu.memory_space<hbm>>) target(%arg11 : memref<64x128xf32, #tpu.memory_space<vmem>>) offsets(%dma_start3A_212 : memref<64xi32, #tpu.memory_space<vmem>>) semaphore(%arg16 : memref<!tpu.dma_semaphore, #tpu.memory_space<semaphore_mem>>)
        } else {
        }
      }
      %scan3A_81 = arith.constant 8 : i32
      %dma_wait3A = arith.constant 31 : i32
      %dma_wait3A_82 = arith.constant 0 : i32
      %dma_wait3A_83 = tpu.memref_slice %arg8[%dma_wait3A, %dma_wait3A_82] : memref<32x64xi32, #tpu.memory_space<vmem>> -> memref<1x64xi32, #tpu.memory_space<vmem>>
      %dma_wait3A_84 = tpu.memref_squeeze %dma_wait3A_83 : memref<1x64xi32, #tpu.memory_space<vmem>> -> memref<64xi32, #tpu.memory_space<vmem>>
      %dma_wait3A_85 = arith.constant 0 : i32
      %dma_wait3A_86 = arith.constant 0 : i32
      %dma_wait3A_87 = tpu.memref_slice %arg13[%dma_wait3A_85, %dma_wait3A_86] : memref<10240x128xf32, #tpu.memory_space<vmem_shared>> -> memref<10240x128xf32, #tpu.memory_space<vmem_shared>>
      tpu.wait_indirect_dma semaphore(%arg21 : memref<!tpu.dma_semaphore, #tpu.memory_space<semaphore_mem>>) src(%arg12 : memref<64x128xf32, #tpu.memory_space<vmem>>) dst(%dma_wait3A_87 : memref<10240x128xf32, #tpu.memory_space<vmem_shared>>)
    } else {
    }
    %gt3A_23 = arith.constant 3 : i32
    %gt3A_24 = arith.cmpi sgt, %select_n3A_10, %gt3A_23 : i32
    %convert_element_type3A_25 = arith.extui %gt3A_24 : i1 to i32
    %cond3A_26 = arith.constant 0 : i32
    %cond3A_27 = arith.cmpi ne, %convert_element_type3A_25, %cond3A_26 : i32
    scf.if %cond3A_27 {
      %add3A_53 = arith.constant 96 : i32
      %add3A_54 = arith.addi %select_n3A, %add3A_53 : i32
      "tpu.region"() ({
        %run_scoped3A = tpu.sem_alloc : memref<!tpu.dma_semaphore, #tpu.memory_space<semaphore_mem>>
        %dma_start3A_88 = arith.constant 0 : i32
        %dma_start3A_89 = tpu.memref_slice %arg3[%add3A_54, %dma_start3A_88] : memref<5120x64xi32, #tpu.memory_space<hbm>> -> memref<32x64xi32, #tpu.memory_space<hbm>>
        %dma_start3A_90 = arith.constant 0 : i32
        %dma_start3A_91 = tpu.memref_slice %arg3[%add3A_54, %dma_start3A_90] : memref<5120x64xi32, #tpu.memory_space<hbm>> -> memref<32x64xi32, #tpu.memory_space<hbm>>
        tpu.enqueue_dma source(%dma_start3A_91 : memref<32x64xi32, #tpu.memory_space<hbm>>) target(%arg7 : memref<32x64xi32, #tpu.memory_space<vmem>>) target_semaphore(%run_scoped3A : memref<!tpu.dma_semaphore, #tpu.memory_space<semaphore_mem>>)
        %dma_wait3A_92 = arith.constant 0 : i32
        %dma_wait3A_93 = tpu.memref_slice %arg3[%add3A_54, %dma_wait3A_92] : memref<5120x64xi32, #tpu.memory_space<hbm>> -> memref<32x64xi32, #tpu.memory_space<hbm>>
        %dma_wait3A_94 = arith.constant 0 : i32
        %dma_wait3A_95 = tpu.memref_slice %arg3[%add3A_54, %dma_wait3A_94] : memref<5120x64xi32, #tpu.memory_space<hbm>> -> memref<32x64xi32, #tpu.memory_space<hbm>>
        tpu.wait_dma2 semaphore(%run_scoped3A : memref<!tpu.dma_semaphore, #tpu.memory_space<semaphore_mem>>) src(%dma_wait3A_95 : memref<32x64xi32, #tpu.memory_space<hbm>>) dst(%arg7 : memref<32x64xi32, #tpu.memory_space<vmem>>)
        tpu.yield
      }) : () -> ()
      %add3A_55 = arith.constant 96 : i32
      %add3A_56 = arith.addi %select_n3A, %add3A_55 : i32
      "tpu.region"() ({
        %run_scoped3A = tpu.sem_alloc : memref<!tpu.dma_semaphore, #tpu.memory_space<semaphore_mem>>
        %dma_start3A_88 = arith.constant 0 : i32
        %dma_start3A_89 = tpu.memref_slice %arg4[%add3A_56, %dma_start3A_88] : memref<5120x64xi32, #tpu.memory_space<hbm>> -> memref<32x64xi32, #tpu.memory_space<hbm>>
        %dma_start3A_90 = arith.constant 0 : i32
        %dma_start3A_91 = tpu.memref_slice %arg4[%add3A_56, %dma_start3A_90] : memref<5120x64xi32, #tpu.memory_space<hbm>> -> memref<32x64xi32, #tpu.memory_space<hbm>>
        tpu.enqueue_dma source(%dma_start3A_91 : memref<32x64xi32, #tpu.memory_space<hbm>>) target(%arg8 : memref<32x64xi32, #tpu.memory_space<vmem>>) target_semaphore(%run_scoped3A : memref<!tpu.dma_semaphore, #tpu.memory_space<semaphore_mem>>)
        %dma_wait3A_92 = arith.constant 0 : i32
        %dma_wait3A_93 = tpu.memref_slice %arg4[%add3A_56, %dma_wait3A_92] : memref<5120x64xi32, #tpu.memory_space<hbm>> -> memref<32x64xi32, #tpu.memory_space<hbm>>
        %dma_wait3A_94 = arith.constant 0 : i32
        %dma_wait3A_95 = tpu.memref_slice %arg4[%add3A_56, %dma_wait3A_94] : memref<5120x64xi32, #tpu.memory_space<hbm>> -> memref<32x64xi32, #tpu.memory_space<hbm>>
        tpu.wait_dma2 semaphore(%run_scoped3A : memref<!tpu.dma_semaphore, #tpu.memory_space<semaphore_mem>>) src(%dma_wait3A_95 : memref<32x64xi32, #tpu.memory_space<hbm>>) dst(%arg8 : memref<32x64xi32, #tpu.memory_space<vmem>>)
        tpu.yield
      }) : () -> ()
      %dma_start3A = arith.constant 0 : i32
      %dma_start3A_57 = arith.constant 0 : i32
      %dma_start3A_58 = tpu.memref_slice %arg7[%dma_start3A, %dma_start3A_57] : memref<32x64xi32, #tpu.memory_space<vmem>> -> memref<1x64xi32, #tpu.memory_space<vmem>>
      %dma_start3A_59 = tpu.memref_squeeze %dma_start3A_58 : memref<1x64xi32, #tpu.memory_space<vmem>> -> memref<64xi32, #tpu.memory_space<vmem>>
      %dma_start3A_60 = arith.constant 0 : i32
      %dma_start3A_61 = arith.constant 0 : i32
      %dma_start3A_62 = tpu.memref_slice %arg2[%dma_start3A_60, %dma_start3A_61] : memref<10000x128xf32, #tpu.memory_space<hbm>> -> memref<10000x128xf32, #tpu.memory_space<hbm>>
      tpu.enqueue_indirect_dma source(%dma_start3A_62 : memref<10000x128xf32, #tpu.memory_space<hbm>>) target(%arg9 : memref<64x128xf32, #tpu.memory_space<vmem>>) offsets(%dma_start3A_59 : memref<64xi32, #tpu.memory_space<vmem>>) semaphore(%arg14 : memref<!tpu.dma_semaphore, #tpu.memory_space<semaphore_mem>>)
      %dma_start3A_63 = arith.constant 1 : i32
      %dma_start3A_64 = arith.constant 0 : i32
      %dma_start3A_65 = tpu.memref_slice %arg7[%dma_start3A_63, %dma_start3A_64] : memref<32x64xi32, #tpu.memory_space<vmem>> -> memref<1x64xi32, #tpu.memory_space<vmem>>
      %dma_start3A_66 = tpu.memref_squeeze %dma_start3A_65 : memref<1x64xi32, #tpu.memory_space<vmem>> -> memref<64xi32, #tpu.memory_space<vmem>>
      %dma_start3A_67 = arith.constant 0 : i32
      %dma_start3A_68 = arith.constant 0 : i32
      %dma_start3A_69 = tpu.memref_slice %arg2[%dma_start3A_67, %dma_start3A_68] : memref<10000x128xf32, #tpu.memory_space<hbm>> -> memref<10000x128xf32, #tpu.memory_space<hbm>>
      tpu.enqueue_indirect_dma source(%dma_start3A_69 : memref<10000x128xf32, #tpu.memory_space<hbm>>) target(%arg10 : memref<64x128xf32, #tpu.memory_space<vmem>>) offsets(%dma_start3A_66 : memref<64xi32, #tpu.memory_space<vmem>>) semaphore(%arg15 : memref<!tpu.dma_semaphore, #tpu.memory_space<semaphore_mem>>)
      %dma_start3A_70 = arith.constant 2 : i32
      %dma_start3A_71 = arith.constant 0 : i32
      %dma_start3A_72 = tpu.memref_slice %arg7[%dma_start3A_70, %dma_start3A_71] : memref<32x64xi32, #tpu.memory_space<vmem>> -> memref<1x64xi32, #tpu.memory_space<vmem>>
      %dma_start3A_73 = tpu.memref_squeeze %dma_start3A_72 : memref<1x64xi32, #tpu.memory_space<vmem>> -> memref<64xi32, #tpu.memory_space<vmem>>
      %dma_start3A_74 = arith.constant 0 : i32
      %dma_start3A_75 = arith.constant 0 : i32
      %dma_start3A_76 = tpu.memref_slice %arg2[%dma_start3A_74, %dma_start3A_75] : memref<10000x128xf32, #tpu.memory_space<hbm>> -> memref<10000x128xf32, #tpu.memory_space<hbm>>
      tpu.enqueue_indirect_dma source(%dma_start3A_76 : memref<10000x128xf32, #tpu.memory_space<hbm>>) target(%arg11 : memref<64x128xf32, #tpu.memory_space<vmem>>) offsets(%dma_start3A_73 : memref<64xi32, #tpu.memory_space<vmem>>) semaphore(%arg16 : memref<!tpu.dma_semaphore, #tpu.memory_space<semaphore_mem>>)
      %scan3A = arith.constant 0 : i32
      %scan3A_77 = arith.constant 0 : i32
      %scan3A_78 = arith.constant 8 : i32
      %scan3A_79 = arith.addi %scan3A_77, %scan3A_78 : i32
      %scan3A_80 = arith.constant 1 : i32
      scf.for %scan3A_88 = %scan3A_77 to %scan3A_79 step %scan3A_80  : i32 {
        %mul3A_89 = arith.constant 4 : i32
        %mul3A_90 = arith.muli %scan3A_88, %mul3A_89 : i32
        %add3A_91 = arith.constant 0 : i32
        %add3A_92 = arith.addi %mul3A_90, %add3A_91 : i32
        %dma_wait3A_93 = arith.constant 0 : i32
        %dma_wait3A_94 = tpu.memref_slice %arg7[%add3A_92, %dma_wait3A_93] : memref<32x64xi32, #tpu.memory_space<vmem>> -> memref<1x64xi32, #tpu.memory_space<vmem>>
        %dma_wait3A_95 = tpu.memref_squeeze %dma_wait3A_94 : memref<1x64xi32, #tpu.memory_space<vmem>> -> memref<64xi32, #tpu.memory_space<vmem>>
        %dma_wait3A_96 = arith.constant 0 : i32
        %dma_wait3A_97 = arith.constant 0 : i32
        %dma_wait3A_98 = tpu.memref_slice %arg2[%dma_wait3A_96, %dma_wait3A_97] : memref<10000x128xf32, #tpu.memory_space<hbm>> -> memref<10000x128xf32, #tpu.memory_space<hbm>>
        tpu.wait_indirect_dma semaphore(%arg14 : memref<!tpu.dma_semaphore, #tpu.memory_space<semaphore_mem>>) src(%dma_wait3A_98 : memref<10000x128xf32, #tpu.memory_space<hbm>>) dst(%arg9 : memref<64x128xf32, #tpu.memory_space<vmem>>)
        %dma_start3A_99 = arith.constant 0 : i32
        %dma_start3A_100 = tpu.memref_slice %arg8[%add3A_92, %dma_start3A_99] : memref<32x64xi32, #tpu.memory_space<vmem>> -> memref<1x64xi32, #tpu.memory_space<vmem>>
        %dma_start3A_101 = tpu.memref_squeeze %dma_start3A_100 : memref<1x64xi32, #tpu.memory_space<vmem>> -> memref<64xi32, #tpu.memory_space<vmem>>
        %dma_start3A_102 = arith.constant 0 : i32
        %dma_start3A_103 = arith.constant 0 : i32
        %dma_start3A_104 = tpu.memref_slice %arg13[%dma_start3A_102, %dma_start3A_103] : memref<10240x128xf32, #tpu.memory_space<vmem_shared>> -> memref<10240x128xf32, #tpu.memory_space<vmem_shared>>
        tpu.enqueue_indirect_dma source(%arg9 : memref<64x128xf32, #tpu.memory_space<vmem>>) target(%dma_start3A_104 : memref<10240x128xf32, #tpu.memory_space<vmem_shared>>) offsets(%dma_start3A_101 : memref<64xi32, #tpu.memory_space<vmem>>) semaphore(%arg18 : memref<!tpu.dma_semaphore, #tpu.memory_space<semaphore_mem>>) {add = true}
        %ge3A = arith.constant 1 : i32
        %ge3A_105 = arith.cmpi sge, %add3A_92, %ge3A : i32
        %convert_element_type3A_106 = arith.extui %ge3A_105 : i1 to i32
        %cond3A_107 = arith.constant 0 : i32
        %cond3A_108 = arith.cmpi ne, %convert_element_type3A_106, %cond3A_107 : i32
        scf.if %cond3A_108 {
          %sub3A_206 = arith.constant 1 : i32
          %sub3A_207 = arith.subi %add3A_92, %sub3A_206 : i32
          %dma_wait3A_208 = arith.constant 0 : i32
          %dma_wait3A_209 = tpu.memref_slice %arg8[%sub3A_207, %dma_wait3A_208] : memref<32x64xi32, #tpu.memory_space<vmem>> -> memref<1x64xi32, #tpu.memory_space<vmem>>
          %dma_wait3A_210 = tpu.memref_squeeze %dma_wait3A_209 : memref<1x64xi32, #tpu.memory_space<vmem>> -> memref<64xi32, #tpu.memory_space<vmem>>
          %dma_wait3A_211 = arith.constant 0 : i32
          %dma_wait3A_212 = arith.constant 0 : i32
          %dma_wait3A_213 = tpu.memref_slice %arg13[%dma_wait3A_211, %dma_wait3A_212] : memref<10240x128xf32, #tpu.memory_space<vmem_shared>> -> memref<10240x128xf32, #tpu.memory_space<vmem_shared>>
          tpu.wait_indirect_dma semaphore(%arg21 : memref<!tpu.dma_semaphore, #tpu.memory_space<semaphore_mem>>) src(%arg12 : memref<64x128xf32, #tpu.memory_space<vmem>>) dst(%dma_wait3A_213 : memref<10240x128xf32, #tpu.memory_space<vmem_shared>>)
        } else {
        }
        %add3A_109 = arith.constant 4 : i32
        %add3A_110 = arith.addi %add3A_92, %add3A_109 : i32
        %sub3A = arith.constant 1 : i32
        %sub3A_111 = arith.subi %add3A_110, %sub3A : i32
        %lt3A = arith.constant 32 : i32
        %lt3A_112 = arith.cmpi slt, %sub3A_111, %lt3A : i32
        %convert_element_type3A_113 = arith.extui %lt3A_112 : i1 to i32
        %cond3A_114 = arith.constant 0 : i32
        %cond3A_115 = arith.cmpi ne, %convert_element_type3A_113, %cond3A_114 : i32
        scf.if %cond3A_115 {
          %add3A_206 = arith.constant 4 : i32
          %add3A_207 = arith.addi %add3A_92, %add3A_206 : i32
          %sub3A_208 = arith.constant 1 : i32
          %sub3A_209 = arith.subi %add3A_207, %sub3A_208 : i32
          %dma_start3A_210 = arith.constant 0 : i32
          %dma_start3A_211 = tpu.memref_slice %arg7[%sub3A_209, %dma_start3A_210] : memref<32x64xi32, #tpu.memory_space<vmem>> -> memref<1x64xi32, #tpu.memory_space<vmem>>
          %dma_start3A_212 = tpu.memref_squeeze %dma_start3A_211 : memref<1x64xi32, #tpu.memory_space<vmem>> -> memref<64xi32, #tpu.memory_space<vmem>>
          %dma_start3A_213 = arith.constant 0 : i32
          %dma_start3A_214 = arith.constant 0 : i32
          %dma_start3A_215 = tpu.memref_slice %arg2[%dma_start3A_213, %dma_start3A_214] : memref<10000x128xf32, #tpu.memory_space<hbm>> -> memref<10000x128xf32, #tpu.memory_space<hbm>>
          tpu.enqueue_indirect_dma source(%dma_start3A_215 : memref<10000x128xf32, #tpu.memory_space<hbm>>) target(%arg12 : memref<64x128xf32, #tpu.memory_space<vmem>>) offsets(%dma_start3A_212 : memref<64xi32, #tpu.memory_space<vmem>>) semaphore(%arg17 : memref<!tpu.dma_semaphore, #tpu.memory_space<semaphore_mem>>)
        } else {
        }
        %mul3A_116 = arith.constant 4 : i32
        %mul3A_117 = arith.muli %scan3A_88, %mul3A_116 : i32
        %add3A_118 = arith.constant 1 : i32
        %add3A_119 = arith.addi %mul3A_117, %add3A_118 : i32
        %dma_wait3A_120 = arith.constant 0 : i32
        %dma_wait3A_121 = tpu.memref_slice %arg7[%add3A_119, %dma_wait3A_120] : memref<32x64xi32, #tpu.memory_space<vmem>> -> memref<1x64xi32, #tpu.memory_space<vmem>>
        %dma_wait3A_122 = tpu.memref_squeeze %dma_wait3A_121 : memref<1x64xi32, #tpu.memory_space<vmem>> -> memref<64xi32, #tpu.memory_space<vmem>>
        %dma_wait3A_123 = arith.constant 0 : i32
        %dma_wait3A_124 = arith.constant 0 : i32
        %dma_wait3A_125 = tpu.memref_slice %arg2[%dma_wait3A_123, %dma_wait3A_124] : memref<10000x128xf32, #tpu.memory_space<hbm>> -> memref<10000x128xf32, #tpu.memory_space<hbm>>
        tpu.wait_indirect_dma semaphore(%arg15 : memref<!tpu.dma_semaphore, #tpu.memory_space<semaphore_mem>>) src(%dma_wait3A_125 : memref<10000x128xf32, #tpu.memory_space<hbm>>) dst(%arg10 : memref<64x128xf32, #tpu.memory_space<vmem>>)
        %dma_start3A_126 = arith.constant 0 : i32
        %dma_start3A_127 = tpu.memref_slice %arg8[%add3A_119, %dma_start3A_126] : memref<32x64xi32, #tpu.memory_space<vmem>> -> memref<1x64xi32, #tpu.memory_space<vmem>>
        %dma_start3A_128 = tpu.memref_squeeze %dma_start3A_127 : memref<1x64xi32, #tpu.memory_space<vmem>> -> memref<64xi32, #tpu.memory_space<vmem>>
        %dma_start3A_129 = arith.constant 0 : i32
        %dma_start3A_130 = arith.constant 0 : i32
        %dma_start3A_131 = tpu.memref_slice %arg13[%dma_start3A_129, %dma_start3A_130] : memref<10240x128xf32, #tpu.memory_space<vmem_shared>> -> memref<10240x128xf32, #tpu.memory_space<vmem_shared>>
        tpu.enqueue_indirect_dma source(%arg10 : memref<64x128xf32, #tpu.memory_space<vmem>>) target(%dma_start3A_131 : memref<10240x128xf32, #tpu.memory_space<vmem_shared>>) offsets(%dma_start3A_128 : memref<64xi32, #tpu.memory_space<vmem>>) semaphore(%arg19 : memref<!tpu.dma_semaphore, #tpu.memory_space<semaphore_mem>>) {add = true}
        %ge3A_132 = arith.constant 1 : i32
        %ge3A_133 = arith.cmpi sge, %add3A_119, %ge3A_132 : i32
        %convert_element_type3A_134 = arith.extui %ge3A_133 : i1 to i32
        %cond3A_135 = arith.constant 0 : i32
        %cond3A_136 = arith.cmpi ne, %convert_element_type3A_134, %cond3A_135 : i32
        scf.if %cond3A_136 {
          %sub3A_206 = arith.constant 1 : i32
          %sub3A_207 = arith.subi %add3A_119, %sub3A_206 : i32
          %dma_wait3A_208 = arith.constant 0 : i32
          %dma_wait3A_209 = tpu.memref_slice %arg8[%sub3A_207, %dma_wait3A_208] : memref<32x64xi32, #tpu.memory_space<vmem>> -> memref<1x64xi32, #tpu.memory_space<vmem>>
          %dma_wait3A_210 = tpu.memref_squeeze %dma_wait3A_209 : memref<1x64xi32, #tpu.memory_space<vmem>> -> memref<64xi32, #tpu.memory_space<vmem>>
          %dma_wait3A_211 = arith.constant 0 : i32
          %dma_wait3A_212 = arith.constant 0 : i32
          %dma_wait3A_213 = tpu.memref_slice %arg13[%dma_wait3A_211, %dma_wait3A_212] : memref<10240x128xf32, #tpu.memory_space<vmem_shared>> -> memref<10240x128xf32, #tpu.memory_space<vmem_shared>>
          tpu.wait_indirect_dma semaphore(%arg18 : memref<!tpu.dma_semaphore, #tpu.memory_space<semaphore_mem>>) src(%arg9 : memref<64x128xf32, #tpu.memory_space<vmem>>) dst(%dma_wait3A_213 : memref<10240x128xf32, #tpu.memory_space<vmem_shared>>)
        } else {
        }
        %add3A_137 = arith.constant 4 : i32
        %add3A_138 = arith.addi %add3A_119, %add3A_137 : i32
        %sub3A_139 = arith.constant 1 : i32
        %sub3A_140 = arith.subi %add3A_138, %sub3A_139 : i32
        %lt3A_141 = arith.constant 32 : i32
        %lt3A_142 = arith.cmpi slt, %sub3A_140, %lt3A_141 : i32
        %convert_element_type3A_143 = arith.extui %lt3A_142 : i1 to i32
        %cond3A_144 = arith.constant 0 : i32
        %cond3A_145 = arith.cmpi ne, %convert_element_type3A_143, %cond3A_144 : i32
        scf.if %cond3A_145 {
          %add3A_206 = arith.constant 4 : i32
          %add3A_207 = arith.addi %add3A_119, %add3A_206 : i32
          %sub3A_208 = arith.constant 1 : i32
          %sub3A_209 = arith.subi %add3A_207, %sub3A_208 : i32
          %dma_start3A_210 = arith.constant 0 : i32
          %dma_start3A_211 = tpu.memref_slice %arg7[%sub3A_209, %dma_start3A_210] : memref<32x64xi32, #tpu.memory_space<vmem>> -> memref<1x64xi32, #tpu.memory_space<vmem>>
          %dma_start3A_212 = tpu.memref_squeeze %dma_start3A_211 : memref<1x64xi32, #tpu.memory_space<vmem>> -> memref<64xi32, #tpu.memory_space<vmem>>
          %dma_start3A_213 = arith.constant 0 : i32
          %dma_start3A_214 = arith.constant 0 : i32
          %dma_start3A_215 = tpu.memref_slice %arg2[%dma_start3A_213, %dma_start3A_214] : memref<10000x128xf32, #tpu.memory_space<hbm>> -> memref<10000x128xf32, #tpu.memory_space<hbm>>
          tpu.enqueue_indirect_dma source(%dma_start3A_215 : memref<10000x128xf32, #tpu.memory_space<hbm>>) target(%arg9 : memref<64x128xf32, #tpu.memory_space<vmem>>) offsets(%dma_start3A_212 : memref<64xi32, #tpu.memory_space<vmem>>) semaphore(%arg14 : memref<!tpu.dma_semaphore, #tpu.memory_space<semaphore_mem>>)
        } else {
        }
        %mul3A_146 = arith.constant 4 : i32
        %mul3A_147 = arith.muli %scan3A_88, %mul3A_146 : i32
        %add3A_148 = arith.constant 2 : i32
        %add3A_149 = arith.addi %mul3A_147, %add3A_148 : i32
        %dma_wait3A_150 = arith.constant 0 : i32
        %dma_wait3A_151 = tpu.memref_slice %arg7[%add3A_149, %dma_wait3A_150] : memref<32x64xi32, #tpu.memory_space<vmem>> -> memref<1x64xi32, #tpu.memory_space<vmem>>
        %dma_wait3A_152 = tpu.memref_squeeze %dma_wait3A_151 : memref<1x64xi32, #tpu.memory_space<vmem>> -> memref<64xi32, #tpu.memory_space<vmem>>
        %dma_wait3A_153 = arith.constant 0 : i32
        %dma_wait3A_154 = arith.constant 0 : i32
        %dma_wait3A_155 = tpu.memref_slice %arg2[%dma_wait3A_153, %dma_wait3A_154] : memref<10000x128xf32, #tpu.memory_space<hbm>> -> memref<10000x128xf32, #tpu.memory_space<hbm>>
        tpu.wait_indirect_dma semaphore(%arg16 : memref<!tpu.dma_semaphore, #tpu.memory_space<semaphore_mem>>) src(%dma_wait3A_155 : memref<10000x128xf32, #tpu.memory_space<hbm>>) dst(%arg11 : memref<64x128xf32, #tpu.memory_space<vmem>>)
        %dma_start3A_156 = arith.constant 0 : i32
        %dma_start3A_157 = tpu.memref_slice %arg8[%add3A_149, %dma_start3A_156] : memref<32x64xi32, #tpu.memory_space<vmem>> -> memref<1x64xi32, #tpu.memory_space<vmem>>
        %dma_start3A_158 = tpu.memref_squeeze %dma_start3A_157 : memref<1x64xi32, #tpu.memory_space<vmem>> -> memref<64xi32, #tpu.memory_space<vmem>>
        %dma_start3A_159 = arith.constant 0 : i32
        %dma_start3A_160 = arith.constant 0 : i32
        %dma_start3A_161 = tpu.memref_slice %arg13[%dma_start3A_159, %dma_start3A_160] : memref<10240x128xf32, #tpu.memory_space<vmem_shared>> -> memref<10240x128xf32, #tpu.memory_space<vmem_shared>>
        tpu.enqueue_indirect_dma source(%arg11 : memref<64x128xf32, #tpu.memory_space<vmem>>) target(%dma_start3A_161 : memref<10240x128xf32, #tpu.memory_space<vmem_shared>>) offsets(%dma_start3A_158 : memref<64xi32, #tpu.memory_space<vmem>>) semaphore(%arg20 : memref<!tpu.dma_semaphore, #tpu.memory_space<semaphore_mem>>) {add = true}
        %ge3A_162 = arith.constant 1 : i32
        %ge3A_163 = arith.cmpi sge, %add3A_149, %ge3A_162 : i32
        %convert_element_type3A_164 = arith.extui %ge3A_163 : i1 to i32
        %cond3A_165 = arith.constant 0 : i32
        %cond3A_166 = arith.cmpi ne, %convert_element_type3A_164, %cond3A_165 : i32
        scf.if %cond3A_166 {
          %sub3A_206 = arith.constant 1 : i32
          %sub3A_207 = arith.subi %add3A_149, %sub3A_206 : i32
          %dma_wait3A_208 = arith.constant 0 : i32
          %dma_wait3A_209 = tpu.memref_slice %arg8[%sub3A_207, %dma_wait3A_208] : memref<32x64xi32, #tpu.memory_space<vmem>> -> memref<1x64xi32, #tpu.memory_space<vmem>>
          %dma_wait3A_210 = tpu.memref_squeeze %dma_wait3A_209 : memref<1x64xi32, #tpu.memory_space<vmem>> -> memref<64xi32, #tpu.memory_space<vmem>>
          %dma_wait3A_211 = arith.constant 0 : i32
          %dma_wait3A_212 = arith.constant 0 : i32
          %dma_wait3A_213 = tpu.memref_slice %arg13[%dma_wait3A_211, %dma_wait3A_212] : memref<10240x128xf32, #tpu.memory_space<vmem_shared>> -> memref<10240x128xf32, #tpu.memory_space<vmem_shared>>
          tpu.wait_indirect_dma semaphore(%arg19 : memref<!tpu.dma_semaphore, #tpu.memory_space<semaphore_mem>>) src(%arg10 : memref<64x128xf32, #tpu.memory_space<vmem>>) dst(%dma_wait3A_213 : memref<10240x128xf32, #tpu.memory_space<vmem_shared>>)
        } else {
        }
        %add3A_167 = arith.constant 4 : i32
        %add3A_168 = arith.addi %add3A_149, %add3A_167 : i32
        %sub3A_169 = arith.constant 1 : i32
        %sub3A_170 = arith.subi %add3A_168, %sub3A_169 : i32
        %lt3A_171 = arith.constant 32 : i32
        %lt3A_172 = arith.cmpi slt, %sub3A_170, %lt3A_171 : i32
        %convert_element_type3A_173 = arith.extui %lt3A_172 : i1 to i32
        %cond3A_174 = arith.constant 0 : i32
        %cond3A_175 = arith.cmpi ne, %convert_element_type3A_173, %cond3A_174 : i32
        scf.if %cond3A_175 {
          %add3A_206 = arith.constant 4 : i32
          %add3A_207 = arith.addi %add3A_149, %add3A_206 : i32
          %sub3A_208 = arith.constant 1 : i32
          %sub3A_209 = arith.subi %add3A_207, %sub3A_208 : i32
          %dma_start3A_210 = arith.constant 0 : i32
          %dma_start3A_211 = tpu.memref_slice %arg7[%sub3A_209, %dma_start3A_210] : memref<32x64xi32, #tpu.memory_space<vmem>> -> memref<1x64xi32, #tpu.memory_space<vmem>>
          %dma_start3A_212 = tpu.memref_squeeze %dma_start3A_211 : memref<1x64xi32, #tpu.memory_space<vmem>> -> memref<64xi32, #tpu.memory_space<vmem>>
          %dma_start3A_213 = arith.constant 0 : i32
          %dma_start3A_214 = arith.constant 0 : i32
          %dma_start3A_215 = tpu.memref_slice %arg2[%dma_start3A_213, %dma_start3A_214] : memref<10000x128xf32, #tpu.memory_space<hbm>> -> memref<10000x128xf32, #tpu.memory_space<hbm>>
          tpu.enqueue_indirect_dma source(%dma_start3A_215 : memref<10000x128xf32, #tpu.memory_space<hbm>>) target(%arg10 : memref<64x128xf32, #tpu.memory_space<vmem>>) offsets(%dma_start3A_212 : memref<64xi32, #tpu.memory_space<vmem>>) semaphore(%arg15 : memref<!tpu.dma_semaphore, #tpu.memory_space<semaphore_mem>>)
        } else {
        }
        %mul3A_176 = arith.constant 4 : i32
        %mul3A_177 = arith.muli %scan3A_88, %mul3A_176 : i32
        %add3A_178 = arith.constant 3 : i32
        %add3A_179 = arith.addi %mul3A_177, %add3A_178 : i32
        %dma_wait3A_180 = arith.constant 0 : i32
        %dma_wait3A_181 = tpu.memref_slice %arg7[%add3A_179, %dma_wait3A_180] : memref<32x64xi32, #tpu.memory_space<vmem>> -> memref<1x64xi32, #tpu.memory_space<vmem>>
        %dma_wait3A_182 = tpu.memref_squeeze %dma_wait3A_181 : memref<1x64xi32, #tpu.memory_space<vmem>> -> memref<64xi32, #tpu.memory_space<vmem>>
        %dma_wait3A_183 = arith.constant 0 : i32
        %dma_wait3A_184 = arith.constant 0 : i32
        %dma_wait3A_185 = tpu.memref_slice %arg2[%dma_wait3A_183, %dma_wait3A_184] : memref<10000x128xf32, #tpu.memory_space<hbm>> -> memref<10000x128xf32, #tpu.memory_space<hbm>>
        tpu.wait_indirect_dma semaphore(%arg17 : memref<!tpu.dma_semaphore, #tpu.memory_space<semaphore_mem>>) src(%dma_wait3A_185 : memref<10000x128xf32, #tpu.memory_space<hbm>>) dst(%arg12 : memref<64x128xf32, #tpu.memory_space<vmem>>)
        %dma_start3A_186 = arith.constant 0 : i32
        %dma_start3A_187 = tpu.memref_slice %arg8[%add3A_179, %dma_start3A_186] : memref<32x64xi32, #tpu.memory_space<vmem>> -> memref<1x64xi32, #tpu.memory_space<vmem>>
        %dma_start3A_188 = tpu.memref_squeeze %dma_start3A_187 : memref<1x64xi32, #tpu.memory_space<vmem>> -> memref<64xi32, #tpu.memory_space<vmem>>
        %dma_start3A_189 = arith.constant 0 : i32
        %dma_start3A_190 = arith.constant 0 : i32
        %dma_start3A_191 = tpu.memref_slice %arg13[%dma_start3A_189, %dma_start3A_190] : memref<10240x128xf32, #tpu.memory_space<vmem_shared>> -> memref<10240x128xf32, #tpu.memory_space<vmem_shared>>
        tpu.enqueue_indirect_dma source(%arg12 : memref<64x128xf32, #tpu.memory_space<vmem>>) target(%dma_start3A_191 : memref<10240x128xf32, #tpu.memory_space<vmem_shared>>) offsets(%dma_start3A_188 : memref<64xi32, #tpu.memory_space<vmem>>) semaphore(%arg21 : memref<!tpu.dma_semaphore, #tpu.memory_space<semaphore_mem>>) {add = true}
        %ge3A_192 = arith.constant 1 : i32
        %ge3A_193 = arith.cmpi sge, %add3A_179, %ge3A_192 : i32
        %convert_element_type3A_194 = arith.extui %ge3A_193 : i1 to i32
        %cond3A_195 = arith.constant 0 : i32
        %cond3A_196 = arith.cmpi ne, %convert_element_type3A_194, %cond3A_195 : i32
        scf.if %cond3A_196 {
          %sub3A_206 = arith.constant 1 : i32
          %sub3A_207 = arith.subi %add3A_179, %sub3A_206 : i32
          %dma_wait3A_208 = arith.constant 0 : i32
          %dma_wait3A_209 = tpu.memref_slice %arg8[%sub3A_207, %dma_wait3A_208] : memref<32x64xi32, #tpu.memory_space<vmem>> -> memref<1x64xi32, #tpu.memory_space<vmem>>
          %dma_wait3A_210 = tpu.memref_squeeze %dma_wait3A_209 : memref<1x64xi32, #tpu.memory_space<vmem>> -> memref<64xi32, #tpu.memory_space<vmem>>
          %dma_wait3A_211 = arith.constant 0 : i32
          %dma_wait3A_212 = arith.constant 0 : i32
          %dma_wait3A_213 = tpu.memref_slice %arg13[%dma_wait3A_211, %dma_wait3A_212] : memref<10240x128xf32, #tpu.memory_space<vmem_shared>> -> memref<10240x128xf32, #tpu.memory_space<vmem_shared>>
          tpu.wait_indirect_dma semaphore(%arg20 : memref<!tpu.dma_semaphore, #tpu.memory_space<semaphore_mem>>) src(%arg11 : memref<64x128xf32, #tpu.memory_space<vmem>>) dst(%dma_wait3A_213 : memref<10240x128xf32, #tpu.memory_space<vmem_shared>>)
        } else {
        }
        %add3A_197 = arith.constant 4 : i32
        %add3A_198 = arith.addi %add3A_179, %add3A_197 : i32
        %sub3A_199 = arith.constant 1 : i32
        %sub3A_200 = arith.subi %add3A_198, %sub3A_199 : i32
        %lt3A_201 = arith.constant 32 : i32
        %lt3A_202 = arith.cmpi slt, %sub3A_200, %lt3A_201 : i32
        %convert_element_type3A_203 = arith.extui %lt3A_202 : i1 to i32
        %cond3A_204 = arith.constant 0 : i32
        %cond3A_205 = arith.cmpi ne, %convert_element_type3A_203, %cond3A_204 : i32
        scf.if %cond3A_205 {
          %add3A_206 = arith.constant 4 : i32
          %add3A_207 = arith.addi %add3A_179, %add3A_206 : i32
          %sub3A_208 = arith.constant 1 : i32
          %sub3A_209 = arith.subi %add3A_207, %sub3A_208 : i32
          %dma_start3A_210 = arith.constant 0 : i32
          %dma_start3A_211 = tpu.memref_slice %arg7[%sub3A_209, %dma_start3A_210] : memref<32x64xi32, #tpu.memory_space<vmem>> -> memref<1x64xi32, #tpu.memory_space<vmem>>
          %dma_start3A_212 = tpu.memref_squeeze %dma_start3A_211 : memref<1x64xi32, #tpu.memory_space<vmem>> -> memref<64xi32, #tpu.memory_space<vmem>>
          %dma_start3A_213 = arith.constant 0 : i32
          %dma_start3A_214 = arith.constant 0 : i32
          %dma_start3A_215 = tpu.memref_slice %arg2[%dma_start3A_213, %dma_start3A_214] : memref<10000x128xf32, #tpu.memory_space<hbm>> -> memref<10000x128xf32, #tpu.memory_space<hbm>>
          tpu.enqueue_indirect_dma source(%dma_start3A_215 : memref<10000x128xf32, #tpu.memory_space<hbm>>) target(%arg11 : memref<64x128xf32, #tpu.memory_space<vmem>>) offsets(%dma_start3A_212 : memref<64xi32, #tpu.memory_space<vmem>>) semaphore(%arg16 : memref<!tpu.dma_semaphore, #tpu.memory_space<semaphore_mem>>)
        } else {
        }
      }
      %scan3A_81 = arith.constant 8 : i32
      %dma_wait3A = arith.constant 31 : i32
      %dma_wait3A_82 = arith.constant 0 : i32
      %dma_wait3A_83 = tpu.memref_slice %arg8[%dma_wait3A, %dma_wait3A_82] : memref<32x64xi32, #tpu.memory_space<vmem>> -> memref<1x64xi32, #tpu.memory_space<vmem>>
      %dma_wait3A_84 = tpu.memref_squeeze %dma_wait3A_83 : memref<1x64xi32, #tpu.memory_space<vmem>> -> memref<64xi32, #tpu.memory_space<vmem>>
      %dma_wait3A_85 = arith.constant 0 : i32
      %dma_wait3A_86 = arith.constant 0 : i32
      %dma_wait3A_87 = tpu.memref_slice %arg13[%dma_wait3A_85, %dma_wait3A_86] : memref<10240x128xf32, #tpu.memory_space<vmem_shared>> -> memref<10240x128xf32, #tpu.memory_space<vmem_shared>>
      tpu.wait_indirect_dma semaphore(%arg21 : memref<!tpu.dma_semaphore, #tpu.memory_space<semaphore_mem>>) src(%arg12 : memref<64x128xf32, #tpu.memory_space<vmem>>) dst(%dma_wait3A_87 : memref<10240x128xf32, #tpu.memory_space<vmem_shared>>)
    } else {
    }
    %gt3A_28 = arith.constant 4 : i32
    %gt3A_29 = arith.cmpi sgt, %select_n3A_10, %gt3A_28 : i32
    %convert_element_type3A_30 = arith.extui %gt3A_29 : i1 to i32
    %cond3A_31 = arith.constant 0 : i32
    %cond3A_32 = arith.cmpi ne, %convert_element_type3A_30, %cond3A_31 : i32
    scf.if %cond3A_32 {
      %add3A_53 = arith.constant 128 : i32
      %add3A_54 = arith.addi %select_n3A, %add3A_53 : i32
      "tpu.region"() ({
        %run_scoped3A = tpu.sem_alloc : memref<!tpu.dma_semaphore, #tpu.memory_space<semaphore_mem>>
        %dma_start3A_88 = arith.constant 0 : i32
        %dma_start3A_89 = tpu.memref_slice %arg3[%add3A_54, %dma_start3A_88] : memref<5120x64xi32, #tpu.memory_space<hbm>> -> memref<32x64xi32, #tpu.memory_space<hbm>>
        %dma_start3A_90 = arith.constant 0 : i32
        %dma_start3A_91 = tpu.memref_slice %arg3[%add3A_54, %dma_start3A_90] : memref<5120x64xi32, #tpu.memory_space<hbm>> -> memref<32x64xi32, #tpu.memory_space<hbm>>
        tpu.enqueue_dma source(%dma_start3A_91 : memref<32x64xi32, #tpu.memory_space<hbm>>) target(%arg7 : memref<32x64xi32, #tpu.memory_space<vmem>>) target_semaphore(%run_scoped3A : memref<!tpu.dma_semaphore, #tpu.memory_space<semaphore_mem>>)
        %dma_wait3A_92 = arith.constant 0 : i32
        %dma_wait3A_93 = tpu.memref_slice %arg3[%add3A_54, %dma_wait3A_92] : memref<5120x64xi32, #tpu.memory_space<hbm>> -> memref<32x64xi32, #tpu.memory_space<hbm>>
        %dma_wait3A_94 = arith.constant 0 : i32
        %dma_wait3A_95 = tpu.memref_slice %arg3[%add3A_54, %dma_wait3A_94] : memref<5120x64xi32, #tpu.memory_space<hbm>> -> memref<32x64xi32, #tpu.memory_space<hbm>>
        tpu.wait_dma2 semaphore(%run_scoped3A : memref<!tpu.dma_semaphore, #tpu.memory_space<semaphore_mem>>) src(%dma_wait3A_95 : memref<32x64xi32, #tpu.memory_space<hbm>>) dst(%arg7 : memref<32x64xi32, #tpu.memory_space<vmem>>)
        tpu.yield
      }) : () -> ()
      %add3A_55 = arith.constant 128 : i32
      %add3A_56 = arith.addi %select_n3A, %add3A_55 : i32
      "tpu.region"() ({
        %run_scoped3A = tpu.sem_alloc : memref<!tpu.dma_semaphore, #tpu.memory_space<semaphore_mem>>
        %dma_start3A_88 = arith.constant 0 : i32
        %dma_start3A_89 = tpu.memref_slice %arg4[%add3A_56, %dma_start3A_88] : memref<5120x64xi32, #tpu.memory_space<hbm>> -> memref<32x64xi32, #tpu.memory_space<hbm>>
        %dma_start3A_90 = arith.constant 0 : i32
        %dma_start3A_91 = tpu.memref_slice %arg4[%add3A_56, %dma_start3A_90] : memref<5120x64xi32, #tpu.memory_space<hbm>> -> memref<32x64xi32, #tpu.memory_space<hbm>>
        tpu.enqueue_dma source(%dma_start3A_91 : memref<32x64xi32, #tpu.memory_space<hbm>>) target(%arg8 : memref<32x64xi32, #tpu.memory_space<vmem>>) target_semaphore(%run_scoped3A : memref<!tpu.dma_semaphore, #tpu.memory_space<semaphore_mem>>)
        %dma_wait3A_92 = arith.constant 0 : i32
        %dma_wait3A_93 = tpu.memref_slice %arg4[%add3A_56, %dma_wait3A_92] : memref<5120x64xi32, #tpu.memory_space<hbm>> -> memref<32x64xi32, #tpu.memory_space<hbm>>
        %dma_wait3A_94 = arith.constant 0 : i32
        %dma_wait3A_95 = tpu.memref_slice %arg4[%add3A_56, %dma_wait3A_94] : memref<5120x64xi32, #tpu.memory_space<hbm>> -> memref<32x64xi32, #tpu.memory_space<hbm>>
        tpu.wait_dma2 semaphore(%run_scoped3A : memref<!tpu.dma_semaphore, #tpu.memory_space<semaphore_mem>>) src(%dma_wait3A_95 : memref<32x64xi32, #tpu.memory_space<hbm>>) dst(%arg8 : memref<32x64xi32, #tpu.memory_space<vmem>>)
        tpu.yield
      }) : () -> ()
      %dma_start3A = arith.constant 0 : i32
      %dma_start3A_57 = arith.constant 0 : i32
      %dma_start3A_58 = tpu.memref_slice %arg7[%dma_start3A, %dma_start3A_57] : memref<32x64xi32, #tpu.memory_space<vmem>> -> memref<1x64xi32, #tpu.memory_space<vmem>>
      %dma_start3A_59 = tpu.memref_squeeze %dma_start3A_58 : memref<1x64xi32, #tpu.memory_space<vmem>> -> memref<64xi32, #tpu.memory_space<vmem>>
      %dma_start3A_60 = arith.constant 0 : i32
      %dma_start3A_61 = arith.constant 0 : i32
      %dma_start3A_62 = tpu.memref_slice %arg2[%dma_start3A_60, %dma_start3A_61] : memref<10000x128xf32, #tpu.memory_space<hbm>> -> memref<10000x128xf32, #tpu.memory_space<hbm>>
      tpu.enqueue_indirect_dma source(%dma_start3A_62 : memref<10000x128xf32, #tpu.memory_space<hbm>>) target(%arg9 : memref<64x128xf32, #tpu.memory_space<vmem>>) offsets(%dma_start3A_59 : memref<64xi32, #tpu.memory_space<vmem>>) semaphore(%arg14 : memref<!tpu.dma_semaphore, #tpu.memory_space<semaphore_mem>>)
      %dma_start3A_63 = arith.constant 1 : i32
      %dma_start3A_64 = arith.constant 0 : i32
      %dma_start3A_65 = tpu.memref_slice %arg7[%dma_start3A_63, %dma_start3A_64] : memref<32x64xi32, #tpu.memory_space<vmem>> -> memref<1x64xi32, #tpu.memory_space<vmem>>
      %dma_start3A_66 = tpu.memref_squeeze %dma_start3A_65 : memref<1x64xi32, #tpu.memory_space<vmem>> -> memref<64xi32, #tpu.memory_space<vmem>>
      %dma_start3A_67 = arith.constant 0 : i32
      %dma_start3A_68 = arith.constant 0 : i32
      %dma_start3A_69 = tpu.memref_slice %arg2[%dma_start3A_67, %dma_start3A_68] : memref<10000x128xf32, #tpu.memory_space<hbm>> -> memref<10000x128xf32, #tpu.memory_space<hbm>>
      tpu.enqueue_indirect_dma source(%dma_start3A_69 : memref<10000x128xf32, #tpu.memory_space<hbm>>) target(%arg10 : memref<64x128xf32, #tpu.memory_space<vmem>>) offsets(%dma_start3A_66 : memref<64xi32, #tpu.memory_space<vmem>>) semaphore(%arg15 : memref<!tpu.dma_semaphore, #tpu.memory_space<semaphore_mem>>)
      %dma_start3A_70 = arith.constant 2 : i32
      %dma_start3A_71 = arith.constant 0 : i32
      %dma_start3A_72 = tpu.memref_slice %arg7[%dma_start3A_70, %dma_start3A_71] : memref<32x64xi32, #tpu.memory_space<vmem>> -> memref<1x64xi32, #tpu.memory_space<vmem>>
      %dma_start3A_73 = tpu.memref_squeeze %dma_start3A_72 : memref<1x64xi32, #tpu.memory_space<vmem>> -> memref<64xi32, #tpu.memory_space<vmem>>
      %dma_start3A_74 = arith.constant 0 : i32
      %dma_start3A_75 = arith.constant 0 : i32
      %dma_start3A_76 = tpu.memref_slice %arg2[%dma_start3A_74, %dma_start3A_75] : memref<10000x128xf32, #tpu.memory_space<hbm>> -> memref<10000x128xf32, #tpu.memory_space<hbm>>
      tpu.enqueue_indirect_dma source(%dma_start3A_76 : memref<10000x128xf32, #tpu.memory_space<hbm>>) target(%arg11 : memref<64x128xf32, #tpu.memory_space<vmem>>) offsets(%dma_start3A_73 : memref<64xi32, #tpu.memory_space<vmem>>) semaphore(%arg16 : memref<!tpu.dma_semaphore, #tpu.memory_space<semaphore_mem>>)
      %scan3A = arith.constant 0 : i32
      %scan3A_77 = arith.constant 0 : i32
      %scan3A_78 = arith.constant 8 : i32
      %scan3A_79 = arith.addi %scan3A_77, %scan3A_78 : i32
      %scan3A_80 = arith.constant 1 : i32
      scf.for %scan3A_88 = %scan3A_77 to %scan3A_79 step %scan3A_80  : i32 {
        %mul3A_89 = arith.constant 4 : i32
        %mul3A_90 = arith.muli %scan3A_88, %mul3A_89 : i32
        %add3A_91 = arith.constant 0 : i32
        %add3A_92 = arith.addi %mul3A_90, %add3A_91 : i32
        %dma_wait3A_93 = arith.constant 0 : i32
        %dma_wait3A_94 = tpu.memref_slice %arg7[%add3A_92, %dma_wait3A_93] : memref<32x64xi32, #tpu.memory_space<vmem>> -> memref<1x64xi32, #tpu.memory_space<vmem>>
        %dma_wait3A_95 = tpu.memref_squeeze %dma_wait3A_94 : memref<1x64xi32, #tpu.memory_space<vmem>> -> memref<64xi32, #tpu.memory_space<vmem>>
        %dma_wait3A_96 = arith.constant 0 : i32
        %dma_wait3A_97 = arith.constant 0 : i32
        %dma_wait3A_98 = tpu.memref_slice %arg2[%dma_wait3A_96, %dma_wait3A_97] : memref<10000x128xf32, #tpu.memory_space<hbm>> -> memref<10000x128xf32, #tpu.memory_space<hbm>>
        tpu.wait_indirect_dma semaphore(%arg14 : memref<!tpu.dma_semaphore, #tpu.memory_space<semaphore_mem>>) src(%dma_wait3A_98 : memref<10000x128xf32, #tpu.memory_space<hbm>>) dst(%arg9 : memref<64x128xf32, #tpu.memory_space<vmem>>)
        %dma_start3A_99 = arith.constant 0 : i32
        %dma_start3A_100 = tpu.memref_slice %arg8[%add3A_92, %dma_start3A_99] : memref<32x64xi32, #tpu.memory_space<vmem>> -> memref<1x64xi32, #tpu.memory_space<vmem>>
        %dma_start3A_101 = tpu.memref_squeeze %dma_start3A_100 : memref<1x64xi32, #tpu.memory_space<vmem>> -> memref<64xi32, #tpu.memory_space<vmem>>
        %dma_start3A_102 = arith.constant 0 : i32
        %dma_start3A_103 = arith.constant 0 : i32
        %dma_start3A_104 = tpu.memref_slice %arg13[%dma_start3A_102, %dma_start3A_103] : memref<10240x128xf32, #tpu.memory_space<vmem_shared>> -> memref<10240x128xf32, #tpu.memory_space<vmem_shared>>
        tpu.enqueue_indirect_dma source(%arg9 : memref<64x128xf32, #tpu.memory_space<vmem>>) target(%dma_start3A_104 : memref<10240x128xf32, #tpu.memory_space<vmem_shared>>) offsets(%dma_start3A_101 : memref<64xi32, #tpu.memory_space<vmem>>) semaphore(%arg18 : memref<!tpu.dma_semaphore, #tpu.memory_space<semaphore_mem>>) {add = true}
        %ge3A = arith.constant 1 : i32
        %ge3A_105 = arith.cmpi sge, %add3A_92, %ge3A : i32
        %convert_element_type3A_106 = arith.extui %ge3A_105 : i1 to i32
        %cond3A_107 = arith.constant 0 : i32
        %cond3A_108 = arith.cmpi ne, %convert_element_type3A_106, %cond3A_107 : i32
        scf.if %cond3A_108 {
          %sub3A_206 = arith.constant 1 : i32
          %sub3A_207 = arith.subi %add3A_92, %sub3A_206 : i32
          %dma_wait3A_208 = arith.constant 0 : i32
          %dma_wait3A_209 = tpu.memref_slice %arg8[%sub3A_207, %dma_wait3A_208] : memref<32x64xi32, #tpu.memory_space<vmem>> -> memref<1x64xi32, #tpu.memory_space<vmem>>
          %dma_wait3A_210 = tpu.memref_squeeze %dma_wait3A_209 : memref<1x64xi32, #tpu.memory_space<vmem>> -> memref<64xi32, #tpu.memory_space<vmem>>
          %dma_wait3A_211 = arith.constant 0 : i32
          %dma_wait3A_212 = arith.constant 0 : i32
          %dma_wait3A_213 = tpu.memref_slice %arg13[%dma_wait3A_211, %dma_wait3A_212] : memref<10240x128xf32, #tpu.memory_space<vmem_shared>> -> memref<10240x128xf32, #tpu.memory_space<vmem_shared>>
          tpu.wait_indirect_dma semaphore(%arg21 : memref<!tpu.dma_semaphore, #tpu.memory_space<semaphore_mem>>) src(%arg12 : memref<64x128xf32, #tpu.memory_space<vmem>>) dst(%dma_wait3A_213 : memref<10240x128xf32, #tpu.memory_space<vmem_shared>>)
        } else {
        }
        %add3A_109 = arith.constant 4 : i32
        %add3A_110 = arith.addi %add3A_92, %add3A_109 : i32
        %sub3A = arith.constant 1 : i32
        %sub3A_111 = arith.subi %add3A_110, %sub3A : i32
        %lt3A = arith.constant 32 : i32
        %lt3A_112 = arith.cmpi slt, %sub3A_111, %lt3A : i32
        %convert_element_type3A_113 = arith.extui %lt3A_112 : i1 to i32
        %cond3A_114 = arith.constant 0 : i32
        %cond3A_115 = arith.cmpi ne, %convert_element_type3A_113, %cond3A_114 : i32
        scf.if %cond3A_115 {
          %add3A_206 = arith.constant 4 : i32
          %add3A_207 = arith.addi %add3A_92, %add3A_206 : i32
          %sub3A_208 = arith.constant 1 : i32
          %sub3A_209 = arith.subi %add3A_207, %sub3A_208 : i32
          %dma_start3A_210 = arith.constant 0 : i32
          %dma_start3A_211 = tpu.memref_slice %arg7[%sub3A_209, %dma_start3A_210] : memref<32x64xi32, #tpu.memory_space<vmem>> -> memref<1x64xi32, #tpu.memory_space<vmem>>
          %dma_start3A_212 = tpu.memref_squeeze %dma_start3A_211 : memref<1x64xi32, #tpu.memory_space<vmem>> -> memref<64xi32, #tpu.memory_space<vmem>>
          %dma_start3A_213 = arith.constant 0 : i32
          %dma_start3A_214 = arith.constant 0 : i32
          %dma_start3A_215 = tpu.memref_slice %arg2[%dma_start3A_213, %dma_start3A_214] : memref<10000x128xf32, #tpu.memory_space<hbm>> -> memref<10000x128xf32, #tpu.memory_space<hbm>>
          tpu.enqueue_indirect_dma source(%dma_start3A_215 : memref<10000x128xf32, #tpu.memory_space<hbm>>) target(%arg12 : memref<64x128xf32, #tpu.memory_space<vmem>>) offsets(%dma_start3A_212 : memref<64xi32, #tpu.memory_space<vmem>>) semaphore(%arg17 : memref<!tpu.dma_semaphore, #tpu.memory_space<semaphore_mem>>)
        } else {
        }
        %mul3A_116 = arith.constant 4 : i32
        %mul3A_117 = arith.muli %scan3A_88, %mul3A_116 : i32
        %add3A_118 = arith.constant 1 : i32
        %add3A_119 = arith.addi %mul3A_117, %add3A_118 : i32
        %dma_wait3A_120 = arith.constant 0 : i32
        %dma_wait3A_121 = tpu.memref_slice %arg7[%add3A_119, %dma_wait3A_120] : memref<32x64xi32, #tpu.memory_space<vmem>> -> memref<1x64xi32, #tpu.memory_space<vmem>>
        %dma_wait3A_122 = tpu.memref_squeeze %dma_wait3A_121 : memref<1x64xi32, #tpu.memory_space<vmem>> -> memref<64xi32, #tpu.memory_space<vmem>>
        %dma_wait3A_123 = arith.constant 0 : i32
        %dma_wait3A_124 = arith.constant 0 : i32
        %dma_wait3A_125 = tpu.memref_slice %arg2[%dma_wait3A_123, %dma_wait3A_124] : memref<10000x128xf32, #tpu.memory_space<hbm>> -> memref<10000x128xf32, #tpu.memory_space<hbm>>
        tpu.wait_indirect_dma semaphore(%arg15 : memref<!tpu.dma_semaphore, #tpu.memory_space<semaphore_mem>>) src(%dma_wait3A_125 : memref<10000x128xf32, #tpu.memory_space<hbm>>) dst(%arg10 : memref<64x128xf32, #tpu.memory_space<vmem>>)
        %dma_start3A_126 = arith.constant 0 : i32
        %dma_start3A_127 = tpu.memref_slice %arg8[%add3A_119, %dma_start3A_126] : memref<32x64xi32, #tpu.memory_space<vmem>> -> memref<1x64xi32, #tpu.memory_space<vmem>>
        %dma_start3A_128 = tpu.memref_squeeze %dma_start3A_127 : memref<1x64xi32, #tpu.memory_space<vmem>> -> memref<64xi32, #tpu.memory_space<vmem>>
        %dma_start3A_129 = arith.constant 0 : i32
        %dma_start3A_130 = arith.constant 0 : i32
        %dma_start3A_131 = tpu.memref_slice %arg13[%dma_start3A_129, %dma_start3A_130] : memref<10240x128xf32, #tpu.memory_space<vmem_shared>> -> memref<10240x128xf32, #tpu.memory_space<vmem_shared>>
        tpu.enqueue_indirect_dma source(%arg10 : memref<64x128xf32, #tpu.memory_space<vmem>>) target(%dma_start3A_131 : memref<10240x128xf32, #tpu.memory_space<vmem_shared>>) offsets(%dma_start3A_128 : memref<64xi32, #tpu.memory_space<vmem>>) semaphore(%arg19 : memref<!tpu.dma_semaphore, #tpu.memory_space<semaphore_mem>>) {add = true}
        %ge3A_132 = arith.constant 1 : i32
        %ge3A_133 = arith.cmpi sge, %add3A_119, %ge3A_132 : i32
        %convert_element_type3A_134 = arith.extui %ge3A_133 : i1 to i32
        %cond3A_135 = arith.constant 0 : i32
        %cond3A_136 = arith.cmpi ne, %convert_element_type3A_134, %cond3A_135 : i32
        scf.if %cond3A_136 {
          %sub3A_206 = arith.constant 1 : i32
          %sub3A_207 = arith.subi %add3A_119, %sub3A_206 : i32
          %dma_wait3A_208 = arith.constant 0 : i32
          %dma_wait3A_209 = tpu.memref_slice %arg8[%sub3A_207, %dma_wait3A_208] : memref<32x64xi32, #tpu.memory_space<vmem>> -> memref<1x64xi32, #tpu.memory_space<vmem>>
          %dma_wait3A_210 = tpu.memref_squeeze %dma_wait3A_209 : memref<1x64xi32, #tpu.memory_space<vmem>> -> memref<64xi32, #tpu.memory_space<vmem>>
          %dma_wait3A_211 = arith.constant 0 : i32
          %dma_wait3A_212 = arith.constant 0 : i32
          %dma_wait3A_213 = tpu.memref_slice %arg13[%dma_wait3A_211, %dma_wait3A_212] : memref<10240x128xf32, #tpu.memory_space<vmem_shared>> -> memref<10240x128xf32, #tpu.memory_space<vmem_shared>>
          tpu.wait_indirect_dma semaphore(%arg18 : memref<!tpu.dma_semaphore, #tpu.memory_space<semaphore_mem>>) src(%arg9 : memref<64x128xf32, #tpu.memory_space<vmem>>) dst(%dma_wait3A_213 : memref<10240x128xf32, #tpu.memory_space<vmem_shared>>)
        } else {
        }
        %add3A_137 = arith.constant 4 : i32
        %add3A_138 = arith.addi %add3A_119, %add3A_137 : i32
        %sub3A_139 = arith.constant 1 : i32
        %sub3A_140 = arith.subi %add3A_138, %sub3A_139 : i32
        %lt3A_141 = arith.constant 32 : i32
        %lt3A_142 = arith.cmpi slt, %sub3A_140, %lt3A_141 : i32
        %convert_element_type3A_143 = arith.extui %lt3A_142 : i1 to i32
        %cond3A_144 = arith.constant 0 : i32
        %cond3A_145 = arith.cmpi ne, %convert_element_type3A_143, %cond3A_144 : i32
        scf.if %cond3A_145 {
          %add3A_206 = arith.constant 4 : i32
          %add3A_207 = arith.addi %add3A_119, %add3A_206 : i32
          %sub3A_208 = arith.constant 1 : i32
          %sub3A_209 = arith.subi %add3A_207, %sub3A_208 : i32
          %dma_start3A_210 = arith.constant 0 : i32
          %dma_start3A_211 = tpu.memref_slice %arg7[%sub3A_209, %dma_start3A_210] : memref<32x64xi32, #tpu.memory_space<vmem>> -> memref<1x64xi32, #tpu.memory_space<vmem>>
          %dma_start3A_212 = tpu.memref_squeeze %dma_start3A_211 : memref<1x64xi32, #tpu.memory_space<vmem>> -> memref<64xi32, #tpu.memory_space<vmem>>
          %dma_start3A_213 = arith.constant 0 : i32
          %dma_start3A_214 = arith.constant 0 : i32
          %dma_start3A_215 = tpu.memref_slice %arg2[%dma_start3A_213, %dma_start3A_214] : memref<10000x128xf32, #tpu.memory_space<hbm>> -> memref<10000x128xf32, #tpu.memory_space<hbm>>
          tpu.enqueue_indirect_dma source(%dma_start3A_215 : memref<10000x128xf32, #tpu.memory_space<hbm>>) target(%arg9 : memref<64x128xf32, #tpu.memory_space<vmem>>) offsets(%dma_start3A_212 : memref<64xi32, #tpu.memory_space<vmem>>) semaphore(%arg14 : memref<!tpu.dma_semaphore, #tpu.memory_space<semaphore_mem>>)
        } else {
        }
        %mul3A_146 = arith.constant 4 : i32
        %mul3A_147 = arith.muli %scan3A_88, %mul3A_146 : i32
        %add3A_148 = arith.constant 2 : i32
        %add3A_149 = arith.addi %mul3A_147, %add3A_148 : i32
        %dma_wait3A_150 = arith.constant 0 : i32
        %dma_wait3A_151 = tpu.memref_slice %arg7[%add3A_149, %dma_wait3A_150] : memref<32x64xi32, #tpu.memory_space<vmem>> -> memref<1x64xi32, #tpu.memory_space<vmem>>
        %dma_wait3A_152 = tpu.memref_squeeze %dma_wait3A_151 : memref<1x64xi32, #tpu.memory_space<vmem>> -> memref<64xi32, #tpu.memory_space<vmem>>
        %dma_wait3A_153 = arith.constant 0 : i32
        %dma_wait3A_154 = arith.constant 0 : i32
        %dma_wait3A_155 = tpu.memref_slice %arg2[%dma_wait3A_153, %dma_wait3A_154] : memref<10000x128xf32, #tpu.memory_space<hbm>> -> memref<10000x128xf32, #tpu.memory_space<hbm>>
        tpu.wait_indirect_dma semaphore(%arg16 : memref<!tpu.dma_semaphore, #tpu.memory_space<semaphore_mem>>) src(%dma_wait3A_155 : memref<10000x128xf32, #tpu.memory_space<hbm>>) dst(%arg11 : memref<64x128xf32, #tpu.memory_space<vmem>>)
        %dma_start3A_156 = arith.constant 0 : i32
        %dma_start3A_157 = tpu.memref_slice %arg8[%add3A_149, %dma_start3A_156] : memref<32x64xi32, #tpu.memory_space<vmem>> -> memref<1x64xi32, #tpu.memory_space<vmem>>
        %dma_start3A_158 = tpu.memref_squeeze %dma_start3A_157 : memref<1x64xi32, #tpu.memory_space<vmem>> -> memref<64xi32, #tpu.memory_space<vmem>>
        %dma_start3A_159 = arith.constant 0 : i32
        %dma_start3A_160 = arith.constant 0 : i32
        %dma_start3A_161 = tpu.memref_slice %arg13[%dma_start3A_159, %dma_start3A_160] : memref<10240x128xf32, #tpu.memory_space<vmem_shared>> -> memref<10240x128xf32, #tpu.memory_space<vmem_shared>>
        tpu.enqueue_indirect_dma source(%arg11 : memref<64x128xf32, #tpu.memory_space<vmem>>) target(%dma_start3A_161 : memref<10240x128xf32, #tpu.memory_space<vmem_shared>>) offsets(%dma_start3A_158 : memref<64xi32, #tpu.memory_space<vmem>>) semaphore(%arg20 : memref<!tpu.dma_semaphore, #tpu.memory_space<semaphore_mem>>) {add = true}
        %ge3A_162 = arith.constant 1 : i32
        %ge3A_163 = arith.cmpi sge, %add3A_149, %ge3A_162 : i32
        %convert_element_type3A_164 = arith.extui %ge3A_163 : i1 to i32
        %cond3A_165 = arith.constant 0 : i32
        %cond3A_166 = arith.cmpi ne, %convert_element_type3A_164, %cond3A_165 : i32
        scf.if %cond3A_166 {
          %sub3A_206 = arith.constant 1 : i32
          %sub3A_207 = arith.subi %add3A_149, %sub3A_206 : i32
          %dma_wait3A_208 = arith.constant 0 : i32
          %dma_wait3A_209 = tpu.memref_slice %arg8[%sub3A_207, %dma_wait3A_208] : memref<32x64xi32, #tpu.memory_space<vmem>> -> memref<1x64xi32, #tpu.memory_space<vmem>>
          %dma_wait3A_210 = tpu.memref_squeeze %dma_wait3A_209 : memref<1x64xi32, #tpu.memory_space<vmem>> -> memref<64xi32, #tpu.memory_space<vmem>>
          %dma_wait3A_211 = arith.constant 0 : i32
          %dma_wait3A_212 = arith.constant 0 : i32
          %dma_wait3A_213 = tpu.memref_slice %arg13[%dma_wait3A_211, %dma_wait3A_212] : memref<10240x128xf32, #tpu.memory_space<vmem_shared>> -> memref<10240x128xf32, #tpu.memory_space<vmem_shared>>
          tpu.wait_indirect_dma semaphore(%arg19 : memref<!tpu.dma_semaphore, #tpu.memory_space<semaphore_mem>>) src(%arg10 : memref<64x128xf32, #tpu.memory_space<vmem>>) dst(%dma_wait3A_213 : memref<10240x128xf32, #tpu.memory_space<vmem_shared>>)
        } else {
        }
        %add3A_167 = arith.constant 4 : i32
        %add3A_168 = arith.addi %add3A_149, %add3A_167 : i32
        %sub3A_169 = arith.constant 1 : i32
        %sub3A_170 = arith.subi %add3A_168, %sub3A_169 : i32
        %lt3A_171 = arith.constant 32 : i32
        %lt3A_172 = arith.cmpi slt, %sub3A_170, %lt3A_171 : i32
        %convert_element_type3A_173 = arith.extui %lt3A_172 : i1 to i32
        %cond3A_174 = arith.constant 0 : i32
        %cond3A_175 = arith.cmpi ne, %convert_element_type3A_173, %cond3A_174 : i32
        scf.if %cond3A_175 {
          %add3A_206 = arith.constant 4 : i32
          %add3A_207 = arith.addi %add3A_149, %add3A_206 : i32
          %sub3A_208 = arith.constant 1 : i32
          %sub3A_209 = arith.subi %add3A_207, %sub3A_208 : i32
          %dma_start3A_210 = arith.constant 0 : i32
          %dma_start3A_211 = tpu.memref_slice %arg7[%sub3A_209, %dma_start3A_210] : memref<32x64xi32, #tpu.memory_space<vmem>> -> memref<1x64xi32, #tpu.memory_space<vmem>>
          %dma_start3A_212 = tpu.memref_squeeze %dma_start3A_211 : memref<1x64xi32, #tpu.memory_space<vmem>> -> memref<64xi32, #tpu.memory_space<vmem>>
          %dma_start3A_213 = arith.constant 0 : i32
          %dma_start3A_214 = arith.constant 0 : i32
          %dma_start3A_215 = tpu.memref_slice %arg2[%dma_start3A_213, %dma_start3A_214] : memref<10000x128xf32, #tpu.memory_space<hbm>> -> memref<10000x128xf32, #tpu.memory_space<hbm>>
          tpu.enqueue_indirect_dma source(%dma_start3A_215 : memref<10000x128xf32, #tpu.memory_space<hbm>>) target(%arg10 : memref<64x128xf32, #tpu.memory_space<vmem>>) offsets(%dma_start3A_212 : memref<64xi32, #tpu.memory_space<vmem>>) semaphore(%arg15 : memref<!tpu.dma_semaphore, #tpu.memory_space<semaphore_mem>>)
        } else {
        }
        %mul3A_176 = arith.constant 4 : i32
        %mul3A_177 = arith.muli %scan3A_88, %mul3A_176 : i32
        %add3A_178 = arith.constant 3 : i32
        %add3A_179 = arith.addi %mul3A_177, %add3A_178 : i32
        %dma_wait3A_180 = arith.constant 0 : i32
        %dma_wait3A_181 = tpu.memref_slice %arg7[%add3A_179, %dma_wait3A_180] : memref<32x64xi32, #tpu.memory_space<vmem>> -> memref<1x64xi32, #tpu.memory_space<vmem>>
        %dma_wait3A_182 = tpu.memref_squeeze %dma_wait3A_181 : memref<1x64xi32, #tpu.memory_space<vmem>> -> memref<64xi32, #tpu.memory_space<vmem>>
        %dma_wait3A_183 = arith.constant 0 : i32
        %dma_wait3A_184 = arith.constant 0 : i32
        %dma_wait3A_185 = tpu.memref_slice %arg2[%dma_wait3A_183, %dma_wait3A_184] : memref<10000x128xf32, #tpu.memory_space<hbm>> -> memref<10000x128xf32, #tpu.memory_space<hbm>>
        tpu.wait_indirect_dma semaphore(%arg17 : memref<!tpu.dma_semaphore, #tpu.memory_space<semaphore_mem>>) src(%dma_wait3A_185 : memref<10000x128xf32, #tpu.memory_space<hbm>>) dst(%arg12 : memref<64x128xf32, #tpu.memory_space<vmem>>)
        %dma_start3A_186 = arith.constant 0 : i32
        %dma_start3A_187 = tpu.memref_slice %arg8[%add3A_179, %dma_start3A_186] : memref<32x64xi32, #tpu.memory_space<vmem>> -> memref<1x64xi32, #tpu.memory_space<vmem>>
        %dma_start3A_188 = tpu.memref_squeeze %dma_start3A_187 : memref<1x64xi32, #tpu.memory_space<vmem>> -> memref<64xi32, #tpu.memory_space<vmem>>
        %dma_start3A_189 = arith.constant 0 : i32
        %dma_start3A_190 = arith.constant 0 : i32
        %dma_start3A_191 = tpu.memref_slice %arg13[%dma_start3A_189, %dma_start3A_190] : memref<10240x128xf32, #tpu.memory_space<vmem_shared>> -> memref<10240x128xf32, #tpu.memory_space<vmem_shared>>
        tpu.enqueue_indirect_dma source(%arg12 : memref<64x128xf32, #tpu.memory_space<vmem>>) target(%dma_start3A_191 : memref<10240x128xf32, #tpu.memory_space<vmem_shared>>) offsets(%dma_start3A_188 : memref<64xi32, #tpu.memory_space<vmem>>) semaphore(%arg21 : memref<!tpu.dma_semaphore, #tpu.memory_space<semaphore_mem>>) {add = true}
        %ge3A_192 = arith.constant 1 : i32
        %ge3A_193 = arith.cmpi sge, %add3A_179, %ge3A_192 : i32
        %convert_element_type3A_194 = arith.extui %ge3A_193 : i1 to i32
        %cond3A_195 = arith.constant 0 : i32
        %cond3A_196 = arith.cmpi ne, %convert_element_type3A_194, %cond3A_195 : i32
        scf.if %cond3A_196 {
          %sub3A_206 = arith.constant 1 : i32
          %sub3A_207 = arith.subi %add3A_179, %sub3A_206 : i32
          %dma_wait3A_208 = arith.constant 0 : i32
          %dma_wait3A_209 = tpu.memref_slice %arg8[%sub3A_207, %dma_wait3A_208] : memref<32x64xi32, #tpu.memory_space<vmem>> -> memref<1x64xi32, #tpu.memory_space<vmem>>
          %dma_wait3A_210 = tpu.memref_squeeze %dma_wait3A_209 : memref<1x64xi32, #tpu.memory_space<vmem>> -> memref<64xi32, #tpu.memory_space<vmem>>
          %dma_wait3A_211 = arith.constant 0 : i32
          %dma_wait3A_212 = arith.constant 0 : i32
          %dma_wait3A_213 = tpu.memref_slice %arg13[%dma_wait3A_211, %dma_wait3A_212] : memref<10240x128xf32, #tpu.memory_space<vmem_shared>> -> memref<10240x128xf32, #tpu.memory_space<vmem_shared>>
          tpu.wait_indirect_dma semaphore(%arg20 : memref<!tpu.dma_semaphore, #tpu.memory_space<semaphore_mem>>) src(%arg11 : memref<64x128xf32, #tpu.memory_space<vmem>>) dst(%dma_wait3A_213 : memref<10240x128xf32, #tpu.memory_space<vmem_shared>>)
        } else {
        }
        %add3A_197 = arith.constant 4 : i32
        %add3A_198 = arith.addi %add3A_179, %add3A_197 : i32
        %sub3A_199 = arith.constant 1 : i32
        %sub3A_200 = arith.subi %add3A_198, %sub3A_199 : i32
        %lt3A_201 = arith.constant 32 : i32
        %lt3A_202 = arith.cmpi slt, %sub3A_200, %lt3A_201 : i32
        %convert_element_type3A_203 = arith.extui %lt3A_202 : i1 to i32
        %cond3A_204 = arith.constant 0 : i32
        %cond3A_205 = arith.cmpi ne, %convert_element_type3A_203, %cond3A_204 : i32
        scf.if %cond3A_205 {
          %add3A_206 = arith.constant 4 : i32
          %add3A_207 = arith.addi %add3A_179, %add3A_206 : i32
          %sub3A_208 = arith.constant 1 : i32
          %sub3A_209 = arith.subi %add3A_207, %sub3A_208 : i32
          %dma_start3A_210 = arith.constant 0 : i32
          %dma_start3A_211 = tpu.memref_slice %arg7[%sub3A_209, %dma_start3A_210] : memref<32x64xi32, #tpu.memory_space<vmem>> -> memref<1x64xi32, #tpu.memory_space<vmem>>
          %dma_start3A_212 = tpu.memref_squeeze %dma_start3A_211 : memref<1x64xi32, #tpu.memory_space<vmem>> -> memref<64xi32, #tpu.memory_space<vmem>>
          %dma_start3A_213 = arith.constant 0 : i32
          %dma_start3A_214 = arith.constant 0 : i32
          %dma_start3A_215 = tpu.memref_slice %arg2[%dma_start3A_213, %dma_start3A_214] : memref<10000x128xf32, #tpu.memory_space<hbm>> -> memref<10000x128xf32, #tpu.memory_space<hbm>>
          tpu.enqueue_indirect_dma source(%dma_start3A_215 : memref<10000x128xf32, #tpu.memory_space<hbm>>) target(%arg11 : memref<64x128xf32, #tpu.memory_space<vmem>>) offsets(%dma_start3A_212 : memref<64xi32, #tpu.memory_space<vmem>>) semaphore(%arg16 : memref<!tpu.dma_semaphore, #tpu.memory_space<semaphore_mem>>)
        } else {
        }
      }
      %scan3A_81 = arith.constant 8 : i32
      %dma_wait3A = arith.constant 31 : i32
      %dma_wait3A_82 = arith.constant 0 : i32
      %dma_wait3A_83 = tpu.memref_slice %arg8[%dma_wait3A, %dma_wait3A_82] : memref<32x64xi32, #tpu.memory_space<vmem>> -> memref<1x64xi32, #tpu.memory_space<vmem>>
      %dma_wait3A_84 = tpu.memref_squeeze %dma_wait3A_83 : memref<1x64xi32, #tpu.memory_space<vmem>> -> memref<64xi32, #tpu.memory_space<vmem>>
      %dma_wait3A_85 = arith.constant 0 : i32
      %dma_wait3A_86 = arith.constant 0 : i32
      %dma_wait3A_87 = tpu.memref_slice %arg13[%dma_wait3A_85, %dma_wait3A_86] : memref<10240x128xf32, #tpu.memory_space<vmem_shared>> -> memref<10240x128xf32, #tpu.memory_space<vmem_shared>>
      tpu.wait_indirect_dma semaphore(%arg21 : memref<!tpu.dma_semaphore, #tpu.memory_space<semaphore_mem>>) src(%arg12 : memref<64x128xf32, #tpu.memory_space<vmem>>) dst(%dma_wait3A_87 : memref<10240x128xf32, #tpu.memory_space<vmem_shared>>)
    } else {
    }
    %gt3A_33 = arith.constant 5 : i32
    %gt3A_34 = arith.cmpi sgt, %select_n3A_10, %gt3A_33 : i32
    %convert_element_type3A_35 = arith.extui %gt3A_34 : i1 to i32
    %cond3A_36 = arith.constant 0 : i32
    %cond3A_37 = arith.cmpi ne, %convert_element_type3A_35, %cond3A_36 : i32
    scf.if %cond3A_37 {
      %add3A_53 = arith.constant 160 : i32
      %add3A_54 = arith.addi %select_n3A, %add3A_53 : i32
      "tpu.region"() ({
        %run_scoped3A = tpu.sem_alloc : memref<!tpu.dma_semaphore, #tpu.memory_space<semaphore_mem>>
        %dma_start3A_88 = arith.constant 0 : i32
        %dma_start3A_89 = tpu.memref_slice %arg3[%add3A_54, %dma_start3A_88] : memref<5120x64xi32, #tpu.memory_space<hbm>> -> memref<32x64xi32, #tpu.memory_space<hbm>>
        %dma_start3A_90 = arith.constant 0 : i32
        %dma_start3A_91 = tpu.memref_slice %arg3[%add3A_54, %dma_start3A_90] : memref<5120x64xi32, #tpu.memory_space<hbm>> -> memref<32x64xi32, #tpu.memory_space<hbm>>
        tpu.enqueue_dma source(%dma_start3A_91 : memref<32x64xi32, #tpu.memory_space<hbm>>) target(%arg7 : memref<32x64xi32, #tpu.memory_space<vmem>>) target_semaphore(%run_scoped3A : memref<!tpu.dma_semaphore, #tpu.memory_space<semaphore_mem>>)
        %dma_wait3A_92 = arith.constant 0 : i32
        %dma_wait3A_93 = tpu.memref_slice %arg3[%add3A_54, %dma_wait3A_92] : memref<5120x64xi32, #tpu.memory_space<hbm>> -> memref<32x64xi32, #tpu.memory_space<hbm>>
        %dma_wait3A_94 = arith.constant 0 : i32
        %dma_wait3A_95 = tpu.memref_slice %arg3[%add3A_54, %dma_wait3A_94] : memref<5120x64xi32, #tpu.memory_space<hbm>> -> memref<32x64xi32, #tpu.memory_space<hbm>>
        tpu.wait_dma2 semaphore(%run_scoped3A : memref<!tpu.dma_semaphore, #tpu.memory_space<semaphore_mem>>) src(%dma_wait3A_95 : memref<32x64xi32, #tpu.memory_space<hbm>>) dst(%arg7 : memref<32x64xi32, #tpu.memory_space<vmem>>)
        tpu.yield
      }) : () -> ()
      %add3A_55 = arith.constant 160 : i32
      %add3A_56 = arith.addi %select_n3A, %add3A_55 : i32
      "tpu.region"() ({
        %run_scoped3A = tpu.sem_alloc : memref<!tpu.dma_semaphore, #tpu.memory_space<semaphore_mem>>
        %dma_start3A_88 = arith.constant 0 : i32
        %dma_start3A_89 = tpu.memref_slice %arg4[%add3A_56, %dma_start3A_88] : memref<5120x64xi32, #tpu.memory_space<hbm>> -> memref<32x64xi32, #tpu.memory_space<hbm>>
        %dma_start3A_90 = arith.constant 0 : i32
        %dma_start3A_91 = tpu.memref_slice %arg4[%add3A_56, %dma_start3A_90] : memref<5120x64xi32, #tpu.memory_space<hbm>> -> memref<32x64xi32, #tpu.memory_space<hbm>>
        tpu.enqueue_dma source(%dma_start3A_91 : memref<32x64xi32, #tpu.memory_space<hbm>>) target(%arg8 : memref<32x64xi32, #tpu.memory_space<vmem>>) target_semaphore(%run_scoped3A : memref<!tpu.dma_semaphore, #tpu.memory_space<semaphore_mem>>)
        %dma_wait3A_92 = arith.constant 0 : i32
        %dma_wait3A_93 = tpu.memref_slice %arg4[%add3A_56, %dma_wait3A_92] : memref<5120x64xi32, #tpu.memory_space<hbm>> -> memref<32x64xi32, #tpu.memory_space<hbm>>
        %dma_wait3A_94 = arith.constant 0 : i32
        %dma_wait3A_95 = tpu.memref_slice %arg4[%add3A_56, %dma_wait3A_94] : memref<5120x64xi32, #tpu.memory_space<hbm>> -> memref<32x64xi32, #tpu.memory_space<hbm>>
        tpu.wait_dma2 semaphore(%run_scoped3A : memref<!tpu.dma_semaphore, #tpu.memory_space<semaphore_mem>>) src(%dma_wait3A_95 : memref<32x64xi32, #tpu.memory_space<hbm>>) dst(%arg8 : memref<32x64xi32, #tpu.memory_space<vmem>>)
        tpu.yield
      }) : () -> ()
      %dma_start3A = arith.constant 0 : i32
      %dma_start3A_57 = arith.constant 0 : i32
      %dma_start3A_58 = tpu.memref_slice %arg7[%dma_start3A, %dma_start3A_57] : memref<32x64xi32, #tpu.memory_space<vmem>> -> memref<1x64xi32, #tpu.memory_space<vmem>>
      %dma_start3A_59 = tpu.memref_squeeze %dma_start3A_58 : memref<1x64xi32, #tpu.memory_space<vmem>> -> memref<64xi32, #tpu.memory_space<vmem>>
      %dma_start3A_60 = arith.constant 0 : i32
      %dma_start3A_61 = arith.constant 0 : i32
      %dma_start3A_62 = tpu.memref_slice %arg2[%dma_start3A_60, %dma_start3A_61] : memref<10000x128xf32, #tpu.memory_space<hbm>> -> memref<10000x128xf32, #tpu.memory_space<hbm>>
      tpu.enqueue_indirect_dma source(%dma_start3A_62 : memref<10000x128xf32, #tpu.memory_space<hbm>>) target(%arg9 : memref<64x128xf32, #tpu.memory_space<vmem>>) offsets(%dma_start3A_59 : memref<64xi32, #tpu.memory_space<vmem>>) semaphore(%arg14 : memref<!tpu.dma_semaphore, #tpu.memory_space<semaphore_mem>>)
      %dma_start3A_63 = arith.constant 1 : i32
      %dma_start3A_64 = arith.constant 0 : i32
      %dma_start3A_65 = tpu.memref_slice %arg7[%dma_start3A_63, %dma_start3A_64] : memref<32x64xi32, #tpu.memory_space<vmem>> -> memref<1x64xi32, #tpu.memory_space<vmem>>
      %dma_start3A_66 = tpu.memref_squeeze %dma_start3A_65 : memref<1x64xi32, #tpu.memory_space<vmem>> -> memref<64xi32, #tpu.memory_space<vmem>>
      %dma_start3A_67 = arith.constant 0 : i32
      %dma_start3A_68 = arith.constant 0 : i32
      %dma_start3A_69 = tpu.memref_slice %arg2[%dma_start3A_67, %dma_start3A_68] : memref<10000x128xf32, #tpu.memory_space<hbm>> -> memref<10000x128xf32, #tpu.memory_space<hbm>>
      tpu.enqueue_indirect_dma source(%dma_start3A_69 : memref<10000x128xf32, #tpu.memory_space<hbm>>) target(%arg10 : memref<64x128xf32, #tpu.memory_space<vmem>>) offsets(%dma_start3A_66 : memref<64xi32, #tpu.memory_space<vmem>>) semaphore(%arg15 : memref<!tpu.dma_semaphore, #tpu.memory_space<semaphore_mem>>)
      %dma_start3A_70 = arith.constant 2 : i32
      %dma_start3A_71 = arith.constant 0 : i32
      %dma_start3A_72 = tpu.memref_slice %arg7[%dma_start3A_70, %dma_start3A_71] : memref<32x64xi32, #tpu.memory_space<vmem>> -> memref<1x64xi32, #tpu.memory_space<vmem>>
      %dma_start3A_73 = tpu.memref_squeeze %dma_start3A_72 : memref<1x64xi32, #tpu.memory_space<vmem>> -> memref<64xi32, #tpu.memory_space<vmem>>
      %dma_start3A_74 = arith.constant 0 : i32
      %dma_start3A_75 = arith.constant 0 : i32
      %dma_start3A_76 = tpu.memref_slice %arg2[%dma_start3A_74, %dma_start3A_75] : memref<10000x128xf32, #tpu.memory_space<hbm>> -> memref<10000x128xf32, #tpu.memory_space<hbm>>
      tpu.enqueue_indirect_dma source(%dma_start3A_76 : memref<10000x128xf32, #tpu.memory_space<hbm>>) target(%arg11 : memref<64x128xf32, #tpu.memory_space<vmem>>) offsets(%dma_start3A_73 : memref<64xi32, #tpu.memory_space<vmem>>) semaphore(%arg16 : memref<!tpu.dma_semaphore, #tpu.memory_space<semaphore_mem>>)
      %scan3A = arith.constant 0 : i32
      %scan3A_77 = arith.constant 0 : i32
      %scan3A_78 = arith.constant 8 : i32
      %scan3A_79 = arith.addi %scan3A_77, %scan3A_78 : i32
      %scan3A_80 = arith.constant 1 : i32
      scf.for %scan3A_88 = %scan3A_77 to %scan3A_79 step %scan3A_80  : i32 {
        %mul3A_89 = arith.constant 4 : i32
        %mul3A_90 = arith.muli %scan3A_88, %mul3A_89 : i32
        %add3A_91 = arith.constant 0 : i32
        %add3A_92 = arith.addi %mul3A_90, %add3A_91 : i32
        %dma_wait3A_93 = arith.constant 0 : i32
        %dma_wait3A_94 = tpu.memref_slice %arg7[%add3A_92, %dma_wait3A_93] : memref<32x64xi32, #tpu.memory_space<vmem>> -> memref<1x64xi32, #tpu.memory_space<vmem>>
        %dma_wait3A_95 = tpu.memref_squeeze %dma_wait3A_94 : memref<1x64xi32, #tpu.memory_space<vmem>> -> memref<64xi32, #tpu.memory_space<vmem>>
        %dma_wait3A_96 = arith.constant 0 : i32
        %dma_wait3A_97 = arith.constant 0 : i32
        %dma_wait3A_98 = tpu.memref_slice %arg2[%dma_wait3A_96, %dma_wait3A_97] : memref<10000x128xf32, #tpu.memory_space<hbm>> -> memref<10000x128xf32, #tpu.memory_space<hbm>>
        tpu.wait_indirect_dma semaphore(%arg14 : memref<!tpu.dma_semaphore, #tpu.memory_space<semaphore_mem>>) src(%dma_wait3A_98 : memref<10000x128xf32, #tpu.memory_space<hbm>>) dst(%arg9 : memref<64x128xf32, #tpu.memory_space<vmem>>)
        %dma_start3A_99 = arith.constant 0 : i32
        %dma_start3A_100 = tpu.memref_slice %arg8[%add3A_92, %dma_start3A_99] : memref<32x64xi32, #tpu.memory_space<vmem>> -> memref<1x64xi32, #tpu.memory_space<vmem>>
        %dma_start3A_101 = tpu.memref_squeeze %dma_start3A_100 : memref<1x64xi32, #tpu.memory_space<vmem>> -> memref<64xi32, #tpu.memory_space<vmem>>
        %dma_start3A_102 = arith.constant 0 : i32
        %dma_start3A_103 = arith.constant 0 : i32
        %dma_start3A_104 = tpu.memref_slice %arg13[%dma_start3A_102, %dma_start3A_103] : memref<10240x128xf32, #tpu.memory_space<vmem_shared>> -> memref<10240x128xf32, #tpu.memory_space<vmem_shared>>
        tpu.enqueue_indirect_dma source(%arg9 : memref<64x128xf32, #tpu.memory_space<vmem>>) target(%dma_start3A_104 : memref<10240x128xf32, #tpu.memory_space<vmem_shared>>) offsets(%dma_start3A_101 : memref<64xi32, #tpu.memory_space<vmem>>) semaphore(%arg18 : memref<!tpu.dma_semaphore, #tpu.memory_space<semaphore_mem>>) {add = true}
        %ge3A = arith.constant 1 : i32
        %ge3A_105 = arith.cmpi sge, %add3A_92, %ge3A : i32
        %convert_element_type3A_106 = arith.extui %ge3A_105 : i1 to i32
        %cond3A_107 = arith.constant 0 : i32
        %cond3A_108 = arith.cmpi ne, %convert_element_type3A_106, %cond3A_107 : i32
        scf.if %cond3A_108 {
          %sub3A_206 = arith.constant 1 : i32
          %sub3A_207 = arith.subi %add3A_92, %sub3A_206 : i32
          %dma_wait3A_208 = arith.constant 0 : i32
          %dma_wait3A_209 = tpu.memref_slice %arg8[%sub3A_207, %dma_wait3A_208] : memref<32x64xi32, #tpu.memory_space<vmem>> -> memref<1x64xi32, #tpu.memory_space<vmem>>
          %dma_wait3A_210 = tpu.memref_squeeze %dma_wait3A_209 : memref<1x64xi32, #tpu.memory_space<vmem>> -> memref<64xi32, #tpu.memory_space<vmem>>
          %dma_wait3A_211 = arith.constant 0 : i32
          %dma_wait3A_212 = arith.constant 0 : i32
          %dma_wait3A_213 = tpu.memref_slice %arg13[%dma_wait3A_211, %dma_wait3A_212] : memref<10240x128xf32, #tpu.memory_space<vmem_shared>> -> memref<10240x128xf32, #tpu.memory_space<vmem_shared>>
          tpu.wait_indirect_dma semaphore(%arg21 : memref<!tpu.dma_semaphore, #tpu.memory_space<semaphore_mem>>) src(%arg12 : memref<64x128xf32, #tpu.memory_space<vmem>>) dst(%dma_wait3A_213 : memref<10240x128xf32, #tpu.memory_space<vmem_shared>>)
        } else {
        }
        %add3A_109 = arith.constant 4 : i32
        %add3A_110 = arith.addi %add3A_92, %add3A_109 : i32
        %sub3A = arith.constant 1 : i32
        %sub3A_111 = arith.subi %add3A_110, %sub3A : i32
        %lt3A = arith.constant 32 : i32
        %lt3A_112 = arith.cmpi slt, %sub3A_111, %lt3A : i32
        %convert_element_type3A_113 = arith.extui %lt3A_112 : i1 to i32
        %cond3A_114 = arith.constant 0 : i32
        %cond3A_115 = arith.cmpi ne, %convert_element_type3A_113, %cond3A_114 : i32
        scf.if %cond3A_115 {
          %add3A_206 = arith.constant 4 : i32
          %add3A_207 = arith.addi %add3A_92, %add3A_206 : i32
          %sub3A_208 = arith.constant 1 : i32
          %sub3A_209 = arith.subi %add3A_207, %sub3A_208 : i32
          %dma_start3A_210 = arith.constant 0 : i32
          %dma_start3A_211 = tpu.memref_slice %arg7[%sub3A_209, %dma_start3A_210] : memref<32x64xi32, #tpu.memory_space<vmem>> -> memref<1x64xi32, #tpu.memory_space<vmem>>
          %dma_start3A_212 = tpu.memref_squeeze %dma_start3A_211 : memref<1x64xi32, #tpu.memory_space<vmem>> -> memref<64xi32, #tpu.memory_space<vmem>>
          %dma_start3A_213 = arith.constant 0 : i32
          %dma_start3A_214 = arith.constant 0 : i32
          %dma_start3A_215 = tpu.memref_slice %arg2[%dma_start3A_213, %dma_start3A_214] : memref<10000x128xf32, #tpu.memory_space<hbm>> -> memref<10000x128xf32, #tpu.memory_space<hbm>>
          tpu.enqueue_indirect_dma source(%dma_start3A_215 : memref<10000x128xf32, #tpu.memory_space<hbm>>) target(%arg12 : memref<64x128xf32, #tpu.memory_space<vmem>>) offsets(%dma_start3A_212 : memref<64xi32, #tpu.memory_space<vmem>>) semaphore(%arg17 : memref<!tpu.dma_semaphore, #tpu.memory_space<semaphore_mem>>)
        } else {
        }
        %mul3A_116 = arith.constant 4 : i32
        %mul3A_117 = arith.muli %scan3A_88, %mul3A_116 : i32
        %add3A_118 = arith.constant 1 : i32
        %add3A_119 = arith.addi %mul3A_117, %add3A_118 : i32
        %dma_wait3A_120 = arith.constant 0 : i32
        %dma_wait3A_121 = tpu.memref_slice %arg7[%add3A_119, %dma_wait3A_120] : memref<32x64xi32, #tpu.memory_space<vmem>> -> memref<1x64xi32, #tpu.memory_space<vmem>>
        %dma_wait3A_122 = tpu.memref_squeeze %dma_wait3A_121 : memref<1x64xi32, #tpu.memory_space<vmem>> -> memref<64xi32, #tpu.memory_space<vmem>>
        %dma_wait3A_123 = arith.constant 0 : i32
        %dma_wait3A_124 = arith.constant 0 : i32
        %dma_wait3A_125 = tpu.memref_slice %arg2[%dma_wait3A_123, %dma_wait3A_124] : memref<10000x128xf32, #tpu.memory_space<hbm>> -> memref<10000x128xf32, #tpu.memory_space<hbm>>
        tpu.wait_indirect_dma semaphore(%arg15 : memref<!tpu.dma_semaphore, #tpu.memory_space<semaphore_mem>>) src(%dma_wait3A_125 : memref<10000x128xf32, #tpu.memory_space<hbm>>) dst(%arg10 : memref<64x128xf32, #tpu.memory_space<vmem>>)
        %dma_start3A_126 = arith.constant 0 : i32
        %dma_start3A_127 = tpu.memref_slice %arg8[%add3A_119, %dma_start3A_126] : memref<32x64xi32, #tpu.memory_space<vmem>> -> memref<1x64xi32, #tpu.memory_space<vmem>>
        %dma_start3A_128 = tpu.memref_squeeze %dma_start3A_127 : memref<1x64xi32, #tpu.memory_space<vmem>> -> memref<64xi32, #tpu.memory_space<vmem>>
        %dma_start3A_129 = arith.constant 0 : i32
        %dma_start3A_130 = arith.constant 0 : i32
        %dma_start3A_131 = tpu.memref_slice %arg13[%dma_start3A_129, %dma_start3A_130] : memref<10240x128xf32, #tpu.memory_space<vmem_shared>> -> memref<10240x128xf32, #tpu.memory_space<vmem_shared>>
        tpu.enqueue_indirect_dma source(%arg10 : memref<64x128xf32, #tpu.memory_space<vmem>>) target(%dma_start3A_131 : memref<10240x128xf32, #tpu.memory_space<vmem_shared>>) offsets(%dma_start3A_128 : memref<64xi32, #tpu.memory_space<vmem>>) semaphore(%arg19 : memref<!tpu.dma_semaphore, #tpu.memory_space<semaphore_mem>>) {add = true}
        %ge3A_132 = arith.constant 1 : i32
        %ge3A_133 = arith.cmpi sge, %add3A_119, %ge3A_132 : i32
        %convert_element_type3A_134 = arith.extui %ge3A_133 : i1 to i32
        %cond3A_135 = arith.constant 0 : i32
        %cond3A_136 = arith.cmpi ne, %convert_element_type3A_134, %cond3A_135 : i32
        scf.if %cond3A_136 {
          %sub3A_206 = arith.constant 1 : i32
          %sub3A_207 = arith.subi %add3A_119, %sub3A_206 : i32
          %dma_wait3A_208 = arith.constant 0 : i32
          %dma_wait3A_209 = tpu.memref_slice %arg8[%sub3A_207, %dma_wait3A_208] : memref<32x64xi32, #tpu.memory_space<vmem>> -> memref<1x64xi32, #tpu.memory_space<vmem>>
          %dma_wait3A_210 = tpu.memref_squeeze %dma_wait3A_209 : memref<1x64xi32, #tpu.memory_space<vmem>> -> memref<64xi32, #tpu.memory_space<vmem>>
          %dma_wait3A_211 = arith.constant 0 : i32
          %dma_wait3A_212 = arith.constant 0 : i32
          %dma_wait3A_213 = tpu.memref_slice %arg13[%dma_wait3A_211, %dma_wait3A_212] : memref<10240x128xf32, #tpu.memory_space<vmem_shared>> -> memref<10240x128xf32, #tpu.memory_space<vmem_shared>>
          tpu.wait_indirect_dma semaphore(%arg18 : memref<!tpu.dma_semaphore, #tpu.memory_space<semaphore_mem>>) src(%arg9 : memref<64x128xf32, #tpu.memory_space<vmem>>) dst(%dma_wait3A_213 : memref<10240x128xf32, #tpu.memory_space<vmem_shared>>)
        } else {
        }
        %add3A_137 = arith.constant 4 : i32
        %add3A_138 = arith.addi %add3A_119, %add3A_137 : i32
        %sub3A_139 = arith.constant 1 : i32
        %sub3A_140 = arith.subi %add3A_138, %sub3A_139 : i32
        %lt3A_141 = arith.constant 32 : i32
        %lt3A_142 = arith.cmpi slt, %sub3A_140, %lt3A_141 : i32
        %convert_element_type3A_143 = arith.extui %lt3A_142 : i1 to i32
        %cond3A_144 = arith.constant 0 : i32
        %cond3A_145 = arith.cmpi ne, %convert_element_type3A_143, %cond3A_144 : i32
        scf.if %cond3A_145 {
          %add3A_206 = arith.constant 4 : i32
          %add3A_207 = arith.addi %add3A_119, %add3A_206 : i32
          %sub3A_208 = arith.constant 1 : i32
          %sub3A_209 = arith.subi %add3A_207, %sub3A_208 : i32
          %dma_start3A_210 = arith.constant 0 : i32
          %dma_start3A_211 = tpu.memref_slice %arg7[%sub3A_209, %dma_start3A_210] : memref<32x64xi32, #tpu.memory_space<vmem>> -> memref<1x64xi32, #tpu.memory_space<vmem>>
          %dma_start3A_212 = tpu.memref_squeeze %dma_start3A_211 : memref<1x64xi32, #tpu.memory_space<vmem>> -> memref<64xi32, #tpu.memory_space<vmem>>
          %dma_start3A_213 = arith.constant 0 : i32
          %dma_start3A_214 = arith.constant 0 : i32
          %dma_start3A_215 = tpu.memref_slice %arg2[%dma_start3A_213, %dma_start3A_214] : memref<10000x128xf32, #tpu.memory_space<hbm>> -> memref<10000x128xf32, #tpu.memory_space<hbm>>
          tpu.enqueue_indirect_dma source(%dma_start3A_215 : memref<10000x128xf32, #tpu.memory_space<hbm>>) target(%arg9 : memref<64x128xf32, #tpu.memory_space<vmem>>) offsets(%dma_start3A_212 : memref<64xi32, #tpu.memory_space<vmem>>) semaphore(%arg14 : memref<!tpu.dma_semaphore, #tpu.memory_space<semaphore_mem>>)
        } else {
        }
        %mul3A_146 = arith.constant 4 : i32
        %mul3A_147 = arith.muli %scan3A_88, %mul3A_146 : i32
        %add3A_148 = arith.constant 2 : i32
        %add3A_149 = arith.addi %mul3A_147, %add3A_148 : i32
        %dma_wait3A_150 = arith.constant 0 : i32
        %dma_wait3A_151 = tpu.memref_slice %arg7[%add3A_149, %dma_wait3A_150] : memref<32x64xi32, #tpu.memory_space<vmem>> -> memref<1x64xi32, #tpu.memory_space<vmem>>
        %dma_wait3A_152 = tpu.memref_squeeze %dma_wait3A_151 : memref<1x64xi32, #tpu.memory_space<vmem>> -> memref<64xi32, #tpu.memory_space<vmem>>
        %dma_wait3A_153 = arith.constant 0 : i32
        %dma_wait3A_154 = arith.constant 0 : i32
        %dma_wait3A_155 = tpu.memref_slice %arg2[%dma_wait3A_153, %dma_wait3A_154] : memref<10000x128xf32, #tpu.memory_space<hbm>> -> memref<10000x128xf32, #tpu.memory_space<hbm>>
        tpu.wait_indirect_dma semaphore(%arg16 : memref<!tpu.dma_semaphore, #tpu.memory_space<semaphore_mem>>) src(%dma_wait3A_155 : memref<10000x128xf32, #tpu.memory_space<hbm>>) dst(%arg11 : memref<64x128xf32, #tpu.memory_space<vmem>>)
        %dma_start3A_156 = arith.constant 0 : i32
        %dma_start3A_157 = tpu.memref_slice %arg8[%add3A_149, %dma_start3A_156] : memref<32x64xi32, #tpu.memory_space<vmem>> -> memref<1x64xi32, #tpu.memory_space<vmem>>
        %dma_start3A_158 = tpu.memref_squeeze %dma_start3A_157 : memref<1x64xi32, #tpu.memory_space<vmem>> -> memref<64xi32, #tpu.memory_space<vmem>>
        %dma_start3A_159 = arith.constant 0 : i32
        %dma_start3A_160 = arith.constant 0 : i32
        %dma_start3A_161 = tpu.memref_slice %arg13[%dma_start3A_159, %dma_start3A_160] : memref<10240x128xf32, #tpu.memory_space<vmem_shared>> -> memref<10240x128xf32, #tpu.memory_space<vmem_shared>>
        tpu.enqueue_indirect_dma source(%arg11 : memref<64x128xf32, #tpu.memory_space<vmem>>) target(%dma_start3A_161 : memref<10240x128xf32, #tpu.memory_space<vmem_shared>>) offsets(%dma_start3A_158 : memref<64xi32, #tpu.memory_space<vmem>>) semaphore(%arg20 : memref<!tpu.dma_semaphore, #tpu.memory_space<semaphore_mem>>) {add = true}
        %ge3A_162 = arith.constant 1 : i32
        %ge3A_163 = arith.cmpi sge, %add3A_149, %ge3A_162 : i32
        %convert_element_type3A_164 = arith.extui %ge3A_163 : i1 to i32
        %cond3A_165 = arith.constant 0 : i32
        %cond3A_166 = arith.cmpi ne, %convert_element_type3A_164, %cond3A_165 : i32
        scf.if %cond3A_166 {
          %sub3A_206 = arith.constant 1 : i32
          %sub3A_207 = arith.subi %add3A_149, %sub3A_206 : i32
          %dma_wait3A_208 = arith.constant 0 : i32
          %dma_wait3A_209 = tpu.memref_slice %arg8[%sub3A_207, %dma_wait3A_208] : memref<32x64xi32, #tpu.memory_space<vmem>> -> memref<1x64xi32, #tpu.memory_space<vmem>>
          %dma_wait3A_210 = tpu.memref_squeeze %dma_wait3A_209 : memref<1x64xi32, #tpu.memory_space<vmem>> -> memref<64xi32, #tpu.memory_space<vmem>>
          %dma_wait3A_211 = arith.constant 0 : i32
          %dma_wait3A_212 = arith.constant 0 : i32
          %dma_wait3A_213 = tpu.memref_slice %arg13[%dma_wait3A_211, %dma_wait3A_212] : memref<10240x128xf32, #tpu.memory_space<vmem_shared>> -> memref<10240x128xf32, #tpu.memory_space<vmem_shared>>
          tpu.wait_indirect_dma semaphore(%arg19 : memref<!tpu.dma_semaphore, #tpu.memory_space<semaphore_mem>>) src(%arg10 : memref<64x128xf32, #tpu.memory_space<vmem>>) dst(%dma_wait3A_213 : memref<10240x128xf32, #tpu.memory_space<vmem_shared>>)
        } else {
        }
        %add3A_167 = arith.constant 4 : i32
        %add3A_168 = arith.addi %add3A_149, %add3A_167 : i32
        %sub3A_169 = arith.constant 1 : i32
        %sub3A_170 = arith.subi %add3A_168, %sub3A_169 : i32
        %lt3A_171 = arith.constant 32 : i32
        %lt3A_172 = arith.cmpi slt, %sub3A_170, %lt3A_171 : i32
        %convert_element_type3A_173 = arith.extui %lt3A_172 : i1 to i32
        %cond3A_174 = arith.constant 0 : i32
        %cond3A_175 = arith.cmpi ne, %convert_element_type3A_173, %cond3A_174 : i32
        scf.if %cond3A_175 {
          %add3A_206 = arith.constant 4 : i32
          %add3A_207 = arith.addi %add3A_149, %add3A_206 : i32
          %sub3A_208 = arith.constant 1 : i32
          %sub3A_209 = arith.subi %add3A_207, %sub3A_208 : i32
          %dma_start3A_210 = arith.constant 0 : i32
          %dma_start3A_211 = tpu.memref_slice %arg7[%sub3A_209, %dma_start3A_210] : memref<32x64xi32, #tpu.memory_space<vmem>> -> memref<1x64xi32, #tpu.memory_space<vmem>>
          %dma_start3A_212 = tpu.memref_squeeze %dma_start3A_211 : memref<1x64xi32, #tpu.memory_space<vmem>> -> memref<64xi32, #tpu.memory_space<vmem>>
          %dma_start3A_213 = arith.constant 0 : i32
          %dma_start3A_214 = arith.constant 0 : i32
          %dma_start3A_215 = tpu.memref_slice %arg2[%dma_start3A_213, %dma_start3A_214] : memref<10000x128xf32, #tpu.memory_space<hbm>> -> memref<10000x128xf32, #tpu.memory_space<hbm>>
          tpu.enqueue_indirect_dma source(%dma_start3A_215 : memref<10000x128xf32, #tpu.memory_space<hbm>>) target(%arg10 : memref<64x128xf32, #tpu.memory_space<vmem>>) offsets(%dma_start3A_212 : memref<64xi32, #tpu.memory_space<vmem>>) semaphore(%arg15 : memref<!tpu.dma_semaphore, #tpu.memory_space<semaphore_mem>>)
        } else {
        }
        %mul3A_176 = arith.constant 4 : i32
        %mul3A_177 = arith.muli %scan3A_88, %mul3A_176 : i32
        %add3A_178 = arith.constant 3 : i32
        %add3A_179 = arith.addi %mul3A_177, %add3A_178 : i32
        %dma_wait3A_180 = arith.constant 0 : i32
        %dma_wait3A_181 = tpu.memref_slice %arg7[%add3A_179, %dma_wait3A_180] : memref<32x64xi32, #tpu.memory_space<vmem>> -> memref<1x64xi32, #tpu.memory_space<vmem>>
        %dma_wait3A_182 = tpu.memref_squeeze %dma_wait3A_181 : memref<1x64xi32, #tpu.memory_space<vmem>> -> memref<64xi32, #tpu.memory_space<vmem>>
        %dma_wait3A_183 = arith.constant 0 : i32
        %dma_wait3A_184 = arith.constant 0 : i32
        %dma_wait3A_185 = tpu.memref_slice %arg2[%dma_wait3A_183, %dma_wait3A_184] : memref<10000x128xf32, #tpu.memory_space<hbm>> -> memref<10000x128xf32, #tpu.memory_space<hbm>>
        tpu.wait_indirect_dma semaphore(%arg17 : memref<!tpu.dma_semaphore, #tpu.memory_space<semaphore_mem>>) src(%dma_wait3A_185 : memref<10000x128xf32, #tpu.memory_space<hbm>>) dst(%arg12 : memref<64x128xf32, #tpu.memory_space<vmem>>)
        %dma_start3A_186 = arith.constant 0 : i32
        %dma_start3A_187 = tpu.memref_slice %arg8[%add3A_179, %dma_start3A_186] : memref<32x64xi32, #tpu.memory_space<vmem>> -> memref<1x64xi32, #tpu.memory_space<vmem>>
        %dma_start3A_188 = tpu.memref_squeeze %dma_start3A_187 : memref<1x64xi32, #tpu.memory_space<vmem>> -> memref<64xi32, #tpu.memory_space<vmem>>
        %dma_start3A_189 = arith.constant 0 : i32
        %dma_start3A_190 = arith.constant 0 : i32
        %dma_start3A_191 = tpu.memref_slice %arg13[%dma_start3A_189, %dma_start3A_190] : memref<10240x128xf32, #tpu.memory_space<vmem_shared>> -> memref<10240x128xf32, #tpu.memory_space<vmem_shared>>
        tpu.enqueue_indirect_dma source(%arg12 : memref<64x128xf32, #tpu.memory_space<vmem>>) target(%dma_start3A_191 : memref<10240x128xf32, #tpu.memory_space<vmem_shared>>) offsets(%dma_start3A_188 : memref<64xi32, #tpu.memory_space<vmem>>) semaphore(%arg21 : memref<!tpu.dma_semaphore, #tpu.memory_space<semaphore_mem>>) {add = true}
        %ge3A_192 = arith.constant 1 : i32
        %ge3A_193 = arith.cmpi sge, %add3A_179, %ge3A_192 : i32
        %convert_element_type3A_194 = arith.extui %ge3A_193 : i1 to i32
        %cond3A_195 = arith.constant 0 : i32
        %cond3A_196 = arith.cmpi ne, %convert_element_type3A_194, %cond3A_195 : i32
        scf.if %cond3A_196 {
          %sub3A_206 = arith.constant 1 : i32
          %sub3A_207 = arith.subi %add3A_179, %sub3A_206 : i32
          %dma_wait3A_208 = arith.constant 0 : i32
          %dma_wait3A_209 = tpu.memref_slice %arg8[%sub3A_207, %dma_wait3A_208] : memref<32x64xi32, #tpu.memory_space<vmem>> -> memref<1x64xi32, #tpu.memory_space<vmem>>
          %dma_wait3A_210 = tpu.memref_squeeze %dma_wait3A_209 : memref<1x64xi32, #tpu.memory_space<vmem>> -> memref<64xi32, #tpu.memory_space<vmem>>
          %dma_wait3A_211 = arith.constant 0 : i32
          %dma_wait3A_212 = arith.constant 0 : i32
          %dma_wait3A_213 = tpu.memref_slice %arg13[%dma_wait3A_211, %dma_wait3A_212] : memref<10240x128xf32, #tpu.memory_space<vmem_shared>> -> memref<10240x128xf32, #tpu.memory_space<vmem_shared>>
          tpu.wait_indirect_dma semaphore(%arg20 : memref<!tpu.dma_semaphore, #tpu.memory_space<semaphore_mem>>) src(%arg11 : memref<64x128xf32, #tpu.memory_space<vmem>>) dst(%dma_wait3A_213 : memref<10240x128xf32, #tpu.memory_space<vmem_shared>>)
        } else {
        }
        %add3A_197 = arith.constant 4 : i32
        %add3A_198 = arith.addi %add3A_179, %add3A_197 : i32
        %sub3A_199 = arith.constant 1 : i32
        %sub3A_200 = arith.subi %add3A_198, %sub3A_199 : i32
        %lt3A_201 = arith.constant 32 : i32
        %lt3A_202 = arith.cmpi slt, %sub3A_200, %lt3A_201 : i32
        %convert_element_type3A_203 = arith.extui %lt3A_202 : i1 to i32
        %cond3A_204 = arith.constant 0 : i32
        %cond3A_205 = arith.cmpi ne, %convert_element_type3A_203, %cond3A_204 : i32
        scf.if %cond3A_205 {
          %add3A_206 = arith.constant 4 : i32
          %add3A_207 = arith.addi %add3A_179, %add3A_206 : i32
          %sub3A_208 = arith.constant 1 : i32
          %sub3A_209 = arith.subi %add3A_207, %sub3A_208 : i32
          %dma_start3A_210 = arith.constant 0 : i32
          %dma_start3A_211 = tpu.memref_slice %arg7[%sub3A_209, %dma_start3A_210] : memref<32x64xi32, #tpu.memory_space<vmem>> -> memref<1x64xi32, #tpu.memory_space<vmem>>
          %dma_start3A_212 = tpu.memref_squeeze %dma_start3A_211 : memref<1x64xi32, #tpu.memory_space<vmem>> -> memref<64xi32, #tpu.memory_space<vmem>>
          %dma_start3A_213 = arith.constant 0 : i32
          %dma_start3A_214 = arith.constant 0 : i32
          %dma_start3A_215 = tpu.memref_slice %arg2[%dma_start3A_213, %dma_start3A_214] : memref<10000x128xf32, #tpu.memory_space<hbm>> -> memref<10000x128xf32, #tpu.memory_space<hbm>>
          tpu.enqueue_indirect_dma source(%dma_start3A_215 : memref<10000x128xf32, #tpu.memory_space<hbm>>) target(%arg11 : memref<64x128xf32, #tpu.memory_space<vmem>>) offsets(%dma_start3A_212 : memref<64xi32, #tpu.memory_space<vmem>>) semaphore(%arg16 : memref<!tpu.dma_semaphore, #tpu.memory_space<semaphore_mem>>)
        } else {
        }
      }
      %scan3A_81 = arith.constant 8 : i32
      %dma_wait3A = arith.constant 31 : i32
      %dma_wait3A_82 = arith.constant 0 : i32
      %dma_wait3A_83 = tpu.memref_slice %arg8[%dma_wait3A, %dma_wait3A_82] : memref<32x64xi32, #tpu.memory_space<vmem>> -> memref<1x64xi32, #tpu.memory_space<vmem>>
      %dma_wait3A_84 = tpu.memref_squeeze %dma_wait3A_83 : memref<1x64xi32, #tpu.memory_space<vmem>> -> memref<64xi32, #tpu.memory_space<vmem>>
      %dma_wait3A_85 = arith.constant 0 : i32
      %dma_wait3A_86 = arith.constant 0 : i32
      %dma_wait3A_87 = tpu.memref_slice %arg13[%dma_wait3A_85, %dma_wait3A_86] : memref<10240x128xf32, #tpu.memory_space<vmem_shared>> -> memref<10240x128xf32, #tpu.memory_space<vmem_shared>>
      tpu.wait_indirect_dma semaphore(%arg21 : memref<!tpu.dma_semaphore, #tpu.memory_space<semaphore_mem>>) src(%arg12 : memref<64x128xf32, #tpu.memory_space<vmem>>) dst(%dma_wait3A_87 : memref<10240x128xf32, #tpu.memory_space<vmem_shared>>)
    } else {
    }
    %gt3A_38 = arith.constant 6 : i32
    %gt3A_39 = arith.cmpi sgt, %select_n3A_10, %gt3A_38 : i32
    %convert_element_type3A_40 = arith.extui %gt3A_39 : i1 to i32
    %cond3A_41 = arith.constant 0 : i32
    %cond3A_42 = arith.cmpi ne, %convert_element_type3A_40, %cond3A_41 : i32
    scf.if %cond3A_42 {
      %add3A_53 = arith.constant 192 : i32
      %add3A_54 = arith.addi %select_n3A, %add3A_53 : i32
      "tpu.region"() ({
        %run_scoped3A = tpu.sem_alloc : memref<!tpu.dma_semaphore, #tpu.memory_space<semaphore_mem>>
        %dma_start3A_88 = arith.constant 0 : i32
        %dma_start3A_89 = tpu.memref_slice %arg3[%add3A_54, %dma_start3A_88] : memref<5120x64xi32, #tpu.memory_space<hbm>> -> memref<32x64xi32, #tpu.memory_space<hbm>>
        %dma_start3A_90 = arith.constant 0 : i32
        %dma_start3A_91 = tpu.memref_slice %arg3[%add3A_54, %dma_start3A_90] : memref<5120x64xi32, #tpu.memory_space<hbm>> -> memref<32x64xi32, #tpu.memory_space<hbm>>
        tpu.enqueue_dma source(%dma_start3A_91 : memref<32x64xi32, #tpu.memory_space<hbm>>) target(%arg7 : memref<32x64xi32, #tpu.memory_space<vmem>>) target_semaphore(%run_scoped3A : memref<!tpu.dma_semaphore, #tpu.memory_space<semaphore_mem>>)
        %dma_wait3A_92 = arith.constant 0 : i32
        %dma_wait3A_93 = tpu.memref_slice %arg3[%add3A_54, %dma_wait3A_92] : memref<5120x64xi32, #tpu.memory_space<hbm>> -> memref<32x64xi32, #tpu.memory_space<hbm>>
        %dma_wait3A_94 = arith.constant 0 : i32
        %dma_wait3A_95 = tpu.memref_slice %arg3[%add3A_54, %dma_wait3A_94] : memref<5120x64xi32, #tpu.memory_space<hbm>> -> memref<32x64xi32, #tpu.memory_space<hbm>>
        tpu.wait_dma2 semaphore(%run_scoped3A : memref<!tpu.dma_semaphore, #tpu.memory_space<semaphore_mem>>) src(%dma_wait3A_95 : memref<32x64xi32, #tpu.memory_space<hbm>>) dst(%arg7 : memref<32x64xi32, #tpu.memory_space<vmem>>)
        tpu.yield
      }) : () -> ()
      %add3A_55 = arith.constant 192 : i32
      %add3A_56 = arith.addi %select_n3A, %add3A_55 : i32
      "tpu.region"() ({
        %run_scoped3A = tpu.sem_alloc : memref<!tpu.dma_semaphore, #tpu.memory_space<semaphore_mem>>
        %dma_start3A_88 = arith.constant 0 : i32
        %dma_start3A_89 = tpu.memref_slice %arg4[%add3A_56, %dma_start3A_88] : memref<5120x64xi32, #tpu.memory_space<hbm>> -> memref<32x64xi32, #tpu.memory_space<hbm>>
        %dma_start3A_90 = arith.constant 0 : i32
        %dma_start3A_91 = tpu.memref_slice %arg4[%add3A_56, %dma_start3A_90] : memref<5120x64xi32, #tpu.memory_space<hbm>> -> memref<32x64xi32, #tpu.memory_space<hbm>>
        tpu.enqueue_dma source(%dma_start3A_91 : memref<32x64xi32, #tpu.memory_space<hbm>>) target(%arg8 : memref<32x64xi32, #tpu.memory_space<vmem>>) target_semaphore(%run_scoped3A : memref<!tpu.dma_semaphore, #tpu.memory_space<semaphore_mem>>)
        %dma_wait3A_92 = arith.constant 0 : i32
        %dma_wait3A_93 = tpu.memref_slice %arg4[%add3A_56, %dma_wait3A_92] : memref<5120x64xi32, #tpu.memory_space<hbm>> -> memref<32x64xi32, #tpu.memory_space<hbm>>
        %dma_wait3A_94 = arith.constant 0 : i32
        %dma_wait3A_95 = tpu.memref_slice %arg4[%add3A_56, %dma_wait3A_94] : memref<5120x64xi32, #tpu.memory_space<hbm>> -> memref<32x64xi32, #tpu.memory_space<hbm>>
        tpu.wait_dma2 semaphore(%run_scoped3A : memref<!tpu.dma_semaphore, #tpu.memory_space<semaphore_mem>>) src(%dma_wait3A_95 : memref<32x64xi32, #tpu.memory_space<hbm>>) dst(%arg8 : memref<32x64xi32, #tpu.memory_space<vmem>>)
        tpu.yield
      }) : () -> ()
      %dma_start3A = arith.constant 0 : i32
      %dma_start3A_57 = arith.constant 0 : i32
      %dma_start3A_58 = tpu.memref_slice %arg7[%dma_start3A, %dma_start3A_57] : memref<32x64xi32, #tpu.memory_space<vmem>> -> memref<1x64xi32, #tpu.memory_space<vmem>>
      %dma_start3A_59 = tpu.memref_squeeze %dma_start3A_58 : memref<1x64xi32, #tpu.memory_space<vmem>> -> memref<64xi32, #tpu.memory_space<vmem>>
      %dma_start3A_60 = arith.constant 0 : i32
      %dma_start3A_61 = arith.constant 0 : i32
      %dma_start3A_62 = tpu.memref_slice %arg2[%dma_start3A_60, %dma_start3A_61] : memref<10000x128xf32, #tpu.memory_space<hbm>> -> memref<10000x128xf32, #tpu.memory_space<hbm>>
      tpu.enqueue_indirect_dma source(%dma_start3A_62 : memref<10000x128xf32, #tpu.memory_space<hbm>>) target(%arg9 : memref<64x128xf32, #tpu.memory_space<vmem>>) offsets(%dma_start3A_59 : memref<64xi32, #tpu.memory_space<vmem>>) semaphore(%arg14 : memref<!tpu.dma_semaphore, #tpu.memory_space<semaphore_mem>>)
      %dma_start3A_63 = arith.constant 1 : i32
      %dma_start3A_64 = arith.constant 0 : i32
      %dma_start3A_65 = tpu.memref_slice %arg7[%dma_start3A_63, %dma_start3A_64] : memref<32x64xi32, #tpu.memory_space<vmem>> -> memref<1x64xi32, #tpu.memory_space<vmem>>
      %dma_start3A_66 = tpu.memref_squeeze %dma_start3A_65 : memref<1x64xi32, #tpu.memory_space<vmem>> -> memref<64xi32, #tpu.memory_space<vmem>>
      %dma_start3A_67 = arith.constant 0 : i32
      %dma_start3A_68 = arith.constant 0 : i32
      %dma_start3A_69 = tpu.memref_slice %arg2[%dma_start3A_67, %dma_start3A_68] : memref<10000x128xf32, #tpu.memory_space<hbm>> -> memref<10000x128xf32, #tpu.memory_space<hbm>>
      tpu.enqueue_indirect_dma source(%dma_start3A_69 : memref<10000x128xf32, #tpu.memory_space<hbm>>) target(%arg10 : memref<64x128xf32, #tpu.memory_space<vmem>>) offsets(%dma_start3A_66 : memref<64xi32, #tpu.memory_space<vmem>>) semaphore(%arg15 : memref<!tpu.dma_semaphore, #tpu.memory_space<semaphore_mem>>)
      %dma_start3A_70 = arith.constant 2 : i32
      %dma_start3A_71 = arith.constant 0 : i32
      %dma_start3A_72 = tpu.memref_slice %arg7[%dma_start3A_70, %dma_start3A_71] : memref<32x64xi32, #tpu.memory_space<vmem>> -> memref<1x64xi32, #tpu.memory_space<vmem>>
      %dma_start3A_73 = tpu.memref_squeeze %dma_start3A_72 : memref<1x64xi32, #tpu.memory_space<vmem>> -> memref<64xi32, #tpu.memory_space<vmem>>
      %dma_start3A_74 = arith.constant 0 : i32
      %dma_start3A_75 = arith.constant 0 : i32
      %dma_start3A_76 = tpu.memref_slice %arg2[%dma_start3A_74, %dma_start3A_75] : memref<10000x128xf32, #tpu.memory_space<hbm>> -> memref<10000x128xf32, #tpu.memory_space<hbm>>
      tpu.enqueue_indirect_dma source(%dma_start3A_76 : memref<10000x128xf32, #tpu.memory_space<hbm>>) target(%arg11 : memref<64x128xf32, #tpu.memory_space<vmem>>) offsets(%dma_start3A_73 : memref<64xi32, #tpu.memory_space<vmem>>) semaphore(%arg16 : memref<!tpu.dma_semaphore, #tpu.memory_space<semaphore_mem>>)
      %scan3A = arith.constant 0 : i32
      %scan3A_77 = arith.constant 0 : i32
      %scan3A_78 = arith.constant 8 : i32
      %scan3A_79 = arith.addi %scan3A_77, %scan3A_78 : i32
      %scan3A_80 = arith.constant 1 : i32
      scf.for %scan3A_88 = %scan3A_77 to %scan3A_79 step %scan3A_80  : i32 {
        %mul3A_89 = arith.constant 4 : i32
        %mul3A_90 = arith.muli %scan3A_88, %mul3A_89 : i32
        %add3A_91 = arith.constant 0 : i32
        %add3A_92 = arith.addi %mul3A_90, %add3A_91 : i32
        %dma_wait3A_93 = arith.constant 0 : i32
        %dma_wait3A_94 = tpu.memref_slice %arg7[%add3A_92, %dma_wait3A_93] : memref<32x64xi32, #tpu.memory_space<vmem>> -> memref<1x64xi32, #tpu.memory_space<vmem>>
        %dma_wait3A_95 = tpu.memref_squeeze %dma_wait3A_94 : memref<1x64xi32, #tpu.memory_space<vmem>> -> memref<64xi32, #tpu.memory_space<vmem>>
        %dma_wait3A_96 = arith.constant 0 : i32
        %dma_wait3A_97 = arith.constant 0 : i32
        %dma_wait3A_98 = tpu.memref_slice %arg2[%dma_wait3A_96, %dma_wait3A_97] : memref<10000x128xf32, #tpu.memory_space<hbm>> -> memref<10000x128xf32, #tpu.memory_space<hbm>>
        tpu.wait_indirect_dma semaphore(%arg14 : memref<!tpu.dma_semaphore, #tpu.memory_space<semaphore_mem>>) src(%dma_wait3A_98 : memref<10000x128xf32, #tpu.memory_space<hbm>>) dst(%arg9 : memref<64x128xf32, #tpu.memory_space<vmem>>)
        %dma_start3A_99 = arith.constant 0 : i32
        %dma_start3A_100 = tpu.memref_slice %arg8[%add3A_92, %dma_start3A_99] : memref<32x64xi32, #tpu.memory_space<vmem>> -> memref<1x64xi32, #tpu.memory_space<vmem>>
        %dma_start3A_101 = tpu.memref_squeeze %dma_start3A_100 : memref<1x64xi32, #tpu.memory_space<vmem>> -> memref<64xi32, #tpu.memory_space<vmem>>
        %dma_start3A_102 = arith.constant 0 : i32
        %dma_start3A_103 = arith.constant 0 : i32
        %dma_start3A_104 = tpu.memref_slice %arg13[%dma_start3A_102, %dma_start3A_103] : memref<10240x128xf32, #tpu.memory_space<vmem_shared>> -> memref<10240x128xf32, #tpu.memory_space<vmem_shared>>
        tpu.enqueue_indirect_dma source(%arg9 : memref<64x128xf32, #tpu.memory_space<vmem>>) target(%dma_start3A_104 : memref<10240x128xf32, #tpu.memory_space<vmem_shared>>) offsets(%dma_start3A_101 : memref<64xi32, #tpu.memory_space<vmem>>) semaphore(%arg18 : memref<!tpu.dma_semaphore, #tpu.memory_space<semaphore_mem>>) {add = true}
        %ge3A = arith.constant 1 : i32
        %ge3A_105 = arith.cmpi sge, %add3A_92, %ge3A : i32
        %convert_element_type3A_106 = arith.extui %ge3A_105 : i1 to i32
        %cond3A_107 = arith.constant 0 : i32
        %cond3A_108 = arith.cmpi ne, %convert_element_type3A_106, %cond3A_107 : i32
        scf.if %cond3A_108 {
          %sub3A_206 = arith.constant 1 : i32
          %sub3A_207 = arith.subi %add3A_92, %sub3A_206 : i32
          %dma_wait3A_208 = arith.constant 0 : i32
          %dma_wait3A_209 = tpu.memref_slice %arg8[%sub3A_207, %dma_wait3A_208] : memref<32x64xi32, #tpu.memory_space<vmem>> -> memref<1x64xi32, #tpu.memory_space<vmem>>
          %dma_wait3A_210 = tpu.memref_squeeze %dma_wait3A_209 : memref<1x64xi32, #tpu.memory_space<vmem>> -> memref<64xi32, #tpu.memory_space<vmem>>
          %dma_wait3A_211 = arith.constant 0 : i32
          %dma_wait3A_212 = arith.constant 0 : i32
          %dma_wait3A_213 = tpu.memref_slice %arg13[%dma_wait3A_211, %dma_wait3A_212] : memref<10240x128xf32, #tpu.memory_space<vmem_shared>> -> memref<10240x128xf32, #tpu.memory_space<vmem_shared>>
          tpu.wait_indirect_dma semaphore(%arg21 : memref<!tpu.dma_semaphore, #tpu.memory_space<semaphore_mem>>) src(%arg12 : memref<64x128xf32, #tpu.memory_space<vmem>>) dst(%dma_wait3A_213 : memref<10240x128xf32, #tpu.memory_space<vmem_shared>>)
        } else {
        }
        %add3A_109 = arith.constant 4 : i32
        %add3A_110 = arith.addi %add3A_92, %add3A_109 : i32
        %sub3A = arith.constant 1 : i32
        %sub3A_111 = arith.subi %add3A_110, %sub3A : i32
        %lt3A = arith.constant 32 : i32
        %lt3A_112 = arith.cmpi slt, %sub3A_111, %lt3A : i32
        %convert_element_type3A_113 = arith.extui %lt3A_112 : i1 to i32
        %cond3A_114 = arith.constant 0 : i32
        %cond3A_115 = arith.cmpi ne, %convert_element_type3A_113, %cond3A_114 : i32
        scf.if %cond3A_115 {
          %add3A_206 = arith.constant 4 : i32
          %add3A_207 = arith.addi %add3A_92, %add3A_206 : i32
          %sub3A_208 = arith.constant 1 : i32
          %sub3A_209 = arith.subi %add3A_207, %sub3A_208 : i32
          %dma_start3A_210 = arith.constant 0 : i32
          %dma_start3A_211 = tpu.memref_slice %arg7[%sub3A_209, %dma_start3A_210] : memref<32x64xi32, #tpu.memory_space<vmem>> -> memref<1x64xi32, #tpu.memory_space<vmem>>
          %dma_start3A_212 = tpu.memref_squeeze %dma_start3A_211 : memref<1x64xi32, #tpu.memory_space<vmem>> -> memref<64xi32, #tpu.memory_space<vmem>>
          %dma_start3A_213 = arith.constant 0 : i32
          %dma_start3A_214 = arith.constant 0 : i32
          %dma_start3A_215 = tpu.memref_slice %arg2[%dma_start3A_213, %dma_start3A_214] : memref<10000x128xf32, #tpu.memory_space<hbm>> -> memref<10000x128xf32, #tpu.memory_space<hbm>>
          tpu.enqueue_indirect_dma source(%dma_start3A_215 : memref<10000x128xf32, #tpu.memory_space<hbm>>) target(%arg12 : memref<64x128xf32, #tpu.memory_space<vmem>>) offsets(%dma_start3A_212 : memref<64xi32, #tpu.memory_space<vmem>>) semaphore(%arg17 : memref<!tpu.dma_semaphore, #tpu.memory_space<semaphore_mem>>)
        } else {
        }
        %mul3A_116 = arith.constant 4 : i32
        %mul3A_117 = arith.muli %scan3A_88, %mul3A_116 : i32
        %add3A_118 = arith.constant 1 : i32
        %add3A_119 = arith.addi %mul3A_117, %add3A_118 : i32
        %dma_wait3A_120 = arith.constant 0 : i32
        %dma_wait3A_121 = tpu.memref_slice %arg7[%add3A_119, %dma_wait3A_120] : memref<32x64xi32, #tpu.memory_space<vmem>> -> memref<1x64xi32, #tpu.memory_space<vmem>>
        %dma_wait3A_122 = tpu.memref_squeeze %dma_wait3A_121 : memref<1x64xi32, #tpu.memory_space<vmem>> -> memref<64xi32, #tpu.memory_space<vmem>>
        %dma_wait3A_123 = arith.constant 0 : i32
        %dma_wait3A_124 = arith.constant 0 : i32
        %dma_wait3A_125 = tpu.memref_slice %arg2[%dma_wait3A_123, %dma_wait3A_124] : memref<10000x128xf32, #tpu.memory_space<hbm>> -> memref<10000x128xf32, #tpu.memory_space<hbm>>
        tpu.wait_indirect_dma semaphore(%arg15 : memref<!tpu.dma_semaphore, #tpu.memory_space<semaphore_mem>>) src(%dma_wait3A_125 : memref<10000x128xf32, #tpu.memory_space<hbm>>) dst(%arg10 : memref<64x128xf32, #tpu.memory_space<vmem>>)
        %dma_start3A_126 = arith.constant 0 : i32
        %dma_start3A_127 = tpu.memref_slice %arg8[%add3A_119, %dma_start3A_126] : memref<32x64xi32, #tpu.memory_space<vmem>> -> memref<1x64xi32, #tpu.memory_space<vmem>>
        %dma_start3A_128 = tpu.memref_squeeze %dma_start3A_127 : memref<1x64xi32, #tpu.memory_space<vmem>> -> memref<64xi32, #tpu.memory_space<vmem>>
        %dma_start3A_129 = arith.constant 0 : i32
        %dma_start3A_130 = arith.constant 0 : i32
        %dma_start3A_131 = tpu.memref_slice %arg13[%dma_start3A_129, %dma_start3A_130] : memref<10240x128xf32, #tpu.memory_space<vmem_shared>> -> memref<10240x128xf32, #tpu.memory_space<vmem_shared>>
        tpu.enqueue_indirect_dma source(%arg10 : memref<64x128xf32, #tpu.memory_space<vmem>>) target(%dma_start3A_131 : memref<10240x128xf32, #tpu.memory_space<vmem_shared>>) offsets(%dma_start3A_128 : memref<64xi32, #tpu.memory_space<vmem>>) semaphore(%arg19 : memref<!tpu.dma_semaphore, #tpu.memory_space<semaphore_mem>>) {add = true}
        %ge3A_132 = arith.constant 1 : i32
        %ge3A_133 = arith.cmpi sge, %add3A_119, %ge3A_132 : i32
        %convert_element_type3A_134 = arith.extui %ge3A_133 : i1 to i32
        %cond3A_135 = arith.constant 0 : i32
        %cond3A_136 = arith.cmpi ne, %convert_element_type3A_134, %cond3A_135 : i32
        scf.if %cond3A_136 {
          %sub3A_206 = arith.constant 1 : i32
          %sub3A_207 = arith.subi %add3A_119, %sub3A_206 : i32
          %dma_wait3A_208 = arith.constant 0 : i32
          %dma_wait3A_209 = tpu.memref_slice %arg8[%sub3A_207, %dma_wait3A_208] : memref<32x64xi32, #tpu.memory_space<vmem>> -> memref<1x64xi32, #tpu.memory_space<vmem>>
          %dma_wait3A_210 = tpu.memref_squeeze %dma_wait3A_209 : memref<1x64xi32, #tpu.memory_space<vmem>> -> memref<64xi32, #tpu.memory_space<vmem>>
          %dma_wait3A_211 = arith.constant 0 : i32
          %dma_wait3A_212 = arith.constant 0 : i32
          %dma_wait3A_213 = tpu.memref_slice %arg13[%dma_wait3A_211, %dma_wait3A_212] : memref<10240x128xf32, #tpu.memory_space<vmem_shared>> -> memref<10240x128xf32, #tpu.memory_space<vmem_shared>>
          tpu.wait_indirect_dma semaphore(%arg18 : memref<!tpu.dma_semaphore, #tpu.memory_space<semaphore_mem>>) src(%arg9 : memref<64x128xf32, #tpu.memory_space<vmem>>) dst(%dma_wait3A_213 : memref<10240x128xf32, #tpu.memory_space<vmem_shared>>)
        } else {
        }
        %add3A_137 = arith.constant 4 : i32
        %add3A_138 = arith.addi %add3A_119, %add3A_137 : i32
        %sub3A_139 = arith.constant 1 : i32
        %sub3A_140 = arith.subi %add3A_138, %sub3A_139 : i32
        %lt3A_141 = arith.constant 32 : i32
        %lt3A_142 = arith.cmpi slt, %sub3A_140, %lt3A_141 : i32
        %convert_element_type3A_143 = arith.extui %lt3A_142 : i1 to i32
        %cond3A_144 = arith.constant 0 : i32
        %cond3A_145 = arith.cmpi ne, %convert_element_type3A_143, %cond3A_144 : i32
        scf.if %cond3A_145 {
          %add3A_206 = arith.constant 4 : i32
          %add3A_207 = arith.addi %add3A_119, %add3A_206 : i32
          %sub3A_208 = arith.constant 1 : i32
          %sub3A_209 = arith.subi %add3A_207, %sub3A_208 : i32
          %dma_start3A_210 = arith.constant 0 : i32
          %dma_start3A_211 = tpu.memref_slice %arg7[%sub3A_209, %dma_start3A_210] : memref<32x64xi32, #tpu.memory_space<vmem>> -> memref<1x64xi32, #tpu.memory_space<vmem>>
          %dma_start3A_212 = tpu.memref_squeeze %dma_start3A_211 : memref<1x64xi32, #tpu.memory_space<vmem>> -> memref<64xi32, #tpu.memory_space<vmem>>
          %dma_start3A_213 = arith.constant 0 : i32
          %dma_start3A_214 = arith.constant 0 : i32
          %dma_start3A_215 = tpu.memref_slice %arg2[%dma_start3A_213, %dma_start3A_214] : memref<10000x128xf32, #tpu.memory_space<hbm>> -> memref<10000x128xf32, #tpu.memory_space<hbm>>
          tpu.enqueue_indirect_dma source(%dma_start3A_215 : memref<10000x128xf32, #tpu.memory_space<hbm>>) target(%arg9 : memref<64x128xf32, #tpu.memory_space<vmem>>) offsets(%dma_start3A_212 : memref<64xi32, #tpu.memory_space<vmem>>) semaphore(%arg14 : memref<!tpu.dma_semaphore, #tpu.memory_space<semaphore_mem>>)
        } else {
        }
        %mul3A_146 = arith.constant 4 : i32
        %mul3A_147 = arith.muli %scan3A_88, %mul3A_146 : i32
        %add3A_148 = arith.constant 2 : i32
        %add3A_149 = arith.addi %mul3A_147, %add3A_148 : i32
        %dma_wait3A_150 = arith.constant 0 : i32
        %dma_wait3A_151 = tpu.memref_slice %arg7[%add3A_149, %dma_wait3A_150] : memref<32x64xi32, #tpu.memory_space<vmem>> -> memref<1x64xi32, #tpu.memory_space<vmem>>
        %dma_wait3A_152 = tpu.memref_squeeze %dma_wait3A_151 : memref<1x64xi32, #tpu.memory_space<vmem>> -> memref<64xi32, #tpu.memory_space<vmem>>
        %dma_wait3A_153 = arith.constant 0 : i32
        %dma_wait3A_154 = arith.constant 0 : i32
        %dma_wait3A_155 = tpu.memref_slice %arg2[%dma_wait3A_153, %dma_wait3A_154] : memref<10000x128xf32, #tpu.memory_space<hbm>> -> memref<10000x128xf32, #tpu.memory_space<hbm>>
        tpu.wait_indirect_dma semaphore(%arg16 : memref<!tpu.dma_semaphore, #tpu.memory_space<semaphore_mem>>) src(%dma_wait3A_155 : memref<10000x128xf32, #tpu.memory_space<hbm>>) dst(%arg11 : memref<64x128xf32, #tpu.memory_space<vmem>>)
        %dma_start3A_156 = arith.constant 0 : i32
        %dma_start3A_157 = tpu.memref_slice %arg8[%add3A_149, %dma_start3A_156] : memref<32x64xi32, #tpu.memory_space<vmem>> -> memref<1x64xi32, #tpu.memory_space<vmem>>
        %dma_start3A_158 = tpu.memref_squeeze %dma_start3A_157 : memref<1x64xi32, #tpu.memory_space<vmem>> -> memref<64xi32, #tpu.memory_space<vmem>>
        %dma_start3A_159 = arith.constant 0 : i32
        %dma_start3A_160 = arith.constant 0 : i32
        %dma_start3A_161 = tpu.memref_slice %arg13[%dma_start3A_159, %dma_start3A_160] : memref<10240x128xf32, #tpu.memory_space<vmem_shared>> -> memref<10240x128xf32, #tpu.memory_space<vmem_shared>>
        tpu.enqueue_indirect_dma source(%arg11 : memref<64x128xf32, #tpu.memory_space<vmem>>) target(%dma_start3A_161 : memref<10240x128xf32, #tpu.memory_space<vmem_shared>>) offsets(%dma_start3A_158 : memref<64xi32, #tpu.memory_space<vmem>>) semaphore(%arg20 : memref<!tpu.dma_semaphore, #tpu.memory_space<semaphore_mem>>) {add = true}
        %ge3A_162 = arith.constant 1 : i32
        %ge3A_163 = arith.cmpi sge, %add3A_149, %ge3A_162 : i32
        %convert_element_type3A_164 = arith.extui %ge3A_163 : i1 to i32
        %cond3A_165 = arith.constant 0 : i32
        %cond3A_166 = arith.cmpi ne, %convert_element_type3A_164, %cond3A_165 : i32
        scf.if %cond3A_166 {
          %sub3A_206 = arith.constant 1 : i32
          %sub3A_207 = arith.subi %add3A_149, %sub3A_206 : i32
          %dma_wait3A_208 = arith.constant 0 : i32
          %dma_wait3A_209 = tpu.memref_slice %arg8[%sub3A_207, %dma_wait3A_208] : memref<32x64xi32, #tpu.memory_space<vmem>> -> memref<1x64xi32, #tpu.memory_space<vmem>>
          %dma_wait3A_210 = tpu.memref_squeeze %dma_wait3A_209 : memref<1x64xi32, #tpu.memory_space<vmem>> -> memref<64xi32, #tpu.memory_space<vmem>>
          %dma_wait3A_211 = arith.constant 0 : i32
          %dma_wait3A_212 = arith.constant 0 : i32
          %dma_wait3A_213 = tpu.memref_slice %arg13[%dma_wait3A_211, %dma_wait3A_212] : memref<10240x128xf32, #tpu.memory_space<vmem_shared>> -> memref<10240x128xf32, #tpu.memory_space<vmem_shared>>
          tpu.wait_indirect_dma semaphore(%arg19 : memref<!tpu.dma_semaphore, #tpu.memory_space<semaphore_mem>>) src(%arg10 : memref<64x128xf32, #tpu.memory_space<vmem>>) dst(%dma_wait3A_213 : memref<10240x128xf32, #tpu.memory_space<vmem_shared>>)
        } else {
        }
        %add3A_167 = arith.constant 4 : i32
        %add3A_168 = arith.addi %add3A_149, %add3A_167 : i32
        %sub3A_169 = arith.constant 1 : i32
        %sub3A_170 = arith.subi %add3A_168, %sub3A_169 : i32
        %lt3A_171 = arith.constant 32 : i32
        %lt3A_172 = arith.cmpi slt, %sub3A_170, %lt3A_171 : i32
        %convert_element_type3A_173 = arith.extui %lt3A_172 : i1 to i32
        %cond3A_174 = arith.constant 0 : i32
        %cond3A_175 = arith.cmpi ne, %convert_element_type3A_173, %cond3A_174 : i32
        scf.if %cond3A_175 {
          %add3A_206 = arith.constant 4 : i32
          %add3A_207 = arith.addi %add3A_149, %add3A_206 : i32
          %sub3A_208 = arith.constant 1 : i32
          %sub3A_209 = arith.subi %add3A_207, %sub3A_208 : i32
          %dma_start3A_210 = arith.constant 0 : i32
          %dma_start3A_211 = tpu.memref_slice %arg7[%sub3A_209, %dma_start3A_210] : memref<32x64xi32, #tpu.memory_space<vmem>> -> memref<1x64xi32, #tpu.memory_space<vmem>>
          %dma_start3A_212 = tpu.memref_squeeze %dma_start3A_211 : memref<1x64xi32, #tpu.memory_space<vmem>> -> memref<64xi32, #tpu.memory_space<vmem>>
          %dma_start3A_213 = arith.constant 0 : i32
          %dma_start3A_214 = arith.constant 0 : i32
          %dma_start3A_215 = tpu.memref_slice %arg2[%dma_start3A_213, %dma_start3A_214] : memref<10000x128xf32, #tpu.memory_space<hbm>> -> memref<10000x128xf32, #tpu.memory_space<hbm>>
          tpu.enqueue_indirect_dma source(%dma_start3A_215 : memref<10000x128xf32, #tpu.memory_space<hbm>>) target(%arg10 : memref<64x128xf32, #tpu.memory_space<vmem>>) offsets(%dma_start3A_212 : memref<64xi32, #tpu.memory_space<vmem>>) semaphore(%arg15 : memref<!tpu.dma_semaphore, #tpu.memory_space<semaphore_mem>>)
        } else {
        }
        %mul3A_176 = arith.constant 4 : i32
        %mul3A_177 = arith.muli %scan3A_88, %mul3A_176 : i32
        %add3A_178 = arith.constant 3 : i32
        %add3A_179 = arith.addi %mul3A_177, %add3A_178 : i32
        %dma_wait3A_180 = arith.constant 0 : i32
        %dma_wait3A_181 = tpu.memref_slice %arg7[%add3A_179, %dma_wait3A_180] : memref<32x64xi32, #tpu.memory_space<vmem>> -> memref<1x64xi32, #tpu.memory_space<vmem>>
        %dma_wait3A_182 = tpu.memref_squeeze %dma_wait3A_181 : memref<1x64xi32, #tpu.memory_space<vmem>> -> memref<64xi32, #tpu.memory_space<vmem>>
        %dma_wait3A_183 = arith.constant 0 : i32
        %dma_wait3A_184 = arith.constant 0 : i32
        %dma_wait3A_185 = tpu.memref_slice %arg2[%dma_wait3A_183, %dma_wait3A_184] : memref<10000x128xf32, #tpu.memory_space<hbm>> -> memref<10000x128xf32, #tpu.memory_space<hbm>>
        tpu.wait_indirect_dma semaphore(%arg17 : memref<!tpu.dma_semaphore, #tpu.memory_space<semaphore_mem>>) src(%dma_wait3A_185 : memref<10000x128xf32, #tpu.memory_space<hbm>>) dst(%arg12 : memref<64x128xf32, #tpu.memory_space<vmem>>)
        %dma_start3A_186 = arith.constant 0 : i32
        %dma_start3A_187 = tpu.memref_slice %arg8[%add3A_179, %dma_start3A_186] : memref<32x64xi32, #tpu.memory_space<vmem>> -> memref<1x64xi32, #tpu.memory_space<vmem>>
        %dma_start3A_188 = tpu.memref_squeeze %dma_start3A_187 : memref<1x64xi32, #tpu.memory_space<vmem>> -> memref<64xi32, #tpu.memory_space<vmem>>
        %dma_start3A_189 = arith.constant 0 : i32
        %dma_start3A_190 = arith.constant 0 : i32
        %dma_start3A_191 = tpu.memref_slice %arg13[%dma_start3A_189, %dma_start3A_190] : memref<10240x128xf32, #tpu.memory_space<vmem_shared>> -> memref<10240x128xf32, #tpu.memory_space<vmem_shared>>
        tpu.enqueue_indirect_dma source(%arg12 : memref<64x128xf32, #tpu.memory_space<vmem>>) target(%dma_start3A_191 : memref<10240x128xf32, #tpu.memory_space<vmem_shared>>) offsets(%dma_start3A_188 : memref<64xi32, #tpu.memory_space<vmem>>) semaphore(%arg21 : memref<!tpu.dma_semaphore, #tpu.memory_space<semaphore_mem>>) {add = true}
        %ge3A_192 = arith.constant 1 : i32
        %ge3A_193 = arith.cmpi sge, %add3A_179, %ge3A_192 : i32
        %convert_element_type3A_194 = arith.extui %ge3A_193 : i1 to i32
        %cond3A_195 = arith.constant 0 : i32
        %cond3A_196 = arith.cmpi ne, %convert_element_type3A_194, %cond3A_195 : i32
        scf.if %cond3A_196 {
          %sub3A_206 = arith.constant 1 : i32
          %sub3A_207 = arith.subi %add3A_179, %sub3A_206 : i32
          %dma_wait3A_208 = arith.constant 0 : i32
          %dma_wait3A_209 = tpu.memref_slice %arg8[%sub3A_207, %dma_wait3A_208] : memref<32x64xi32, #tpu.memory_space<vmem>> -> memref<1x64xi32, #tpu.memory_space<vmem>>
          %dma_wait3A_210 = tpu.memref_squeeze %dma_wait3A_209 : memref<1x64xi32, #tpu.memory_space<vmem>> -> memref<64xi32, #tpu.memory_space<vmem>>
          %dma_wait3A_211 = arith.constant 0 : i32
          %dma_wait3A_212 = arith.constant 0 : i32
          %dma_wait3A_213 = tpu.memref_slice %arg13[%dma_wait3A_211, %dma_wait3A_212] : memref<10240x128xf32, #tpu.memory_space<vmem_shared>> -> memref<10240x128xf32, #tpu.memory_space<vmem_shared>>
          tpu.wait_indirect_dma semaphore(%arg20 : memref<!tpu.dma_semaphore, #tpu.memory_space<semaphore_mem>>) src(%arg11 : memref<64x128xf32, #tpu.memory_space<vmem>>) dst(%dma_wait3A_213 : memref<10240x128xf32, #tpu.memory_space<vmem_shared>>)
        } else {
        }
        %add3A_197 = arith.constant 4 : i32
        %add3A_198 = arith.addi %add3A_179, %add3A_197 : i32
        %sub3A_199 = arith.constant 1 : i32
        %sub3A_200 = arith.subi %add3A_198, %sub3A_199 : i32
        %lt3A_201 = arith.constant 32 : i32
        %lt3A_202 = arith.cmpi slt, %sub3A_200, %lt3A_201 : i32
        %convert_element_type3A_203 = arith.extui %lt3A_202 : i1 to i32
        %cond3A_204 = arith.constant 0 : i32
        %cond3A_205 = arith.cmpi ne, %convert_element_type3A_203, %cond3A_204 : i32
        scf.if %cond3A_205 {
          %add3A_206 = arith.constant 4 : i32
          %add3A_207 = arith.addi %add3A_179, %add3A_206 : i32
          %sub3A_208 = arith.constant 1 : i32
          %sub3A_209 = arith.subi %add3A_207, %sub3A_208 : i32
          %dma_start3A_210 = arith.constant 0 : i32
          %dma_start3A_211 = tpu.memref_slice %arg7[%sub3A_209, %dma_start3A_210] : memref<32x64xi32, #tpu.memory_space<vmem>> -> memref<1x64xi32, #tpu.memory_space<vmem>>
          %dma_start3A_212 = tpu.memref_squeeze %dma_start3A_211 : memref<1x64xi32, #tpu.memory_space<vmem>> -> memref<64xi32, #tpu.memory_space<vmem>>
          %dma_start3A_213 = arith.constant 0 : i32
          %dma_start3A_214 = arith.constant 0 : i32
          %dma_start3A_215 = tpu.memref_slice %arg2[%dma_start3A_213, %dma_start3A_214] : memref<10000x128xf32, #tpu.memory_space<hbm>> -> memref<10000x128xf32, #tpu.memory_space<hbm>>
          tpu.enqueue_indirect_dma source(%dma_start3A_215 : memref<10000x128xf32, #tpu.memory_space<hbm>>) target(%arg11 : memref<64x128xf32, #tpu.memory_space<vmem>>) offsets(%dma_start3A_212 : memref<64xi32, #tpu.memory_space<vmem>>) semaphore(%arg16 : memref<!tpu.dma_semaphore, #tpu.memory_space<semaphore_mem>>)
        } else {
        }
      }
      %scan3A_81 = arith.constant 8 : i32
      %dma_wait3A = arith.constant 31 : i32
      %dma_wait3A_82 = arith.constant 0 : i32
      %dma_wait3A_83 = tpu.memref_slice %arg8[%dma_wait3A, %dma_wait3A_82] : memref<32x64xi32, #tpu.memory_space<vmem>> -> memref<1x64xi32, #tpu.memory_space<vmem>>
      %dma_wait3A_84 = tpu.memref_squeeze %dma_wait3A_83 : memref<1x64xi32, #tpu.memory_space<vmem>> -> memref<64xi32, #tpu.memory_space<vmem>>
      %dma_wait3A_85 = arith.constant 0 : i32
      %dma_wait3A_86 = arith.constant 0 : i32
      %dma_wait3A_87 = tpu.memref_slice %arg13[%dma_wait3A_85, %dma_wait3A_86] : memref<10240x128xf32, #tpu.memory_space<vmem_shared>> -> memref<10240x128xf32, #tpu.memory_space<vmem_shared>>
      tpu.wait_indirect_dma semaphore(%arg21 : memref<!tpu.dma_semaphore, #tpu.memory_space<semaphore_mem>>) src(%arg12 : memref<64x128xf32, #tpu.memory_space<vmem>>) dst(%dma_wait3A_87 : memref<10240x128xf32, #tpu.memory_space<vmem_shared>>)
    } else {
    }
    %barrier3A_43 = arith.constant 0 : index
    tpu.barrier barrier_id(%barrier3A_43)
    %mul3A_44 = arith.constant 624 : i32
    %mul3A_45 = arith.muli %arg1, %mul3A_44 : i32
    %mul3A_46 = arith.constant 624 : i32
    %mul3A_47 = arith.muli %arg1, %mul3A_46 : i32
    "tpu.region"() ({
      %run_scoped3A = tpu.sem_alloc : memref<!tpu.dma_semaphore, #tpu.memory_space<semaphore_mem>>
      %dma_start3A = arith.constant 0 : i32
      %dma_start3A_53 = tpu.memref_slice %arg6[%arg0, %mul3A_47, %dma_start3A] : memref<2x10000x128xf32, #tpu.memory_space<hbm>> -> memref<1x624x128xf32, #tpu.memory_space<hbm>>
      %dma_start3A_54 = tpu.memref_squeeze %dma_start3A_53 : memref<1x624x128xf32, #tpu.memory_space<hbm>> -> memref<624x128xf32, #tpu.memory_space<hbm>>
      %dma_start3A_55 = arith.constant 0 : i32
      %dma_start3A_56 = tpu.memref_slice %arg13[%mul3A_45, %dma_start3A_55] : memref<10240x128xf32, #tpu.memory_space<vmem_shared>> -> memref<624x128xf32, #tpu.memory_space<vmem_shared>>
      tpu.enqueue_dma source(%dma_start3A_56 : memref<624x128xf32, #tpu.memory_space<vmem_shared>>) target(%dma_start3A_54 : memref<624x128xf32, #tpu.memory_space<hbm>>) target_semaphore(%run_scoped3A : memref<!tpu.dma_semaphore, #tpu.memory_space<semaphore_mem>>)
      %dma_wait3A = arith.constant 0 : i32
      %dma_wait3A_57 = tpu.memref_slice %arg6[%arg0, %mul3A_47, %dma_wait3A] : memref<2x10000x128xf32, #tpu.memory_space<hbm>> -> memref<1x624x128xf32, #tpu.memory_space<hbm>>
      %dma_wait3A_58 = tpu.memref_squeeze %dma_wait3A_57 : memref<1x624x128xf32, #tpu.memory_space<hbm>> -> memref<624x128xf32, #tpu.memory_space<hbm>>
      %dma_wait3A_59 = arith.constant 0 : i32
      %dma_wait3A_60 = tpu.memref_slice %arg13[%mul3A_45, %dma_wait3A_59] : memref<10240x128xf32, #tpu.memory_space<vmem_shared>> -> memref<624x128xf32, #tpu.memory_space<vmem_shared>>
      tpu.wait_dma2 semaphore(%run_scoped3A : memref<!tpu.dma_semaphore, #tpu.memory_space<semaphore_mem>>) src(%dma_wait3A_60 : memref<624x128xf32, #tpu.memory_space<vmem_shared>>) dst(%dma_wait3A_58 : memref<624x128xf32, #tpu.memory_space<hbm>>)
      tpu.yield
    }) : () -> ()
    %eq3A_48 = arith.constant 15 : i32
    %eq3A_49 = arith.cmpi eq, %arg1, %eq3A_48 : i32
    %convert_element_type3A_50 = arith.extui %eq3A_49 : i1 to i32
    %cond3A_51 = arith.constant 0 : i32
    %cond3A_52 = arith.cmpi ne, %convert_element_type3A_50, %cond3A_51 : i32
    scf.if %cond3A_52 {
      "tpu.region"() ({
        %run_scoped3A = tpu.sem_alloc : memref<!tpu.dma_semaphore, #tpu.memory_space<semaphore_mem>>
        %dma_start3A = arith.constant 9984 : i32
        %dma_start3A_53 = arith.constant 0 : i32
        %dma_start3A_54 = tpu.memref_slice %arg6[%arg0, %dma_start3A, %dma_start3A_53] : memref<2x10000x128xf32, #tpu.memory_space<hbm>> -> memref<1x16x128xf32, #tpu.memory_space<hbm>>
        %dma_start3A_55 = tpu.memref_squeeze %dma_start3A_54 : memref<1x16x128xf32, #tpu.memory_space<hbm>> -> memref<16x128xf32, #tpu.memory_space<hbm>>
        %dma_start3A_56 = arith.constant 9984 : i32
        %dma_start3A_57 = arith.constant 0 : i32
        %dma_start3A_58 = tpu.memref_slice %arg13[%dma_start3A_56, %dma_start3A_57] : memref<10240x128xf32, #tpu.memory_space<vmem_shared>> -> memref<16x128xf32, #tpu.memory_space<vmem_shared>>
        tpu.enqueue_dma source(%dma_start3A_58 : memref<16x128xf32, #tpu.memory_space<vmem_shared>>) target(%dma_start3A_55 : memref<16x128xf32, #tpu.memory_space<hbm>>) target_semaphore(%run_scoped3A : memref<!tpu.dma_semaphore, #tpu.memory_space<semaphore_mem>>)
        %dma_wait3A = arith.constant 9984 : i32
        %dma_wait3A_59 = arith.constant 0 : i32
        %dma_wait3A_60 = tpu.memref_slice %arg6[%arg0, %dma_wait3A, %dma_wait3A_59] : memref<2x10000x128xf32, #tpu.memory_space<hbm>> -> memref<1x16x128xf32, #tpu.memory_space<hbm>>
        %dma_wait3A_61 = tpu.memref_squeeze %dma_wait3A_60 : memref<1x16x128xf32, #tpu.memory_space<hbm>> -> memref<16x128xf32, #tpu.memory_space<hbm>>
        %dma_wait3A_62 = arith.constant 9984 : i32
        %dma_wait3A_63 = arith.constant 0 : i32
        %dma_wait3A_64 = tpu.memref_slice %arg13[%dma_wait3A_62, %dma_wait3A_63] : memref<10240x128xf32, #tpu.memory_space<vmem_shared>> -> memref<16x128xf32, #tpu.memory_space<vmem_shared>>
        tpu.wait_dma2 semaphore(%run_scoped3A : memref<!tpu.dma_semaphore, #tpu.memory_space<semaphore_mem>>) src(%dma_wait3A_64 : memref<16x128xf32, #tpu.memory_space<vmem_shared>>) dst(%dma_wait3A_61 : memref<16x128xf32, #tpu.memory_space<hbm>>)
        tpu.yield
      }) : () -> ()
    } else {
    }
    return
  }
}

module attributes {stable_mosaic.version = 14 : i64} {
  func.func @_scale_body(%arg0: memref<32x10240xf32, #tpu.memory_space<vmem>>, %arg1: memref<10240xf32, #tpu.memory_space<vmem>>, %arg2: memref<10240xf32, #tpu.memory_space<vmem>>) attributes {dimension_semantics = [], scalar_prefetch = 0 : i64, scratch_operands = 0 : i64, tpu.core_type = #tpu.core_type<tc>} {
    %get3A = arith.constant 0 : index
    %get3A_0 = arith.constant 0 : index
    %get3A_1 = vector.load %arg0[%get3A, %get3A_0] : memref<32x10240xf32, #tpu.memory_space<vmem>>, vector<32x10240xf32>
    %reduce_sum3A = arith.constant dense<0.000000e+00> : vector<10240xf32>
    %reduce_sum3A_2 = vector.multi_reduction <add>, %get3A_1, %reduce_sum3A [0] : vector<32x10240xf32> to vector<10240xf32>
    %add3A = arith.constant 1.000000e+00 : f32
    %add3A_3 = vector.broadcast %add3A : f32 to vector<10240xf32>
    %add3A_4 = arith.addf %reduce_sum3A_2, %add3A_3 : vector<10240xf32>
    %div3A = arith.constant 1.000000e+00 : f32
    %div3A_5 = vector.broadcast %div3A : f32 to vector<10240xf32>
    %div3A_6 = arith.divf %div3A_5, %add3A_4 : vector<10240xf32>
    %swap3A = arith.constant 0 : index
    %swap3A_7 = vector.load %arg2[%swap3A] : memref<10240xf32, #tpu.memory_space<vmem>>, vector<10240xf32>
    tpu.vector_store %arg2[%swap3A], %div3A_6 {strides = array<i32>} : memref<10240xf32, #tpu.memory_space<vmem>>, vector<10240xf32>,
    %rsqrt3A = math.rsqrt %add3A_4 : vector<10240xf32>
    %swap3A_8 = arith.constant 0 : index
    %swap3A_9 = vector.load %arg1[%swap3A_8] : memref<10240xf32, #tpu.memory_space<vmem>>, vector<10240xf32>
    tpu.vector_store %arg1[%swap3A_8], %rsqrt3A {strides = array<i32>} : memref<10240xf32, #tpu.memory_space<vmem>>, vector<10240xf32>,
    return
  }
}

module attributes {stable_mosaic.version = 14 : i64} {
  func.func @_proj_body(%arg0: memref<10000x128xf32, #tpu.memory_space<vmem>>, %arg1: memref<128x128xf32, #tpu.memory_space<vmem>>, %arg2: memref<1x128xf32, #tpu.memory_space<vmem>>, %arg3: memref<128x128xf32, #tpu.memory_space<vmem>>, %arg4: memref<10000x1xf32, #tpu.memory_space<vmem>>, %arg5: memref<10000x128xf32, #tpu.memory_space<vmem>>, %arg6: memref<10000x128xf32, #tpu.memory_space<vmem>>, %arg7: memref<10000x128xf32, #tpu.memory_space<vmem>>) attributes {dimension_semantics = [], scalar_prefetch = 0 : i64, scratch_operands = 0 : i64, tpu.core_type = #tpu.core_type<tc>} {
    %get3A = arith.constant 0 : index
    %get3A_0 = arith.constant 0 : index
    %get3A_1 = vector.load %arg0[%get3A, %get3A_0] : memref<10000x128xf32, #tpu.memory_space<vmem>>, vector<10000x128xf32>
    %get3A_2 = arith.constant 0 : index
    %get3A_3 = arith.constant 0 : index
    %get3A_4 = vector.load %arg1[%get3A_2, %get3A_3] : memref<128x128xf32, #tpu.memory_space<vmem>>, vector<128x128xf32>
    %dot_general3A = arith.constant dense<0.000000e+00> : vector<10000x128xf32>
    %dot_general3A_5 = tpu.matmul %get3A_1, %get3A_4, %dot_general3A {dimension_numbers = #tpu.dot_dimension_numbers<[1], [0], [0], [1], [0, 0, 1, 1], [], []>, transpose_lhs_hint = false} : vector<10000x128xf32>, vector<128x128xf32>, vector<10000x128xf32> -> vector<10000x128xf32>
    %get3A_6 = arith.constant 0 : index
    %get3A_7 = arith.constant 0 : index
    %get3A_8 = vector.load %arg2[%get3A_6, %get3A_7] : memref<1x128xf32, #tpu.memory_space<vmem>>, vector<1x128xf32>
    %add3A = vector.broadcast %get3A_8 : vector<1x128xf32> to vector<10000x128xf32>
    %add3A_9 = arith.addf %dot_general3A_5, %add3A : vector<10000x128xf32>
    %get3A_10 = arith.constant 0 : index
    %get3A_11 = arith.constant 0 : index
    %get3A_12 = vector.load %arg3[%get3A_10, %get3A_11] : memref<128x128xf32, #tpu.memory_space<vmem>>, vector<128x128xf32>
    %dot_general3A_13 = arith.constant dense<0.000000e+00> : vector<10000x128xf32>
    %dot_general3A_14 = tpu.matmul %add3A_9, %get3A_12, %dot_general3A_13 {dimension_numbers = #tpu.dot_dimension_numbers<[1], [0], [0], [1], [0, 0, 1, 1], [], []>, transpose_lhs_hint = false} : vector<10000x128xf32>, vector<128x128xf32>, vector<10000x128xf32> -> vector<10000x128xf32>
    %swap3A = arith.constant 0 : index
    %swap3A_15 = arith.constant 0 : index
    %swap3A_16 = vector.load %arg5[%swap3A, %swap3A_15] : memref<10000x128xf32, #tpu.memory_space<vmem>>, vector<10000x128xf32>
    tpu.vector_store %arg5[%swap3A, %swap3A_15], %add3A_9 {strides = array<i32>} : memref<10000x128xf32, #tpu.memory_space<vmem>>, vector<10000x128xf32>,
    %swap3A_17 = arith.constant 0 : index
    %swap3A_18 = arith.constant 0 : index
    %swap3A_19 = vector.load %arg6[%swap3A_17, %swap3A_18] : memref<10000x128xf32, #tpu.memory_space<vmem>>, vector<10000x128xf32>
    tpu.vector_store %arg6[%swap3A_17, %swap3A_18], %dot_general3A_14 {strides = array<i32>} : memref<10000x128xf32, #tpu.memory_space<vmem>>, vector<10000x128xf32>,
    %get3A_20 = arith.constant 0 : index
    %get3A_21 = arith.constant 0 : index
    %get3A_22 = vector.load %arg4[%get3A_20, %get3A_21] : memref<10000x1xf32, #tpu.memory_space<vmem>>, vector<10000x1xf32>
    %mul3A = vector.broadcast %get3A_22 : vector<10000x1xf32> to vector<10000x128xf32>
    %mul3A_23 = arith.mulf %dot_general3A_14, %mul3A : vector<10000x128xf32>
    %swap3A_24 = arith.constant 0 : index
    %swap3A_25 = arith.constant 0 : index
    %swap3A_26 = vector.load %arg7[%swap3A_24, %swap3A_25] : memref<10000x128xf32, #tpu.memory_space<vmem>>, vector<10000x128xf32>
    tpu.vector_store %arg7[%swap3A_24, %swap3A_25], %mul3A_23 {strides = array<i32>} : memref<10000x128xf32, #tpu.memory_space<vmem>>, vector<10000x128xf32>,
    return
  }
}

module attributes {stable_mosaic.version = 14 : i64} {
  func.func @_epi_body(%arg0: i32, %arg1: memref<2x1000x128xf32, #tpu.memory_space<vmem>>, %arg2: memref<1000x128xf32, #tpu.memory_space<vmem>>, %arg3: memref<1000x128xf32, #tpu.memory_space<vmem>>, %arg4: memref<1000x1xf32, #tpu.memory_space<vmem>>, %arg5: memref<1000x1xf32, #tpu.memory_space<vmem>>, %arg6: memref<1x128xf32, #tpu.memory_space<vmem>>, %arg7: memref<1x128xf32, #tpu.memory_space<vmem>>, %arg8: memref<1x128xf32, #tpu.memory_space<vmem>>, %arg9: memref<128x8xf32, #tpu.memory_space<vmem>>, %arg10: memref<1000x128xf32, #tpu.memory_space<vmem>>, %arg11: memref<1000x8xf32, #tpu.memory_space<vmem>>) attributes {dimension_semantics = [#tpu.dimension_semantics<arbitrary>], iteration_bounds = array<i64: 10>, scalar_prefetch = 0 : i64, scratch_operands = 0 : i64, tpu.core_type = #tpu.core_type<tc>, window_params = [{transform_indices = @transform_0, window_bounds = array<i64: 2, 1000, 128>}, {transform_indices = @transform_1, window_bounds = array<i64: 1000, 128>}, {transform_indices = @transform_2, window_bounds = array<i64: 1000, 128>}, {transform_indices = @transform_3, window_bounds = array<i64: 1000, 1>}, {transform_indices = @transform_4, window_bounds = array<i64: 1000, 1>}, {pipeline_mode = #tpu.pipeline_mode<synchronous>, transform_indices = @transform_5, window_bounds = array<i64: 1, 128>}, {pipeline_mode = #tpu.pipeline_mode<synchronous>, transform_indices = @transform_6, window_bounds = array<i64: 1, 128>}, {pipeline_mode = #tpu.pipeline_mode<synchronous>, transform_indices = @transform_7, window_bounds = array<i64: 1, 128>}, {pipeline_mode = #tpu.pipeline_mode<synchronous>, transform_indices = @transform_8, window_bounds = array<i64: 128, 8>}, {transform_indices = @transform_9, window_bounds = array<i64: 1000, 128>}, {transform_indices = @transform_10, window_bounds = array<i64: 1000, 8>}]} {
    %get3A = arith.constant 0 : index
    %get3A_0 = arith.constant 0 : index
    %get3A_1 = arith.constant 0 : index
    %get3A_2 = vector.load %arg1[%get3A, %get3A_0, %get3A_1] : memref<2x1000x128xf32, #tpu.memory_space<vmem>>, vector<1x1000x128xf32>
    %get3A_3 = vector.shape_cast %get3A_2 : vector<1x1000x128xf32> to vector<1000x128xf32>
    %get3A_4 = arith.constant 1 : index
    %get3A_5 = arith.constant 0 : index
    %get3A_6 = arith.constant 0 : index
    %get3A_7 = vector.load %arg1[%get3A_4, %get3A_5, %get3A_6] : memref<2x1000x128xf32, #tpu.memory_space<vmem>>, vector<1x1000x128xf32>
    %get3A_8 = vector.shape_cast %get3A_7 : vector<1x1000x128xf32> to vector<1000x128xf32>
    %add3A = arith.addf %get3A_3, %get3A_8 : vector<1000x128xf32>
    %get3A_9 = arith.constant 0 : index
    %get3A_10 = arith.constant 0 : index
    %get3A_11 = vector.load %arg4[%get3A_9, %get3A_10] : memref<1000x1xf32, #tpu.memory_space<vmem>>, vector<1000x1xf32>
    %mul3A = vector.broadcast %get3A_11 : vector<1000x1xf32> to vector<1000x128xf32>
    %mul3A_12 = arith.mulf %add3A, %mul3A : vector<1000x128xf32>
    %get3A_13 = arith.constant 0 : index
    %get3A_14 = arith.constant 0 : index
    %get3A_15 = vector.load %arg2[%get3A_13, %get3A_14] : memref<1000x128xf32, #tpu.memory_space<vmem>>, vector<1000x128xf32>
    %get3A_16 = arith.constant 0 : index
    %get3A_17 = arith.constant 0 : index
    %get3A_18 = vector.load %arg5[%get3A_16, %get3A_17] : memref<1000x1xf32, #tpu.memory_space<vmem>>, vector<1000x1xf32>
    %mul3A_19 = vector.broadcast %get3A_18 : vector<1000x1xf32> to vector<1000x128xf32>
    %mul3A_20 = arith.mulf %get3A_15, %mul3A_19 : vector<1000x128xf32>
    %add3A_21 = arith.addf %mul3A_12, %mul3A_20 : vector<1000x128xf32>
    %get3A_22 = arith.constant 0 : index
    %get3A_23 = arith.constant 0 : index
    %get3A_24 = vector.load %arg6[%get3A_22, %get3A_23] : memref<1x128xf32, #tpu.memory_space<vmem>>, vector<1x128xf32>
    %add3A_25 = vector.broadcast %get3A_24 : vector<1x128xf32> to vector<1000x128xf32>
    %add3A_26 = arith.addf %add3A_21, %add3A_25 : vector<1000x128xf32>
    %mul3A_27 = arith.constant 5.000000e-01 : f32
    %mul3A_28 = vector.broadcast %mul3A_27 : f32 to vector<1000x128xf32>
    %mul3A_29 = arith.mulf %add3A_26, %mul3A_28 : vector<1000x128xf32>
    %mul3A_30 = arith.constant 0.707106769 : f32
    %mul3A_31 = vector.broadcast %mul3A_30 : f32 to vector<1000x128xf32>
    %mul3A_32 = arith.mulf %add3A_26, %mul3A_31 : vector<1000x128xf32>
    %erf3A = math.erf %mul3A_32 : vector<1000x128xf32>
    %add3A_33 = arith.constant 1.000000e+00 : f32
    %add3A_34 = vector.broadcast %add3A_33 : f32 to vector<1000x128xf32>
    %add3A_35 = arith.addf %add3A_34, %erf3A : vector<1000x128xf32>
    %mul3A_36 = arith.mulf %mul3A_29, %add3A_35 : vector<1000x128xf32>
    %get3A_37 = arith.constant 0 : index
    %get3A_38 = arith.constant 0 : index
    %get3A_39 = vector.load %arg3[%get3A_37, %get3A_38] : memref<1000x128xf32, #tpu.memory_space<vmem>>, vector<1000x128xf32>
    %add3A_40 = arith.addf %mul3A_36, %get3A_39 : vector<1000x128xf32>
    %reduce_sum3A = arith.constant dense<0.000000e+00> : vector<1000xf32>
    %reduce_sum3A_41 = vector.multi_reduction <add>, %add3A_40, %reduce_sum3A [1] : vector<1000x128xf32> to vector<1000xf32>
    %broadcast_in_dim3A = vector.shape_cast %reduce_sum3A_41 : vector<1000xf32> to vector<1000x1xf32>
    %div3A = arith.constant 1.280000e+02 : f32
    %div3A_42 = vector.broadcast %div3A : f32 to vector<1000x1xf32>
    %div3A_43 = arith.divf %broadcast_in_dim3A, %div3A_42 : vector<1000x1xf32>
    %sub3A = vector.broadcast %div3A_43 : vector<1000x1xf32> to vector<1000x128xf32>
    %sub3A_44 = arith.subf %add3A_40, %sub3A : vector<1000x128xf32>
    %integer_pow3A = arith.mulf %sub3A_44, %sub3A_44 : vector<1000x128xf32>
    %reduce_sum3A_45 = arith.constant dense<0.000000e+00> : vector<1000xf32>
    %reduce_sum3A_46 = vector.multi_reduction <add>, %integer_pow3A, %reduce_sum3A_45 [1] : vector<1000x128xf32> to vector<1000xf32>
    %broadcast_in_dim3A_47 = vector.shape_cast %reduce_sum3A_46 : vector<1000xf32> to vector<1000x1xf32>
    %div3A_48 = arith.constant 1.280000e+02 : f32
    %div3A_49 = vector.broadcast %div3A_48 : f32 to vector<1000x1xf32>
    %div3A_50 = arith.divf %broadcast_in_dim3A_47, %div3A_49 : vector<1000x1xf32>
    %sub3A_51 = vector.broadcast %div3A_43 : vector<1000x1xf32> to vector<1000x128xf32>
    %sub3A_52 = arith.subf %add3A_40, %sub3A_51 : vector<1000x128xf32>
    %add3A_53 = arith.constant 9.99999974E-6 : f32
    %add3A_54 = vector.broadcast %add3A_53 : f32 to vector<1000x1xf32>
    %add3A_55 = arith.addf %div3A_50, %add3A_54 : vector<1000x1xf32>
    %rsqrt3A = math.rsqrt %add3A_55 : vector<1000x1xf32>
    %mul3A_56 = vector.broadcast %rsqrt3A : vector<1000x1xf32> to vector<1000x128xf32>
    %mul3A_57 = arith.mulf %sub3A_52, %mul3A_56 : vector<1000x128xf32>
    %get3A_58 = arith.constant 0 : index
    %get3A_59 = arith.constant 0 : index
    %get3A_60 = vector.load %arg7[%get3A_58, %get3A_59] : memref<1x128xf32, #tpu.memory_space<vmem>>, vector<1x128xf32>
    %mul3A_61 = vector.broadcast %get3A_60 : vector<1x128xf32> to vector<1000x128xf32>
    %mul3A_62 = arith.mulf %mul3A_57, %mul3A_61 : vector<1000x128xf32>
    %get3A_63 = arith.constant 0 : index
    %get3A_64 = arith.constant 0 : index
    %get3A_65 = vector.load %arg8[%get3A_63, %get3A_64] : memref<1x128xf32, #tpu.memory_space<vmem>>, vector<1x128xf32>
    %add3A_66 = vector.broadcast %get3A_65 : vector<1x128xf32> to vector<1000x128xf32>
    %add3A_67 = arith.addf %mul3A_62, %add3A_66 : vector<1000x128xf32>
    %swap3A = arith.constant 0 : index
    %swap3A_68 = arith.constant 0 : index
    %swap3A_69 = vector.load %arg10[%swap3A, %swap3A_68] : memref<1000x128xf32, #tpu.memory_space<vmem>>, vector<1000x128xf32>
    tpu.vector_store %arg10[%swap3A, %swap3A_68], %add3A_67 {strides = array<i32>} : memref<1000x128xf32, #tpu.memory_space<vmem>>, vector<1000x128xf32>,
    %get3A_70 = arith.constant 0 : index
    %get3A_71 = arith.constant 0 : index
    %get3A_72 = vector.load %arg9[%get3A_70, %get3A_71] : memref<128x8xf32, #tpu.memory_space<vmem>>, vector<128x8xf32>
    %dot_general3A = arith.constant dense<0.000000e+00> : vector<1000x8xf32>
    %dot_general3A_73 = tpu.matmul %add3A_67, %get3A_72, %dot_general3A {dimension_numbers = #tpu.dot_dimension_numbers<[1], [0], [0], [1], [0, 0, 1, 1], [], []>, transpose_lhs_hint = false} : vector<1000x128xf32>, vector<128x8xf32>, vector<1000x8xf32> -> vector<1000x8xf32>
    %mul3A_74 = arith.constant 1.000000e+01 : f32
    %mul3A_75 = vector.broadcast %mul3A_74 : f32 to vector<1000x8xf32>
    %mul3A_76 = arith.mulf %dot_general3A_73, %mul3A_75 : vector<1000x8xf32>
    %swap3A_77 = arith.constant 0 : index
    %swap3A_78 = arith.constant 0 : index
    %swap3A_79 = vector.load %arg11[%swap3A_77, %swap3A_78] : memref<1000x8xf32, #tpu.memory_space<vmem>>, vector<1000x8xf32>
    tpu.vector_store %arg11[%swap3A_77, %swap3A_78], %mul3A_76 {strides = array<i32>} : memref<1000x8xf32, #tpu.memory_space<vmem>>, vector<1000x8xf32>,
    return
  }
  func.func @transform_0(%arg0: i32) -> (i32, i32, i32) {
    %c0_i32 = arith.constant 0 : i32
    %c0_i32_0 = arith.constant 0 : i32
    %c0_i32_1 = arith.constant 0 : i32
    return %c0_i32, %arg0, %c0_i32_0 : i32, i32, i32
  }
  func.func @transform_1(%arg0: i32) -> (i32, i32) {
    %c0_i32 = arith.constant 0 : i32
    %c0_i32_0 = arith.constant 0 : i32
    return %arg0, %c0_i32 : i32, i32
  }
  func.func @transform_2(%arg0: i32) -> (i32, i32) {
    %c0_i32 = arith.constant 0 : i32
    %c0_i32_0 = arith.constant 0 : i32
    return %arg0, %c0_i32 : i32, i32
  }
  func.func @transform_3(%arg0: i32) -> (i32, i32) {
    %c0_i32 = arith.constant 0 : i32
    %c0_i32_0 = arith.constant 0 : i32
    return %arg0, %c0_i32 : i32, i32
  }
  func.func @transform_4(%arg0: i32) -> (i32, i32) {
    %c0_i32 = arith.constant 0 : i32
    %c0_i32_0 = arith.constant 0 : i32
    return %arg0, %c0_i32 : i32, i32
  }
  func.func @transform_5(%arg0: i32) -> (i32, i32) {
    %c0_i32 = arith.constant 0 : i32
    %c0_i32_0 = arith.constant 0 : i32
    %c0_i32_1 = arith.constant 0 : i32
    return %c0_i32, %c0_i32_0 : i32, i32
  }
  func.func @transform_6(%arg0: i32) -> (i32, i32) {
    %c0_i32 = arith.constant 0 : i32
    %c0_i32_0 = arith.constant 0 : i32
    %c0_i32_1 = arith.constant 0 : i32
    return %c0_i32, %c0_i32_0 : i32, i32
  }
  func.func @transform_7(%arg0: i32) -> (i32, i32) {
    %c0_i32 = arith.constant 0 : i32
    %c0_i32_0 = arith.constant 0 : i32
    %c0_i32_1 = arith.constant 0 : i32
    return %c0_i32, %c0_i32_0 : i32, i32
  }
  func.func @transform_8(%arg0: i32) -> (i32, i32) {
    %c0_i32 = arith.constant 0 : i32
    %c0_i32_0 = arith.constant 0 : i32
    %c0_i32_1 = arith.constant 0 : i32
    return %c0_i32, %c0_i32_0 : i32, i32
  }
  func.func @transform_9(%arg0: i32) -> (i32, i32) {
    %c0_i32 = arith.constant 0 : i32
    %c0_i32_0 = arith.constant 0 : i32
    return %arg0, %c0_i32 : i32, i32
  }
  func.func @transform_10(%arg0: i32) -> (i32, i32) {
    %c0_i32 = arith.constant 0 : i32
    %c0_i32_0 = arith.constant 0 : i32
    return %arg0, %c0_i32 : i32, i32
  }
}

module attributes {stable_mosaic.version = 14 : i64} {
  func.func @_soft_body(%arg0: memref<10000x8xf32, #tpu.memory_space<vmem>>, %arg1: memref<10000x8xf32, #tpu.memory_space<vmem>>) attributes {dimension_semantics = [], scalar_prefetch = 0 : i64, scratch_operands = 0 : i64, tpu.core_type = #tpu.core_type<tc>} {
    %get3A = arith.constant 0 : index
    %get3A_0 = arith.constant 0 : index
    %get3A_1 = vector.load %arg0[%get3A, %get3A_0] : memref<10000x8xf32, #tpu.memory_space<vmem>>, vector<10000x8xf32>
    %iota3A = tpu.iota {dimensions = array<i32: 0>} : vector<10000x8xi32>
    %jit3A = arith.constant 2500 : i32
    %div3A = vector.broadcast %jit3A : i32 to vector<10000x8xi32>
    %div3A_2 = arith.divsi %iota3A, %div3A : vector<10000x8xi32>
    %sign3A = arith.constant 0 : i32
    %sign3A_3 = vector.broadcast %sign3A : i32 to vector<10000x8xi32>
    %sign3A_4 = arith.cmpi sgt, %iota3A, %sign3A_3 : vector<10000x8xi32>
    %sign3A_5 = arith.extui %sign3A_4 : vector<10000x8xi1> to vector<10000x8xi32>
    %sign3A_6 = arith.constant 0 : i32
    %sign3A_7 = vector.broadcast %sign3A_6 : i32 to vector<10000x8xi32>
    %sign3A_8 = arith.cmpi slt, %iota3A, %sign3A_7 : vector<10000x8xi32>
    %sign3A_9 = arith.extui %sign3A_8 : vector<10000x8xi1> to vector<10000x8xi32>
    %sign3A_10 = arith.subi %sign3A_5, %sign3A_9 : vector<10000x8xi32>
    %sign3A_11 = arith.constant 0 : i32
    %sign3A_12 = arith.cmpi sgt, %jit3A, %sign3A_11 : i32
    %sign3A_13 = arith.extui %sign3A_12 : i1 to i32
    %sign3A_14 = arith.constant 0 : i32
    %sign3A_15 = arith.cmpi slt, %jit3A, %sign3A_14 : i32
    %sign3A_16 = arith.extui %sign3A_15 : i1 to i32
    %sign3A_17 = arith.subi %sign3A_13, %sign3A_16 : i32
    %ne3A = vector.broadcast %sign3A_17 : i32 to vector<10000x8xi32>
    %ne3A_18 = arith.cmpi ne, %sign3A_10, %ne3A : vector<10000x8xi32>
    %rem3A = vector.broadcast %jit3A : i32 to vector<10000x8xi32>
    %rem3A_19 = arith.remsi %iota3A, %rem3A : vector<10000x8xi32>
    %ne3A_20 = arith.constant 0 : i32
    %ne3A_21 = vector.broadcast %ne3A_20 : i32 to vector<10000x8xi32>
    %ne3A_22 = arith.cmpi ne, %rem3A_19, %ne3A_21 : vector<10000x8xi32>
    %and3A = arith.andi %ne3A_18, %ne3A_22 : vector<10000x8xi1>
    %sub3A = arith.constant 1 : i32
    %sub3A_23 = vector.broadcast %sub3A : i32 to vector<10000x8xi32>
    %sub3A_24 = arith.subi %div3A_2, %sub3A_23 : vector<10000x8xi32>
    %select_n3A = arith.select %and3A, %sub3A_24, %div3A_2 : vector<10000x8xi1>, vector<10000x8xi32>
    %broadcast_in_dim3A = arith.constant 0.000000e+00 : f32
    %broadcast_in_dim3A_25 = vector.broadcast %broadcast_in_dim3A : f32 to vector<10000x8xf32>
    %eq3A = arith.constant 0 : i32
    %eq3A_26 = vector.broadcast %eq3A : i32 to vector<10000x8xi32>
    %eq3A_27 = arith.cmpi eq, %select_n3A, %eq3A_26 : vector<10000x8xi32>
    %jit3A_28 = arith.constant -1.000000e+30 : f32
    %broadcast_in_dim3A_29 = vector.broadcast %jit3A_28 : f32 to vector<10000x8xf32>
    %select_n3A_30 = arith.select %eq3A_27, %get3A_1, %broadcast_in_dim3A_29 : vector<10000x8xi1>, vector<10000x8xf32>
    %reduce_max3A = arith.constant dense<0xFF800000> : vector<8xf32>
    %reduce_max3A_31 = vector.multi_reduction <maximumf>, %select_n3A_30, %reduce_max3A [0] : vector<10000x8xf32> to vector<8xf32>
    %broadcast_in_dim3A_32 = vector.shape_cast %reduce_max3A_31 : vector<8xf32> to vector<1x8xf32>
    %broadcast_in_dim3A_33 = vector.shape_cast %broadcast_in_dim3A_32 : vector<1x8xf32> to vector<1x8xf32>
    %broadcast_in_dim3A_34 = vector.broadcast %broadcast_in_dim3A_33 : vector<1x8xf32> to vector<10000x8xf32>
    %select_n3A_35 = arith.select %eq3A_27, %broadcast_in_dim3A_34, %broadcast_in_dim3A_25 : vector<10000x8xi1>, vector<10000x8xf32>
    %eq3A_36 = arith.constant 1 : i32
    %eq3A_37 = vector.broadcast %eq3A_36 : i32 to vector<10000x8xi32>
    %eq3A_38 = arith.cmpi eq, %select_n3A, %eq3A_37 : vector<10000x8xi32>
    %jit3A_39 = arith.constant -1.000000e+30 : f32
    %broadcast_in_dim3A_40 = vector.broadcast %jit3A_39 : f32 to vector<10000x8xf32>
    %select_n3A_41 = arith.select %eq3A_38, %get3A_1, %broadcast_in_dim3A_40 : vector<10000x8xi1>, vector<10000x8xf32>
    %reduce_max3A_42 = arith.constant dense<0xFF800000> : vector<8xf32>
    %reduce_max3A_43 = vector.multi_reduction <maximumf>, %select_n3A_41, %reduce_max3A_42 [0] : vector<10000x8xf32> to vector<8xf32>
    %broadcast_in_dim3A_44 = vector.shape_cast %reduce_max3A_43 : vector<8xf32> to vector<1x8xf32>
    %broadcast_in_dim3A_45 = vector.shape_cast %broadcast_in_dim3A_44 : vector<1x8xf32> to vector<1x8xf32>
    %broadcast_in_dim3A_46 = vector.broadcast %broadcast_in_dim3A_45 : vector<1x8xf32> to vector<10000x8xf32>
    %select_n3A_47 = arith.select %eq3A_38, %broadcast_in_dim3A_46, %select_n3A_35 : vector<10000x8xi1>, vector<10000x8xf32>
    %eq3A_48 = arith.constant 2 : i32
    %eq3A_49 = vector.broadcast %eq3A_48 : i32 to vector<10000x8xi32>
    %eq3A_50 = arith.cmpi eq, %select_n3A, %eq3A_49 : vector<10000x8xi32>
    %jit3A_51 = arith.constant -1.000000e+30 : f32
    %broadcast_in_dim3A_52 = vector.broadcast %jit3A_51 : f32 to vector<10000x8xf32>
    %select_n3A_53 = arith.select %eq3A_50, %get3A_1, %broadcast_in_dim3A_52 : vector<10000x8xi1>, vector<10000x8xf32>
    %reduce_max3A_54 = arith.constant dense<0xFF800000> : vector<8xf32>
    %reduce_max3A_55 = vector.multi_reduction <maximumf>, %select_n3A_53, %reduce_max3A_54 [0] : vector<10000x8xf32> to vector<8xf32>
    %broadcast_in_dim3A_56 = vector.shape_cast %reduce_max3A_55 : vector<8xf32> to vector<1x8xf32>
    %broadcast_in_dim3A_57 = vector.shape_cast %broadcast_in_dim3A_56 : vector<1x8xf32> to vector<1x8xf32>
    %broadcast_in_dim3A_58 = vector.broadcast %broadcast_in_dim3A_57 : vector<1x8xf32> to vector<10000x8xf32>
    %select_n3A_59 = arith.select %eq3A_50, %broadcast_in_dim3A_58, %select_n3A_47 : vector<10000x8xi1>, vector<10000x8xf32>
    %eq3A_60 = arith.constant 3 : i32
    %eq3A_61 = vector.broadcast %eq3A_60 : i32 to vector<10000x8xi32>
    %eq3A_62 = arith.cmpi eq, %select_n3A, %eq3A_61 : vector<10000x8xi32>
    %jit3A_63 = arith.constant -1.000000e+30 : f32
    %broadcast_in_dim3A_64 = vector.broadcast %jit3A_63 : f32 to vector<10000x8xf32>
    %select_n3A_65 = arith.select %eq3A_62, %get3A_1, %broadcast_in_dim3A_64 : vector<10000x8xi1>, vector<10000x8xf32>
    %reduce_max3A_66 = arith.constant dense<0xFF800000> : vector<8xf32>
    %reduce_max3A_67 = vector.multi_reduction <maximumf>, %select_n3A_65, %reduce_max3A_66 [0] : vector<10000x8xf32> to vector<8xf32>
    %broadcast_in_dim3A_68 = vector.shape_cast %reduce_max3A_67 : vector<8xf32> to vector<1x8xf32>
    %broadcast_in_dim3A_69 = vector.shape_cast %broadcast_in_dim3A_68 : vector<1x8xf32> to vector<1x8xf32>
    %broadcast_in_dim3A_70 = vector.broadcast %broadcast_in_dim3A_69 : vector<1x8xf32> to vector<10000x8xf32>
    %select_n3A_71 = arith.select %eq3A_62, %broadcast_in_dim3A_70, %select_n3A_59 : vector<10000x8xi1>, vector<10000x8xf32>
    %sub3A_72 = arith.subf %get3A_1, %select_n3A_71 : vector<10000x8xf32>
    %exp3A = math.exp %sub3A_72 : vector<10000x8xf32>
    %broadcast_in_dim3A_73 = arith.constant 1.000000e+00 : f32
    %broadcast_in_dim3A_74 = vector.broadcast %broadcast_in_dim3A_73 : f32 to vector<10000x8xf32>
    %eq3A_75 = arith.constant 0 : i32
    %eq3A_76 = vector.broadcast %eq3A_75 : i32 to vector<10000x8xi32>
    %eq3A_77 = arith.cmpi eq, %select_n3A, %eq3A_76 : vector<10000x8xi32>
    %jit3A_78 = arith.constant 0.000000e+00 : f32
    %broadcast_in_dim3A_79 = vector.broadcast %jit3A_78 : f32 to vector<10000x8xf32>
    %select_n3A_80 = arith.select %eq3A_77, %exp3A, %broadcast_in_dim3A_79 : vector<10000x8xi1>, vector<10000x8xf32>
    %reduce_sum3A = arith.constant dense<0.000000e+00> : vector<8xf32>
    %reduce_sum3A_81 = vector.multi_reduction <add>, %select_n3A_80, %reduce_sum3A [0] : vector<10000x8xf32> to vector<8xf32>
    %broadcast_in_dim3A_82 = vector.shape_cast %reduce_sum3A_81 : vector<8xf32> to vector<1x8xf32>
    %broadcast_in_dim3A_83 = vector.shape_cast %broadcast_in_dim3A_82 : vector<1x8xf32> to vector<1x8xf32>
    %broadcast_in_dim3A_84 = vector.broadcast %broadcast_in_dim3A_83 : vector<1x8xf32> to vector<10000x8xf32>
    %select_n3A_85 = arith.select %eq3A_77, %broadcast_in_dim3A_84, %broadcast_in_dim3A_74 : vector<10000x8xi1>, vector<10000x8xf32>
    %eq3A_86 = arith.constant 1 : i32
    %eq3A_87 = vector.broadcast %eq3A_86 : i32 to vector<10000x8xi32>
    %eq3A_88 = arith.cmpi eq, %select_n3A, %eq3A_87 : vector<10000x8xi32>
    %jit3A_89 = arith.constant 0.000000e+00 : f32
    %broadcast_in_dim3A_90 = vector.broadcast %jit3A_89 : f32 to vector<10000x8xf32>
    %select_n3A_91 = arith.select %eq3A_88, %exp3A, %broadcast_in_dim3A_90 : vector<10000x8xi1>, vector<10000x8xf32>
    %reduce_sum3A_92 = arith.constant dense<0.000000e+00> : vector<8xf32>
    %reduce_sum3A_93 = vector.multi_reduction <add>, %select_n3A_91, %reduce_sum3A_92 [0] : vector<10000x8xf32> to vector<8xf32>
    %broadcast_in_dim3A_94 = vector.shape_cast %reduce_sum3A_93 : vector<8xf32> to vector<1x8xf32>
    %broadcast_in_dim3A_95 = vector.shape_cast %broadcast_in_dim3A_94 : vector<1x8xf32> to vector<1x8xf32>
    %broadcast_in_dim3A_96 = vector.broadcast %broadcast_in_dim3A_95 : vector<1x8xf32> to vector<10000x8xf32>
    %select_n3A_97 = arith.select %eq3A_88, %broadcast_in_dim3A_96, %select_n3A_85 : vector<10000x8xi1>, vector<10000x8xf32>
    %eq3A_98 = arith.constant 2 : i32
    %eq3A_99 = vector.broadcast %eq3A_98 : i32 to vector<10000x8xi32>
    %eq3A_100 = arith.cmpi eq, %select_n3A, %eq3A_99 : vector<10000x8xi32>
    %jit3A_101 = arith.constant 0.000000e+00 : f32
    %broadcast_in_dim3A_102 = vector.broadcast %jit3A_101 : f32 to vector<10000x8xf32>
    %select_n3A_103 = arith.select %eq3A_100, %exp3A, %broadcast_in_dim3A_102 : vector<10000x8xi1>, vector<10000x8xf32>
    %reduce_sum3A_104 = arith.constant dense<0.000000e+00> : vector<8xf32>
    %reduce_sum3A_105 = vector.multi_reduction <add>, %select_n3A_103, %reduce_sum3A_104 [0] : vector<10000x8xf32> to vector<8xf32>
    %broadcast_in_dim3A_106 = vector.shape_cast %reduce_sum3A_105 : vector<8xf32> to vector<1x8xf32>
    %broadcast_in_dim3A_107 = vector.shape_cast %broadcast_in_dim3A_106 : vector<1x8xf32> to vector<1x8xf32>
    %broadcast_in_dim3A_108 = vector.broadcast %broadcast_in_dim3A_107 : vector<1x8xf32> to vector<10000x8xf32>
    %select_n3A_109 = arith.select %eq3A_100, %broadcast_in_dim3A_108, %select_n3A_97 : vector<10000x8xi1>, vector<10000x8xf32>
    %eq3A_110 = arith.constant 3 : i32
    %eq3A_111 = vector.broadcast %eq3A_110 : i32 to vector<10000x8xi32>
    %eq3A_112 = arith.cmpi eq, %select_n3A, %eq3A_111 : vector<10000x8xi32>
    %jit3A_113 = arith.constant 0.000000e+00 : f32
    %broadcast_in_dim3A_114 = vector.broadcast %jit3A_113 : f32 to vector<10000x8xf32>
    %select_n3A_115 = arith.select %eq3A_112, %exp3A, %broadcast_in_dim3A_114 : vector<10000x8xi1>, vector<10000x8xf32>
    %reduce_sum3A_116 = arith.constant dense<0.000000e+00> : vector<8xf32>
    %reduce_sum3A_117 = vector.multi_reduction <add>, %select_n3A_115, %reduce_sum3A_116 [0] : vector<10000x8xf32> to vector<8xf32>
    %broadcast_in_dim3A_118 = vector.shape_cast %reduce_sum3A_117 : vector<8xf32> to vector<1x8xf32>
    %broadcast_in_dim3A_119 = vector.shape_cast %broadcast_in_dim3A_118 : vector<1x8xf32> to vector<1x8xf32>
    %broadcast_in_dim3A_120 = vector.broadcast %broadcast_in_dim3A_119 : vector<1x8xf32> to vector<10000x8xf32>
    %select_n3A_121 = arith.select %eq3A_112, %broadcast_in_dim3A_120, %select_n3A_109 : vector<10000x8xi1>, vector<10000x8xf32>
    %div3A_122 = arith.divf %exp3A, %select_n3A_121 : vector<10000x8xf32>
    %swap3A = arith.constant 0 : index
    %swap3A_123 = arith.constant 0 : index
    %swap3A_124 = vector.load %arg1[%swap3A, %swap3A_123] : memref<10000x8xf32, #tpu.memory_space<vmem>>, vector<10000x8xf32>
    tpu.vector_store %arg1[%swap3A, %swap3A_123], %div3A_122 {strides = array<i32>} : memref<10000x8xf32, #tpu.memory_space<vmem>>, vector<10000x8xf32>,
    return
  }
}

</mosaic_0001>

<sc_bundles>
// kernel: kernel.11.cloned.1.call-start
scs
__scs_entry_jumppad:
0x0: {  	(pc) =	sbr.rel $0x88, $3  }
0x1: {  	(tag) =	ssettag $0x0;
	lr =	simm.s32 $0x1  }
0x2: {  	[smem:$0x3F98] =	sst lr;
	_ =	strace $0xD0000000  }
0x3: {  	_ = 	snop  }
0x4: {  	_ = 	snop  }
0x5: {  	_ = 	snop  }
0x6: {  	_ = 	snop  }
0x7: {  	_ = 	snop  }
__scs_overlays_trampoline_lowered:
0x8: {  	[smem:$0x3FA7] =	sst s0  }
0x9: {  	[smem:$0x3FA8] =	sst s1  }
0xa: {  	[smem:$0x3FA9] =	sst s2  }
0xb: {  	[smem:$0x3FAA] =	sst s3  }
0xc: {  	[smem:$0x3FAB] =	sst s4  }
0xd: {  	[smem:$0x3FAC] =	sst s5  }
0xe: {  	[smem:$0x3FAD] =	sst s6  }
0xf: {  	[smem:$0x3FAE] =	sst s7  }
0x10: {  	[smem:$0x3FAF] =	sst s8  }
0x11: {  	[smem:$0x3FB0] =	sst s9;
	s0 =	simm.s32 @!p0 $0x0  }
0x12: {  	s1 =	sld [smem:$0x3F96];
	s0 =	simm.s32 @p0 $0x1  }
0x13: {  	[smem:$0x3FB1] =	sst s0;
	s0 =	simm.s32 @!p1 $0x0  }
0x14: {  	s2 =	sld [smem:$0x3F95];
	s0 =	simm.s32 @p1 $0x1  }
0x15: {  	[smem:$0x3FB2] =	sst s0;
	s0 =	simm.s32 @!p2 $0x0  }
0x16: {  	s3 =	sld [smem:$0x3FDB];
	s0 =	simm.s32 @p2 $0x1  }
0x17: {  	s4 =	simm.s32 $0x1BF5;
	[smem:$0x3FB4] =	sst s0  }
0x18: {  	s0 =	sld [smem:$0x3F97];
	_ =	swait.ge [sflag:s4], $0x0  }
0x19: {  	s7 =	sld [smem:$0x3F98]  }
0x1a: {  	s8 =	sadd.s32 $0xFFFFE003, lr  }
0x1b: {  	s9 =	sadd.s32 $0xFFFFFEF7, lr;
	s5 =	simm.s32 $0xFFFFFFFF;
	p2 =	slt.u32 s8, $0xFFFFF086  }
0x1c: {  	p1 =	slt.u32 s9, $0xF7A;
	s5 =	simm.s32 @!p2 $0x0  }
0x1d: {  	s5 =	simm.s32 @p1 $0x1;
	p0 =	seq.s32 s7, s2  }
0x1e: {  	s7 =	smul.u32 @!p0 $0xF7A, s2;
	p2 =	seq.s32 @!p0 s5, $0x0  }
0x1f: {  	s9 =	smul.u32 $0xF7A, s1;
	s8 =	simm.s32 @!p0 $0x1BF5;
	p2 =	por !p2, p0  }
0x20: {  	[sflag:s8] =	ssyncset.s32 @!p0 $0xFFFFF086;
	s6 =	sadd.s32 @!p0 s3, s7;
	s7 =	simm.s32 @!p0 $0x108  }
0x21: {  	s3 =	sadd.s32 s3, s9;
	s6 =	sadd.s32 @!p0 $0x88, s6;
	s7 =	simm.s32 @p2 $0x1082  }
0x22: {  	[simem:s7], [sflag:s8] =	dma.local @!p0 [hbm:s6], $0xF7A  }
0x23: {  	s9 =	sor.u32 $0xD0000000, s2;
	s6 =	simm.s32 $0x108;
	_ =	swait.ge @!p0 [sflag:s8], $0x0  }
0x24: {  	s3 =	sadd.s32 $0x88, s3;
	s6 =	simm.s32 @!p1 $0x1082;
	[sflag:s4] =	ssyncset.s32 $0xFFFFF086  }
0x25: {  	[simem:s6], [sflag:s4] =	dma.local [hbm:s3], $0xF7A  }
0x26: {  	[smem:$0x3F98] =	sst s1;
	(tag) =	ssettag s2;
	_ =	strace s9  }
0x27: {  	s1 =	sld [smem:$0x3FA8]  }
0x28: {  	s2 =	sld [smem:$0x3FA9]  }
0x29: {  	s4 =	sld [smem:$0x3FAB]  }
0x2a: {  	p0 =	seq.s32 s5, $0x0;
	s5 =	sld [smem:$0x3FAC]  }
0x2b: {  	s6 =	sld [smem:$0x3FAD]  }
0x2c: {  	s7 =	sld [smem:$0x3FAE]  }
0x2d: {  	s3 =	simm.s32 $0x108;
	s8 =	sld [smem:$0x3FAF]  }
0x2e: {  	s3 =	simm.s32 @!p0 $0x1082;
	s9 =	sld [smem:$0x3FB0]  }
0x2f: {  	lr =	sadd.s32 s0, s3;
	s0 =	sld [smem:$0x3FA7]  }
0x30: {  	s3 =	sld [smem:$0x3FAA]  }
0x31: {  	[smem:$0x3FB3] =	sst s10  }
0x32: {  	s10 =	sld [smem:$0x3FB1];
	_ =	sdelay $0x3  }
0x33: {  	p0 =	seq.s32 s10, $0x1;
	s10 =	sld [smem:$0x3FB3];
	_ =	sdelay $0x3  }
0x34: {  	[smem:$0x3FB3] =	sst s10  }
0x35: {  	s10 =	sld [smem:$0x3FB2];
	_ =	sdelay $0x3  }
0x36: {  	p1 =	seq.s32 s10, $0x1;
	s10 =	sld [smem:$0x3FB3];
	_ =	sdelay $0x3  }
0x37: {  	[smem:$0x3FB3] =	sst s10  }
0x38: {  	s10 =	sld [smem:$0x3FB4]  }
0x39: {  	_ = 	snop;
	(pc) =	sbr.ind lr, $3  }
0x3a: {  	_ = 	snop  }
0x3b: {  	_ = 	snop  }
0x3c: {  	p2 =	seq.s32 s10, $0x1;
	s10 =	sld [smem:$0x3FB3]  }
0x3d: {  	_ =	shalt  }
0x3e: {  	_ =	shalt  }
0x3f: {  	_ =	shalt  }
0x40: {  	_ =	shalt  }
0x41: {  	_ =	shalt  }
0x42: {  	_ =	shalt  }
0x43: {  	_ =	shalt  }
0x44: {  	_ =	shalt  }
0x45: {  	_ =	shalt  }
0x46: {  	_ =	shalt  }
0x47: {  	_ =	shalt  }
0x48: {  	_ =	shalt  }
0x49: {  	_ =	shalt  }
0x4a: {  	_ =	shalt  }
0x4b: {  	_ =	shalt  }
0x4c: {  	_ =	shalt  }
0x4d: {  	_ =	shalt  }
0x4e: {  	_ =	shalt  }
0x4f: {  	_ =	shalt  }
0x50: {  	_ =	shalt  }
0x51: {  	_ =	shalt  }
0x52: {  	_ =	shalt  }
0x53: {  	_ =	shalt  }
0x54: {  	_ =	shalt  }
0x55: {  	_ =	shalt  }
0x56: {  	_ =	shalt  }
0x57: {  	_ =	shalt  }
0x58: {  	_ =	shalt  }
0x59: {  	_ =	shalt  }
0x5a: {  	_ =	shalt  }
0x5b: {  	_ =	shalt  }
0x5c: {  	_ =	shalt  }
0x5d: {  	_ =	shalt  }
0x5e: {  	_ =	shalt  }
0x5f: {  	_ =	shalt  }
0x60: {  	_ =	shalt  }
0x61: {  	_ =	shalt  }
0x62: {  	_ =	shalt  }
0x63: {  	_ =	shalt  }
0x64: {  	_ =	shalt  }
0x65: {  	_ =	shalt  }
0x66: {  	_ =	shalt  }
0x67: {  	_ =	shalt  }
0x68: {  	_ =	shalt  }
0x69: {  	_ =	shalt  }
0x6a: {  	_ =	shalt  }
0x6b: {  	_ =	shalt  }
0x6c: {  	_ =	shalt  }
0x6d: {  	_ =	shalt  }
0x6e: {  	_ =	shalt  }
0x6f: {  	_ =	shalt  }
0x70: {  	_ =	shalt  }
0x71: {  	_ =	shalt  }
0x72: {  	_ =	shalt  }
0x73: {  	_ =	shalt  }
0x74: {  	_ =	shalt  }
0x75: {  	_ =	shalt  }
0x76: {  	_ =	shalt  }
0x77: {  	_ =	shalt  }
0x78: {  	_ =	shalt  }
0x79: {  	_ =	shalt  }
0x7a: {  	_ =	shalt  }
0x7b: {  	_ =	shalt  }
0x7c: {  	_ =	shalt  }
0x7d: {  	_ =	shalt  }
0x7e: {  	_ =	shalt  }
0x7f: {  	_ =	shalt  }
0x80: {  	_ =	shalt  }
0x81: {  	_ =	shalt  }
0x82: {  	_ =	shalt  }
0x83: {  	_ =	shalt  }
0x84: {  	_ =	shalt  }
0x85: {  	_ =	shalt  }
0x86: {  	_ =	shalt  }
0x87: {  	_ =	shalt  }
.Lfunc_end0:
.L_simem_size_0:
called_computation.1_lowered:
.L_overlay_start_0:
0x88: {  	s2 =	sld [smem:$0x3FD9]  }
0x89: {  	s3 =	sld [smem:$0x3FFE];
	_ =	sdelay $0x1  }
0x8a: {  	s1 =	srdreg.scid  }
0x8b: {  	s0 =	sand.u32 $0x1, s1  }
0x8c: {  	s14 =	sshll.u32 s0, $0xA;
	s2 =	sadd.s32 s3, s2  }
0x8d: {  	s2 =	sadd.s32 s2, s14  }
0x8e: {  	[smem:$0x3FBF] =	sst s2  }
0x8f: {  	_ = 	snop  }
0x90: {  	s2 =	sld [smem:$0x3FD0];
	_ =	sdelay $0x2  }
0x91: {  	s15 =	simm.s32 $0xA;
	s4 =	simm.s32 $0x10  }
0x92: {  	[smem:s4], [sflag:s15] =	dma.local [hbm:s2], $0x1  }
0x93: {  	_ =	swait.eq [sflag:s15], $0x1  }
0x94: {  	[sflag:s15] =	ssyncset.done $0x0  }
0x95: {  	[sflag:s15] =	ssyncadd.s32 $0xFFFFFFFF  }
0x96: {  	s16 =	sld [smem:$0x11];
	(tm) =	ssettm $0x1  }
0x97: {  	s17 =	sld [smem:$0x3FFB];
	_ =	sdelay $0x3  }
0x98: {  	_ =	strace s17  }
0x99: {  	s3 =	sld [smem:$0x3FFC];
	_ =	sdelay $0x3  }
0x9a: {  	_ =	strace s3  }
0x9b: {  	s3 =	sld [smem:$0x3FFD];
	_ =	sdelay $0x3  }
0x9c: {  	_ =	strace s3  }
0x9d: {  	_ =	strace $0x8FFFFFFF  }
0x9e: {  	s18 =	sld [smem:$0x3FDB];
	_ =	sdelay $0x1  }
0x9f: {  	s19 =	simm.s32 $_scs_section_size  }
0xa0: {  	s5 =	simm.s32 $_size__tile_overlayer_lowered;
	s6 =	simm.s32 $_tile_overlayer_lowered  }
0xa1: {  	s22 =	simm.s32 $0x1BFF;
	s21 =	sshll.u32 s6, $0x1;
	s3 =	sadd.s32 s19, s18  }
0xa2: {  	s7 =	simm.s32 $0x0;
	s20 =	sshll.u32 s5, $0x1;
	s5 =	sadd.s32 s21, s3  }
0xa3: {  	[timem:s7], [sflag:s22] =	dma.local [hbm:s5], s20  }
0xa4: {  	_ =	swait.ge [sflag:s22], s20  }
0xa5: {  	s4 =	ssub.s32 $0x0, s20;
	[sflag:s22] =	ssyncset.done $0x0  }
0xa6: {  	[sflag:s22] =	ssyncadd.s32 s4;
	_ =	sdelay $0x1  }
0xa7: {  	s23 =	simm.s32 $0x1B8B  }
0xa8: {  	_ =	swait.ge [sflag:s23], $0x1  }
0xa9: {  	[sflag:s23] =	ssyncset.done $0x0  }
0xaa: {  	s25 =	simm.s32 $0x1B8E;
	s24 =	sld [smem:$0x3FFE];
	[sflag:s23] =	ssyncadd.s32 $0xFFFFFFFF  }
0xab: {  	s26 =	simm.s32 $execute0_lowered;
	[smem:$0x3FD2] =	sst s25  }
0xac: {  	s5 =	sshll.u32 s26, $0x1;
	_ =	strace $0x80000049;
	[dreg:$0x1] =	wrdreg $0xFFFFFFFF  }
0xad: {  	s28 =	simm.s32 $_size_execute0_lowered;
	s3 =	sadd.s32 s3, s5;
	[dreg:$0x0] =	wrdreg $0x0  }
0xae: {  	s5 =	sshll.u32 s28, $0x1;
	[dreg:$0x2] =	wrdreg s3  }
0xaf: {  	[dreg:$0x3] =	wrdreg s5  }
0xb0: {  	[dreg:$0x4] =	wrdreg $0xC0  }
0xb1: {  	_ =	task [dreg:s7], $0x5FFFF  }
0xb2: {  	[dreg:$0x1] =	wrdreg $0xFFFFFFFF  }
0xb3: {  	[dreg:$0x0] =	wrdreg $0x60  }
0xb4: {  	[dreg:$0x2] =	wrdreg s24  }
0xb5: {  	[dreg:$0x3] =	wrdreg s16  }
0xb6: {  	[dreg:$0x4] =	wrdreg $0xA0000  }
0xb7: {  	[dreg:$0x5] =	wrdreg $0x9  }
0xb8: {  	_ =	task.clear_ibuf [dreg:s7], $0x6FFFF;
	_ =	strace $0x90000049  }
0xb9: {  	s29 =	simm.s32 $0x9;
	_ =	strace $0x8000004B  }
0xba: {  	_ =	swait.ge [sflag:s29], $0x1  }
0xbb: {  	[sflag:s29] =	ssyncadd.s32 $0xFFFFFFFF  }
0xbc: {  	_ =	strace $0x9000004B  }
0xbd: {  	_ =	sfence  }
0xbe: {  	s30 =	sld [smem:$0x0];
	_ =	sdelay $0x2  }
0xbf: {  	s31 =	sshll.u32 s1, $0xD;
	s1 =	sshrl.u32 s1, $0x2  }
0xc0: {  	s3 =	sand.u32 $0x4000, s31;
	s1 =	sadd.s32 s1, s30  }
0xc1: {  	s0 =	sor.u32 s3, s0;
	s1 =	sshll.u32 s1, $0x11  }
0xc2: {  	s0 =	sor.u32 s1, s0  }
0xc3: {  	s0 =	sadd.s32 $0x8F2B, s0  }
0xc4: {  	[sflag:s0] =	ssyncadd.remote.s32 $0x1  }
0xc5: {  	_ =	sfence.sel $0xFFFF  }
0xc6: {  	[dreg:$0x0] =	wrdreg $0xFFFFFFFF;
	(pc) =	sbr.abs _section_cstart, $3  }
0xc7: {  	[dreg:$0x1] =	wrdreg $0xFFFFFFFF  }
0xc8: {  	_ =	task.clear_ibuf [dreg:s7], $0x2FFFF;
	_ =	strace $0x9FFFFFFF  }
0xc9: {  	(tm) =	ssettm $0x7FFFFFFF  }
tec
execute0_lowered:
.L_overlay_start_1:
0x0: {  	(tag) =	ssettag $0x1  }
0x1: {  	s0 =	rddreg [dreg:$0x0]  }
0x2: {  	s3 =	rddreg [dreg:$0x2]  }
0x3: {  	s1 =	simm.s32 $0x0;
	s4 =	stileid.u32;
	s22 =	srdreg.scid  }
0x4: {  	s28 =	simm.s32 $0x9;
	s29 =	simm.s32 $0x1000;
	s30 =	simm.s32 $0x40  }
0x5: {  	s31 =	simm.s32 $0x2000;
	[smem:$0x7FF] =	sst s1;
	s2 =	smul.u32 $0x60, s4  }
0x6: {  	s5 =	sadd.s32 $0x34800, s0;
	s1 =	sand.u32 $0x1, s22;
	s6 =	smul.u32 $0xE0, s4  }
0x7: {  	s7 =	sadd.s32 $0x20800, s0;
	s8 =	sadd.s32 $0xC800, s0;
	s20 =	smul.u32 $0x50000, s4  }
0x8: {  	s0 =	sadd.s32 $0x5BA00, s0;
	s22 =	smul.u32 $0x4E000, s4;
	p1 =	sne.s32 s4, $0xF  }
0x9: {  	_ =	strace $0x8000004A;
	s9 =	ssub.s32 $0x2, s1;
	s17 =	smul.u32 $0x138800, s1  }
0xa: {  	p0 =	seq.s32 s1, $0x0;
	s2 =	sadd.s32 $0xE00, s2;
	s23 =	sshrl.u32 s9, $0x1  }
0xb: {  	s2 =	smov.u32 @p0 s6;
	s6 =	ssub.s32 s9, s23;
	s21 =	sshrl.u32 s17, $0x3  }
0xc: {  	p0 =	sne.s32 s1, $0x0;
	s23 =	sshll.u32 s4, $0x6;
	s2 =	sshll.u32 s2, $0x4  }
0xd: {  	s24 =	sadd.s32 s7, s2;
	s25 =	sadd.s32 $0x200, s2;
	s10 =	sadd.s32 s8, s2  }
0xe: {  	s11 =	sadd.s32 $0x400, s2;
	s13 =	sadd.s32 $0x600, s2;
	[dreg:$0x4] =	wrdreg s24  }
0xf: {  	s15 =	sadd.s32 $0x800, s2;
	[dreg:$0x5] =	wrdreg s10;
	s26 =	sadd.s32 s7, s25  }
0x10: {  	s18 =	sadd.s32 $0xA00, s2;
	s9 =	sadd.s32 s8, s25;
	[dreg:$0x6] =	wrdreg s26  }
0x11: {  	s2 =	sadd.s32 $0xC00, s2;
	s12 =	sadd.s32 s7, s11;
	[dreg:$0x7] =	wrdreg s9  }
0x12: {  	s10 =	sadd.s32 s8, s11;
	s14 =	sadd.s32 s7, s13;
	[dreg:$0x8] =	wrdreg s12  }
0x13: {  	s16 =	sadd.s32 s7, s15;
	s11 =	smul.u32 $0x13800, s4;
	[dreg:$0x9] =	wrdreg s10  }
0x14: {  	s24 =	sshrl.u32 s22, $0x2;
	s25 =	smax.u32 s6, $0x1;
	[dreg:$0xa] =	wrdreg s14  }
0x15: {  	s6 =	simm.s32 $0x3;
	s22 =	simm.s32 $0x300;
	[dreg:$0xc] =	wrdreg s16  }
0x16: {  	s9 =	sadd.s32 s8, s13;
	s10 =	sadd.s32 s8, s15;
	[dreg:$0x14] =	wrdreg s25  }
0x17: {  	s12 =	sadd.s32 s7, s18;
	s7 =	sadd.s32 s7, s2;
	[dreg:$0xb] =	wrdreg s9  }
0x18: {  	s2 =	sadd.s32 s8, s2;
	s1 =	sadd.s32 s24, s3;
	[dreg:$0xd] =	wrdreg s10  }
0x19: {  	s13 =	simm.s32 $0x1;
	s15 =	simm.s32 $0x8000;
	[dreg:$0xe] =	wrdreg s12  }
0x1a: {  	s16 =	simm.s32 $0x2;
	s24 =	simm.s32 $0x0;
	[dreg:$0x10] =	wrdreg s7  }
0x1b: {  	s10 =	sadd.s32 s8, s18;
	[dreg:$0x11] =	wrdreg s2;
	s19 =	sadd.s32 s11, s17  }
0x1c: {  	s7 =	sshrl.u32 s20, $0x2;
	s1 =	sshrl.u32 s1, $0x3;
	s12 =	simm.s32 $0x6000  }
0x1d: {  	s17 =	simm.s32 $0x1080;
	s18 =	simm.s32 $0x5;
	s8 =	simm.s32 $0x6  }
0x1e: {  	s9 =	simm.s32 $0x280;
	s11 =	simm.s32 $0x1180;
	s20 =	simm.s32 $0x7  }
0x1f: {  	[dreg:$0xf] =	wrdreg s10;
	s2 =	sshrl.u32 s19, $0x3;
	s7 =	sadd.s32 s7, s3  }
0x20: {  	[dreg:$0x16] =	wrdreg s1;
	s19 =	simm.s32 $0x200;
	s10 =	simm.s32 $0x4  }
.Ltmp0:
0x21: {  	s2 =	sadd.s32 s0, s2;
	s0 =	sadd.s32 s0, s21;
	(pc) =	sbr.rel .LBB2_1-.Ltmp0, $4  }
0x22: {  	s21 =	sor.u32 $0x1C09, s23;
	[dreg:$0x12] =	wrdreg s2;
	s0 =	sadd.s32 $0x27000, s0  }
0x23: {  	s26 =	sshrl.u32 s7, $0x3;
	[dreg:$0x13] =	wrdreg s0;
	s0 =	sadd.s32 $0x138000, s3  }
0x24: {  	s7 =	simm.s32 $0x1100;
	[dreg:$0x15] =	wrdreg s26;
	s0 =	sshrl.u32 @!p1 s0, $0x3  }
0x25: {  	s23 =	simm.s32 $0x8;
	s2 =	simm.s32 $0x4000;
	[dreg:$0x17] =	wrdreg s0  }
.LBB2_23:
0x26: {  	_ =	swait.ge [sflag:s23], $0x2000  }
0x27: {  	[sflag:s23] =	ssyncset.done $0x0  }
0x28: {  	[sflag:s23] =	ssyncadd.s32 $0xFFFFE000  }
.LBB2_24:
0x29: {  	[bflag:$0x0] =	sbarrier.arrive $0xFFFF  }
0x2a: {  	s0 =	rddreg [dreg:$0x12]  }
0x2b: {  	s1 =	rddreg [dreg:$0x16]  }
0x2c: {  	[hbm:s0], [sflag:s21] =	dma.local [spmem:s1], $0x2700  }
0x2d: {  	_ =	swait.ge [sflag:s28], $0x2700  }
0x2e: {  	[sflag:s28] =	ssyncset.done $0x0;
	s0 =	rddreg [dreg:$0x13]  }
0x2f: {  	s1 =	rddreg [dreg:$0x17];
	[sflag:s28] =	ssyncadd.s32 $0xFFFFD900  }
0x30: {  	[hbm:s0], [sflag:s21] =	dma.local @!p1 [spmem:s1], $0x100  }
0x31: {  	s0 =	simm.s32 @!p1 $0x9  }
0x32: {  	_ =	swait.ge @!p1 [sflag:s0], $0x100  }
0x33: {  	s24 =	sadd.s32 $0x1, s24;
	s26 =	rddreg [dreg:$0x14]  }
0x34: {  	p2 =	sne.s32 s24, s26  }
.Ltmp1:
0x35: {  	_ = 	snop;
	(pc) =	sbr.rel @!p2 .LBB2_25-.Ltmp1, $3  }
0x36: {  	_ =	sdelay $0x1  }
0x37: {  	[sflag:s0] =	ssyncset.done @!p1 $0x0  }
0x38: {  	[sflag:s0] =	ssyncadd.s32 @!p1 $0xFFFFFF00  }
.LBB2_1:
0x39: {  	s0 =	rddreg [dreg:$0x1]  }
0x3a: {  	s1 =	rddreg [dreg:$0x15]  }
0x3b: {  	[spmem:s1], [sflag:s21] =	dma.local [hbm:s0], $0x2800  }
0x3c: {  	_ =	swait.ge [sflag:s28], $0x2800  }
0x3d: {  	[sflag:s28] =	ssyncset.done $0x0  }
0x3e: {  	[sflag:s28] =	ssyncadd.s32 $0xFFFFD800  }
0x3f: {  	[bflag:$0x0] =	sbarrier.arrive $0xFFFF  }
0x40: {  	s25 =	simm.s32 $0x0;
	s26 =	rddreg [dreg:$0x4]  }
0x41: {  	[tilespmem:s25], [sflag:$0x9] =	stream.linear.gather [hbm4b:s26+s25], $0x1000, $0x38;
	[tilespmem:$0x1E000] =	vst v63  }
0x42: {  	_ =	swait.ge [sflag:s28], $0x1000  }
0x43: {  	[sflag:s28] =	ssyncset.done $0x0  }
0x44: {  	s4 =	rddreg [dreg:$0x5];
	[sflag:s28] =	ssyncadd.s32 $0xFFFFF000  }
0x45: {  	[tilespmem:s29], [sflag:$0x9] =	stream.linear.gather [hbm4b:s4+s25], $0x1000, $0x38;
	[tilespmem:$0x1E000] =	vst v63  }
0x46: {  	_ =	swait.ge [sflag:s28], $0x1000  }
0x47: {  	[sflag:s28] =	ssyncset.done $0x0  }
0x48: {  	[sflag:s28] =	ssyncadd.s32 $0xFFFFF000  }
0x49: {  	[tilespmem:s31], [sflag:$0x1] =	stream.indirect.gather [hbm4b:s5+s30], $0x80, s25, s30, $0xb8;
	[tilespmem:$0x1E000] =	vst v63  }
0x4a: {  	s14 =	simm.s32 $0x80  }
0x4b: {  	[tilespmem:s2], [sflag:$0x2] =	stream.indirect.gather [hbm4b:s5+s30], $0x80, s14, s30, $0xb8;
	[tilespmem:$0x1E000] =	vst v63  }
0x4c: {  	s25 =	simm.s32 $0x100  }
0x4d: {  	[tilespmem:s12], [sflag:$0x3] =	stream.indirect.gather [hbm4b:s5+s30], $0x80, s25, s30, $0xb8;
	[tilespmem:$0x1E000] =	vst v63  }
0x4e: {  	_ =	swait.ge [sflag:s13], $0x2000  }
0x4f: {  	[sflag:s13] =	ssyncset.done $0x0  }
0x50: {  	[sflag:s13] =	ssyncadd.s32 $0xFFFFE000  }
0x51: {  	[spmem:s3] =	stream.indirect.scatter.add.f32 [tilespmem:s31], [sflag:$0x5], $0x80, s29, s30, $0xb8;
	[tilespmem:$0x1E000] =	vst v63  }
0x52: {  	s26 =	simm.s32 $0x180  }
0x53: {  	[tilespmem:s15], [sflag:$0x4] =	stream.indirect.gather [hbm4b:s5+s30], $0x80, s26, s30, $0xb8;
	[tilespmem:$0x1E000] =	vst v63  }
0x54: {  	_ =	swait.ge [sflag:s16], $0x2000  }
0x55: {  	[sflag:s16] =	ssyncset.done $0x0  }
0x56: {  	[sflag:s16] =	ssyncadd.s32 $0xFFFFE000  }
0x57: {  	[spmem:s3] =	stream.indirect.scatter.add.f32 [tilespmem:s2], [sflag:$0x6], $0x80, s17, s30, $0xb8;
	[tilespmem:$0x1E000] =	vst v63  }
0x58: {  	_ =	swait.ge [sflag:s18], $0x2000  }
0x59: {  	[sflag:s18] =	ssyncset.done $0x0  }
0x5a: {  	[sflag:s18] =	ssyncadd.s32 $0xFFFFE000  }
0x5b: {  	[tilespmem:s31], [sflag:$0x1] =	stream.indirect.gather [hbm4b:s5+s30], $0x80, s19, s30, $0xb8;
	[tilespmem:$0x1E000] =	vst v63  }
0x5c: {  	_ =	swait.ge [sflag:s6], $0x2000  }
0x5d: {  	[sflag:s6] =	ssyncset.done $0x0  }
0x5e: {  	[sflag:s6] =	ssyncadd.s32 $0xFFFFE000  }
0x5f: {  	[spmem:s3] =	stream.indirect.scatter.add.f32 [tilespmem:s12], [sflag:$0x7], $0x80, s7, s30, $0xb8;
	[tilespmem:$0x1E000] =	vst v63  }
0x60: {  	_ =	swait.ge [sflag:s8], $0x2000  }
0x61: {  	[sflag:s8] =	ssyncset.done $0x0  }
0x62: {  	[sflag:s8] =	ssyncadd.s32 $0xFFFFE000  }
0x63: {  	[tilespmem:s2], [sflag:$0x2] =	stream.indirect.gather [hbm4b:s5+s30], $0x80, s9, s30, $0xb8;
	[tilespmem:$0x1E000] =	vst v63  }
0x64: {  	_ =	swait.ge [sflag:s10], $0x2000  }
0x65: {  	[sflag:s10] =	ssyncset.done $0x0  }
0x66: {  	[sflag:s10] =	ssyncadd.s32 $0xFFFFE000  }
0x67: {  	[spmem:s3] =	stream.indirect.scatter.add.f32 [tilespmem:s15], [sflag:$0x8], $0x80, s11, s30, $0xb8;
	[tilespmem:$0x1E000] =	vst v63  }
0x68: {  	_ =	swait.ge [sflag:s20], $0x2000  }
0x69: {  	[sflag:s20] =	ssyncset.done $0x0  }
0x6a: {  	s25 =	simm.s32 $0x0;
	[sflag:s20] =	ssyncadd.s32 $0xFFFFE000  }
0x6b: {  	[tilespmem:s12], [sflag:$0x3] =	stream.indirect.gather [hbm4b:s5+s30], $0x80, s22, s30, $0xb8;
	[tilespmem:$0x1E000] =	vst v63  }
.LBB2_2:
0x6c: {  	_ =	swait.ge [sflag:s13], $0x2000  }
0x6d: {  	s26 =	sshra.s32 s25, $0x2;
	[sflag:s13] =	ssyncset.done $0x0  }
0x6e: {  	s4 =	sadd.s32 $0x1200, s26;
	[sflag:s13] =	ssyncadd.s32 $0xFFFFE000  }
0x6f: {  	[spmem:s3] =	stream.indirect.scatter.add.f32 [tilespmem:s31], [sflag:$0x5], $0x80, s4, s30, $0xb8;
	[tilespmem:$0x1E000] =	vst v63  }
0x70: {  	_ =	swait.ge [sflag:s23], $0x2000  }
0x71: {  	[sflag:s23] =	ssyncset.done $0x0  }
0x72: {  	s0 =	sadd.s32 $0x380, s26;
	[sflag:s23] =	ssyncadd.s32 $0xFFFFE000  }
0x73: {  	[tilespmem:s15], [sflag:$0x4] =	stream.indirect.gather [hbm4b:s5+s30], $0x80, s0, s30, $0xb8;
	[tilespmem:$0x1E000] =	vst v63  }
0x74: {  	_ =	swait.ge [sflag:s16], $0x2000  }
0x75: {  	[sflag:s16] =	ssyncset.done $0x0  }
0x76: {  	s1 =	sadd.s32 $0x1280, s26;
	[sflag:s16] =	ssyncadd.s32 $0xFFFFE000  }
0x77: {  	[spmem:s3] =	stream.indirect.scatter.add.f32 [tilespmem:s2], [sflag:$0x6], $0x80, s1, s30, $0xb8;
	[tilespmem:$0x1E000] =	vst v63  }
0x78: {  	_ =	swait.ge [sflag:s18], $0x2000  }
0x79: {  	p2 =	seq.s32 s25, $0x3000;
	[sflag:s18] =	ssyncset.done $0x0  }
0x7a: {  	s4 =	simm.s32 @p2 $0x3;
	[sflag:s18] =	ssyncadd.s32 $0xFFFFE000  }
0x7b: {  	_ =	swait.ge @p2 [sflag:s4], $0x2000  }
0x7c: {  	[sflag:s4] =	ssyncset.done @p2 $0x0  }
0x7d: {  	[sflag:s4] =	ssyncadd.s32 @p2 $0xFFFFE000;
	s4 =	sshra.s32 @p2 s25, $0x2  }
0x7e: {  	s0 =	simm.s32 @p2 $0x40;
	s1 =	simm.s32 @p2 $0x6000;
	s4 =	sadd.s32 @p2 $0x1300, s4  }
0x7f: {  	[spmem:s3] =	stream.indirect.scatter.add.f32 @p2 [tilespmem:s1], [sflag:$0x7], $0x80, s4, s0, $0xb8;
	[tilespmem:$0x1E000] =	vst v63  }
0x80: {  	s0 =	simm.s32 @p2 $0x6  }
0x81: {  	_ =	swait.ge @p2 [sflag:s0], $0x2000  }
0x82: {  	[sflag:s0] =	ssyncset.done @p2 $0x0  }
0x83: {  	[sflag:s0] =	ssyncadd.s32 @p2 $0xFFFFE000;
	s0 =	sshra.s32 @!p2 s25, $0x2  }
0x84: {  	s14 =	simm.s32 @!p2 $0x2000;
	s4 =	simm.s32 @!p2 $0x40;
	s1 =	sadd.s32 @!p2 $0x400, s0  }
0x85: {  	[tilespmem:s14], [sflag:$0x1] =	stream.indirect.gather @!p2 [hbm4b:s5+s4], $0x80, s1, s4, $0xb8;
	[tilespmem:$0x1E000] =	vst v63  }
0x86: {  	s1 =	simm.s32 @!p2 $0x3  }
0x87: {  	_ =	swait.ge @!p2 [sflag:s1], $0x2000  }
0x88: {  	[sflag:s1] =	ssyncset.done @!p2 $0x0  }
0x89: {  	s14 =	simm.s32 @!p2 $0x6000;
	[sflag:s1] =	ssyncadd.s32 @!p2 $0xFFFFE000;
	s1 =	sadd.s32 @!p2 $0x1300, s0  }
0x8a: {  	[spmem:s3] =	stream.indirect.scatter.add.f32 @!p2 [tilespmem:s14], [sflag:$0x7], $0x80, s1, s4, $0xb8;
	[tilespmem:$0x1E000] =	vst v63  }
0x8b: {  	s1 =	simm.s32 @!p2 $0x6  }
0x8c: {  	_ =	swait.ge @!p2 [sflag:s1], $0x2000  }
0x8d: {  	[sflag:s1] =	ssyncset.done @!p2 $0x0  }
0x8e: {  	s0 =	sadd.s32 @!p2 $0x480, s0;
	[sflag:s1] =	ssyncadd.s32 @!p2 $0xFFFFE000;
	s1 =	simm.s32 @!p2 $0x4000  }
0x8f: {  	[tilespmem:s1], [sflag:$0x2] =	stream.indirect.gather @!p2 [hbm4b:s5+s4], $0x80, s0, s4, $0xb8;
	[tilespmem:$0x1E000] =	vst v63  }
0x90: {  	_ =	swait.ge [sflag:s10], $0x2000  }
0x91: {  	[sflag:s10] =	ssyncset.done $0x0  }
.Ltmp2:
0x92: {  	s14 =	sadd.s32 $0x1380, s26;
	[sflag:s10] =	ssyncadd.s32 $0xFFFFE000;
	(pc) =	sbr.rel @p2 .LBB2_4-.Ltmp2, $4  }
0x93: {  	[spmem:s3] =	stream.indirect.scatter.add.f32 [tilespmem:s15], [sflag:$0x8], $0x80, s14, s30, $0xb8;
	[tilespmem:$0x1E000] =	vst v63  }
0x94: {  	_ =	swait.ge [sflag:s20], $0x2000  }
0x95: {  	[sflag:s20] =	ssyncset.done $0x0  }
0x96: {  	[sflag:s20] =	ssyncadd.s32 $0xFFFFE000  }
.Ltmp3:
0x97: {  	(pc) =	sbr.rel .LBB2_2-.Ltmp3, $3  }
0x98: {  	_ =	sdelay $0x1  }
0x99: {  	s0 =	sadd.s32 $0x500, s26;
	s25 =	sadd.s32 $0x800, s25  }
0x9a: {  	[tilespmem:s12], [sflag:$0x3] =	stream.indirect.gather [hbm4b:s5+s30], $0x80, s0, s30, $0xb8;
	[tilespmem:$0x1E000] =	vst v63  }
.LBB2_4:
0x9b: {  	_ =	swait.ge [sflag:s23], $0x2000  }
0x9c: {  	[sflag:s23] =	ssyncset.done $0x0  }
0x9d: {  	s25 =	simm.s32 $0x0;
	s0 =	rddreg [dreg:$0x6];
	[sflag:s23] =	ssyncadd.s32 $0xFFFFE000  }
0x9e: {  	[tilespmem:s25], [sflag:$0x9] =	stream.linear.gather [hbm4b:s0+s25], $0x1000, $0x38;
	[tilespmem:$0x1E000] =	vst v63  }
0x9f: {  	_ =	swait.ge [sflag:s28], $0x1000  }
0xa0: {  	[sflag:s28] =	ssyncset.done $0x0  }
0xa1: {  	s1 =	rddreg [dreg:$0x7];
	[sflag:s28] =	ssyncadd.s32 $0xFFFFF000  }
0xa2: {  	[tilespmem:s29], [sflag:$0x9] =	stream.linear.gather [hbm4b:s1+s25], $0x1000, $0x38;
	[tilespmem:$0x1E000] =	vst v63  }
0xa3: {  	_ =	swait.ge [sflag:s28], $0x1000  }
0xa4: {  	[sflag:s28] =	ssyncset.done $0x0  }
0xa5: {  	[sflag:s28] =	ssyncadd.s32 $0xFFFFF000  }
0xa6: {  	[tilespmem:s31], [sflag:$0x1] =	stream.indirect.gather [hbm4b:s5+s30], $0x80, s25, s30, $0xb8;
	[tilespmem:$0x1E000] =	vst v63  }
0xa7: {  	s4 =	simm.s32 $0x80  }
0xa8: {  	[tilespmem:s2], [sflag:$0x2] =	stream.indirect.gather [hbm4b:s5+s30], $0x80, s4, s30, $0xb8;
	[tilespmem:$0x1E000] =	vst v63  }
0xa9: {  	s14 =	simm.s32 $0x100  }
0xaa: {  	[tilespmem:s12], [sflag:$0x3] =	stream.indirect.gather [hbm4b:s5+s30], $0x80, s14, s30, $0xb8;
	[tilespmem:$0x1E000] =	vst v63  }
0xab: {  	_ =	swait.ge [sflag:s13], $0x2000  }
0xac: {  	[sflag:s13] =	ssyncset.done $0x0  }
0xad: {  	[sflag:s13] =	ssyncadd.s32 $0xFFFFE000  }
0xae: {  	[spmem:s3] =	stream.indirect.scatter.add.f32 [tilespmem:s31], [sflag:$0x5], $0x80, s29, s30, $0xb8;
	[tilespmem:$0x1E000] =	vst v63  }
0xaf: {  	s26 =	simm.s32 $0x180  }
0xb0: {  	[tilespmem:s15], [sflag:$0x4] =	stream.indirect.gather [hbm4b:s5+s30], $0x80, s26, s30, $0xb8;
	[tilespmem:$0x1E000] =	vst v63  }
0xb1: {  	_ =	swait.ge [sflag:s16], $0x2000  }
0xb2: {  	[sflag:s16] =	ssyncset.done $0x0  }
0xb3: {  	[sflag:s16] =	ssyncadd.s32 $0xFFFFE000  }
0xb4: {  	[spmem:s3] =	stream.indirect.scatter.add.f32 [tilespmem:s2], [sflag:$0x6], $0x80, s17, s30, $0xb8;
	[tilespmem:$0x1E000] =	vst v63  }
0xb5: {  	_ =	swait.ge [sflag:s18], $0x2000  }
0xb6: {  	[sflag:s18] =	ssyncset.done $0x0  }
0xb7: {  	[sflag:s18] =	ssyncadd.s32 $0xFFFFE000  }
0xb8: {  	[tilespmem:s31], [sflag:$0x1] =	stream.indirect.gather [hbm4b:s5+s30], $0x80, s19, s30, $0xb8;
	[tilespmem:$0x1E000] =	vst v63  }
0xb9: {  	_ =	swait.ge [sflag:s6], $0x2000  }
0xba: {  	[sflag:s6] =	ssyncset.done $0x0  }
0xbb: {  	[sflag:s6] =	ssyncadd.s32 $0xFFFFE000  }
0xbc: {  	[spmem:s3] =	stream.indirect.scatter.add.f32 [tilespmem:s12], [sflag:$0x7], $0x80, s7, s30, $0xb8;
	[tilespmem:$0x1E000] =	vst v63  }
0xbd: {  	_ =	swait.ge [sflag:s8], $0x2000  }
0xbe: {  	[sflag:s8] =	ssyncset.done $0x0  }
0xbf: {  	[sflag:s8] =	ssyncadd.s32 $0xFFFFE000  }
0xc0: {  	[tilespmem:s2], [sflag:$0x2] =	stream.indirect.gather [hbm4b:s5+s30], $0x80, s9, s30, $0xb8;
	[tilespmem:$0x1E000] =	vst v63  }
0xc1: {  	_ =	swait.ge [sflag:s10], $0x2000  }
0xc2: {  	[sflag:s10] =	ssyncset.done $0x0  }
0xc3: {  	[sflag:s10] =	ssyncadd.s32 $0xFFFFE000  }
0xc4: {  	[spmem:s3] =	stream.indirect.scatter.add.f32 [tilespmem:s15], [sflag:$0x8], $0x80, s11, s30, $0xb8;
	[tilespmem:$0x1E000] =	vst v63  }
0xc5: {  	_ =	swait.ge [sflag:s20], $0x2000  }
0xc6: {  	[sflag:s20] =	ssyncset.done $0x0  }
0xc7: {  	[sflag:s20] =	ssyncadd.s32 $0xFFFFE000  }
0xc8: {  	[tilespmem:s12], [sflag:$0x3] =	stream.indirect.gather [hbm4b:s5+s30], $0x80, s22, s30, $0xb8;
	[tilespmem:$0x1E000] =	vst v63  }
.LBB2_5:
0xc9: {  	_ =	swait.ge [sflag:s13], $0x2000  }
0xca: {  	s26 =	sshra.s32 s25, $0x2;
	[sflag:s13] =	ssyncset.done $0x0  }
0xcb: {  	s0 =	sadd.s32 $0x1200, s26;
	[sflag:s13] =	ssyncadd.s32 $0xFFFFE000  }
0xcc: {  	[spmem:s3] =	stream.indirect.scatter.add.f32 [tilespmem:s31], [sflag:$0x5], $0x80, s0, s30, $0xb8;
	[tilespmem:$0x1E000] =	vst v63  }
0xcd: {  	_ =	swait.ge [sflag:s23], $0x2000  }
0xce: {  	[sflag:s23] =	ssyncset.done $0x0  }
0xcf: {  	s1 =	sadd.s32 $0x380, s26;
	[sflag:s23] =	ssyncadd.s32 $0xFFFFE000  }
0xd0: {  	[tilespmem:s15], [sflag:$0x4] =	stream.indirect.gather [hbm4b:s5+s30], $0x80, s1, s30, $0xb8;
	[tilespmem:$0x1E000] =	vst v63  }
0xd1: {  	_ =	swait.ge [sflag:s16], $0x2000  }
0xd2: {  	[sflag:s16] =	ssyncset.done $0x0  }
0xd3: {  	s4 =	sadd.s32 $0x1280, s26;
	[sflag:s16] =	ssyncadd.s32 $0xFFFFE000  }
0xd4: {  	[spmem:s3] =	stream.indirect.scatter.add.f32 [tilespmem:s2], [sflag:$0x6], $0x80, s4, s30, $0xb8;
	[tilespmem:$0x1E000] =	vst v63  }
0xd5: {  	_ =	swait.ge [sflag:s18], $0x2000  }
0xd6: {  	p2 =	seq.s32 s25, $0x3000;
	[sflag:s18] =	ssyncset.done $0x0  }
0xd7: {  	s0 =	simm.s32 @p2 $0x3;
	[sflag:s18] =	ssyncadd.s32 $0xFFFFE000  }
0xd8: {  	_ =	swait.ge @p2 [sflag:s0], $0x2000  }
0xd9: {  	[sflag:s0] =	ssyncset.done @p2 $0x0  }
0xda: {  	[sflag:s0] =	ssyncadd.s32 @p2 $0xFFFFE000;
	s0 =	sshra.s32 @p2 s25, $0x2  }
0xdb: {  	s1 =	simm.s32 @p2 $0x40;
	s4 =	simm.s32 @p2 $0x6000;
	s0 =	sadd.s32 @p2 $0x1300, s0  }
0xdc: {  	[spmem:s3] =	stream.indirect.scatter.add.f32 @p2 [tilespmem:s4], [sflag:$0x7], $0x80, s0, s1, $0xb8;
	[tilespmem:$0x1E000] =	vst v63  }
0xdd: {  	s0 =	simm.s32 @p2 $0x6  }
0xde: {  	_ =	swait.ge @p2 [sflag:s0], $0x2000  }
0xdf: {  	[sflag:s0] =	ssyncset.done @p2 $0x0  }
0xe0: {  	[sflag:s0] =	ssyncadd.s32 @p2 $0xFFFFE000;
	s0 =	sshra.s32 @!p2 s25, $0x2  }
0xe1: {  	s14 =	simm.s32 @!p2 $0x2000;
	s4 =	simm.s32 @!p2 $0x40;
	s1 =	sadd.s32 @!p2 $0x400, s0  }
0xe2: {  	[tilespmem:s14], [sflag:$0x1] =	stream.indirect.gather @!p2 [hbm4b:s5+s4], $0x80, s1, s4, $0xb8;
	[tilespmem:$0x1E000] =	vst v63  }
0xe3: {  	s1 =	simm.s32 @!p2 $0x3  }
0xe4: {  	_ =	swait.ge @!p2 [sflag:s1], $0x2000  }
0xe5: {  	[sflag:s1] =	ssyncset.done @!p2 $0x0  }
0xe6: {  	s14 =	simm.s32 @!p2 $0x6000;
	[sflag:s1] =	ssyncadd.s32 @!p2 $0xFFFFE000;
	s1 =	sadd.s32 @!p2 $0x1300, s0  }
0xe7: {  	[spmem:s3] =	stream.indirect.scatter.add.f32 @!p2 [tilespmem:s14], [sflag:$0x7], $0x80, s1, s4, $0xb8;
	[tilespmem:$0x1E000] =	vst v63  }
0xe8: {  	s1 =	simm.s32 @!p2 $0x6  }
0xe9: {  	_ =	swait.ge @!p2 [sflag:s1], $0x2000  }
0xea: {  	[sflag:s1] =	ssyncset.done @!p2 $0x0  }
0xeb: {  	s0 =	sadd.s32 @!p2 $0x480, s0;
	[sflag:s1] =	ssyncadd.s32 @!p2 $0xFFFFE000;
	s1 =	simm.s32 @!p2 $0x4000  }
0xec: {  	[tilespmem:s1], [sflag:$0x2] =	stream.indirect.gather @!p2 [hbm4b:s5+s4], $0x80, s0, s4, $0xb8;
	[tilespmem:$0x1E000] =	vst v63  }
0xed: {  	_ =	swait.ge [sflag:s10], $0x2000  }
0xee: {  	[sflag:s10] =	ssyncset.done $0x0  }
.Ltmp4:
0xef: {  	s14 =	sadd.s32 $0x1380, s26;
	[sflag:s10] =	ssyncadd.s32 $0xFFFFE000;
	(pc) =	sbr.rel @p2 .LBB2_7-.Ltmp4, $4  }
0xf0: {  	[spmem:s3] =	stream.indirect.scatter.add.f32 [tilespmem:s15], [sflag:$0x8], $0x80, s14, s30, $0xb8;
	[tilespmem:$0x1E000] =	vst v63  }
0xf1: {  	_ =	swait.ge [sflag:s20], $0x2000  }
0xf2: {  	[sflag:s20] =	ssyncset.done $0x0  }
0xf3: {  	[sflag:s20] =	ssyncadd.s32 $0xFFFFE000  }
.Ltmp5:
0xf4: {  	(pc) =	sbr.rel .LBB2_5-.Ltmp5, $3  }
0xf5: {  	_ =	sdelay $0x1  }
0xf6: {  	s0 =	sadd.s32 $0x500, s26;
	s25 =	sadd.s32 $0x800, s25  }
0xf7: {  	[tilespmem:s12], [sflag:$0x3] =	stream.indirect.gather [hbm4b:s5+s30], $0x80, s0, s30, $0xb8;
	[tilespmem:$0x1E000] =	vst v63  }
.LBB2_7:
0xf8: {  	_ =	swait.ge [sflag:s23], $0x2000  }
0xf9: {  	[sflag:s23] =	ssyncset.done $0x0  }
0xfa: {  	s25 =	simm.s32 $0x0;
	s0 =	rddreg [dreg:$0x8];
	[sflag:s23] =	ssyncadd.s32 $0xFFFFE000  }
0xfb: {  	[tilespmem:s25], [sflag:$0x9] =	stream.linear.gather [hbm4b:s0+s25], $0x1000, $0x38;
	[tilespmem:$0x1E000] =	vst v63  }
0xfc: {  	_ =	swait.ge [sflag:s28], $0x1000  }
0xfd: {  	[sflag:s28] =	ssyncset.done $0x0  }
0xfe: {  	s1 =	rddreg [dreg:$0x9];
	[sflag:s28] =	ssyncadd.s32 $0xFFFFF000  }
0xff: {  	[tilespmem:s29], [sflag:$0x9] =	stream.linear.gather [hbm4b:s1+s25], $0x1000, $0x38;
	[tilespmem:$0x1E000] =	vst v63  }
0x100: {  	_ =	swait.ge [sflag:s28], $0x1000  }
0x101: {  	[sflag:s28] =	ssyncset.done $0x0  }
0x102: {  	[sflag:s28] =	ssyncadd.s32 $0xFFFFF000  }
0x103: {  	[tilespmem:s31], [sflag:$0x1] =	stream.indirect.gather [hbm4b:s5+s30], $0x80, s25, s30, $0xb8;
	[tilespmem:$0x1E000] =	vst v63  }
0x104: {  	s4 =	simm.s32 $0x80  }
0x105: {  	[tilespmem:s2], [sflag:$0x2] =	stream.indirect.gather [hbm4b:s5+s30], $0x80, s4, s30, $0xb8;
	[tilespmem:$0x1E000] =	vst v63  }
0x106: {  	s14 =	simm.s32 $0x100  }
0x107: {  	[tilespmem:s12], [sflag:$0x3] =	stream.indirect.gather [hbm4b:s5+s30], $0x80, s14, s30, $0xb8;
	[tilespmem:$0x1E000] =	vst v63  }
0x108: {  	_ =	swait.ge [sflag:s13], $0x2000  }
0x109: {  	[sflag:s13] =	ssyncset.done $0x0  }
0x10a: {  	[sflag:s13] =	ssyncadd.s32 $0xFFFFE000  }
0x10b: {  	[spmem:s3] =	stream.indirect.scatter.add.f32 [tilespmem:s31], [sflag:$0x5], $0x80, s29, s30, $0xb8;
	[tilespmem:$0x1E000] =	vst v63  }
0x10c: {  	s26 =	simm.s32 $0x180  }
0x10d: {  	[tilespmem:s15], [sflag:$0x4] =	stream.indirect.gather [hbm4b:s5+s30], $0x80, s26, s30, $0xb8;
	[tilespmem:$0x1E000] =	vst v63  }
0x10e: {  	_ =	swait.ge [sflag:s16], $0x2000  }
0x10f: {  	[sflag:s16] =	ssyncset.done $0x0  }
0x110: {  	[sflag:s16] =	ssyncadd.s32 $0xFFFFE000  }
0x111: {  	[spmem:s3] =	stream.indirect.scatter.add.f32 [tilespmem:s2], [sflag:$0x6], $0x80, s17, s30, $0xb8;
	[tilespmem:$0x1E000] =	vst v63  }
0x112: {  	_ =	swait.ge [sflag:s18], $0x2000  }
0x113: {  	[sflag:s18] =	ssyncset.done $0x0  }
0x114: {  	[sflag:s18] =	ssyncadd.s32 $0xFFFFE000  }
0x115: {  	[tilespmem:s31], [sflag:$0x1] =	stream.indirect.gather [hbm4b:s5+s30], $0x80, s19, s30, $0xb8;
	[tilespmem:$0x1E000] =	vst v63  }
0x116: {  	_ =	swait.ge [sflag:s6], $0x2000  }
0x117: {  	[sflag:s6] =	ssyncset.done $0x0  }
0x118: {  	[sflag:s6] =	ssyncadd.s32 $0xFFFFE000  }
0x119: {  	[spmem:s3] =	stream.indirect.scatter.add.f32 [tilespmem:s12], [sflag:$0x7], $0x80, s7, s30, $0xb8;
	[tilespmem:$0x1E000] =	vst v63  }
0x11a: {  	_ =	swait.ge [sflag:s8], $0x2000  }
0x11b: {  	[sflag:s8] =	ssyncset.done $0x0  }
0x11c: {  	[sflag:s8] =	ssyncadd.s32 $0xFFFFE000  }
0x11d: {  	[tilespmem:s2], [sflag:$0x2] =	stream.indirect.gather [hbm4b:s5+s30], $0x80, s9, s30, $0xb8;
	[tilespmem:$0x1E000] =	vst v63  }
0x11e: {  	_ =	swait.ge [sflag:s10], $0x2000  }
0x11f: {  	[sflag:s10] =	ssyncset.done $0x0  }
0x120: {  	[sflag:s10] =	ssyncadd.s32 $0xFFFFE000  }
0x121: {  	[spmem:s3] =	stream.indirect.scatter.add.f32 [tilespmem:s15], [sflag:$0x8], $0x80, s11, s30, $0xb8;
	[tilespmem:$0x1E000] =	vst v63  }
0x122: {  	_ =	swait.ge [sflag:s20], $0x2000  }
0x123: {  	[sflag:s20] =	ssyncset.done $0x0  }
0x124: {  	[sflag:s20] =	ssyncadd.s32 $0xFFFFE000  }
0x125: {  	[tilespmem:s12], [sflag:$0x3] =	stream.indirect.gather [hbm4b:s5+s30], $0x80, s22, s30, $0xb8;
	[tilespmem:$0x1E000] =	vst v63  }
.LBB2_8:
0x126: {  	_ =	swait.ge [sflag:s13], $0x2000  }
0x127: {  	s26 =	sshra.s32 s25, $0x2;
	[sflag:s13] =	ssyncset.done $0x0  }
0x128: {  	s0 =	sadd.s32 $0x1200, s26;
	[sflag:s13] =	ssyncadd.s32 $0xFFFFE000  }
0x129: {  	[spmem:s3] =	stream.indirect.scatter.add.f32 [tilespmem:s31], [sflag:$0x5], $0x80, s0, s30, $0xb8;
	[tilespmem:$0x1E000] =	vst v63  }
0x12a: {  	_ =	swait.ge [sflag:s23], $0x2000  }
0x12b: {  	[sflag:s23] =	ssyncset.done $0x0  }
0x12c: {  	s1 =	sadd.s32 $0x380, s26;
	[sflag:s23] =	ssyncadd.s32 $0xFFFFE000  }
0x12d: {  	[tilespmem:s15], [sflag:$0x4] =	stream.indirect.gather [hbm4b:s5+s30], $0x80, s1, s30, $0xb8;
	[tilespmem:$0x1E000] =	vst v63  }
0x12e: {  	_ =	swait.ge [sflag:s16], $0x2000  }
0x12f: {  	[sflag:s16] =	ssyncset.done $0x0  }
0x130: {  	s4 =	sadd.s32 $0x1280, s26;
	[sflag:s16] =	ssyncadd.s32 $0xFFFFE000  }
0x131: {  	[spmem:s3] =	stream.indirect.scatter.add.f32 [tilespmem:s2], [sflag:$0x6], $0x80, s4, s30, $0xb8;
	[tilespmem:$0x1E000] =	vst v63  }
0x132: {  	_ =	swait.ge [sflag:s18], $0x2000  }
0x133: {  	p2 =	seq.s32 s25, $0x3000;
	[sflag:s18] =	ssyncset.done $0x0  }
0x134: {  	s0 =	simm.s32 @p2 $0x3;
	[sflag:s18] =	ssyncadd.s32 $0xFFFFE000  }
0x135: {  	_ =	swait.ge @p2 [sflag:s0], $0x2000  }
0x136: {  	[sflag:s0] =	ssyncset.done @p2 $0x0  }
0x137: {  	[sflag:s0] =	ssyncadd.s32 @p2 $0xFFFFE000;
	s0 =	sshra.s32 @p2 s25, $0x2  }
0x138: {  	s1 =	simm.s32 @p2 $0x40;
	s4 =	simm.s32 @p2 $0x6000;
	s0 =	sadd.s32 @p2 $0x1300, s0  }
0x139: {  	[spmem:s3] =	stream.indirect.scatter.add.f32 @p2 [tilespmem:s4], [sflag:$0x7], $0x80, s0, s1, $0xb8;
	[tilespmem:$0x1E000] =	vst v63  }
0x13a: {  	s0 =	simm.s32 @p2 $0x6  }
0x13b: {  	_ =	swait.ge @p2 [sflag:s0], $0x2000  }
0x13c: {  	[sflag:s0] =	ssyncset.done @p2 $0x0  }
0x13d: {  	[sflag:s0] =	ssyncadd.s32 @p2 $0xFFFFE000;
	s0 =	sshra.s32 @!p2 s25, $0x2  }
0x13e: {  	s14 =	simm.s32 @!p2 $0x2000;
	s4 =	simm.s32 @!p2 $0x40;
	s1 =	sadd.s32 @!p2 $0x400, s0  }
0x13f: {  	[tilespmem:s14], [sflag:$0x1] =	stream.indirect.gather @!p2 [hbm4b:s5+s4], $0x80, s1, s4, $0xb8;
	[tilespmem:$0x1E000] =	vst v63  }
0x140: {  	s1 =	simm.s32 @!p2 $0x3  }
0x141: {  	_ =	swait.ge @!p2 [sflag:s1], $0x2000  }
0x142: {  	[sflag:s1] =	ssyncset.done @!p2 $0x0  }
0x143: {  	s14 =	simm.s32 @!p2 $0x6000;
	[sflag:s1] =	ssyncadd.s32 @!p2 $0xFFFFE000;
	s1 =	sadd.s32 @!p2 $0x1300, s0  }
0x144: {  	[spmem:s3] =	stream.indirect.scatter.add.f32 @!p2 [tilespmem:s14], [sflag:$0x7], $0x80, s1, s4, $0xb8;
	[tilespmem:$0x1E000] =	vst v63  }
0x145: {  	s1 =	simm.s32 @!p2 $0x6  }
0x146: {  	_ =	swait.ge @!p2 [sflag:s1], $0x2000  }
0x147: {  	[sflag:s1] =	ssyncset.done @!p2 $0x0  }
0x148: {  	s0 =	sadd.s32 @!p2 $0x480, s0;
	[sflag:s1] =	ssyncadd.s32 @!p2 $0xFFFFE000;
	s1 =	simm.s32 @!p2 $0x4000  }
0x149: {  	[tilespmem:s1], [sflag:$0x2] =	stream.indirect.gather @!p2 [hbm4b:s5+s4], $0x80, s0, s4, $0xb8;
	[tilespmem:$0x1E000] =	vst v63  }
0x14a: {  	_ =	swait.ge [sflag:s10], $0x2000  }
0x14b: {  	[sflag:s10] =	ssyncset.done $0x0  }
.Ltmp6:
0x14c: {  	s14 =	sadd.s32 $0x1380, s26;
	[sflag:s10] =	ssyncadd.s32 $0xFFFFE000;
	(pc) =	sbr.rel @p2 .LBB2_10-.Ltmp6, $4  }
0x14d: {  	[spmem:s3] =	stream.indirect.scatter.add.f32 [tilespmem:s15], [sflag:$0x8], $0x80, s14, s30, $0xb8;
	[tilespmem:$0x1E000] =	vst v63  }
0x14e: {  	_ =	swait.ge [sflag:s20], $0x2000  }
0x14f: {  	[sflag:s20] =	ssyncset.done $0x0  }
0x150: {  	[sflag:s20] =	ssyncadd.s32 $0xFFFFE000  }
.Ltmp7:
0x151: {  	(pc) =	sbr.rel .LBB2_8-.Ltmp7, $3  }
0x152: {  	_ =	sdelay $0x1  }
0x153: {  	s0 =	sadd.s32 $0x500, s26;
	s25 =	sadd.s32 $0x800, s25  }
0x154: {  	[tilespmem:s12], [sflag:$0x3] =	stream.indirect.gather [hbm4b:s5+s30], $0x80, s0, s30, $0xb8;
	[tilespmem:$0x1E000] =	vst v63  }
.LBB2_10:
.Ltmp8:
0x155: {  	(pc) =	sbr.rel @p0 .LBB2_24-.Ltmp8, $4  }
0x156: {  	_ = 	snop  }
0x157: {  	_ =	swait.ge [sflag:s23], $0x2000  }
0x158: {  	[sflag:s23] =	ssyncset.done $0x0  }
0x159: {  	[sflag:s23] =	ssyncadd.s32 $0xFFFFE000  }
0x15a: {  	s25 =	simm.s32 $0x0;
	s0 =	rddreg [dreg:$0xa]  }
0x15b: {  	[tilespmem:s25], [sflag:$0x9] =	stream.linear.gather [hbm4b:s0+s25], $0x1000, $0x38;
	[tilespmem:$0x1E000] =	vst v63  }
0x15c: {  	_ =	swait.ge [sflag:s28], $0x1000  }
0x15d: {  	[sflag:s28] =	ssyncset.done $0x0  }
0x15e: {  	s1 =	rddreg [dreg:$0xb];
	[sflag:s28] =	ssyncadd.s32 $0xFFFFF000  }
0x15f: {  	[tilespmem:s29], [sflag:$0x9] =	stream.linear.gather [hbm4b:s1+s25], $0x1000, $0x38;
	[tilespmem:$0x1E000] =	vst v63  }
0x160: {  	_ =	swait.ge [sflag:s28], $0x1000  }
0x161: {  	[sflag:s28] =	ssyncset.done $0x0  }
0x162: {  	[sflag:s28] =	ssyncadd.s32 $0xFFFFF000  }
0x163: {  	[tilespmem:s31], [sflag:$0x1] =	stream.indirect.gather [hbm4b:s5+s30], $0x80, s25, s30, $0xb8;
	[tilespmem:$0x1E000] =	vst v63  }
0x164: {  	s4 =	simm.s32 $0x80  }
0x165: {  	[tilespmem:s2], [sflag:$0x2] =	stream.indirect.gather [hbm4b:s5+s30], $0x80, s4, s30, $0xb8;
	[tilespmem:$0x1E000] =	vst v63  }
0x166: {  	s14 =	simm.s32 $0x100  }
0x167: {  	[tilespmem:s12], [sflag:$0x3] =	stream.indirect.gather [hbm4b:s5+s30], $0x80, s14, s30, $0xb8;
	[tilespmem:$0x1E000] =	vst v63  }
0x168: {  	_ =	swait.ge [sflag:s13], $0x2000  }
0x169: {  	[sflag:s13] =	ssyncset.done $0x0  }
0x16a: {  	[sflag:s13] =	ssyncadd.s32 $0xFFFFE000  }
0x16b: {  	[spmem:s3] =	stream.indirect.scatter.add.f32 [tilespmem:s31], [sflag:$0x5], $0x80, s29, s30, $0xb8;
	[tilespmem:$0x1E000] =	vst v63  }
0x16c: {  	s26 =	simm.s32 $0x180  }
0x16d: {  	[tilespmem:s15], [sflag:$0x4] =	stream.indirect.gather [hbm4b:s5+s30], $0x80, s26, s30, $0xb8;
	[tilespmem:$0x1E000] =	vst v63  }
0x16e: {  	_ =	swait.ge [sflag:s16], $0x2000  }
0x16f: {  	[sflag:s16] =	ssyncset.done $0x0  }
0x170: {  	[sflag:s16] =	ssyncadd.s32 $0xFFFFE000  }
0x171: {  	[spmem:s3] =	stream.indirect.scatter.add.f32 [tilespmem:s2], [sflag:$0x6], $0x80, s17, s30, $0xb8;
	[tilespmem:$0x1E000] =	vst v63  }
0x172: {  	_ =	swait.ge [sflag:s18], $0x2000  }
0x173: {  	[sflag:s18] =	ssyncset.done $0x0  }
0x174: {  	[sflag:s18] =	ssyncadd.s32 $0xFFFFE000  }
0x175: {  	[tilespmem:s31], [sflag:$0x1] =	stream.indirect.gather [hbm4b:s5+s30], $0x80, s19, s30, $0xb8;
	[tilespmem:$0x1E000] =	vst v63  }
0x176: {  	_ =	swait.ge [sflag:s6], $0x2000  }
0x177: {  	[sflag:s6] =	ssyncset.done $0x0  }
0x178: {  	[sflag:s6] =	ssyncadd.s32 $0xFFFFE000  }
0x179: {  	[spmem:s3] =	stream.indirect.scatter.add.f32 [tilespmem:s12], [sflag:$0x7], $0x80, s7, s30, $0xb8;
	[tilespmem:$0x1E000] =	vst v63  }
0x17a: {  	_ =	swait.ge [sflag:s8], $0x2000  }
0x17b: {  	[sflag:s8] =	ssyncset.done $0x0  }
0x17c: {  	[sflag:s8] =	ssyncadd.s32 $0xFFFFE000  }
0x17d: {  	[tilespmem:s2], [sflag:$0x2] =	stream.indirect.gather [hbm4b:s5+s30], $0x80, s9, s30, $0xb8;
	[tilespmem:$0x1E000] =	vst v63  }
0x17e: {  	_ =	swait.ge [sflag:s10], $0x2000  }
0x17f: {  	[sflag:s10] =	ssyncset.done $0x0  }
0x180: {  	[sflag:s10] =	ssyncadd.s32 $0xFFFFE000  }
0x181: {  	[spmem:s3] =	stream.indirect.scatter.add.f32 [tilespmem:s15], [sflag:$0x8], $0x80, s11, s30, $0xb8;
	[tilespmem:$0x1E000] =	vst v63  }
0x182: {  	_ =	swait.ge [sflag:s20], $0x2000  }
0x183: {  	[sflag:s20] =	ssyncset.done $0x0  }
0x184: {  	[sflag:s20] =	ssyncadd.s32 $0xFFFFE000  }
0x185: {  	[tilespmem:s12], [sflag:$0x3] =	stream.indirect.gather [hbm4b:s5+s30], $0x80, s22, s30, $0xb8;
	[tilespmem:$0x1E000] =	vst v63  }
.LBB2_12:
0x186: {  	_ =	swait.ge [sflag:s13], $0x2000  }
0x187: {  	s26 =	sshra.s32 s25, $0x2;
	[sflag:s13] =	ssyncset.done $0x0  }
0x188: {  	s0 =	sadd.s32 $0x1200, s26;
	[sflag:s13] =	ssyncadd.s32 $0xFFFFE000  }
0x189: {  	[spmem:s3] =	stream.indirect.scatter.add.f32 [tilespmem:s31], [sflag:$0x5], $0x80, s0, s30, $0xb8;
	[tilespmem:$0x1E000] =	vst v63  }
0x18a: {  	_ =	swait.ge [sflag:s23], $0x2000  }
0x18b: {  	[sflag:s23] =	ssyncset.done $0x0  }
0x18c: {  	s1 =	sadd.s32 $0x380, s26;
	[sflag:s23] =	ssyncadd.s32 $0xFFFFE000  }
0x18d: {  	[tilespmem:s15], [sflag:$0x4] =	stream.indirect.gather [hbm4b:s5+s30], $0x80, s1, s30, $0xb8;
	[tilespmem:$0x1E000] =	vst v63  }
0x18e: {  	_ =	swait.ge [sflag:s16], $0x2000  }
0x18f: {  	[sflag:s16] =	ssyncset.done $0x0  }
0x190: {  	s4 =	sadd.s32 $0x1280, s26;
	[sflag:s16] =	ssyncadd.s32 $0xFFFFE000  }
0x191: {  	[spmem:s3] =	stream.indirect.scatter.add.f32 [tilespmem:s2], [sflag:$0x6], $0x80, s4, s30, $0xb8;
	[tilespmem:$0x1E000] =	vst v63  }
0x192: {  	_ =	swait.ge [sflag:s18], $0x2000  }
0x193: {  	p2 =	seq.s32 s25, $0x3000;
	[sflag:s18] =	ssyncset.done $0x0  }
0x194: {  	s0 =	simm.s32 @p2 $0x3;
	[sflag:s18] =	ssyncadd.s32 $0xFFFFE000  }
0x195: {  	_ =	swait.ge @p2 [sflag:s0], $0x2000  }
0x196: {  	[sflag:s0] =	ssyncset.done @p2 $0x0  }
0x197: {  	[sflag:s0] =	ssyncadd.s32 @p2 $0xFFFFE000;
	s0 =	sshra.s32 @p2 s25, $0x2  }
0x198: {  	s1 =	simm.s32 @p2 $0x40;
	s4 =	simm.s32 @p2 $0x6000;
	s0 =	sadd.s32 @p2 $0x1300, s0  }
0x199: {  	[spmem:s3] =	stream.indirect.scatter.add.f32 @p2 [tilespmem:s4], [sflag:$0x7], $0x80, s0, s1, $0xb8;
	[tilespmem:$0x1E000] =	vst v63  }
0x19a: {  	s0 =	simm.s32 @p2 $0x6  }
0x19b: {  	_ =	swait.ge @p2 [sflag:s0], $0x2000  }
0x19c: {  	[sflag:s0] =	ssyncset.done @p2 $0x0  }
0x19d: {  	[sflag:s0] =	ssyncadd.s32 @p2 $0xFFFFE000;
	s0 =	sshra.s32 @!p2 s25, $0x2  }
0x19e: {  	s14 =	simm.s32 @!p2 $0x2000;
	s4 =	simm.s32 @!p2 $0x40;
	s1 =	sadd.s32 @!p2 $0x400, s0  }
0x19f: {  	[tilespmem:s14], [sflag:$0x1] =	stream.indirect.gather @!p2 [hbm4b:s5+s4], $0x80, s1, s4, $0xb8;
	[tilespmem:$0x1E000] =	vst v63  }
0x1a0: {  	s1 =	simm.s32 @!p2 $0x3  }
0x1a1: {  	_ =	swait.ge @!p2 [sflag:s1], $0x2000  }
0x1a2: {  	[sflag:s1] =	ssyncset.done @!p2 $0x0  }
0x1a3: {  	s14 =	simm.s32 @!p2 $0x6000;
	[sflag:s1] =	ssyncadd.s32 @!p2 $0xFFFFE000;
	s1 =	sadd.s32 @!p2 $0x1300, s0  }
0x1a4: {  	[spmem:s3] =	stream.indirect.scatter.add.f32 @!p2 [tilespmem:s14], [sflag:$0x7], $0x80, s1, s4, $0xb8;
	[tilespmem:$0x1E000] =	vst v63  }
0x1a5: {  	s1 =	simm.s32 @!p2 $0x6  }
0x1a6: {  	_ =	swait.ge @!p2 [sflag:s1], $0x2000  }
0x1a7: {  	[sflag:s1] =	ssyncset.done @!p2 $0x0  }
0x1a8: {  	s0 =	sadd.s32 @!p2 $0x480, s0;
	[sflag:s1] =	ssyncadd.s32 @!p2 $0xFFFFE000;
	s1 =	simm.s32 @!p2 $0x4000  }
0x1a9: {  	[tilespmem:s1], [sflag:$0x2] =	stream.indirect.gather @!p2 [hbm4b:s5+s4], $0x80, s0, s4, $0xb8;
	[tilespmem:$0x1E000] =	vst v63  }
0x1aa: {  	_ =	swait.ge [sflag:s10], $0x2000  }
0x1ab: {  	[sflag:s10] =	ssyncset.done $0x0  }
.Ltmp9:
0x1ac: {  	s14 =	sadd.s32 $0x1380, s26;
	[sflag:s10] =	ssyncadd.s32 $0xFFFFE000;
	(pc) =	sbr.rel @p2 .LBB2_14-.Ltmp9, $4  }
0x1ad: {  	[spmem:s3] =	stream.indirect.scatter.add.f32 [tilespmem:s15], [sflag:$0x8], $0x80, s14, s30, $0xb8;
	[tilespmem:$0x1E000] =	vst v63  }
0x1ae: {  	_ =	swait.ge [sflag:s20], $0x2000  }
0x1af: {  	[sflag:s20] =	ssyncset.done $0x0  }
0x1b0: {  	[sflag:s20] =	ssyncadd.s32 $0xFFFFE000  }
.Ltmp10:
0x1b1: {  	(pc) =	sbr.rel .LBB2_12-.Ltmp10, $3  }
0x1b2: {  	_ =	sdelay $0x1  }
0x1b3: {  	s0 =	sadd.s32 $0x500, s26;
	s25 =	sadd.s32 $0x800, s25  }
0x1b4: {  	[tilespmem:s12], [sflag:$0x3] =	stream.indirect.gather [hbm4b:s5+s30], $0x80, s0, s30, $0xb8;
	[tilespmem:$0x1E000] =	vst v63  }
.LBB2_14:
0x1b5: {  	_ =	swait.ge [sflag:s23], $0x2000  }
0x1b6: {  	[sflag:s23] =	ssyncset.done $0x0  }
0x1b7: {  	s25 =	simm.s32 $0x0;
	s0 =	rddreg [dreg:$0xc];
	[sflag:s23] =	ssyncadd.s32 $0xFFFFE000  }
0x1b8: {  	[tilespmem:s25], [sflag:$0x9] =	stream.linear.gather [hbm4b:s0+s25], $0x1000, $0x38;
	[tilespmem:$0x1E000] =	vst v63  }
0x1b9: {  	_ =	swait.ge [sflag:s28], $0x1000  }
0x1ba: {  	[sflag:s28] =	ssyncset.done $0x0  }
0x1bb: {  	s1 =	rddreg [dreg:$0xd];
	[sflag:s28] =	ssyncadd.s32 $0xFFFFF000  }
0x1bc: {  	[tilespmem:s29], [sflag:$0x9] =	stream.linear.gather [hbm4b:s1+s25], $0x1000, $0x38;
	[tilespmem:$0x1E000] =	vst v63  }
0x1bd: {  	_ =	swait.ge [sflag:s28], $0x1000  }
0x1be: {  	[sflag:s28] =	ssyncset.done $0x0  }
0x1bf: {  	[sflag:s28] =	ssyncadd.s32 $0xFFFFF000  }
0x1c0: {  	[tilespmem:s31], [sflag:$0x1] =	stream.indirect.gather [hbm4b:s5+s30], $0x80, s25, s30, $0xb8;
	[tilespmem:$0x1E000] =	vst v63  }
0x1c1: {  	s4 =	simm.s32 $0x80  }
0x1c2: {  	[tilespmem:s2], [sflag:$0x2] =	stream.indirect.gather [hbm4b:s5+s30], $0x80, s4, s30, $0xb8;
	[tilespmem:$0x1E000] =	vst v63  }
0x1c3: {  	s14 =	simm.s32 $0x100  }
0x1c4: {  	[tilespmem:s12], [sflag:$0x3] =	stream.indirect.gather [hbm4b:s5+s30], $0x80, s14, s30, $0xb8;
	[tilespmem:$0x1E000] =	vst v63  }
0x1c5: {  	_ =	swait.ge [sflag:s13], $0x2000  }
0x1c6: {  	[sflag:s13] =	ssyncset.done $0x0  }
0x1c7: {  	[sflag:s13] =	ssyncadd.s32 $0xFFFFE000  }
0x1c8: {  	[spmem:s3] =	stream.indirect.scatter.add.f32 [tilespmem:s31], [sflag:$0x5], $0x80, s29, s30, $0xb8;
	[tilespmem:$0x1E000] =	vst v63  }
0x1c9: {  	s26 =	simm.s32 $0x180  }
0x1ca: {  	[tilespmem:s15], [sflag:$0x4] =	stream.indirect.gather [hbm4b:s5+s30], $0x80, s26, s30, $0xb8;
	[tilespmem:$0x1E000] =	vst v63  }
0x1cb: {  	_ =	swait.ge [sflag:s16], $0x2000  }
0x1cc: {  	[sflag:s16] =	ssyncset.done $0x0  }
0x1cd: {  	[sflag:s16] =	ssyncadd.s32 $0xFFFFE000  }
0x1ce: {  	[spmem:s3] =	stream.indirect.scatter.add.f32 [tilespmem:s2], [sflag:$0x6], $0x80, s17, s30, $0xb8;
	[tilespmem:$0x1E000] =	vst v63  }
0x1cf: {  	_ =	swait.ge [sflag:s18], $0x2000  }
0x1d0: {  	[sflag:s18] =	ssyncset.done $0x0  }
0x1d1: {  	[sflag:s18] =	ssyncadd.s32 $0xFFFFE000  }
0x1d2: {  	[tilespmem:s31], [sflag:$0x1] =	stream.indirect.gather [hbm4b:s5+s30], $0x80, s19, s30, $0xb8;
	[tilespmem:$0x1E000] =	vst v63  }
0x1d3: {  	_ =	swait.ge [sflag:s6], $0x2000  }
0x1d4: {  	[sflag:s6] =	ssyncset.done $0x0  }
0x1d5: {  	[sflag:s6] =	ssyncadd.s32 $0xFFFFE000  }
0x1d6: {  	[spmem:s3] =	stream.indirect.scatter.add.f32 [tilespmem:s12], [sflag:$0x7], $0x80, s7, s30, $0xb8;
	[tilespmem:$0x1E000] =	vst v63  }
0x1d7: {  	_ =	swait.ge [sflag:s8], $0x2000  }
0x1d8: {  	[sflag:s8] =	ssyncset.done $0x0  }
0x1d9: {  	[sflag:s8] =	ssyncadd.s32 $0xFFFFE000  }
0x1da: {  	[tilespmem:s2], [sflag:$0x2] =	stream.indirect.gather [hbm4b:s5+s30], $0x80, s9, s30, $0xb8;
	[tilespmem:$0x1E000] =	vst v63  }
0x1db: {  	_ =	swait.ge [sflag:s10], $0x2000  }
0x1dc: {  	[sflag:s10] =	ssyncset.done $0x0  }
0x1dd: {  	[sflag:s10] =	ssyncadd.s32 $0xFFFFE000  }
0x1de: {  	[spmem:s3] =	stream.indirect.scatter.add.f32 [tilespmem:s15], [sflag:$0x8], $0x80, s11, s30, $0xb8;
	[tilespmem:$0x1E000] =	vst v63  }
0x1df: {  	_ =	swait.ge [sflag:s20], $0x2000  }
0x1e0: {  	[sflag:s20] =	ssyncset.done $0x0  }
0x1e1: {  	[sflag:s20] =	ssyncadd.s32 $0xFFFFE000  }
0x1e2: {  	[tilespmem:s12], [sflag:$0x3] =	stream.indirect.gather [hbm4b:s5+s30], $0x80, s22, s30, $0xb8;
	[tilespmem:$0x1E000] =	vst v63  }
.LBB2_15:
0x1e3: {  	_ =	swait.ge [sflag:s13], $0x2000  }
0x1e4: {  	s26 =	sshra.s32 s25, $0x2;
	[sflag:s13] =	ssyncset.done $0x0  }
0x1e5: {  	s0 =	sadd.s32 $0x1200, s26;
	[sflag:s13] =	ssyncadd.s32 $0xFFFFE000  }
0x1e6: {  	[spmem:s3] =	stream.indirect.scatter.add.f32 [tilespmem:s31], [sflag:$0x5], $0x80, s0, s30, $0xb8;
	[tilespmem:$0x1E000] =	vst v63  }
0x1e7: {  	_ =	swait.ge [sflag:s23], $0x2000  }
0x1e8: {  	[sflag:s23] =	ssyncset.done $0x0  }
0x1e9: {  	s1 =	sadd.s32 $0x380, s26;
	[sflag:s23] =	ssyncadd.s32 $0xFFFFE000  }
0x1ea: {  	[tilespmem:s15], [sflag:$0x4] =	stream.indirect.gather [hbm4b:s5+s30], $0x80, s1, s30, $0xb8;
	[tilespmem:$0x1E000] =	vst v63  }
0x1eb: {  	_ =	swait.ge [sflag:s16], $0x2000  }
0x1ec: {  	[sflag:s16] =	ssyncset.done $0x0  }
0x1ed: {  	s4 =	sadd.s32 $0x1280, s26;
	[sflag:s16] =	ssyncadd.s32 $0xFFFFE000  }
0x1ee: {  	[spmem:s3] =	stream.indirect.scatter.add.f32 [tilespmem:s2], [sflag:$0x6], $0x80, s4, s30, $0xb8;
	[tilespmem:$0x1E000] =	vst v63  }
0x1ef: {  	_ =	swait.ge [sflag:s18], $0x2000  }
0x1f0: {  	p2 =	seq.s32 s25, $0x3000;
	[sflag:s18] =	ssyncset.done $0x0  }
0x1f1: {  	s0 =	simm.s32 @p2 $0x3;
	[sflag:s18] =	ssyncadd.s32 $0xFFFFE000  }
0x1f2: {  	_ =	swait.ge @p2 [sflag:s0], $0x2000  }
0x1f3: {  	[sflag:s0] =	ssyncset.done @p2 $0x0  }
0x1f4: {  	[sflag:s0] =	ssyncadd.s32 @p2 $0xFFFFE000;
	s0 =	sshra.s32 @p2 s25, $0x2  }
0x1f5: {  	s1 =	simm.s32 @p2 $0x40;
	s4 =	simm.s32 @p2 $0x6000;
	s0 =	sadd.s32 @p2 $0x1300, s0  }
0x1f6: {  	[spmem:s3] =	stream.indirect.scatter.add.f32 @p2 [tilespmem:s4], [sflag:$0x7], $0x80, s0, s1, $0xb8;
	[tilespmem:$0x1E000] =	vst v63  }
0x1f7: {  	s0 =	simm.s32 @p2 $0x6  }
0x1f8: {  	_ =	swait.ge @p2 [sflag:s0], $0x2000  }
0x1f9: {  	[sflag:s0] =	ssyncset.done @p2 $0x0  }
0x1fa: {  	[sflag:s0] =	ssyncadd.s32 @p2 $0xFFFFE000;
	s0 =	sshra.s32 @!p2 s25, $0x2  }
0x1fb: {  	s14 =	simm.s32 @!p2 $0x2000;
	s4 =	simm.s32 @!p2 $0x40;
	s1 =	sadd.s32 @!p2 $0x400, s0  }
0x1fc: {  	[tilespmem:s14], [sflag:$0x1] =	stream.indirect.gather @!p2 [hbm4b:s5+s4], $0x80, s1, s4, $0xb8;
	[tilespmem:$0x1E000] =	vst v63  }
0x1fd: {  	s1 =	simm.s32 @!p2 $0x3  }
0x1fe: {  	_ =	swait.ge @!p2 [sflag:s1], $0x2000  }
0x1ff: {  	[sflag:s1] =	ssyncset.done @!p2 $0x0  }
0x200: {  	s14 =	simm.s32 @!p2 $0x6000;
	[sflag:s1] =	ssyncadd.s32 @!p2 $0xFFFFE000;
	s1 =	sadd.s32 @!p2 $0x1300, s0  }
0x201: {  	[spmem:s3] =	stream.indirect.scatter.add.f32 @!p2 [tilespmem:s14], [sflag:$0x7], $0x80, s1, s4, $0xb8;
	[tilespmem:$0x1E000] =	vst v63  }
0x202: {  	s1 =	simm.s32 @!p2 $0x6  }
0x203: {  	_ =	swait.ge @!p2 [sflag:s1], $0x2000  }
0x204: {  	[sflag:s1] =	ssyncset.done @!p2 $0x0  }
0x205: {  	s0 =	sadd.s32 @!p2 $0x480, s0;
	[sflag:s1] =	ssyncadd.s32 @!p2 $0xFFFFE000;
	s1 =	simm.s32 @!p2 $0x4000  }
0x206: {  	[tilespmem:s1], [sflag:$0x2] =	stream.indirect.gather @!p2 [hbm4b:s5+s4], $0x80, s0, s4, $0xb8;
	[tilespmem:$0x1E000] =	vst v63  }
0x207: {  	_ =	swait.ge [sflag:s10], $0x2000  }
0x208: {  	[sflag:s10] =	ssyncset.done $0x0  }
.Ltmp11:
0x209: {  	s14 =	sadd.s32 $0x1380, s26;
	[sflag:s10] =	ssyncadd.s32 $0xFFFFE000;
	(pc) =	sbr.rel @p2 .LBB2_17-.Ltmp11, $4  }
0x20a: {  	[spmem:s3] =	stream.indirect.scatter.add.f32 [tilespmem:s15], [sflag:$0x8], $0x80, s14, s30, $0xb8;
	[tilespmem:$0x1E000] =	vst v63  }
0x20b: {  	_ =	swait.ge [sflag:s20], $0x2000  }
0x20c: {  	[sflag:s20] =	ssyncset.done $0x0  }
0x20d: {  	[sflag:s20] =	ssyncadd.s32 $0xFFFFE000  }
.Ltmp12:
0x20e: {  	(pc) =	sbr.rel .LBB2_15-.Ltmp12, $3  }
0x20f: {  	_ =	sdelay $0x1  }
0x210: {  	s0 =	sadd.s32 $0x500, s26;
	s25 =	sadd.s32 $0x800, s25  }
0x211: {  	[tilespmem:s12], [sflag:$0x3] =	stream.indirect.gather [hbm4b:s5+s30], $0x80, s0, s30, $0xb8;
	[tilespmem:$0x1E000] =	vst v63  }
.LBB2_17:
0x212: {  	_ =	swait.ge [sflag:s23], $0x2000  }
0x213: {  	[sflag:s23] =	ssyncset.done $0x0  }
0x214: {  	s25 =	simm.s32 $0x0;
	s0 =	rddreg [dreg:$0xe];
	[sflag:s23] =	ssyncadd.s32 $0xFFFFE000  }
0x215: {  	[tilespmem:s25], [sflag:$0x9] =	stream.linear.gather [hbm4b:s0+s25], $0x1000, $0x38;
	[tilespmem:$0x1E000] =	vst v63  }
0x216: {  	_ =	swait.ge [sflag:s28], $0x1000  }
0x217: {  	[sflag:s28] =	ssyncset.done $0x0  }
0x218: {  	s1 =	rddreg [dreg:$0xf];
	[sflag:s28] =	ssyncadd.s32 $0xFFFFF000  }
0x219: {  	[tilespmem:s29], [sflag:$0x9] =	stream.linear.gather [hbm4b:s1+s25], $0x1000, $0x38;
	[tilespmem:$0x1E000] =	vst v63  }
0x21a: {  	_ =	swait.ge [sflag:s28], $0x1000  }
0x21b: {  	[sflag:s28] =	ssyncset.done $0x0  }
0x21c: {  	[sflag:s28] =	ssyncadd.s32 $0xFFFFF000  }
0x21d: {  	[tilespmem:s31], [sflag:$0x1] =	stream.indirect.gather [hbm4b:s5+s30], $0x80, s25, s30, $0xb8;
	[tilespmem:$0x1E000] =	vst v63  }
0x21e: {  	s4 =	simm.s32 $0x80  }
0x21f: {  	[tilespmem:s2], [sflag:$0x2] =	stream.indirect.gather [hbm4b:s5+s30], $0x80, s4, s30, $0xb8;
	[tilespmem:$0x1E000] =	vst v63  }
0x220: {  	s14 =	simm.s32 $0x100  }
0x221: {  	[tilespmem:s12], [sflag:$0x3] =	stream.indirect.gather [hbm4b:s5+s30], $0x80, s14, s30, $0xb8;
	[tilespmem:$0x1E000] =	vst v63  }
0x222: {  	_ =	swait.ge [sflag:s13], $0x2000  }
0x223: {  	[sflag:s13] =	ssyncset.done $0x0  }
0x224: {  	[sflag:s13] =	ssyncadd.s32 $0xFFFFE000  }
0x225: {  	[spmem:s3] =	stream.indirect.scatter.add.f32 [tilespmem:s31], [sflag:$0x5], $0x80, s29, s30, $0xb8;
	[tilespmem:$0x1E000] =	vst v63  }
0x226: {  	s26 =	simm.s32 $0x180  }
0x227: {  	[tilespmem:s15], [sflag:$0x4] =	stream.indirect.gather [hbm4b:s5+s30], $0x80, s26, s30, $0xb8;
	[tilespmem:$0x1E000] =	vst v63  }
0x228: {  	_ =	swait.ge [sflag:s16], $0x2000  }
0x229: {  	[sflag:s16] =	ssyncset.done $0x0  }
0x22a: {  	[sflag:s16] =	ssyncadd.s32 $0xFFFFE000  }
0x22b: {  	[spmem:s3] =	stream.indirect.scatter.add.f32 [tilespmem:s2], [sflag:$0x6], $0x80, s17, s30, $0xb8;
	[tilespmem:$0x1E000] =	vst v63  }
0x22c: {  	_ =	swait.ge [sflag:s18], $0x2000  }
0x22d: {  	[sflag:s18] =	ssyncset.done $0x0  }
0x22e: {  	[sflag:s18] =	ssyncadd.s32 $0xFFFFE000  }
0x22f: {  	[tilespmem:s31], [sflag:$0x1] =	stream.indirect.gather [hbm4b:s5+s30], $0x80, s19, s30, $0xb8;
	[tilespmem:$0x1E000] =	vst v63  }
0x230: {  	_ =	swait.ge [sflag:s6], $0x2000  }
0x231: {  	[sflag:s6] =	ssyncset.done $0x0  }
0x232: {  	[sflag:s6] =	ssyncadd.s32 $0xFFFFE000  }
0x233: {  	[spmem:s3] =	stream.indirect.scatter.add.f32 [tilespmem:s12], [sflag:$0x7], $0x80, s7, s30, $0xb8;
	[tilespmem:$0x1E000] =	vst v63  }
0x234: {  	_ =	swait.ge [sflag:s8], $0x2000  }
0x235: {  	[sflag:s8] =	ssyncset.done $0x0  }
0x236: {  	[sflag:s8] =	ssyncadd.s32 $0xFFFFE000  }
0x237: {  	[tilespmem:s2], [sflag:$0x2] =	stream.indirect.gather [hbm4b:s5+s30], $0x80, s9, s30, $0xb8;
	[tilespmem:$0x1E000] =	vst v63  }
0x238: {  	_ =	swait.ge [sflag:s10], $0x2000  }
0x239: {  	[sflag:s10] =	ssyncset.done $0x0  }
0x23a: {  	[sflag:s10] =	ssyncadd.s32 $0xFFFFE000  }
0x23b: {  	[spmem:s3] =	stream.indirect.scatter.add.f32 [tilespmem:s15], [sflag:$0x8], $0x80, s11, s30, $0xb8;
	[tilespmem:$0x1E000] =	vst v63  }
0x23c: {  	_ =	swait.ge [sflag:s20], $0x2000  }
0x23d: {  	[sflag:s20] =	ssyncset.done $0x0  }
0x23e: {  	[sflag:s20] =	ssyncadd.s32 $0xFFFFE000  }
0x23f: {  	[tilespmem:s12], [sflag:$0x3] =	stream.indirect.gather [hbm4b:s5+s30], $0x80, s22, s30, $0xb8;
	[tilespmem:$0x1E000] =	vst v63  }
.LBB2_18:
0x240: {  	_ =	swait.ge [sflag:s13], $0x2000  }
0x241: {  	s26 =	sshra.s32 s25, $0x2;
	[sflag:s13] =	ssyncset.done $0x0  }
0x242: {  	s0 =	sadd.s32 $0x1200, s26;
	[sflag:s13] =	ssyncadd.s32 $0xFFFFE000  }
0x243: {  	[spmem:s3] =	stream.indirect.scatter.add.f32 [tilespmem:s31], [sflag:$0x5], $0x80, s0, s30, $0xb8;
	[tilespmem:$0x1E000] =	vst v63  }
0x244: {  	_ =	swait.ge [sflag:s23], $0x2000  }
0x245: {  	[sflag:s23] =	ssyncset.done $0x0  }
0x246: {  	s1 =	sadd.s32 $0x380, s26;
	[sflag:s23] =	ssyncadd.s32 $0xFFFFE000  }
0x247: {  	[tilespmem:s15], [sflag:$0x4] =	stream.indirect.gather [hbm4b:s5+s30], $0x80, s1, s30, $0xb8;
	[tilespmem:$0x1E000] =	vst v63  }
0x248: {  	_ =	swait.ge [sflag:s16], $0x2000  }
0x249: {  	[sflag:s16] =	ssyncset.done $0x0  }
0x24a: {  	s4 =	sadd.s32 $0x1280, s26;
	[sflag:s16] =	ssyncadd.s32 $0xFFFFE000  }
0x24b: {  	[spmem:s3] =	stream.indirect.scatter.add.f32 [tilespmem:s2], [sflag:$0x6], $0x80, s4, s30, $0xb8;
	[tilespmem:$0x1E000] =	vst v63  }
0x24c: {  	_ =	swait.ge [sflag:s18], $0x2000  }
0x24d: {  	p2 =	seq.s32 s25, $0x3000;
	[sflag:s18] =	ssyncset.done $0x0  }
0x24e: {  	s0 =	simm.s32 @p2 $0x3;
	[sflag:s18] =	ssyncadd.s32 $0xFFFFE000  }
0x24f: {  	_ =	swait.ge @p2 [sflag:s0], $0x2000  }
0x250: {  	[sflag:s0] =	ssyncset.done @p2 $0x0  }
0x251: {  	[sflag:s0] =	ssyncadd.s32 @p2 $0xFFFFE000;
	s0 =	sshra.s32 @p2 s25, $0x2  }
0x252: {  	s1 =	simm.s32 @p2 $0x40;
	s4 =	simm.s32 @p2 $0x6000;
	s0 =	sadd.s32 @p2 $0x1300, s0  }
0x253: {  	[spmem:s3] =	stream.indirect.scatter.add.f32 @p2 [tilespmem:s4], [sflag:$0x7], $0x80, s0, s1, $0xb8;
	[tilespmem:$0x1E000] =	vst v63  }
0x254: {  	s0 =	simm.s32 @p2 $0x6  }
0x255: {  	_ =	swait.ge @p2 [sflag:s0], $0x2000  }
0x256: {  	[sflag:s0] =	ssyncset.done @p2 $0x0  }
0x257: {  	[sflag:s0] =	ssyncadd.s32 @p2 $0xFFFFE000;
	s0 =	sshra.s32 @!p2 s25, $0x2  }
0x258: {  	s14 =	simm.s32 @!p2 $0x2000;
	s4 =	simm.s32 @!p2 $0x40;
	s1 =	sadd.s32 @!p2 $0x400, s0  }
0x259: {  	[tilespmem:s14], [sflag:$0x1] =	stream.indirect.gather @!p2 [hbm4b:s5+s4], $0x80, s1, s4, $0xb8;
	[tilespmem:$0x1E000] =	vst v63  }
0x25a: {  	s1 =	simm.s32 @!p2 $0x3  }
0x25b: {  	_ =	swait.ge @!p2 [sflag:s1], $0x2000  }
0x25c: {  	[sflag:s1] =	ssyncset.done @!p2 $0x0  }
0x25d: {  	s14 =	simm.s32 @!p2 $0x6000;
	[sflag:s1] =	ssyncadd.s32 @!p2 $0xFFFFE000;
	s1 =	sadd.s32 @!p2 $0x1300, s0  }
0x25e: {  	[spmem:s3] =	stream.indirect.scatter.add.f32 @!p2 [tilespmem:s14], [sflag:$0x7], $0x80, s1, s4, $0xb8;
	[tilespmem:$0x1E000] =	vst v63  }
0x25f: {  	s1 =	simm.s32 @!p2 $0x6  }
0x260: {  	_ =	swait.ge @!p2 [sflag:s1], $0x2000  }
0x261: {  	[sflag:s1] =	ssyncset.done @!p2 $0x0  }
0x262: {  	s0 =	sadd.s32 @!p2 $0x480, s0;
	[sflag:s1] =	ssyncadd.s32 @!p2 $0xFFFFE000;
	s1 =	simm.s32 @!p2 $0x4000  }
0x263: {  	[tilespmem:s1], [sflag:$0x2] =	stream.indirect.gather @!p2 [hbm4b:s5+s4], $0x80, s0, s4, $0xb8;
	[tilespmem:$0x1E000] =	vst v63  }
0x264: {  	_ =	swait.ge [sflag:s10], $0x2000  }
0x265: {  	[sflag:s10] =	ssyncset.done $0x0  }
.Ltmp13:
0x266: {  	s14 =	sadd.s32 $0x1380, s26;
	[sflag:s10] =	ssyncadd.s32 $0xFFFFE000;
	(pc) =	sbr.rel @p2 .LBB2_20-.Ltmp13, $4  }
0x267: {  	[spmem:s3] =	stream.indirect.scatter.add.f32 [tilespmem:s15], [sflag:$0x8], $0x80, s14, s30, $0xb8;
	[tilespmem:$0x1E000] =	vst v63  }
0x268: {  	_ =	swait.ge [sflag:s20], $0x2000  }
0x269: {  	[sflag:s20] =	ssyncset.done $0x0  }
0x26a: {  	[sflag:s20] =	ssyncadd.s32 $0xFFFFE000  }
.Ltmp14:
0x26b: {  	(pc) =	sbr.rel .LBB2_18-.Ltmp14, $3  }
0x26c: {  	_ =	sdelay $0x1  }
0x26d: {  	s0 =	sadd.s32 $0x500, s26;
	s25 =	sadd.s32 $0x800, s25  }
0x26e: {  	[tilespmem:s12], [sflag:$0x3] =	stream.indirect.gather [hbm4b:s5+s30], $0x80, s0, s30, $0xb8;
	[tilespmem:$0x1E000] =	vst v63  }
.LBB2_20:
0x26f: {  	_ =	swait.ge [sflag:s23], $0x2000  }
0x270: {  	[sflag:s23] =	ssyncset.done $0x0  }
0x271: {  	s25 =	simm.s32 $0x0;
	s0 =	rddreg [dreg:$0x10];
	[sflag:s23] =	ssyncadd.s32 $0xFFFFE000  }
0x272: {  	[tilespmem:s25], [sflag:$0x9] =	stream.linear.gather [hbm4b:s0+s25], $0x1000, $0x38;
	[tilespmem:$0x1E000] =	vst v63  }
0x273: {  	_ =	swait.ge [sflag:s28], $0x1000  }
0x274: {  	[sflag:s28] =	ssyncset.done $0x0  }
0x275: {  	s1 =	rddreg [dreg:$0x11];
	[sflag:s28] =	ssyncadd.s32 $0xFFFFF000  }
0x276: {  	[tilespmem:s29], [sflag:$0x9] =	stream.linear.gather [hbm4b:s1+s25], $0x1000, $0x38;
	[tilespmem:$0x1E000] =	vst v63  }
0x277: {  	_ =	swait.ge [sflag:s28], $0x1000  }
0x278: {  	[sflag:s28] =	ssyncset.done $0x0  }
0x279: {  	[sflag:s28] =	ssyncadd.s32 $0xFFFFF000  }
0x27a: {  	[tilespmem:s31], [sflag:$0x1] =	stream.indirect.gather [hbm4b:s5+s30], $0x80, s25, s30, $0xb8;
	[tilespmem:$0x1E000] =	vst v63  }
0x27b: {  	s4 =	simm.s32 $0x80  }
0x27c: {  	[tilespmem:s2], [sflag:$0x2] =	stream.indirect.gather [hbm4b:s5+s30], $0x80, s4, s30, $0xb8;
	[tilespmem:$0x1E000] =	vst v63  }
0x27d: {  	s14 =	simm.s32 $0x100  }
0x27e: {  	[tilespmem:s12], [sflag:$0x3] =	stream.indirect.gather [hbm4b:s5+s30], $0x80, s14, s30, $0xb8;
	[tilespmem:$0x1E000] =	vst v63  }
0x27f: {  	_ =	swait.ge [sflag:s13], $0x2000  }
0x280: {  	[sflag:s13] =	ssyncset.done $0x0  }
0x281: {  	[sflag:s13] =	ssyncadd.s32 $0xFFFFE000  }
0x282: {  	[spmem:s3] =	stream.indirect.scatter.add.f32 [tilespmem:s31], [sflag:$0x5], $0x80, s29, s30, $0xb8;
	[tilespmem:$0x1E000] =	vst v63  }
0x283: {  	s26 =	simm.s32 $0x180  }
0x284: {  	[tilespmem:s15], [sflag:$0x4] =	stream.indirect.gather [hbm4b:s5+s30], $0x80, s26, s30, $0xb8;
	[tilespmem:$0x1E000] =	vst v63  }
0x285: {  	_ =	swait.ge [sflag:s16], $0x2000  }
0x286: {  	[sflag:s16] =	ssyncset.done $0x0  }
0x287: {  	[sflag:s16] =	ssyncadd.s32 $0xFFFFE000  }
0x288: {  	[spmem:s3] =	stream.indirect.scatter.add.f32 [tilespmem:s2], [sflag:$0x6], $0x80, s17, s30, $0xb8;
	[tilespmem:$0x1E000] =	vst v63  }
0x289: {  	_ =	swait.ge [sflag:s18], $0x2000  }
0x28a: {  	[sflag:s18] =	ssyncset.done $0x0  }
0x28b: {  	[sflag:s18] =	ssyncadd.s32 $0xFFFFE000  }
0x28c: {  	[tilespmem:s31], [sflag:$0x1] =	stream.indirect.gather [hbm4b:s5+s30], $0x80, s19, s30, $0xb8;
	[tilespmem:$0x1E000] =	vst v63  }
0x28d: {  	_ =	swait.ge [sflag:s6], $0x2000  }
0x28e: {  	[sflag:s6] =	ssyncset.done $0x0  }
0x28f: {  	[sflag:s6] =	ssyncadd.s32 $0xFFFFE000  }
0x290: {  	[spmem:s3] =	stream.indirect.scatter.add.f32 [tilespmem:s12], [sflag:$0x7], $0x80, s7, s30, $0xb8;
	[tilespmem:$0x1E000] =	vst v63  }
0x291: {  	_ =	swait.ge [sflag:s8], $0x2000  }
0x292: {  	[sflag:s8] =	ssyncset.done $0x0  }
0x293: {  	[sflag:s8] =	ssyncadd.s32 $0xFFFFE000  }
0x294: {  	[tilespmem:s2], [sflag:$0x2] =	stream.indirect.gather [hbm4b:s5+s30], $0x80, s9, s30, $0xb8;
	[tilespmem:$0x1E000] =	vst v63  }
0x295: {  	_ =	swait.ge [sflag:s10], $0x2000  }
0x296: {  	[sflag:s10] =	ssyncset.done $0x0  }
0x297: {  	[sflag:s10] =	ssyncadd.s32 $0xFFFFE000  }
0x298: {  	[spmem:s3] =	stream.indirect.scatter.add.f32 [tilespmem:s15], [sflag:$0x8], $0x80, s11, s30, $0xb8;
	[tilespmem:$0x1E000] =	vst v63  }
0x299: {  	_ =	swait.ge [sflag:s20], $0x2000  }
0x29a: {  	[sflag:s20] =	ssyncset.done $0x0  }
0x29b: {  	[sflag:s20] =	ssyncadd.s32 $0xFFFFE000  }
0x29c: {  	[tilespmem:s12], [sflag:$0x3] =	stream.indirect.gather [hbm4b:s5+s30], $0x80, s22, s30, $0xb8;
	[tilespmem:$0x1E000] =	vst v63  }
.LBB2_21:
0x29d: {  	_ =	swait.ge [sflag:s13], $0x2000  }
0x29e: {  	s26 =	sshra.s32 s25, $0x2;
	[sflag:s13] =	ssyncset.done $0x0  }
0x29f: {  	s0 =	sadd.s32 $0x1200, s26;
	[sflag:s13] =	ssyncadd.s32 $0xFFFFE000  }
0x2a0: {  	[spmem:s3] =	stream.indirect.scatter.add.f32 [tilespmem:s31], [sflag:$0x5], $0x80, s0, s30, $0xb8;
	[tilespmem:$0x1E000] =	vst v63  }
0x2a1: {  	_ =	swait.ge [sflag:s23], $0x2000  }
0x2a2: {  	[sflag:s23] =	ssyncset.done $0x0  }
0x2a3: {  	s1 =	sadd.s32 $0x380, s26;
	[sflag:s23] =	ssyncadd.s32 $0xFFFFE000  }
0x2a4: {  	[tilespmem:s15], [sflag:$0x4] =	stream.indirect.gather [hbm4b:s5+s30], $0x80, s1, s30, $0xb8;
	[tilespmem:$0x1E000] =	vst v63  }
0x2a5: {  	_ =	swait.ge [sflag:s16], $0x2000  }
0x2a6: {  	[sflag:s16] =	ssyncset.done $0x0  }
0x2a7: {  	s4 =	sadd.s32 $0x1280, s26;
	[sflag:s16] =	ssyncadd.s32 $0xFFFFE000  }
0x2a8: {  	[spmem:s3] =	stream.indirect.scatter.add.f32 [tilespmem:s2], [sflag:$0x6], $0x80, s4, s30, $0xb8;
	[tilespmem:$0x1E000] =	vst v63  }
0x2a9: {  	_ =	swait.ge [sflag:s18], $0x2000  }
0x2aa: {  	p2 =	seq.s32 s25, $0x3000;
	[sflag:s18] =	ssyncset.done $0x0  }
0x2ab: {  	s0 =	simm.s32 @p2 $0x3;
	[sflag:s18] =	ssyncadd.s32 $0xFFFFE000  }
0x2ac: {  	_ =	swait.ge @p2 [sflag:s0], $0x2000  }
0x2ad: {  	[sflag:s0] =	ssyncset.done @p2 $0x0  }
0x2ae: {  	[sflag:s0] =	ssyncadd.s32 @p2 $0xFFFFE000;
	s0 =	sshra.s32 @p2 s25, $0x2  }
0x2af: {  	s1 =	simm.s32 @p2 $0x40;
	s4 =	simm.s32 @p2 $0x6000;
	s0 =	sadd.s32 @p2 $0x1300, s0  }
0x2b0: {  	[spmem:s3] =	stream.indirect.scatter.add.f32 @p2 [tilespmem:s4], [sflag:$0x7], $0x80, s0, s1, $0xb8;
	[tilespmem:$0x1E000] =	vst v63  }
0x2b1: {  	s0 =	simm.s32 @p2 $0x6  }
0x2b2: {  	_ =	swait.ge @p2 [sflag:s0], $0x2000  }
0x2b3: {  	[sflag:s0] =	ssyncset.done @p2 $0x0  }
0x2b4: {  	[sflag:s0] =	ssyncadd.s32 @p2 $0xFFFFE000;
	s0 =	sshra.s32 @!p2 s25, $0x2  }
0x2b5: {  	s14 =	simm.s32 @!p2 $0x2000;
	s4 =	simm.s32 @!p2 $0x40;
	s1 =	sadd.s32 @!p2 $0x400, s0  }
0x2b6: {  	[tilespmem:s14], [sflag:$0x1] =	stream.indirect.gather @!p2 [hbm4b:s5+s4], $0x80, s1, s4, $0xb8;
	[tilespmem:$0x1E000] =	vst v63  }
0x2b7: {  	s1 =	simm.s32 @!p2 $0x3  }
0x2b8: {  	_ =	swait.ge @!p2 [sflag:s1], $0x2000  }
0x2b9: {  	[sflag:s1] =	ssyncset.done @!p2 $0x0  }
0x2ba: {  	s14 =	simm.s32 @!p2 $0x6000;
	[sflag:s1] =	ssyncadd.s32 @!p2 $0xFFFFE000;
	s1 =	sadd.s32 @!p2 $0x1300, s0  }
0x2bb: {  	[spmem:s3] =	stream.indirect.scatter.add.f32 @!p2 [tilespmem:s14], [sflag:$0x7], $0x80, s1, s4, $0xb8;
	[tilespmem:$0x1E000] =	vst v63  }
0x2bc: {  	s1 =	simm.s32 @!p2 $0x6  }
0x2bd: {  	_ =	swait.ge @!p2 [sflag:s1], $0x2000  }
0x2be: {  	[sflag:s1] =	ssyncset.done @!p2 $0x0  }
0x2bf: {  	s0 =	sadd.s32 @!p2 $0x480, s0;
	[sflag:s1] =	ssyncadd.s32 @!p2 $0xFFFFE000;
	s1 =	simm.s32 @!p2 $0x4000  }
0x2c0: {  	[tilespmem:s1], [sflag:$0x2] =	stream.indirect.gather @!p2 [hbm4b:s5+s4], $0x80, s0, s4, $0xb8;
	[tilespmem:$0x1E000] =	vst v63  }
0x2c1: {  	_ =	swait.ge [sflag:s10], $0x2000  }
0x2c2: {  	[sflag:s10] =	ssyncset.done $0x0  }
.Ltmp15:
0x2c3: {  	s14 =	sadd.s32 $0x1380, s26;
	[sflag:s10] =	ssyncadd.s32 $0xFFFFE000;
	(pc) =	sbr.rel @p2 .LBB2_23-.Ltmp15, $4  }
0x2c4: {  	[spmem:s3] =	stream.indirect.scatter.add.f32 [tilespmem:s15], [sflag:$0x8], $0x80, s14, s30, $0xb8;
	[tilespmem:$0x1E000] =	vst v63  }
0x2c5: {  	_ =	swait.ge [sflag:s20], $0x2000  }
0x2c6: {  	[sflag:s20] =	ssyncset.done $0x0  }
0x2c7: {  	[sflag:s20] =	ssyncadd.s32 $0xFFFFE000  }
.Ltmp16:
0x2c8: {  	(pc) =	sbr.rel .LBB2_21-.Ltmp16, $3  }
0x2c9: {  	_ =	sdelay $0x1  }
0x2ca: {  	s0 =	sadd.s32 $0x500, s26;
	s25 =	sadd.s32 $0x800, s25  }
0x2cb: {  	[tilespmem:s12], [sflag:$0x3] =	stream.indirect.gather [hbm4b:s5+s30], $0x80, s0, s30, $0xb8;
	[tilespmem:$0x1E000] =	vst v63  }
.LBB2_25:
0x2cc: {  	_ =	sfence.sel $0x180000  }
0x2cd: {  	[bflag:$0x0] =	sbarrier.arrive $0xFFFF  }
0x2ce: {  	_ =	strace $0x9000004A  }
0x2cf: {  	s0 =	stileid.u32;
	[bflag:$0x2] =	sbarrier.arrive $0xFFFF  }
0x2d0: {  	p0 =	sne.s32 s0, $0x0;
	s0 =	rddreg [dreg:$0x3]  }
0x2d1: {  	s0 =	sadd.s32 @!p0 $0x100000, s0  }
0x2d2: {  	[sflag:s0] =	ssyncadd.tile.s32 @!p0 $0x1;
	_ =	shalt  }
.Lfunc_end2:
_tile_overlayer_lowered:
.L_overlay_start_2:
0x2d3: {  	(tag) =	ssettag $0x2  }
0x2d4: {  	s0 =	rddreg [dreg:$0x0];
	s2 =	stileid.u32  }
0x2d5: {  	s1 =	rddreg [dreg:$0x1];
	p0 =	sne.s32 s2, $0x0  }
0x2d6: {  	s3 =	rddreg [dreg:$0x2];
	[bflag:$0x3] =	sbarrier.arrive $0xFFFF;
	s2 =	simm.s32 @!p0 $0x1C09  }
0x2d7: {  	[timem:s3], [sflag:s2] =	dma.local @!p0 [hbm:s0], s1  }
0x2d8: {  	s0 =	simm.s32 @!p0 $0x9  }
0x2d9: {  	_ =	swait.ge @!p0 [sflag:s0], s1  }
0x2da: {  	s1 =	ssub.s32 @!p0 $0x0, s1;
	[sflag:s0] =	ssyncset.done @!p0 $0x0  }
0x2db: {  	[sflag:s0] =	ssyncadd.s32 @!p0 s1  }
0x2dc: {  	[bflag:$0x3] =	sbarrier.arrive $0xFFFF  }
0x2dd: {  	_ =	shalt  }

// kernel: kernel.8.cloned.1.call-start
scs
__scs_entry_jumppad:
0x0: {  	(pc) =	sbr.rel $0x88, $3  }
0x1: {  	(tag) =	ssettag $0x0;
	lr =	simm.s32 $0x1  }
0x2: {  	[smem:$0x3F98] =	sst lr;
	_ =	strace $0xD0000000  }
0x3: {  	_ = 	snop  }
0x4: {  	_ = 	snop  }
0x5: {  	_ = 	snop  }
0x6: {  	_ = 	snop  }
0x7: {  	_ = 	snop  }
__scs_overlays_trampoline_lowered:
0x8: {  	[smem:$0x3FA7] =	sst s0  }
0x9: {  	[smem:$0x3FA8] =	sst s1  }
0xa: {  	[smem:$0x3FA9] =	sst s2  }
0xb: {  	[smem:$0x3FAA] =	sst s3  }
0xc: {  	[smem:$0x3FAB] =	sst s4  }
0xd: {  	[smem:$0x3FAC] =	sst s5  }
0xe: {  	[smem:$0x3FAD] =	sst s6  }
0xf: {  	[smem:$0x3FAE] =	sst s7  }
0x10: {  	[smem:$0x3FAF] =	sst s8  }
0x11: {  	[smem:$0x3FB0] =	sst s9;
	s0 =	simm.s32 @!p0 $0x0  }
0x12: {  	s1 =	sld [smem:$0x3F96];
	s0 =	simm.s32 @p0 $0x1  }
0x13: {  	[smem:$0x3FB1] =	sst s0;
	s0 =	simm.s32 @!p1 $0x0  }
0x14: {  	s2 =	sld [smem:$0x3F95];
	s0 =	simm.s32 @p1 $0x1  }
0x15: {  	[smem:$0x3FB2] =	sst s0;
	s0 =	simm.s32 @!p2 $0x0  }
0x16: {  	s3 =	sld [smem:$0x3FDB];
	s0 =	simm.s32 @p2 $0x1  }
0x17: {  	s4 =	simm.s32 $0x1BF5;
	[smem:$0x3FB4] =	sst s0  }
0x18: {  	s0 =	sld [smem:$0x3F97];
	_ =	swait.ge [sflag:s4], $0x0  }
0x19: {  	s7 =	sld [smem:$0x3F98]  }
0x1a: {  	s8 =	sadd.s32 $0xFFFFE003, lr  }
0x1b: {  	s9 =	sadd.s32 $0xFFFFFEF7, lr;
	s5 =	simm.s32 $0xFFFFFFFF;
	p2 =	slt.u32 s8, $0xFFFFF086  }
0x1c: {  	p1 =	slt.u32 s9, $0xF7A;
	s5 =	simm.s32 @!p2 $0x0  }
0x1d: {  	s5 =	simm.s32 @p1 $0x1;
	p0 =	seq.s32 s7, s2  }
0x1e: {  	s7 =	smul.u32 @!p0 $0xF7A, s2;
	p2 =	seq.s32 @!p0 s5, $0x0  }
0x1f: {  	s9 =	smul.u32 $0xF7A, s1;
	s8 =	simm.s32 @!p0 $0x1BF5;
	p2 =	por !p2, p0  }
0x20: {  	[sflag:s8] =	ssyncset.s32 @!p0 $0xFFFFF086;
	s6 =	sadd.s32 @!p0 s3, s7;
	s7 =	simm.s32 @!p0 $0x108  }
0x21: {  	s3 =	sadd.s32 s3, s9;
	s6 =	sadd.s32 @!p0 $0x88, s6;
	s7 =	simm.s32 @p2 $0x1082  }
0x22: {  	[simem:s7], [sflag:s8] =	dma.local @!p0 [hbm:s6], $0xF7A  }
0x23: {  	s9 =	sor.u32 $0xD0000000, s2;
	s6 =	simm.s32 $0x108;
	_ =	swait.ge @!p0 [sflag:s8], $0x0  }
0x24: {  	s3 =	sadd.s32 $0x88, s3;
	s6 =	simm.s32 @!p1 $0x1082;
	[sflag:s4] =	ssyncset.s32 $0xFFFFF086  }
0x25: {  	[simem:s6], [sflag:s4] =	dma.local [hbm:s3], $0xF7A  }
0x26: {  	[smem:$0x3F98] =	sst s1;
	(tag) =	ssettag s2;
	_ =	strace s9  }
0x27: {  	s1 =	sld [smem:$0x3FA8]  }
0x28: {  	s2 =	sld [smem:$0x3FA9]  }
0x29: {  	s4 =	sld [smem:$0x3FAB]  }
0x2a: {  	p0 =	seq.s32 s5, $0x0;
	s5 =	sld [smem:$0x3FAC]  }
0x2b: {  	s6 =	sld [smem:$0x3FAD]  }
0x2c: {  	s7 =	sld [smem:$0x3FAE]  }
0x2d: {  	s3 =	simm.s32 $0x108;
	s8 =	sld [smem:$0x3FAF]  }
0x2e: {  	s3 =	simm.s32 @!p0 $0x1082;
	s9 =	sld [smem:$0x3FB0]  }
0x2f: {  	lr =	sadd.s32 s0, s3;
	s0 =	sld [smem:$0x3FA7]  }
0x30: {  	s3 =	sld [smem:$0x3FAA]  }
0x31: {  	[smem:$0x3FB3] =	sst s10  }
0x32: {  	s10 =	sld [smem:$0x3FB1];
	_ =	sdelay $0x3  }
0x33: {  	p0 =	seq.s32 s10, $0x1;
	s10 =	sld [smem:$0x3FB3];
	_ =	sdelay $0x3  }
0x34: {  	[smem:$0x3FB3] =	sst s10  }
0x35: {  	s10 =	sld [smem:$0x3FB2];
	_ =	sdelay $0x3  }
0x36: {  	p1 =	seq.s32 s10, $0x1;
	s10 =	sld [smem:$0x3FB3];
	_ =	sdelay $0x3  }
0x37: {  	[smem:$0x3FB3] =	sst s10  }
0x38: {  	s10 =	sld [smem:$0x3FB4]  }
0x39: {  	_ = 	snop;
	(pc) =	sbr.ind lr, $3  }
0x3a: {  	_ = 	snop  }
0x3b: {  	_ = 	snop  }
0x3c: {  	p2 =	seq.s32 s10, $0x1;
	s10 =	sld [smem:$0x3FB3]  }
0x3d: {  	_ =	shalt  }
0x3e: {  	_ =	shalt  }
0x3f: {  	_ =	shalt  }
0x40: {  	_ =	shalt  }
0x41: {  	_ =	shalt  }
0x42: {  	_ =	shalt  }
0x43: {  	_ =	shalt  }
0x44: {  	_ =	shalt  }
0x45: {  	_ =	shalt  }
0x46: {  	_ =	shalt  }
0x47: {  	_ =	shalt  }
0x48: {  	_ =	shalt  }
0x49: {  	_ =	shalt  }
0x4a: {  	_ =	shalt  }
0x4b: {  	_ =	shalt  }
0x4c: {  	_ =	shalt  }
0x4d: {  	_ =	shalt  }
0x4e: {  	_ =	shalt  }
0x4f: {  	_ =	shalt  }
0x50: {  	_ =	shalt  }
0x51: {  	_ =	shalt  }
0x52: {  	_ =	shalt  }
0x53: {  	_ =	shalt  }
0x54: {  	_ =	shalt  }
0x55: {  	_ =	shalt  }
0x56: {  	_ =	shalt  }
0x57: {  	_ =	shalt  }
0x58: {  	_ =	shalt  }
0x59: {  	_ =	shalt  }
0x5a: {  	_ =	shalt  }
0x5b: {  	_ =	shalt  }
0x5c: {  	_ =	shalt  }
0x5d: {  	_ =	shalt  }
0x5e: {  	_ =	shalt  }
0x5f: {  	_ =	shalt  }
0x60: {  	_ =	shalt  }
0x61: {  	_ =	shalt  }
0x62: {  	_ =	shalt  }
0x63: {  	_ =	shalt  }
0x64: {  	_ =	shalt  }
0x65: {  	_ =	shalt  }
0x66: {  	_ =	shalt  }
0x67: {  	_ =	shalt  }
0x68: {  	_ =	shalt  }
0x69: {  	_ =	shalt  }
0x6a: {  	_ =	shalt  }
0x6b: {  	_ =	shalt  }
0x6c: {  	_ =	shalt  }
0x6d: {  	_ =	shalt  }
0x6e: {  	_ =	shalt  }
0x6f: {  	_ =	shalt  }
0x70: {  	_ =	shalt  }
0x71: {  	_ =	shalt  }
0x72: {  	_ =	shalt  }
0x73: {  	_ =	shalt  }
0x74: {  	_ =	shalt  }
0x75: {  	_ =	shalt  }
0x76: {  	_ =	shalt  }
0x77: {  	_ =	shalt  }
0x78: {  	_ =	shalt  }
0x79: {  	_ =	shalt  }
0x7a: {  	_ =	shalt  }
0x7b: {  	_ =	shalt  }
0x7c: {  	_ =	shalt  }
0x7d: {  	_ =	shalt  }
0x7e: {  	_ =	shalt  }
0x7f: {  	_ =	shalt  }
0x80: {  	_ =	shalt  }
0x81: {  	_ =	shalt  }
0x82: {  	_ =	shalt  }
0x83: {  	_ =	shalt  }
0x84: {  	_ =	shalt  }
0x85: {  	_ =	shalt  }
0x86: {  	_ =	shalt  }
0x87: {  	_ =	shalt  }
.Lfunc_end0:
.L_simem_size_0:
called_computation_lowered:
.L_overlay_start_0:
0x88: {  	s2 =	sld [smem:$0x3FD9]  }
0x89: {  	s3 =	sld [smem:$0x3FFE];
	_ =	sdelay $0x1  }
0x8a: {  	s1 =	srdreg.scid  }
0x8b: {  	s0 =	sand.u32 $0x1, s1  }
0x8c: {  	s14 =	sshll.u32 s0, $0xA;
	s2 =	sadd.s32 s3, s2  }
0x8d: {  	s2 =	sadd.s32 s2, s14  }
0x8e: {  	[smem:$0x3FBF] =	sst s2  }
0x8f: {  	_ = 	snop  }
0x90: {  	s2 =	sld [smem:$0x3FD0];
	_ =	sdelay $0x2  }
0x91: {  	s15 =	simm.s32 $0xA;
	s4 =	simm.s32 $0x10  }
0x92: {  	[smem:s4], [sflag:s15] =	dma.local [hbm:s2], $0x1  }
0x93: {  	_ =	swait.eq [sflag:s15], $0x1  }
0x94: {  	[sflag:s15] =	ssyncset.done $0x0  }
0x95: {  	s16 =	sld [smem:$0x10];
	[sflag:s15] =	ssyncadd.s32 $0xFFFFFFFF  }
0x96: {  	s17 =	sld [smem:$0x11];
	(tm) =	ssettm $0x1  }
0x97: {  	s18 =	sld [smem:$0x3FFB];
	_ =	sdelay $0x3  }
0x98: {  	_ =	strace s18  }
0x99: {  	s4 =	sld [smem:$0x3FFC];
	_ =	sdelay $0x3  }
0x9a: {  	_ =	strace s4  }
0x9b: {  	s4 =	sld [smem:$0x3FFD];
	_ =	sdelay $0x3  }
0x9c: {  	_ =	strace s4  }
0x9d: {  	_ =	strace $0x8FFFFFFF  }
0x9e: {  	s19 =	sld [smem:$0x3FDB];
	_ =	sdelay $0x1  }
0x9f: {  	s5 =	simm.s32 $_scs_section_size  }
0xa0: {  	s6 =	simm.s32 $_size__tile_overlayer_lowered;
	s7 =	simm.s32 $_tile_overlayer_lowered  }
0xa1: {  	s22 =	simm.s32 $0x1BFF;
	s21 =	sshll.u32 s7, $0x1;
	s4 =	sadd.s32 s5, s19  }
0xa2: {  	s8 =	simm.s32 $0x0;
	s20 =	sshll.u32 s6, $0x1;
	s6 =	sadd.s32 s21, s4  }
0xa3: {  	[timem:s8], [sflag:s22] =	dma.local [hbm:s6], s20  }
0xa4: {  	_ =	swait.ge [sflag:s22], s20  }
0xa5: {  	s5 =	ssub.s32 $0x0, s20;
	[sflag:s22] =	ssyncset.done $0x0  }
0xa6: {  	[sflag:s22] =	ssyncadd.s32 s5;
	_ =	sdelay $0x1  }
0xa7: {  	s23 =	simm.s32 $0x1B8B  }
0xa8: {  	_ =	swait.ge [sflag:s23], $0x1  }
0xa9: {  	[sflag:s23] =	ssyncset.done $0x0  }
0xaa: {  	s25 =	simm.s32 $0x1B8E;
	s24 =	sld [smem:$0x3FFE];
	[sflag:s23] =	ssyncadd.s32 $0xFFFFFFFF  }
0xab: {  	s26 =	simm.s32 $execute0_lowered;
	[smem:$0x3FD2] =	sst s25  }
0xac: {  	s6 =	sshll.u32 s26, $0x1;
	_ =	strace $0x80000046;
	[dreg:$0x1] =	wrdreg $0xFFFFFFFF  }
0xad: {  	s28 =	simm.s32 $_size_execute0_lowered;
	s4 =	sadd.s32 s4, s6;
	[dreg:$0x0] =	wrdreg $0x0  }
0xae: {  	s6 =	sshll.u32 s28, $0x1;
	[dreg:$0x2] =	wrdreg s4  }
0xaf: {  	[dreg:$0x3] =	wrdreg s6  }
0xb0: {  	[dreg:$0x4] =	wrdreg $0xC0  }
0xb1: {  	_ =	task [dreg:s8], $0x5FFFF  }
0xb2: {  	[dreg:$0x1] =	wrdreg $0xFFFFFFFF  }
0xb3: {  	[dreg:$0x0] =	wrdreg $0x60  }
0xb4: {  	[dreg:$0x2] =	wrdreg s16  }
0xb5: {  	[dreg:$0x3] =	wrdreg s17  }
0xb6: {  	[dreg:$0x4] =	wrdreg s24  }
0xb7: {  	[dreg:$0x5] =	wrdreg $0x9  }
0xb8: {  	_ =	task.clear_ibuf [dreg:s8], $0x6FFFF;
	_ =	strace $0x90000046  }
0xb9: {  	s29 =	simm.s32 $0x9;
	_ =	strace $0x80000048  }
0xba: {  	_ =	swait.ge [sflag:s29], $0x1  }
0xbb: {  	[sflag:s29] =	ssyncadd.s32 $0xFFFFFFFF  }
0xbc: {  	_ =	strace $0x90000048  }
0xbd: {  	_ =	sfence  }
0xbe: {  	s30 =	sld [smem:$0x0];
	_ =	sdelay $0x2  }
0xbf: {  	s31 =	sshll.u32 s1, $0xD;
	s1 =	sshrl.u32 s1, $0x2  }
0xc0: {  	s3 =	sand.u32 $0x4000, s31;
	s1 =	sadd.s32 s1, s30  }
0xc1: {  	s0 =	sor.u32 s3, s0;
	s1 =	sshll.u32 s1, $0x11  }
0xc2: {  	s0 =	sor.u32 s1, s0  }
0xc3: {  	s0 =	sadd.s32 $0x8F2B, s0  }
0xc4: {  	[sflag:s0] =	ssyncadd.remote.s32 $0x1  }
0xc5: {  	_ =	sfence.sel $0xFFFF  }
0xc6: {  	[dreg:$0x0] =	wrdreg $0xFFFFFFFF;
	(pc) =	sbr.abs _section_cstart, $3  }
0xc7: {  	[dreg:$0x1] =	wrdreg $0xFFFFFFFF  }
0xc8: {  	_ =	task.clear_ibuf [dreg:s8], $0x2FFFF;
	_ =	strace $0x9FFFFFFF  }
0xc9: {  	(tm) =	ssettm $0x7FFFFFFF  }
tec
execute0_lowered:
.L_overlay_start_1:
0x0: {  	(tag) =	ssettag $0x1  }
0x1: {  	s4 =	rddreg [dreg:$0x0]  }
0x2: {  	s1 =	rddreg [dreg:$0x1];
	s2 =	srdreg.scid  }
0x3: {  	s0 =	stileid.u32;
	s7 =	rddreg [dreg:$0x2];
	s9 =	simm.s32 $0x80  }
0x4: {  	s10 =	simm.s32 $0x400;
	s11 =	simm.s32 $0x0;
	s5 =	sand.u32 $0x1, s2  }
0x5: {  	s29 =	sshrl.u32 s0, $0x2;
	s3 =	sshll.u32 s0, $0x8;
	s2 =	rddreg [dreg:$0x3]  }
0x6: {  	s6 =	smul.u32 $0x14000, s29;
	s30 =	sshll.u32 s5, $0x7;
	s3 =	sand.u32 $0x300, s3  }
0x7: {  	s5 =	ssub.s32 $0x2, s5;
	s8 =	sor.u32 s30, s3;
	s3 =	simm.s32 $0x0  }
0x8: {  	s31 =	sshrl.u32 s5, $0x1;
	s6 =	sor.u32 s6, s8;
	[smem:$0x7FF] =	sst s3  }
0x9: {  	s8 =	ssub.s32 s5, s31;
	s6 =	sshrl.u32 s6, $0x3;
	_ =	strace $0x80000047  }
0xa: {  	s7 =	sadd.s32 s6, s7;
	s4 =	sadd.s32 s4, s6;
	s6 =	smax.u32 s8, $0x1  }
0xb: {  	v0 =	vimm.f32 $1.000000000e+00;
	s8 =	simm.s32 $0x1;
	s5 =	sadd.s32 $0x2800, s7;
	s7 =	simm.s32 $0x2800  }
.LBB2_1:
0xc: {  	[tilespmem:s7], [sflag:$0x1] =	stream.linear.gather [hbm4b:s1+s3], $0x2800, $0x38;
	[tilespmem:$0x5000] =	vst v63  }
0xd: {  	_ =	swait.ge [sflag:s8], $0x2800  }
0xe: {  	[sflag:s8] =	ssyncset.done $0x0  }
0xf: {  	[sflag:s8] =	ssyncadd.s32 $0xFFFFD800  }
0x10: {  	[tilespmem:s3], [sflag:$0x1] =	stream.strided.gather [hbm4b:s4+s9], $0x2800, s10, s9, $0x38;
	[tilespmem:$0x5000] =	vst v63  }
0x11: {  	_ =	swait.ge [sflag:s8], $0x2800  }
0x12: {  	[sflag:s8] =	ssyncset.done $0x0  }
0x13: {  	s13 =	simm.s32 $0x0;
	s12 =	simm.s32 $0x40;
	[sflag:s8] =	ssyncadd.s32 $0xFFFFD800  }
.LBB2_2:
0x14: {  	p0 =	sne.s32 s12, $0x9FC0;
	v1 =	vld [tilespmem:s13+$0x0];
	_ =	sdelay $0x3  }
.Ltmp0:
0x15: {  	(pc) =	sbr.rel @p0 .LBB2_2-.Ltmp0, $2  }
0x16: {  	_ =	sdelay $0x2  }
0x17: {  	s13 =	sshra.s32 s12, $0x2;
	s12 =	sadd.s32 $0x40, s12;
	[tilespmem:v1+s7+$0x0] =	vst.idx.add.f32.msk $0xffff, v0  }
0x18: {  	v1 =	vld [tilespmem:s13+$0x0];
	_ =	sdelay $0x5  }
0x19: {  	s11 =	sadd.s32 $0x1, s11  }
0x1a: {  	p0 =	sne.s32 s11, s6  }
.Ltmp1:
0x1b: {  	[tilespmem:v1+s7+$0x0] =	vst.idx.add.f32.msk $0xffff, v0;
	(pc) =	sbr.rel @p0 .LBB2_1-.Ltmp1, $4  }
0x1c: {  	[hbm4b:s5+s9] =	stream.strided.scatter [tilespmem:s7], [sflag:$0x1], $0x2800, s10, s9, $0x38;
	[tilespmem:$0x5000] =	vst v63  }
0x1d: {  	_ =	swait.ge [sflag:s8], $0x2800  }
0x1e: {  	[sflag:s8] =	ssyncset.done $0x0  }
0x1f: {  	[sflag:s8] =	ssyncadd.s32 $0xFFFFD800  }
0x20: {  	_ =	sfence.sel $0x180000  }
0x21: {  	[bflag:$0x0] =	sbarrier.arrive $0xFFFF  }
0x22: {  	p0 =	sne.s32 s0, $0x0;
	_ =	strace $0x90000047  }
0x23: {  	s0 =	sadd.s32 @!p0 $0x100000, s2;
	[bflag:$0x2] =	sbarrier.arrive $0xFFFF  }
0x24: {  	[sflag:s0] =	ssyncadd.tile.s32 @!p0 $0x1;
	_ =	shalt  }
.Lfunc_end2:
_tile_overlayer_lowered:
.L_overlay_start_2:
0x25: {  	(tag) =	ssettag $0x2  }
0x26: {  	s0 =	rddreg [dreg:$0x0];
	s2 =	stileid.u32  }
0x27: {  	s1 =	rddreg [dreg:$0x1];
	p0 =	sne.s32 s2, $0x0  }
0x28: {  	s3 =	rddreg [dreg:$0x2];
	[bflag:$0x3] =	sbarrier.arrive $0xFFFF;
	s2 =	simm.s32 @!p0 $0x1C01  }
0x29: {  	[timem:s3], [sflag:s2] =	dma.local @!p0 [hbm:s0], s1  }
0x2a: {  	s0 =	simm.s32 @!p0 $0x1  }
0x2b: {  	_ =	swait.ge @!p0 [sflag:s0], s1  }
0x2c: {  	s1 =	ssub.s32 @!p0 $0x0, s1;
	[sflag:s0] =	ssyncset.done @!p0 $0x0  }
0x2d: {  	[sflag:s0] =	ssyncadd.s32 @!p0 s1  }
0x2e: {  	[bflag:$0x3] =	sbarrier.arrive $0xFFFF  }
0x2f: {  	_ =	shalt  }

</sc_bundles>
